<compile_context>
chip_gen: v7x
topology: tpu7x:2x2x1
jax: 0.10.2.dev20260603
libtpu: 0.0.44.dev20260713+nightly
codegen_flags: <defaults>
</compile_context>

<pallas_src>
import functools

import jax
import jax.numpy as jnp
from jax import lax
from jax.experimental import pallas as pl
from jax.experimental.pallas import tpu as pltpu
from jax.experimental.pallas import tpu_sc as plsc

B = 16384
L = 200
EMB = 32
HID = 128
OUT = 2

NC = 2
NS = 16
NW = NC * NS
SPW = B // NW
C = 8
NCHUNK = SPW // C
NPAIR = NCHUNK // 2
CI = C * L


def _pool_body(
    text_ref, table_ref, out_ref, idx_v, rows_v, pool_v, sem0, sem1, osem0, osem1
):
    cid = lax.axis_index("c")
    sid = lax.axis_index("s")
    wid = sid * NC + cid
    sample0 = wid * SPW
    sems = (sem0, sem1)
    osems = (osem0, osem1)

    def issue(ch, b):
        samp = sample0 + ch * C
        pltpu.sync_copy(text_ref.at[pl.ds(samp, C)], idx_v.at[b])
        for sloc in range(C):
            rb = sloc * L
            pltpu.async_copy(
                table_ref.at[idx_v.at[b, sloc]],
                rows_v.at[b, pl.ds(rb, L)],
                sems[b],
            )

    def drain(b):
        pltpu.make_async_copy(
            table_ref.at[pl.ds(0, CI)], rows_v.at[b], sems[b]
        ).wait()

    def accumulate(ch, b):
        samp = sample0 + ch * C
        @pl.when(ch >= 2)
        def _():
            pltpu.make_async_copy(
                pool_v.at[b], out_ref.at[pl.ds(samp, C)], osems[b]
            ).wait()

        for sloc in range(C):
            rbase = sloc * L

            def rbody(j, acc, rbase=rbase, b=b):
                e0, e1, o0, o1 = acc
                r = rbase + j * 8
                for k in range(0, 8, 2):
                    e0 = e0 + rows_v[b, r + k, pl.ds(0, 16)]
                    e1 = e1 + rows_v[b, r + k, pl.ds(16, 16)]
                    o0 = o0 + rows_v[b, r + k + 1, pl.ds(0, 16)]
                    o1 = o1 + rows_v[b, r + k + 1, pl.ds(16, 16)]
                return (e0, e1, o0, o1)

            z = jnp.zeros((16,), jnp.float32)
            e0, e1, o0, o1 = lax.fori_loop(0, L // 8, rbody, (z, z, z, z))
            pool_v[b, sloc, pl.ds(0, 16)] = e0 + o0
            pool_v[b, sloc, pl.ds(16, 16)] = e1 + o1
        pltpu.async_copy(pool_v.at[b], out_ref.at[pl.ds(samp, C)], osems[b])

    issue(0, 0)

    def pair_body(p, carry):
        ch0 = p * 2
        issue(ch0 + 1, 1)
        drain(0)
        accumulate(ch0, 0)

        @pl.when(p < NPAIR - 1)
        def _():
            issue(ch0 + 2, 0)

        drain(1)
        accumulate(ch0 + 1, 1)
        return carry

    lax.fori_loop(0, NPAIR, pair_body, 0)

    for b in (0, 1):
        pltpu.make_async_copy(
            pool_v.at[b], out_ref.at[pl.ds(sample0, C)], osems[b]
        ).wait()


_pool = functools.partial(
    pl.kernel,
    out_type=jax.ShapeDtypeStruct((B, EMB), jnp.float32),
    mesh=plsc.VectorSubcoreMesh(core_axis_name="c", subcore_axis_name="s"),
    scratch_types=[
        pltpu.VMEM((2, C, L), jnp.int32),
        pltpu.VMEM((2, CI, EMB), jnp.float32),
        pltpu.VMEM((2, C, EMB), jnp.float32),
        pltpu.SemaphoreType.DMA,
        pltpu.SemaphoreType.DMA,
        pltpu.SemaphoreType.DMA,
        pltpu.SemaphoreType.DMA,
    ],
    compiler_params=pltpu.CompilerParams(
        use_tc_tiling_on_sc=False, needs_layout_passes=False
    ),
)(_pool_body)


BM = 2048


def _mlp_body(x_ref, w1_ref, b1_ref, w2_ref, b2_ref, w3_ref, b3_ref, o_ref):
    x = x_ref[...]
    h = jnp.dot(x, w1_ref[...], preferred_element_type=jnp.float32) + b1_ref[...]
    h = jnp.maximum(h, 0.0)
    h = jnp.dot(h, w2_ref[...], preferred_element_type=jnp.float32) + b2_ref[...]
    h = jnp.maximum(h, 0.0)
    o_ref[...] = (
        jnp.dot(h, w3_ref[...], preferred_element_type=jnp.float32) + b3_ref[...]
    )


def _mlp(pooled, W1s, b1, W2, b2, W3, b3):
    return pl.pallas_call(
        _mlp_body,
        grid=(B // BM,),
        in_specs=[
            pl.BlockSpec((BM, EMB), lambda i: (i, 0)),
            pl.BlockSpec((EMB, HID), lambda i: (0, 0)),
            pl.BlockSpec((1, HID), lambda i: (0, 0)),
            pl.BlockSpec((HID, HID), lambda i: (0, 0)),
            pl.BlockSpec((1, HID), lambda i: (0, 0)),
            pl.BlockSpec((HID, OUT), lambda i: (0, 0)),
            pl.BlockSpec((1, OUT), lambda i: (0, 0)),
        ],
        out_specs=pl.BlockSpec((BM, OUT), lambda i: (i, 0)),
        out_shape=jax.ShapeDtypeStruct((B, OUT), jnp.float32),
    )(pooled, W1s, b1, W2, b2, W3, b3)


def kernel(text, table, W1, b1, W2, b2, W3, b3):
    pooled_sum = _pool(text, table)
    W1s = W1 * jnp.float32(1.0 / L)
    return _mlp(
        pooled_sum,
        W1s,
        b1.reshape(1, HID),
        W2,
        b2.reshape(1, HID),
        W3,
        b3.reshape(1, OUT),
    )

# --- scband reference (transcript-rebuilt; emitter-appended) ---
"""Pipeline reference for scband-review-classifier-23081154248966 (READ-ONLY COPY).

The authoritative reference and input builder live on the scoring server;
editing this copy changes nothing except your own understanding.
"""

import jax, jax.numpy as jnp
import numpy as np

VOCAB = 1000000
EMB = 32
HID = 128
OUT = 2
B = 16384
L = 200

def setup_inputs(seed: int = 0) -> dict:
    key = jax.random.key(seed)
    k_text, k_tab, k_w1, k_b1, k_w2, k_b2, k_w3, k_b3 = jax.random.split(key, 8)
    text = jax.random.randint(k_text, (B, L), 0, VOCAB, dtype=jnp.int64 if jax.config.jax_enable_x64 else jnp.int32).astype(jnp.int32)
    table = jax.random.normal(k_tab, (VOCAB, EMB), dtype=jnp.float32)
    table = table.at[0].set(0.0)  # padding_idx=0
    W1 = jax.random.normal(k_w1, (EMB, HID), dtype=jnp.float32) * (1.0 / np.sqrt(EMB))
    b1 = jax.random.normal(k_b1, (HID,), dtype=jnp.float32) * 0.01
    W2 = jax.random.normal(k_w2, (HID, HID), dtype=jnp.float32) * (1.0 / np.sqrt(HID))
    b2 = jax.random.normal(k_b2, (HID,), dtype=jnp.float32) * 0.01
    W3 = jax.random.normal(k_w3, (HID, OUT), dtype=jnp.float32) * (1.0 / np.sqrt(HID))
    b3 = jax.random.normal(k_b3, (OUT,), dtype=jnp.float32) * 0.01
    return {"text": text, "table": table, "W1": W1, "b1": b1, "W2": W2, "b2": b2, "W3": W3, "b3": b3}

def reference(text, table, W1, b1, W2, b2, W3, b3):
    # embedding lookup (SparseCore gather)
    embedded = jnp.take(table, text, axis=0)          # [B, L, EMB]
    pooled = jnp.mean(embedded, axis=1)               # [B, EMB]
    x = jax.nn.relu(pooled @ W1 + b1)                 # dropout is identity in eval
    x = jax.nn.relu(x @ W2 + b2)
    return x @ W3 + b3                                # [B, OUT]

if __name__ == "__main__":
    import jax
    _d = setup_inputs()
    print(jax.jit(kernel)(*tuple(_d.values())))

</pallas_src>

<mosaic_0001>
#map = affine_map<(d0, d1) -> (0, 0)>
module attributes {stable_mosaic.version = 14 : i64} {
  func.func @_pool_body(%arg0: i32, %arg1: i32, %arg2: memref<16384x200xi32, #tpu.memory_space<hbm>>, %arg3: memref<1000000x32xf32, #tpu.memory_space<hbm>>, %arg4: memref<16384x32xf32, #tpu.memory_space<hbm>>, %arg5: memref<2x8x200xi32, #tpu.memory_space<vmem>>, %arg6: memref<2x1600x32xf32, #tpu.memory_space<vmem>>, %arg7: memref<2x8x32xf32, #tpu.memory_space<vmem>>, %arg8: memref<!tpu.dma_semaphore, #tpu.memory_space<semaphore_mem>>, %arg9: memref<!tpu.dma_semaphore, #tpu.memory_space<semaphore_mem>>, %arg10: memref<!tpu.dma_semaphore, #tpu.memory_space<semaphore_mem>>, %arg11: memref<!tpu.dma_semaphore, #tpu.memory_space<semaphore_mem>>) attributes {dimension_semantics = [#tpu.dimension_semantics<core_parallel>, #tpu.dimension_semantics<subcore_parallel>], iteration_bounds = array<i64: 2, 16>, scalar_prefetch = 0 : i64, scratch_operands = 7 : i64, tpu.core_type = #tpu.core_type<sc_vector_subcore>, window_params = [{transform_indices = #map}, {transform_indices = #map}, {transform_indices = #map}]} {
    %mul3A = arith.constant 2 : i32
    %mul3A_0 = arith.muli %arg1, %mul3A : i32
    %add3A = arith.addi %mul3A_0, %arg0 : i32
    %mul3A_1 = arith.constant 512 : i32
    %mul3A_2 = arith.muli %add3A, %mul3A_1 : i32
    %add3A_3 = arith.constant 0 : i32
    %add3A_4 = arith.addi %mul3A_2, %add3A_3 : i32
    %run_scoped3A = arith.constant 0 : i32
    "tpu.region"() ({
      %run_scoped3A_138 = tpu.sem_alloc : memref<!tpu.dma_semaphore, #tpu.memory_space<semaphore_mem>>
      %dma_start3A_139 = arith.constant 0 : i32
      %dma_start3A_140 = arith.constant 0 : i32
      %dma_start3A_141 = tpu.memref_slice %arg5[%run_scoped3A, %dma_start3A_139, %dma_start3A_140] : memref<2x8x200xi32, #tpu.memory_space<vmem>> -> memref<1x8x200xi32, #tpu.memory_space<vmem>>
      %dma_start3A_142 = tpu.memref_squeeze %dma_start3A_141 : memref<1x8x200xi32, #tpu.memory_space<vmem>> -> memref<8x200xi32, #tpu.memory_space<vmem>>
      %dma_start3A_143 = arith.constant 0 : i32
      %dma_start3A_144 = tpu.memref_slice %arg2[%add3A_4, %dma_start3A_143] : memref<16384x200xi32, #tpu.memory_space<hbm>> -> memref<8x200xi32, #tpu.memory_space<hbm>>
      %dma_start3A_145 = arith.constant 0 : i32
      %dma_start3A_146 = arith.constant 0 : i32
      %dma_start3A_147 = tpu.memref_slice %arg5[%run_scoped3A, %dma_start3A_145, %dma_start3A_146] : memref<2x8x200xi32, #tpu.memory_space<vmem>> -> memref<1x8x200xi32, #tpu.memory_space<vmem>>
      %dma_start3A_148 = tpu.memref_squeeze %dma_start3A_147 : memref<1x8x200xi32, #tpu.memory_space<vmem>> -> memref<8x200xi32, #tpu.memory_space<vmem>>
      %dma_start3A_149 = arith.constant 0 : i32
      %dma_start3A_150 = tpu.memref_slice %arg2[%add3A_4, %dma_start3A_149] : memref<16384x200xi32, #tpu.memory_space<hbm>> -> memref<8x200xi32, #tpu.memory_space<hbm>>
      tpu.enqueue_dma source(%dma_start3A_150 : memref<8x200xi32, #tpu.memory_space<hbm>>) target(%dma_start3A_148 : memref<8x200xi32, #tpu.memory_space<vmem>>) target_semaphore(%run_scoped3A_138 : memref<!tpu.dma_semaphore, #tpu.memory_space<semaphore_mem>>)
      %dma_wait3A_151 = arith.constant 0 : i32
      %dma_wait3A_152 = arith.constant 0 : i32
      %dma_wait3A_153 = tpu.memref_slice %arg5[%run_scoped3A, %dma_wait3A_151, %dma_wait3A_152] : memref<2x8x200xi32, #tpu.memory_space<vmem>> -> memref<1x8x200xi32, #tpu.memory_space<vmem>>
      %dma_wait3A_154 = tpu.memref_squeeze %dma_wait3A_153 : memref<1x8x200xi32, #tpu.memory_space<vmem>> -> memref<8x200xi32, #tpu.memory_space<vmem>>
      %dma_wait3A_155 = arith.constant 0 : i32
      %dma_wait3A_156 = tpu.memref_slice %arg2[%add3A_4, %dma_wait3A_155] : memref<16384x200xi32, #tpu.memory_space<hbm>> -> memref<8x200xi32, #tpu.memory_space<hbm>>
      %dma_wait3A_157 = arith.constant 0 : i32
      %dma_wait3A_158 = arith.constant 0 : i32
      %dma_wait3A_159 = tpu.memref_slice %arg5[%run_scoped3A, %dma_wait3A_157, %dma_wait3A_158] : memref<2x8x200xi32, #tpu.memory_space<vmem>> -> memref<1x8x200xi32, #tpu.memory_space<vmem>>
      %dma_wait3A_160 = tpu.memref_squeeze %dma_wait3A_159 : memref<1x8x200xi32, #tpu.memory_space<vmem>> -> memref<8x200xi32, #tpu.memory_space<vmem>>
      %dma_wait3A_161 = arith.constant 0 : i32
      %dma_wait3A_162 = tpu.memref_slice %arg2[%add3A_4, %dma_wait3A_161] : memref<16384x200xi32, #tpu.memory_space<hbm>> -> memref<8x200xi32, #tpu.memory_space<hbm>>
      tpu.wait_dma2 semaphore(%run_scoped3A_138 : memref<!tpu.dma_semaphore, #tpu.memory_space<semaphore_mem>>) src(%dma_wait3A_162 : memref<8x200xi32, #tpu.memory_space<hbm>>) dst(%dma_wait3A_160 : memref<8x200xi32, #tpu.memory_space<vmem>>)
      tpu.yield
    }) : () -> ()
    %dma_start3A = arith.constant 0 : i32
    %dma_start3A_5 = arith.constant 0 : i32
    %dma_start3A_6 = arith.constant 0 : i32
    %dma_start3A_7 = arith.constant 0 : i32
    %dma_start3A_8 = arith.constant 0 : i32
    %dma_start3A_9 = tpu.memref_slice %arg6[%dma_start3A_6, %dma_start3A_7, %dma_start3A_8] : memref<2x1600x32xf32, #tpu.memory_space<vmem>> -> memref<1x200x32xf32, #tpu.memory_space<vmem>>
    %dma_start3A_10 = tpu.memref_squeeze %dma_start3A_9 : memref<1x200x32xf32, #tpu.memory_space<vmem>> -> memref<200x32xf32, #tpu.memory_space<vmem>>
    %dma_start3A_11 = arith.constant 0 : i32
    %dma_start3A_12 = tpu.memref_slice %arg5[%dma_start3A, %dma_start3A_5, %dma_start3A_11] : memref<2x8x200xi32, #tpu.memory_space<vmem>> -> memref<1x1x200xi32, #tpu.memory_space<vmem>>
    %dma_start3A_13 = tpu.memref_squeeze %dma_start3A_12 : memref<1x1x200xi32, #tpu.memory_space<vmem>> -> memref<200xi32, #tpu.memory_space<vmem>>
    %dma_start3A_14 = arith.constant 0 : i32
    %dma_start3A_15 = arith.constant 0 : i32
    %dma_start3A_16 = tpu.memref_slice %arg3[%dma_start3A_14, %dma_start3A_15] : memref<1000000x32xf32, #tpu.memory_space<hbm>> -> memref<1000000x32xf32, #tpu.memory_space<hbm>>
    tpu.enqueue_indirect_dma source(%dma_start3A_16 : memref<1000000x32xf32, #tpu.memory_space<hbm>>) target(%dma_start3A_10 : memref<200x32xf32, #tpu.memory_space<vmem>>) offsets(%dma_start3A_13 : memref<200xi32, #tpu.memory_space<vmem>>) semaphore(%arg8 : memref<!tpu.dma_semaphore, #tpu.memory_space<semaphore_mem>>)
    %dma_start3A_17 = arith.constant 0 : i32
    %dma_start3A_18 = arith.constant 1 : i32
    %dma_start3A_19 = arith.constant 0 : i32
    %dma_start3A_20 = arith.constant 200 : i32
    %dma_start3A_21 = arith.constant 0 : i32
    %dma_start3A_22 = tpu.memref_slice %arg6[%dma_start3A_19, %dma_start3A_20, %dma_start3A_21] : memref<2x1600x32xf32, #tpu.memory_space<vmem>> -> memref<1x200x32xf32, #tpu.memory_space<vmem>>
    %dma_start3A_23 = tpu.memref_squeeze %dma_start3A_22 : memref<1x200x32xf32, #tpu.memory_space<vmem>> -> memref<200x32xf32, #tpu.memory_space<vmem>>
    %dma_start3A_24 = arith.constant 0 : i32
    %dma_start3A_25 = tpu.memref_slice %arg5[%dma_start3A_17, %dma_start3A_18, %dma_start3A_24] : memref<2x8x200xi32, #tpu.memory_space<vmem>> -> memref<1x1x200xi32, #tpu.memory_space<vmem>>
    %dma_start3A_26 = tpu.memref_squeeze %dma_start3A_25 : memref<1x1x200xi32, #tpu.memory_space<vmem>> -> memref<200xi32, #tpu.memory_space<vmem>>
    %dma_start3A_27 = arith.constant 0 : i32
    %dma_start3A_28 = arith.constant 0 : i32
    %dma_start3A_29 = tpu.memref_slice %arg3[%dma_start3A_27, %dma_start3A_28] : memref<1000000x32xf32, #tpu.memory_space<hbm>> -> memref<1000000x32xf32, #tpu.memory_space<hbm>>
    tpu.enqueue_indirect_dma source(%dma_start3A_29 : memref<1000000x32xf32, #tpu.memory_space<hbm>>) target(%dma_start3A_23 : memref<200x32xf32, #tpu.memory_space<vmem>>) offsets(%dma_start3A_26 : memref<200xi32, #tpu.memory_space<vmem>>) semaphore(%arg8 : memref<!tpu.dma_semaphore, #tpu.memory_space<semaphore_mem>>)
    %dma_start3A_30 = arith.constant 0 : i32
    %dma_start3A_31 = arith.constant 2 : i32
    %dma_start3A_32 = arith.constant 0 : i32
    %dma_start3A_33 = arith.constant 400 : i32
    %dma_start3A_34 = arith.constant 0 : i32
    %dma_start3A_35 = tpu.memref_slice %arg6[%dma_start3A_32, %dma_start3A_33, %dma_start3A_34] : memref<2x1600x32xf32, #tpu.memory_space<vmem>> -> memref<1x200x32xf32, #tpu.memory_space<vmem>>
    %dma_start3A_36 = tpu.memref_squeeze %dma_start3A_35 : memref<1x200x32xf32, #tpu.memory_space<vmem>> -> memref<200x32xf32, #tpu.memory_space<vmem>>
    %dma_start3A_37 = arith.constant 0 : i32
    %dma_start3A_38 = tpu.memref_slice %arg5[%dma_start3A_30, %dma_start3A_31, %dma_start3A_37] : memref<2x8x200xi32, #tpu.memory_space<vmem>> -> memref<1x1x200xi32, #tpu.memory_space<vmem>>
    %dma_start3A_39 = tpu.memref_squeeze %dma_start3A_38 : memref<1x1x200xi32, #tpu.memory_space<vmem>> -> memref<200xi32, #tpu.memory_space<vmem>>
    %dma_start3A_40 = arith.constant 0 : i32
    %dma_start3A_41 = arith.constant 0 : i32
    %dma_start3A_42 = tpu.memref_slice %arg3[%dma_start3A_40, %dma_start3A_41] : memref<1000000x32xf32, #tpu.memory_space<hbm>> -> memref<1000000x32xf32, #tpu.memory_space<hbm>>
    tpu.enqueue_indirect_dma source(%dma_start3A_42 : memref<1000000x32xf32, #tpu.memory_space<hbm>>) target(%dma_start3A_36 : memref<200x32xf32, #tpu.memory_space<vmem>>) offsets(%dma_start3A_39 : memref<200xi32, #tpu.memory_space<vmem>>) semaphore(%arg8 : memref<!tpu.dma_semaphore, #tpu.memory_space<semaphore_mem>>)
    %dma_start3A_43 = arith.constant 0 : i32
    %dma_start3A_44 = arith.constant 3 : i32
    %dma_start3A_45 = arith.constant 0 : i32
    %dma_start3A_46 = arith.constant 600 : i32
    %dma_start3A_47 = arith.constant 0 : i32
    %dma_start3A_48 = tpu.memref_slice %arg6[%dma_start3A_45, %dma_start3A_46, %dma_start3A_47] : memref<2x1600x32xf32, #tpu.memory_space<vmem>> -> memref<1x200x32xf32, #tpu.memory_space<vmem>>
    %dma_start3A_49 = tpu.memref_squeeze %dma_start3A_48 : memref<1x200x32xf32, #tpu.memory_space<vmem>> -> memref<200x32xf32, #tpu.memory_space<vmem>>
    %dma_start3A_50 = arith.constant 0 : i32
    %dma_start3A_51 = tpu.memref_slice %arg5[%dma_start3A_43, %dma_start3A_44, %dma_start3A_50] : memref<2x8x200xi32, #tpu.memory_space<vmem>> -> memref<1x1x200xi32, #tpu.memory_space<vmem>>
    %dma_start3A_52 = tpu.memref_squeeze %dma_start3A_51 : memref<1x1x200xi32, #tpu.memory_space<vmem>> -> memref<200xi32, #tpu.memory_space<vmem>>
    %dma_start3A_53 = arith.constant 0 : i32
    %dma_start3A_54 = arith.constant 0 : i32
    %dma_start3A_55 = tpu.memref_slice %arg3[%dma_start3A_53, %dma_start3A_54] : memref<1000000x32xf32, #tpu.memory_space<hbm>> -> memref<1000000x32xf32, #tpu.memory_space<hbm>>
    tpu.enqueue_indirect_dma source(%dma_start3A_55 : memref<1000000x32xf32, #tpu.memory_space<hbm>>) target(%dma_start3A_49 : memref<200x32xf32, #tpu.memory_space<vmem>>) offsets(%dma_start3A_52 : memref<200xi32, #tpu.memory_space<vmem>>) semaphore(%arg8 : memref<!tpu.dma_semaphore, #tpu.memory_space<semaphore_mem>>)
    %dma_start3A_56 = arith.constant 0 : i32
    %dma_start3A_57 = arith.constant 4 : i32
    %dma_start3A_58 = arith.constant 0 : i32
    %dma_start3A_59 = arith.constant 800 : i32
    %dma_start3A_60 = arith.constant 0 : i32
    %dma_start3A_61 = tpu.memref_slice %arg6[%dma_start3A_58, %dma_start3A_59, %dma_start3A_60] : memref<2x1600x32xf32, #tpu.memory_space<vmem>> -> memref<1x200x32xf32, #tpu.memory_space<vmem>>
    %dma_start3A_62 = tpu.memref_squeeze %dma_start3A_61 : memref<1x200x32xf32, #tpu.memory_space<vmem>> -> memref<200x32xf32, #tpu.memory_space<vmem>>
    %dma_start3A_63 = arith.constant 0 : i32
    %dma_start3A_64 = tpu.memref_slice %arg5[%dma_start3A_56, %dma_start3A_57, %dma_start3A_63] : memref<2x8x200xi32, #tpu.memory_space<vmem>> -> memref<1x1x200xi32, #tpu.memory_space<vmem>>
    %dma_start3A_65 = tpu.memref_squeeze %dma_start3A_64 : memref<1x1x200xi32, #tpu.memory_space<vmem>> -> memref<200xi32, #tpu.memory_space<vmem>>
    %dma_start3A_66 = arith.constant 0 : i32
    %dma_start3A_67 = arith.constant 0 : i32
    %dma_start3A_68 = tpu.memref_slice %arg3[%dma_start3A_66, %dma_start3A_67] : memref<1000000x32xf32, #tpu.memory_space<hbm>> -> memref<1000000x32xf32, #tpu.memory_space<hbm>>
    tpu.enqueue_indirect_dma source(%dma_start3A_68 : memref<1000000x32xf32, #tpu.memory_space<hbm>>) target(%dma_start3A_62 : memref<200x32xf32, #tpu.memory_space<vmem>>) offsets(%dma_start3A_65 : memref<200xi32, #tpu.memory_space<vmem>>) semaphore(%arg8 : memref<!tpu.dma_semaphore, #tpu.memory_space<semaphore_mem>>)
    %dma_start3A_69 = arith.constant 0 : i32
    %dma_start3A_70 = arith.constant 5 : i32
    %dma_start3A_71 = arith.constant 0 : i32
    %dma_start3A_72 = arith.constant 1000 : i32
    %dma_start3A_73 = arith.constant 0 : i32
    %dma_start3A_74 = tpu.memref_slice %arg6[%dma_start3A_71, %dma_start3A_72, %dma_start3A_73] : memref<2x1600x32xf32, #tpu.memory_space<vmem>> -> memref<1x200x32xf32, #tpu.memory_space<vmem>>
    %dma_start3A_75 = tpu.memref_squeeze %dma_start3A_74 : memref<1x200x32xf32, #tpu.memory_space<vmem>> -> memref<200x32xf32, #tpu.memory_space<vmem>>
    %dma_start3A_76 = arith.constant 0 : i32
    %dma_start3A_77 = tpu.memref_slice %arg5[%dma_start3A_69, %dma_start3A_70, %dma_start3A_76] : memref<2x8x200xi32, #tpu.memory_space<vmem>> -> memref<1x1x200xi32, #tpu.memory_space<vmem>>
    %dma_start3A_78 = tpu.memref_squeeze %dma_start3A_77 : memref<1x1x200xi32, #tpu.memory_space<vmem>> -> memref<200xi32, #tpu.memory_space<vmem>>
    %dma_start3A_79 = arith.constant 0 : i32
    %dma_start3A_80 = arith.constant 0 : i32
    %dma_start3A_81 = tpu.memref_slice %arg3[%dma_start3A_79, %dma_start3A_80] : memref<1000000x32xf32, #tpu.memory_space<hbm>> -> memref<1000000x32xf32, #tpu.memory_space<hbm>>
    tpu.enqueue_indirect_dma source(%dma_start3A_81 : memref<1000000x32xf32, #tpu.memory_space<hbm>>) target(%dma_start3A_75 : memref<200x32xf32, #tpu.memory_space<vmem>>) offsets(%dma_start3A_78 : memref<200xi32, #tpu.memory_space<vmem>>) semaphore(%arg8 : memref<!tpu.dma_semaphore, #tpu.memory_space<semaphore_mem>>)
    %dma_start3A_82 = arith.constant 0 : i32
    %dma_start3A_83 = arith.constant 6 : i32
    %dma_start3A_84 = arith.constant 0 : i32
    %dma_start3A_85 = arith.constant 1200 : i32
    %dma_start3A_86 = arith.constant 0 : i32
    %dma_start3A_87 = tpu.memref_slice %arg6[%dma_start3A_84, %dma_start3A_85, %dma_start3A_86] : memref<2x1600x32xf32, #tpu.memory_space<vmem>> -> memref<1x200x32xf32, #tpu.memory_space<vmem>>
    %dma_start3A_88 = tpu.memref_squeeze %dma_start3A_87 : memref<1x200x32xf32, #tpu.memory_space<vmem>> -> memref<200x32xf32, #tpu.memory_space<vmem>>
    %dma_start3A_89 = arith.constant 0 : i32
    %dma_start3A_90 = tpu.memref_slice %arg5[%dma_start3A_82, %dma_start3A_83, %dma_start3A_89] : memref<2x8x200xi32, #tpu.memory_space<vmem>> -> memref<1x1x200xi32, #tpu.memory_space<vmem>>
    %dma_start3A_91 = tpu.memref_squeeze %dma_start3A_90 : memref<1x1x200xi32, #tpu.memory_space<vmem>> -> memref<200xi32, #tpu.memory_space<vmem>>
    %dma_start3A_92 = arith.constant 0 : i32
    %dma_start3A_93 = arith.constant 0 : i32
    %dma_start3A_94 = tpu.memref_slice %arg3[%dma_start3A_92, %dma_start3A_93] : memref<1000000x32xf32, #tpu.memory_space<hbm>> -> memref<1000000x32xf32, #tpu.memory_space<hbm>>
    tpu.enqueue_indirect_dma source(%dma_start3A_94 : memref<1000000x32xf32, #tpu.memory_space<hbm>>) target(%dma_start3A_88 : memref<200x32xf32, #tpu.memory_space<vmem>>) offsets(%dma_start3A_91 : memref<200xi32, #tpu.memory_space<vmem>>) semaphore(%arg8 : memref<!tpu.dma_semaphore, #tpu.memory_space<semaphore_mem>>)
    %dma_start3A_95 = arith.constant 0 : i32
    %dma_start3A_96 = arith.constant 7 : i32
    %dma_start3A_97 = arith.constant 0 : i32
    %dma_start3A_98 = arith.constant 1400 : i32
    %dma_start3A_99 = arith.constant 0 : i32
    %dma_start3A_100 = tpu.memref_slice %arg6[%dma_start3A_97, %dma_start3A_98, %dma_start3A_99] : memref<2x1600x32xf32, #tpu.memory_space<vmem>> -> memref<1x200x32xf32, #tpu.memory_space<vmem>>
    %dma_start3A_101 = tpu.memref_squeeze %dma_start3A_100 : memref<1x200x32xf32, #tpu.memory_space<vmem>> -> memref<200x32xf32, #tpu.memory_space<vmem>>
    %dma_start3A_102 = arith.constant 0 : i32
    %dma_start3A_103 = tpu.memref_slice %arg5[%dma_start3A_95, %dma_start3A_96, %dma_start3A_102] : memref<2x8x200xi32, #tpu.memory_space<vmem>> -> memref<1x1x200xi32, #tpu.memory_space<vmem>>
    %dma_start3A_104 = tpu.memref_squeeze %dma_start3A_103 : memref<1x1x200xi32, #tpu.memory_space<vmem>> -> memref<200xi32, #tpu.memory_space<vmem>>
    %dma_start3A_105 = arith.constant 0 : i32
    %dma_start3A_106 = arith.constant 0 : i32
    %dma_start3A_107 = tpu.memref_slice %arg3[%dma_start3A_105, %dma_start3A_106] : memref<1000000x32xf32, #tpu.memory_space<hbm>> -> memref<1000000x32xf32, #tpu.memory_space<hbm>>
    tpu.enqueue_indirect_dma source(%dma_start3A_107 : memref<1000000x32xf32, #tpu.memory_space<hbm>>) target(%dma_start3A_101 : memref<200x32xf32, #tpu.memory_space<vmem>>) offsets(%dma_start3A_104 : memref<200xi32, #tpu.memory_space<vmem>>) semaphore(%arg8 : memref<!tpu.dma_semaphore, #tpu.memory_space<semaphore_mem>>)
    %scan3A = arith.constant 0 : i32
    %scan3A_108 = arith.constant 0 : i32
    %scan3A_109 = arith.constant 32 : i32
    %scan3A_110 = arith.addi %scan3A_108, %scan3A_109 : i32
    %scan3A_111 = arith.constant 1 : i32
    scf.for %scan3A_138 = %scan3A_108 to %scan3A_110 step %scan3A_111  : i32 {
      %mul3A_139 = arith.constant 2 : i32
      %mul3A_140 = arith.muli %scan3A_138, %mul3A_139 : i32
      %add3A_141 = arith.constant 1 : i32
      %add3A_142 = arith.addi %mul3A_140, %add3A_141 : i32
      %mul3A_143 = arith.constant 8 : i32
      %mul3A_144 = arith.muli %add3A_142, %mul3A_143 : i32
      %add3A_145 = arith.addi %mul3A_2, %mul3A_144 : i32
      %run_scoped3A_146 = arith.constant 1 : i32
      "tpu.region"() ({
        %run_scoped3A_676 = tpu.sem_alloc : memref<!tpu.dma_semaphore, #tpu.memory_space<semaphore_mem>>
        %dma_start3A_677 = arith.constant 0 : i32
        %dma_start3A_678 = arith.constant 0 : i32
        %dma_start3A_679 = tpu.memref_slice %arg5[%run_scoped3A_146, %dma_start3A_677, %dma_start3A_678] : memref<2x8x200xi32, #tpu.memory_space<vmem>> -> memref<1x8x200xi32, #tpu.memory_space<vmem>>
        %dma_start3A_680 = tpu.memref_squeeze %dma_start3A_679 : memref<1x8x200xi32, #tpu.memory_space<vmem>> -> memref<8x200xi32, #tpu.memory_space<vmem>>
        %dma_start3A_681 = arith.constant 0 : i32
        %dma_start3A_682 = tpu.memref_slice %arg2[%add3A_145, %dma_start3A_681] : memref<16384x200xi32, #tpu.memory_space<hbm>> -> memref<8x200xi32, #tpu.memory_space<hbm>>
        %dma_start3A_683 = arith.constant 0 : i32
        %dma_start3A_684 = arith.constant 0 : i32
        %dma_start3A_685 = tpu.memref_slice %arg5[%run_scoped3A_146, %dma_start3A_683, %dma_start3A_684] : memref<2x8x200xi32, #tpu.memory_space<vmem>> -> memref<1x8x200xi32, #tpu.memory_space<vmem>>
        %dma_start3A_686 = tpu.memref_squeeze %dma_start3A_685 : memref<1x8x200xi32, #tpu.memory_space<vmem>> -> memref<8x200xi32, #tpu.memory_space<vmem>>
        %dma_start3A_687 = arith.constant 0 : i32
        %dma_start3A_688 = tpu.memref_slice %arg2[%add3A_145, %dma_start3A_687] : memref<16384x200xi32, #tpu.memory_space<hbm>> -> memref<8x200xi32, #tpu.memory_space<hbm>>
        tpu.enqueue_dma source(%dma_start3A_688 : memref<8x200xi32, #tpu.memory_space<hbm>>) target(%dma_start3A_686 : memref<8x200xi32, #tpu.memory_space<vmem>>) target_semaphore(%run_scoped3A_676 : memref<!tpu.dma_semaphore, #tpu.memory_space<semaphore_mem>>)
        %dma_wait3A_689 = arith.constant 0 : i32
        %dma_wait3A_690 = arith.constant 0 : i32
        %dma_wait3A_691 = tpu.memref_slice %arg5[%run_scoped3A_146, %dma_wait3A_689, %dma_wait3A_690] : memref<2x8x200xi32, #tpu.memory_space<vmem>> -> memref<1x8x200xi32, #tpu.memory_space<vmem>>
        %dma_wait3A_692 = tpu.memref_squeeze %dma_wait3A_691 : memref<1x8x200xi32, #tpu.memory_space<vmem>> -> memref<8x200xi32, #tpu.memory_space<vmem>>
        %dma_wait3A_693 = arith.constant 0 : i32
        %dma_wait3A_694 = tpu.memref_slice %arg2[%add3A_145, %dma_wait3A_693] : memref<16384x200xi32, #tpu.memory_space<hbm>> -> memref<8x200xi32, #tpu.memory_space<hbm>>
        %dma_wait3A_695 = arith.constant 0 : i32
        %dma_wait3A_696 = arith.constant 0 : i32
        %dma_wait3A_697 = tpu.memref_slice %arg5[%run_scoped3A_146, %dma_wait3A_695, %dma_wait3A_696] : memref<2x8x200xi32, #tpu.memory_space<vmem>> -> memref<1x8x200xi32, #tpu.memory_space<vmem>>
        %dma_wait3A_698 = tpu.memref_squeeze %dma_wait3A_697 : memref<1x8x200xi32, #tpu.memory_space<vmem>> -> memref<8x200xi32, #tpu.memory_space<vmem>>
        %dma_wait3A_699 = arith.constant 0 : i32
        %dma_wait3A_700 = tpu.memref_slice %arg2[%add3A_145, %dma_wait3A_699] : memref<16384x200xi32, #tpu.memory_space<hbm>> -> memref<8x200xi32, #tpu.memory_space<hbm>>
        tpu.wait_dma2 semaphore(%run_scoped3A_676 : memref<!tpu.dma_semaphore, #tpu.memory_space<semaphore_mem>>) src(%dma_wait3A_700 : memref<8x200xi32, #tpu.memory_space<hbm>>) dst(%dma_wait3A_698 : memref<8x200xi32, #tpu.memory_space<vmem>>)
        tpu.yield
      }) : () -> ()
      %dma_start3A_147 = arith.constant 1 : i32
      %dma_start3A_148 = arith.constant 0 : i32
      %dma_start3A_149 = arith.constant 1 : i32
      %dma_start3A_150 = arith.constant 0 : i32
      %dma_start3A_151 = arith.constant 0 : i32
      %dma_start3A_152 = tpu.memref_slice %arg6[%dma_start3A_149, %dma_start3A_150, %dma_start3A_151] : memref<2x1600x32xf32, #tpu.memory_space<vmem>> -> memref<1x200x32xf32, #tpu.memory_space<vmem>>
      %dma_start3A_153 = tpu.memref_squeeze %dma_start3A_152 : memref<1x200x32xf32, #tpu.memory_space<vmem>> -> memref<200x32xf32, #tpu.memory_space<vmem>>
      %dma_start3A_154 = arith.constant 0 : i32
      %dma_start3A_155 = tpu.memref_slice %arg5[%dma_start3A_147, %dma_start3A_148, %dma_start3A_154] : memref<2x8x200xi32, #tpu.memory_space<vmem>> -> memref<1x1x200xi32, #tpu.memory_space<vmem>>
      %dma_start3A_156 = tpu.memref_squeeze %dma_start3A_155 : memref<1x1x200xi32, #tpu.memory_space<vmem>> -> memref<200xi32, #tpu.memory_space<vmem>>
      %dma_start3A_157 = arith.constant 0 : i32
      %dma_start3A_158 = arith.constant 0 : i32
      %dma_start3A_159 = tpu.memref_slice %arg3[%dma_start3A_157, %dma_start3A_158] : memref<1000000x32xf32, #tpu.memory_space<hbm>> -> memref<1000000x32xf32, #tpu.memory_space<hbm>>
      tpu.enqueue_indirect_dma source(%dma_start3A_159 : memref<1000000x32xf32, #tpu.memory_space<hbm>>) target(%dma_start3A_153 : memref<200x32xf32, #tpu.memory_space<vmem>>) offsets(%dma_start3A_156 : memref<200xi32, #tpu.memory_space<vmem>>) semaphore(%arg9 : memref<!tpu.dma_semaphore, #tpu.memory_space<semaphore_mem>>)
      %dma_start3A_160 = arith.constant 1 : i32
      %dma_start3A_161 = arith.constant 1 : i32
      %dma_start3A_162 = arith.constant 1 : i32
      %dma_start3A_163 = arith.constant 200 : i32
      %dma_start3A_164 = arith.constant 0 : i32
      %dma_start3A_165 = tpu.memref_slice %arg6[%dma_start3A_162, %dma_start3A_163, %dma_start3A_164] : memref<2x1600x32xf32, #tpu.memory_space<vmem>> -> memref<1x200x32xf32, #tpu.memory_space<vmem>>
      %dma_start3A_166 = tpu.memref_squeeze %dma_start3A_165 : memref<1x200x32xf32, #tpu.memory_space<vmem>> -> memref<200x32xf32, #tpu.memory_space<vmem>>
      %dma_start3A_167 = arith.constant 0 : i32
      %dma_start3A_168 = tpu.memref_slice %arg5[%dma_start3A_160, %dma_start3A_161, %dma_start3A_167] : memref<2x8x200xi32, #tpu.memory_space<vmem>> -> memref<1x1x200xi32, #tpu.memory_space<vmem>>
      %dma_start3A_169 = tpu.memref_squeeze %dma_start3A_168 : memref<1x1x200xi32, #tpu.memory_space<vmem>> -> memref<200xi32, #tpu.memory_space<vmem>>
      %dma_start3A_170 = arith.constant 0 : i32
      %dma_start3A_171 = arith.constant 0 : i32
      %dma_start3A_172 = tpu.memref_slice %arg3[%dma_start3A_170, %dma_start3A_171] : memref<1000000x32xf32, #tpu.memory_space<hbm>> -> memref<1000000x32xf32, #tpu.memory_space<hbm>>
      tpu.enqueue_indirect_dma source(%dma_start3A_172 : memref<1000000x32xf32, #tpu.memory_space<hbm>>) target(%dma_start3A_166 : memref<200x32xf32, #tpu.memory_space<vmem>>) offsets(%dma_start3A_169 : memref<200xi32, #tpu.memory_space<vmem>>) semaphore(%arg9 : memref<!tpu.dma_semaphore, #tpu.memory_space<semaphore_mem>>)
      %dma_start3A_173 = arith.constant 1 : i32
      %dma_start3A_174 = arith.constant 2 : i32
      %dma_start3A_175 = arith.constant 1 : i32
      %dma_start3A_176 = arith.constant 400 : i32
      %dma_start3A_177 = arith.constant 0 : i32
      %dma_start3A_178 = tpu.memref_slice %arg6[%dma_start3A_175, %dma_start3A_176, %dma_start3A_177] : memref<2x1600x32xf32, #tpu.memory_space<vmem>> -> memref<1x200x32xf32, #tpu.memory_space<vmem>>
      %dma_start3A_179 = tpu.memref_squeeze %dma_start3A_178 : memref<1x200x32xf32, #tpu.memory_space<vmem>> -> memref<200x32xf32, #tpu.memory_space<vmem>>
      %dma_start3A_180 = arith.constant 0 : i32
      %dma_start3A_181 = tpu.memref_slice %arg5[%dma_start3A_173, %dma_start3A_174, %dma_start3A_180] : memref<2x8x200xi32, #tpu.memory_space<vmem>> -> memref<1x1x200xi32, #tpu.memory_space<vmem>>
      %dma_start3A_182 = tpu.memref_squeeze %dma_start3A_181 : memref<1x1x200xi32, #tpu.memory_space<vmem>> -> memref<200xi32, #tpu.memory_space<vmem>>
      %dma_start3A_183 = arith.constant 0 : i32
      %dma_start3A_184 = arith.constant 0 : i32
      %dma_start3A_185 = tpu.memref_slice %arg3[%dma_start3A_183, %dma_start3A_184] : memref<1000000x32xf32, #tpu.memory_space<hbm>> -> memref<1000000x32xf32, #tpu.memory_space<hbm>>
      tpu.enqueue_indirect_dma source(%dma_start3A_185 : memref<1000000x32xf32, #tpu.memory_space<hbm>>) target(%dma_start3A_179 : memref<200x32xf32, #tpu.memory_space<vmem>>) offsets(%dma_start3A_182 : memref<200xi32, #tpu.memory_space<vmem>>) semaphore(%arg9 : memref<!tpu.dma_semaphore, #tpu.memory_space<semaphore_mem>>)
      %dma_start3A_186 = arith.constant 1 : i32
      %dma_start3A_187 = arith.constant 3 : i32
      %dma_start3A_188 = arith.constant 1 : i32
      %dma_start3A_189 = arith.constant 600 : i32
      %dma_start3A_190 = arith.constant 0 : i32
      %dma_start3A_191 = tpu.memref_slice %arg6[%dma_start3A_188, %dma_start3A_189, %dma_start3A_190] : memref<2x1600x32xf32, #tpu.memory_space<vmem>> -> memref<1x200x32xf32, #tpu.memory_space<vmem>>
      %dma_start3A_192 = tpu.memref_squeeze %dma_start3A_191 : memref<1x200x32xf32, #tpu.memory_space<vmem>> -> memref<200x32xf32, #tpu.memory_space<vmem>>
      %dma_start3A_193 = arith.constant 0 : i32
      %dma_start3A_194 = tpu.memref_slice %arg5[%dma_start3A_186, %dma_start3A_187, %dma_start3A_193] : memref<2x8x200xi32, #tpu.memory_space<vmem>> -> memref<1x1x200xi32, #tpu.memory_space<vmem>>
      %dma_start3A_195 = tpu.memref_squeeze %dma_start3A_194 : memref<1x1x200xi32, #tpu.memory_space<vmem>> -> memref<200xi32, #tpu.memory_space<vmem>>
      %dma_start3A_196 = arith.constant 0 : i32
      %dma_start3A_197 = arith.constant 0 : i32
      %dma_start3A_198 = tpu.memref_slice %arg3[%dma_start3A_196, %dma_start3A_197] : memref<1000000x32xf32, #tpu.memory_space<hbm>> -> memref<1000000x32xf32, #tpu.memory_space<hbm>>
      tpu.enqueue_indirect_dma source(%dma_start3A_198 : memref<1000000x32xf32, #tpu.memory_space<hbm>>) target(%dma_start3A_192 : memref<200x32xf32, #tpu.memory_space<vmem>>) offsets(%dma_start3A_195 : memref<200xi32, #tpu.memory_space<vmem>>) semaphore(%arg9 : memref<!tpu.dma_semaphore, #tpu.memory_space<semaphore_mem>>)
      %dma_start3A_199 = arith.constant 1 : i32
      %dma_start3A_200 = arith.constant 4 : i32
      %dma_start3A_201 = arith.constant 1 : i32
      %dma_start3A_202 = arith.constant 800 : i32
      %dma_start3A_203 = arith.constant 0 : i32
      %dma_start3A_204 = tpu.memref_slice %arg6[%dma_start3A_201, %dma_start3A_202, %dma_start3A_203] : memref<2x1600x32xf32, #tpu.memory_space<vmem>> -> memref<1x200x32xf32, #tpu.memory_space<vmem>>
      %dma_start3A_205 = tpu.memref_squeeze %dma_start3A_204 : memref<1x200x32xf32, #tpu.memory_space<vmem>> -> memref<200x32xf32, #tpu.memory_space<vmem>>
      %dma_start3A_206 = arith.constant 0 : i32
      %dma_start3A_207 = tpu.memref_slice %arg5[%dma_start3A_199, %dma_start3A_200, %dma_start3A_206] : memref<2x8x200xi32, #tpu.memory_space<vmem>> -> memref<1x1x200xi32, #tpu.memory_space<vmem>>
      %dma_start3A_208 = tpu.memref_squeeze %dma_start3A_207 : memref<1x1x200xi32, #tpu.memory_space<vmem>> -> memref<200xi32, #tpu.memory_space<vmem>>
      %dma_start3A_209 = arith.constant 0 : i32
      %dma_start3A_210 = arith.constant 0 : i32
      %dma_start3A_211 = tpu.memref_slice %arg3[%dma_start3A_209, %dma_start3A_210] : memref<1000000x32xf32, #tpu.memory_space<hbm>> -> memref<1000000x32xf32, #tpu.memory_space<hbm>>
      tpu.enqueue_indirect_dma source(%dma_start3A_211 : memref<1000000x32xf32, #tpu.memory_space<hbm>>) target(%dma_start3A_205 : memref<200x32xf32, #tpu.memory_space<vmem>>) offsets(%dma_start3A_208 : memref<200xi32, #tpu.memory_space<vmem>>) semaphore(%arg9 : memref<!tpu.dma_semaphore, #tpu.memory_space<semaphore_mem>>)
      %dma_start3A_212 = arith.constant 1 : i32
      %dma_start3A_213 = arith.constant 5 : i32
      %dma_start3A_214 = arith.constant 1 : i32
      %dma_start3A_215 = arith.constant 1000 : i32
      %dma_start3A_216 = arith.constant 0 : i32
      %dma_start3A_217 = tpu.memref_slice %arg6[%dma_start3A_214, %dma_start3A_215, %dma_start3A_216] : memref<2x1600x32xf32, #tpu.memory_space<vmem>> -> memref<1x200x32xf32, #tpu.memory_space<vmem>>
      %dma_start3A_218 = tpu.memref_squeeze %dma_start3A_217 : memref<1x200x32xf32, #tpu.memory_space<vmem>> -> memref<200x32xf32, #tpu.memory_space<vmem>>
      %dma_start3A_219 = arith.constant 0 : i32
      %dma_start3A_220 = tpu.memref_slice %arg5[%dma_start3A_212, %dma_start3A_213, %dma_start3A_219] : memref<2x8x200xi32, #tpu.memory_space<vmem>> -> memref<1x1x200xi32, #tpu.memory_space<vmem>>
      %dma_start3A_221 = tpu.memref_squeeze %dma_start3A_220 : memref<1x1x200xi32, #tpu.memory_space<vmem>> -> memref<200xi32, #tpu.memory_space<vmem>>
      %dma_start3A_222 = arith.constant 0 : i32
      %dma_start3A_223 = arith.constant 0 : i32
      %dma_start3A_224 = tpu.memref_slice %arg3[%dma_start3A_222, %dma_start3A_223] : memref<1000000x32xf32, #tpu.memory_space<hbm>> -> memref<1000000x32xf32, #tpu.memory_space<hbm>>
      tpu.enqueue_indirect_dma source(%dma_start3A_224 : memref<1000000x32xf32, #tpu.memory_space<hbm>>) target(%dma_start3A_218 : memref<200x32xf32, #tpu.memory_space<vmem>>) offsets(%dma_start3A_221 : memref<200xi32, #tpu.memory_space<vmem>>) semaphore(%arg9 : memref<!tpu.dma_semaphore, #tpu.memory_space<semaphore_mem>>)
      %dma_start3A_225 = arith.constant 1 : i32
      %dma_start3A_226 = arith.constant 6 : i32
      %dma_start3A_227 = arith.constant 1 : i32
      %dma_start3A_228 = arith.constant 1200 : i32
      %dma_start3A_229 = arith.constant 0 : i32
      %dma_start3A_230 = tpu.memref_slice %arg6[%dma_start3A_227, %dma_start3A_228, %dma_start3A_229] : memref<2x1600x32xf32, #tpu.memory_space<vmem>> -> memref<1x200x32xf32, #tpu.memory_space<vmem>>
      %dma_start3A_231 = tpu.memref_squeeze %dma_start3A_230 : memref<1x200x32xf32, #tpu.memory_space<vmem>> -> memref<200x32xf32, #tpu.memory_space<vmem>>
      %dma_start3A_232 = arith.constant 0 : i32
      %dma_start3A_233 = tpu.memref_slice %arg5[%dma_start3A_225, %dma_start3A_226, %dma_start3A_232] : memref<2x8x200xi32, #tpu.memory_space<vmem>> -> memref<1x1x200xi32, #tpu.memory_space<vmem>>
      %dma_start3A_234 = tpu.memref_squeeze %dma_start3A_233 : memref<1x1x200xi32, #tpu.memory_space<vmem>> -> memref<200xi32, #tpu.memory_space<vmem>>
      %dma_start3A_235 = arith.constant 0 : i32
      %dma_start3A_236 = arith.constant 0 : i32
      %dma_start3A_237 = tpu.memref_slice %arg3[%dma_start3A_235, %dma_start3A_236] : memref<1000000x32xf32, #tpu.memory_space<hbm>> -> memref<1000000x32xf32, #tpu.memory_space<hbm>>
      tpu.enqueue_indirect_dma source(%dma_start3A_237 : memref<1000000x32xf32, #tpu.memory_space<hbm>>) target(%dma_start3A_231 : memref<200x32xf32, #tpu.memory_space<vmem>>) offsets(%dma_start3A_234 : memref<200xi32, #tpu.memory_space<vmem>>) semaphore(%arg9 : memref<!tpu.dma_semaphore, #tpu.memory_space<semaphore_mem>>)
      %dma_start3A_238 = arith.constant 1 : i32
      %dma_start3A_239 = arith.constant 7 : i32
      %dma_start3A_240 = arith.constant 1 : i32
      %dma_start3A_241 = arith.constant 1400 : i32
      %dma_start3A_242 = arith.constant 0 : i32
      %dma_start3A_243 = tpu.memref_slice %arg6[%dma_start3A_240, %dma_start3A_241, %dma_start3A_242] : memref<2x1600x32xf32, #tpu.memory_space<vmem>> -> memref<1x200x32xf32, #tpu.memory_space<vmem>>
      %dma_start3A_244 = tpu.memref_squeeze %dma_start3A_243 : memref<1x200x32xf32, #tpu.memory_space<vmem>> -> memref<200x32xf32, #tpu.memory_space<vmem>>
      %dma_start3A_245 = arith.constant 0 : i32
      %dma_start3A_246 = tpu.memref_slice %arg5[%dma_start3A_238, %dma_start3A_239, %dma_start3A_245] : memref<2x8x200xi32, #tpu.memory_space<vmem>> -> memref<1x1x200xi32, #tpu.memory_space<vmem>>
      %dma_start3A_247 = tpu.memref_squeeze %dma_start3A_246 : memref<1x1x200xi32, #tpu.memory_space<vmem>> -> memref<200xi32, #tpu.memory_space<vmem>>
      %dma_start3A_248 = arith.constant 0 : i32
      %dma_start3A_249 = arith.constant 0 : i32
      %dma_start3A_250 = tpu.memref_slice %arg3[%dma_start3A_248, %dma_start3A_249] : memref<1000000x32xf32, #tpu.memory_space<hbm>> -> memref<1000000x32xf32, #tpu.memory_space<hbm>>
      tpu.enqueue_indirect_dma source(%dma_start3A_250 : memref<1000000x32xf32, #tpu.memory_space<hbm>>) target(%dma_start3A_244 : memref<200x32xf32, #tpu.memory_space<vmem>>) offsets(%dma_start3A_247 : memref<200xi32, #tpu.memory_space<vmem>>) semaphore(%arg9 : memref<!tpu.dma_semaphore, #tpu.memory_space<semaphore_mem>>)
      %dma_wait3A_251 = arith.constant 0 : i32
      %dma_wait3A_252 = arith.constant 0 : i32
      %dma_wait3A_253 = arith.constant 0 : i32
      %dma_wait3A_254 = tpu.memref_slice %arg6[%dma_wait3A_251, %dma_wait3A_252, %dma_wait3A_253] : memref<2x1600x32xf32, #tpu.memory_space<vmem>> -> memref<1x1600x32xf32, #tpu.memory_space<vmem>>
      %dma_wait3A_255 = tpu.memref_squeeze %dma_wait3A_254 : memref<1x1600x32xf32, #tpu.memory_space<vmem>> -> memref<1600x32xf32, #tpu.memory_space<vmem>>
      %dma_wait3A_256 = arith.constant 0 : i32
      %dma_wait3A_257 = arith.constant 0 : i32
      %dma_wait3A_258 = tpu.memref_slice %arg3[%dma_wait3A_256, %dma_wait3A_257] : memref<1000000x32xf32, #tpu.memory_space<hbm>> -> memref<1600x32xf32, #tpu.memory_space<hbm>>
      %dma_wait3A_259 = arith.constant 0 : i32
      %dma_wait3A_260 = arith.constant 0 : i32
      %dma_wait3A_261 = tpu.memref_slice %arg6[%dma_wait3A_251, %dma_wait3A_259, %dma_wait3A_260] : memref<2x1600x32xf32, #tpu.memory_space<vmem>> -> memref<1x1600x32xf32, #tpu.memory_space<vmem>>
      %dma_wait3A_262 = tpu.memref_squeeze %dma_wait3A_261 : memref<1x1600x32xf32, #tpu.memory_space<vmem>> -> memref<1600x32xf32, #tpu.memory_space<vmem>>
      %dma_wait3A_263 = arith.constant 0 : i32
      %dma_wait3A_264 = arith.constant 0 : i32
      %dma_wait3A_265 = tpu.memref_slice %arg3[%dma_wait3A_263, %dma_wait3A_264] : memref<1000000x32xf32, #tpu.memory_space<hbm>> -> memref<1600x32xf32, #tpu.memory_space<hbm>>
      tpu.wait_dma2 semaphore(%arg8 : memref<!tpu.dma_semaphore, #tpu.memory_space<semaphore_mem>>) src(%dma_wait3A_265 : memref<1600x32xf32, #tpu.memory_space<hbm>>) dst(%dma_wait3A_262 : memref<1600x32xf32, #tpu.memory_space<vmem>>)
      %mul3A_266 = arith.constant 8 : i32
      %mul3A_267 = arith.muli %mul3A_140, %mul3A_266 : i32
      %add3A_268 = arith.addi %mul3A_2, %mul3A_267 : i32
      %ge3A = arith.constant 2 : i32
      %ge3A_269 = arith.cmpi sge, %mul3A_140, %ge3A : i32
      %convert_element_type3A = arith.extui %ge3A_269 : i1 to i32
      %cond3A = arith.constant 0 : i32
      %cond3A_270 = arith.cmpi ne, %convert_element_type3A, %cond3A : i32
      scf.if %cond3A_270 {
        %dma_wait3A_676 = arith.constant 0 : i32
        %dma_wait3A_677 = arith.constant 0 : i32
        %dma_wait3A_678 = arith.constant 0 : i32
        %dma_wait3A_679 = tpu.memref_slice %arg7[%dma_wait3A_676, %dma_wait3A_677, %dma_wait3A_678] : memref<2x8x32xf32, #tpu.memory_space<vmem>> -> memref<1x8x32xf32, #tpu.memory_space<vmem>>
        %dma_wait3A_680 = tpu.memref_squeeze %dma_wait3A_679 : memref<1x8x32xf32, #tpu.memory_space<vmem>> -> memref<8x32xf32, #tpu.memory_space<vmem>>
        %dma_wait3A_681 = arith.constant 0 : i32
        %dma_wait3A_682 = tpu.memref_slice %arg4[%add3A_268, %dma_wait3A_681] : memref<16384x32xf32, #tpu.memory_space<hbm>> -> memref<8x32xf32, #tpu.memory_space<hbm>>
        %dma_wait3A_683 = arith.constant 0 : i32
        %dma_wait3A_684 = tpu.memref_slice %arg4[%add3A_268, %dma_wait3A_683] : memref<16384x32xf32, #tpu.memory_space<hbm>> -> memref<8x32xf32, #tpu.memory_space<hbm>>
        %dma_wait3A_685 = arith.constant 0 : i32
        %dma_wait3A_686 = arith.constant 0 : i32
        %dma_wait3A_687 = tpu.memref_slice %arg7[%dma_wait3A_676, %dma_wait3A_685, %dma_wait3A_686] : memref<2x8x32xf32, #tpu.memory_space<vmem>> -> memref<1x8x32xf32, #tpu.memory_space<vmem>>
        %dma_wait3A_688 = tpu.memref_squeeze %dma_wait3A_687 : memref<1x8x32xf32, #tpu.memory_space<vmem>> -> memref<8x32xf32, #tpu.memory_space<vmem>>
        tpu.wait_dma2 semaphore(%arg10 : memref<!tpu.dma_semaphore, #tpu.memory_space<semaphore_mem>>) src(%dma_wait3A_688 : memref<8x32xf32, #tpu.memory_space<vmem>>) dst(%dma_wait3A_684 : memref<8x32xf32, #tpu.memory_space<hbm>>)
      } else {
      }
      %broadcast_in_dim3A = arith.constant 0.000000e+00 : f32
      %broadcast_in_dim3A_271 = vector.broadcast %broadcast_in_dim3A : f32 to vector<16xf32>
      %scan3A_272 = arith.constant 0 : i32
      %scan3A_273 = arith.constant 25 : i32
      %scan3A_274 = arith.addi %scan3A_272, %scan3A_273 : i32
      %scan3A_275 = arith.constant 1 : i32
      %scan3A_276:4 = scf.for %scan3A_676 = %scan3A_272 to %scan3A_274 step %scan3A_275 iter_args(%scan3A_677 = %broadcast_in_dim3A_271, %scan3A_678 = %broadcast_in_dim3A_271, %scan3A_679 = %broadcast_in_dim3A_271, %scan3A_680 = %broadcast_in_dim3A_271) -> (vector<16xf32>, vector<16xf32>, vector<16xf32>, vector<16xf32>)  : i32 {
        %mul3A_681 = arith.constant 8 : i32
        %mul3A_682 = arith.muli %scan3A_676, %mul3A_681 : i32
        %add3A_683 = arith.constant 0 : i32
        %add3A_684 = arith.addi %add3A_683, %mul3A_682 : i32
        %add3A_685 = arith.constant 0 : i32
        %add3A_686 = arith.addi %add3A_684, %add3A_685 : i32
        %get3A = arith.constant 0 : i32
        %get3A_687 = arith.index_cast %get3A : i32 to index
        %get3A_688 = arith.index_cast %add3A_686 : i32 to index
        %get3A_689 = arith.constant 0 : index
        %get3A_690 = tpu.vector_load %arg6[%get3A_687, %get3A_688, %get3A_689] {strides = array<i32>} : memref<2x1600x32xf32, #tpu.memory_space<vmem>>, vector<16xf32>,
        %add3A_691 = arith.addf %scan3A_677, %get3A_690 : vector<16xf32>
        %add3A_692 = arith.constant 0 : i32
        %add3A_693 = arith.addi %add3A_684, %add3A_692 : i32
        %get3A_694 = arith.constant 0 : i32
        %get3A_695 = arith.index_cast %get3A_694 : i32 to index
        %get3A_696 = arith.index_cast %add3A_693 : i32 to index
        %get3A_697 = arith.constant 16 : index
        %get3A_698 = tpu.vector_load %arg6[%get3A_695, %get3A_696, %get3A_697] {strides = array<i32>} : memref<2x1600x32xf32, #tpu.memory_space<vmem>>, vector<16xf32>,
        %add3A_699 = arith.addf %scan3A_678, %get3A_698 : vector<16xf32>
        %add3A_700 = arith.constant 0 : i32
        %add3A_701 = arith.addi %add3A_684, %add3A_700 : i32
        %add3A_702 = arith.constant 1 : i32
        %add3A_703 = arith.addi %add3A_701, %add3A_702 : i32
        %get3A_704 = arith.constant 0 : i32
        %get3A_705 = arith.index_cast %get3A_704 : i32 to index
        %get3A_706 = arith.index_cast %add3A_703 : i32 to index
        %get3A_707 = arith.constant 0 : index
        %get3A_708 = tpu.vector_load %arg6[%get3A_705, %get3A_706, %get3A_707] {strides = array<i32>} : memref<2x1600x32xf32, #tpu.memory_space<vmem>>, vector<16xf32>,
        %add3A_709 = arith.addf %scan3A_679, %get3A_708 : vector<16xf32>
        %add3A_710 = arith.constant 0 : i32
        %add3A_711 = arith.addi %add3A_684, %add3A_710 : i32
        %add3A_712 = arith.constant 1 : i32
        %add3A_713 = arith.addi %add3A_711, %add3A_712 : i32
        %get3A_714 = arith.constant 0 : i32
        %get3A_715 = arith.index_cast %get3A_714 : i32 to index
        %get3A_716 = arith.index_cast %add3A_713 : i32 to index
        %get3A_717 = arith.constant 16 : index
        %get3A_718 = tpu.vector_load %arg6[%get3A_715, %get3A_716, %get3A_717] {strides = array<i32>} : memref<2x1600x32xf32, #tpu.memory_space<vmem>>, vector<16xf32>,
        %add3A_719 = arith.addf %scan3A_680, %get3A_718 : vector<16xf32>
        %add3A_720 = arith.constant 2 : i32
        %add3A_721 = arith.addi %add3A_684, %add3A_720 : i32
        %get3A_722 = arith.constant 0 : i32
        %get3A_723 = arith.index_cast %get3A_722 : i32 to index
        %get3A_724 = arith.index_cast %add3A_721 : i32 to index
        %get3A_725 = arith.constant 0 : index
        %get3A_726 = tpu.vector_load %arg6[%get3A_723, %get3A_724, %get3A_725] {strides = array<i32>} : memref<2x1600x32xf32, #tpu.memory_space<vmem>>, vector<16xf32>,
        %add3A_727 = arith.addf %add3A_691, %get3A_726 : vector<16xf32>
        %add3A_728 = arith.constant 2 : i32
        %add3A_729 = arith.addi %add3A_684, %add3A_728 : i32
        %get3A_730 = arith.constant 0 : i32
        %get3A_731 = arith.index_cast %get3A_730 : i32 to index
        %get3A_732 = arith.index_cast %add3A_729 : i32 to index
        %get3A_733 = arith.constant 16 : index
        %get3A_734 = tpu.vector_load %arg6[%get3A_731, %get3A_732, %get3A_733] {strides = array<i32>} : memref<2x1600x32xf32, #tpu.memory_space<vmem>>, vector<16xf32>,
        %add3A_735 = arith.addf %add3A_699, %get3A_734 : vector<16xf32>
        %add3A_736 = arith.constant 2 : i32
        %add3A_737 = arith.addi %add3A_684, %add3A_736 : i32
        %add3A_738 = arith.constant 1 : i32
        %add3A_739 = arith.addi %add3A_737, %add3A_738 : i32
        %get3A_740 = arith.constant 0 : i32
        %get3A_741 = arith.index_cast %get3A_740 : i32 to index
        %get3A_742 = arith.index_cast %add3A_739 : i32 to index
        %get3A_743 = arith.constant 0 : index
        %get3A_744 = tpu.vector_load %arg6[%get3A_741, %get3A_742, %get3A_743] {strides = array<i32>} : memref<2x1600x32xf32, #tpu.memory_space<vmem>>, vector<16xf32>,
        %add3A_745 = arith.addf %add3A_709, %get3A_744 : vector<16xf32>
        %add3A_746 = arith.constant 2 : i32
        %add3A_747 = arith.addi %add3A_684, %add3A_746 : i32
        %add3A_748 = arith.constant 1 : i32
        %add3A_749 = arith.addi %add3A_747, %add3A_748 : i32
        %get3A_750 = arith.constant 0 : i32
        %get3A_751 = arith.index_cast %get3A_750 : i32 to index
        %get3A_752 = arith.index_cast %add3A_749 : i32 to index
        %get3A_753 = arith.constant 16 : index
        %get3A_754 = tpu.vector_load %arg6[%get3A_751, %get3A_752, %get3A_753] {strides = array<i32>} : memref<2x1600x32xf32, #tpu.memory_space<vmem>>, vector<16xf32>,
        %add3A_755 = arith.addf %add3A_719, %get3A_754 : vector<16xf32>
        %add3A_756 = arith.constant 4 : i32
        %add3A_757 = arith.addi %add3A_684, %add3A_756 : i32
        %get3A_758 = arith.constant 0 : i32
        %get3A_759 = arith.index_cast %get3A_758 : i32 to index
        %get3A_760 = arith.index_cast %add3A_757 : i32 to index
        %get3A_761 = arith.constant 0 : index
        %get3A_762 = tpu.vector_load %arg6[%get3A_759, %get3A_760, %get3A_761] {strides = array<i32>} : memref<2x1600x32xf32, #tpu.memory_space<vmem>>, vector<16xf32>,
        %add3A_763 = arith.addf %add3A_727, %get3A_762 : vector<16xf32>
        %add3A_764 = arith.constant 4 : i32
        %add3A_765 = arith.addi %add3A_684, %add3A_764 : i32
        %get3A_766 = arith.constant 0 : i32
        %get3A_767 = arith.index_cast %get3A_766 : i32 to index
        %get3A_768 = arith.index_cast %add3A_765 : i32 to index
        %get3A_769 = arith.constant 16 : index
        %get3A_770 = tpu.vector_load %arg6[%get3A_767, %get3A_768, %get3A_769] {strides = array<i32>} : memref<2x1600x32xf32, #tpu.memory_space<vmem>>, vector<16xf32>,
        %add3A_771 = arith.addf %add3A_735, %get3A_770 : vector<16xf32>
        %add3A_772 = arith.constant 4 : i32
        %add3A_773 = arith.addi %add3A_684, %add3A_772 : i32
        %add3A_774 = arith.constant 1 : i32
        %add3A_775 = arith.addi %add3A_773, %add3A_774 : i32
        %get3A_776 = arith.constant 0 : i32
        %get3A_777 = arith.index_cast %get3A_776 : i32 to index
        %get3A_778 = arith.index_cast %add3A_775 : i32 to index
        %get3A_779 = arith.constant 0 : index
        %get3A_780 = tpu.vector_load %arg6[%get3A_777, %get3A_778, %get3A_779] {strides = array<i32>} : memref<2x1600x32xf32, #tpu.memory_space<vmem>>, vector<16xf32>,
        %add3A_781 = arith.addf %add3A_745, %get3A_780 : vector<16xf32>
        %add3A_782 = arith.constant 4 : i32
        %add3A_783 = arith.addi %add3A_684, %add3A_782 : i32
        %add3A_784 = arith.constant 1 : i32
        %add3A_785 = arith.addi %add3A_783, %add3A_784 : i32
        %get3A_786 = arith.constant 0 : i32
        %get3A_787 = arith.index_cast %get3A_786 : i32 to index
        %get3A_788 = arith.index_cast %add3A_785 : i32 to index
        %get3A_789 = arith.constant 16 : index
        %get3A_790 = tpu.vector_load %arg6[%get3A_787, %get3A_788, %get3A_789] {strides = array<i32>} : memref<2x1600x32xf32, #tpu.memory_space<vmem>>, vector<16xf32>,
        %add3A_791 = arith.addf %add3A_755, %get3A_790 : vector<16xf32>
        %add3A_792 = arith.constant 6 : i32
        %add3A_793 = arith.addi %add3A_684, %add3A_792 : i32
        %get3A_794 = arith.constant 0 : i32
        %get3A_795 = arith.index_cast %get3A_794 : i32 to index
        %get3A_796 = arith.index_cast %add3A_793 : i32 to index
        %get3A_797 = arith.constant 0 : index
        %get3A_798 = tpu.vector_load %arg6[%get3A_795, %get3A_796, %get3A_797] {strides = array<i32>} : memref<2x1600x32xf32, #tpu.memory_space<vmem>>, vector<16xf32>,
        %add3A_799 = arith.addf %add3A_763, %get3A_798 : vector<16xf32>
        %add3A_800 = arith.constant 6 : i32
        %add3A_801 = arith.addi %add3A_684, %add3A_800 : i32
        %get3A_802 = arith.constant 0 : i32
        %get3A_803 = arith.index_cast %get3A_802 : i32 to index
        %get3A_804 = arith.index_cast %add3A_801 : i32 to index
        %get3A_805 = arith.constant 16 : index
        %get3A_806 = tpu.vector_load %arg6[%get3A_803, %get3A_804, %get3A_805] {strides = array<i32>} : memref<2x1600x32xf32, #tpu.memory_space<vmem>>, vector<16xf32>,
        %add3A_807 = arith.addf %add3A_771, %get3A_806 : vector<16xf32>
        %add3A_808 = arith.constant 6 : i32
        %add3A_809 = arith.addi %add3A_684, %add3A_808 : i32
        %add3A_810 = arith.constant 1 : i32
        %add3A_811 = arith.addi %add3A_809, %add3A_810 : i32
        %get3A_812 = arith.constant 0 : i32
        %get3A_813 = arith.index_cast %get3A_812 : i32 to index
        %get3A_814 = arith.index_cast %add3A_811 : i32 to index
        %get3A_815 = arith.constant 0 : index
        %get3A_816 = tpu.vector_load %arg6[%get3A_813, %get3A_814, %get3A_815] {strides = array<i32>} : memref<2x1600x32xf32, #tpu.memory_space<vmem>>, vector<16xf32>,
        %add3A_817 = arith.addf %add3A_781, %get3A_816 : vector<16xf32>
        %add3A_818 = arith.constant 6 : i32
        %add3A_819 = arith.addi %add3A_684, %add3A_818 : i32
        %add3A_820 = arith.constant 1 : i32
        %add3A_821 = arith.addi %add3A_819, %add3A_820 : i32
        %get3A_822 = arith.constant 0 : i32
        %get3A_823 = arith.index_cast %get3A_822 : i32 to index
        %get3A_824 = arith.index_cast %add3A_821 : i32 to index
        %get3A_825 = arith.constant 16 : index
        %get3A_826 = tpu.vector_load %arg6[%get3A_823, %get3A_824, %get3A_825] {strides = array<i32>} : memref<2x1600x32xf32, #tpu.memory_space<vmem>>, vector<16xf32>,
        %add3A_827 = arith.addf %add3A_791, %get3A_826 : vector<16xf32>
        scf.yield %add3A_799, %add3A_807, %add3A_817, %add3A_827 : vector<16xf32>, vector<16xf32>, vector<16xf32>, vector<16xf32>
      }
      %scan3A_277 = arith.constant 25 : i32
      %add3A_278 = arith.addf %scan3A_276#0, %scan3A_276#2 : vector<16xf32>
      %swap3A = arith.constant 0 : i32
      %swap3A_279 = arith.constant 0 : i32
      %swap3A_280 = arith.index_cast %swap3A : i32 to index
      %swap3A_281 = arith.index_cast %swap3A_279 : i32 to index
      %swap3A_282 = arith.constant 0 : index
      %swap3A_283 = tpu.vector_load %arg7[%swap3A_280, %swap3A_281, %swap3A_282] {strides = array<i32>} : memref<2x8x32xf32, #tpu.memory_space<vmem>>, vector<16xf32>,
      tpu.vector_store %arg7[%swap3A_280, %swap3A_281, %swap3A_282], %add3A_278 {strides = array<i32>} : memref<2x8x32xf32, #tpu.memory_space<vmem>>, vector<16xf32>,
      %add3A_284 = arith.addf %scan3A_276#1, %scan3A_276#3 : vector<16xf32>
      %swap3A_285 = arith.constant 0 : i32
      %swap3A_286 = arith.constant 0 : i32
      %swap3A_287 = arith.index_cast %swap3A_285 : i32 to index
      %swap3A_288 = arith.index_cast %swap3A_286 : i32 to index
      %swap3A_289 = arith.constant 16 : index
      %swap3A_290 = tpu.vector_load %arg7[%swap3A_287, %swap3A_288, %swap3A_289] {strides = array<i32>} : memref<2x8x32xf32, #tpu.memory_space<vmem>>, vector<16xf32>,
      tpu.vector_store %arg7[%swap3A_287, %swap3A_288, %swap3A_289], %add3A_284 {strides = array<i32>} : memref<2x8x32xf32, #tpu.memory_space<vmem>>, vector<16xf32>,
      %broadcast_in_dim3A_291 = arith.constant 0.000000e+00 : f32
      %broadcast_in_dim3A_292 = vector.broadcast %broadcast_in_dim3A_291 : f32 to vector<16xf32>
      %scan3A_293 = arith.constant 0 : i32
      %scan3A_294 = arith.constant 25 : i32
      %scan3A_295 = arith.addi %scan3A_293, %scan3A_294 : i32
      %scan3A_296 = arith.constant 1 : i32
      %scan3A_297:4 = scf.for %scan3A_676 = %scan3A_293 to %scan3A_295 step %scan3A_296 iter_args(%scan3A_677 = %broadcast_in_dim3A_292, %scan3A_678 = %broadcast_in_dim3A_292, %scan3A_679 = %broadcast_in_dim3A_292, %scan3A_680 = %broadcast_in_dim3A_292) -> (vector<16xf32>, vector<16xf32>, vector<16xf32>, vector<16xf32>)  : i32 {
        %mul3A_681 = arith.constant 8 : i32
        %mul3A_682 = arith.muli %scan3A_676, %mul3A_681 : i32
        %add3A_683 = arith.constant 200 : i32
        %add3A_684 = arith.addi %add3A_683, %mul3A_682 : i32
        %add3A_685 = arith.constant 0 : i32
        %add3A_686 = arith.addi %add3A_684, %add3A_685 : i32
        %get3A = arith.constant 0 : i32
        %get3A_687 = arith.index_cast %get3A : i32 to index
        %get3A_688 = arith.index_cast %add3A_686 : i32 to index
        %get3A_689 = arith.constant 0 : index
        %get3A_690 = tpu.vector_load %arg6[%get3A_687, %get3A_688, %get3A_689] {strides = array<i32>} : memref<2x1600x32xf32, #tpu.memory_space<vmem>>, vector<16xf32>,
        %add3A_691 = arith.addf %scan3A_677, %get3A_690 : vector<16xf32>
        %add3A_692 = arith.constant 0 : i32
        %add3A_693 = arith.addi %add3A_684, %add3A_692 : i32
        %get3A_694 = arith.constant 0 : i32
        %get3A_695 = arith.index_cast %get3A_694 : i32 to index
        %get3A_696 = arith.index_cast %add3A_693 : i32 to index
        %get3A_697 = arith.constant 16 : index
        %get3A_698 = tpu.vector_load %arg6[%get3A_695, %get3A_696, %get3A_697] {strides = array<i32>} : memref<2x1600x32xf32, #tpu.memory_space<vmem>>, vector<16xf32>,
        %add3A_699 = arith.addf %scan3A_678, %get3A_698 : vector<16xf32>
        %add3A_700 = arith.constant 0 : i32
        %add3A_701 = arith.addi %add3A_684, %add3A_700 : i32
        %add3A_702 = arith.constant 1 : i32
        %add3A_703 = arith.addi %add3A_701, %add3A_702 : i32
        %get3A_704 = arith.constant 0 : i32
        %get3A_705 = arith.index_cast %get3A_704 : i32 to index
        %get3A_706 = arith.index_cast %add3A_703 : i32 to index
        %get3A_707 = arith.constant 0 : index
        %get3A_708 = tpu.vector_load %arg6[%get3A_705, %get3A_706, %get3A_707] {strides = array<i32>} : memref<2x1600x32xf32, #tpu.memory_space<vmem>>, vector<16xf32>,
        %add3A_709 = arith.addf %scan3A_679, %get3A_708 : vector<16xf32>
        %add3A_710 = arith.constant 0 : i32
        %add3A_711 = arith.addi %add3A_684, %add3A_710 : i32
        %add3A_712 = arith.constant 1 : i32
        %add3A_713 = arith.addi %add3A_711, %add3A_712 : i32
        %get3A_714 = arith.constant 0 : i32
        %get3A_715 = arith.index_cast %get3A_714 : i32 to index
        %get3A_716 = arith.index_cast %add3A_713 : i32 to index
        %get3A_717 = arith.constant 16 : index
        %get3A_718 = tpu.vector_load %arg6[%get3A_715, %get3A_716, %get3A_717] {strides = array<i32>} : memref<2x1600x32xf32, #tpu.memory_space<vmem>>, vector<16xf32>,
        %add3A_719 = arith.addf %scan3A_680, %get3A_718 : vector<16xf32>
        %add3A_720 = arith.constant 2 : i32
        %add3A_721 = arith.addi %add3A_684, %add3A_720 : i32
        %get3A_722 = arith.constant 0 : i32
        %get3A_723 = arith.index_cast %get3A_722 : i32 to index
        %get3A_724 = arith.index_cast %add3A_721 : i32 to index
        %get3A_725 = arith.constant 0 : index
        %get3A_726 = tpu.vector_load %arg6[%get3A_723, %get3A_724, %get3A_725] {strides = array<i32>} : memref<2x1600x32xf32, #tpu.memory_space<vmem>>, vector<16xf32>,
        %add3A_727 = arith.addf %add3A_691, %get3A_726 : vector<16xf32>
        %add3A_728 = arith.constant 2 : i32
        %add3A_729 = arith.addi %add3A_684, %add3A_728 : i32
        %get3A_730 = arith.constant 0 : i32
        %get3A_731 = arith.index_cast %get3A_730 : i32 to index
        %get3A_732 = arith.index_cast %add3A_729 : i32 to index
        %get3A_733 = arith.constant 16 : index
        %get3A_734 = tpu.vector_load %arg6[%get3A_731, %get3A_732, %get3A_733] {strides = array<i32>} : memref<2x1600x32xf32, #tpu.memory_space<vmem>>, vector<16xf32>,
        %add3A_735 = arith.addf %add3A_699, %get3A_734 : vector<16xf32>
        %add3A_736 = arith.constant 2 : i32
        %add3A_737 = arith.addi %add3A_684, %add3A_736 : i32
        %add3A_738 = arith.constant 1 : i32
        %add3A_739 = arith.addi %add3A_737, %add3A_738 : i32
        %get3A_740 = arith.constant 0 : i32
        %get3A_741 = arith.index_cast %get3A_740 : i32 to index
        %get3A_742 = arith.index_cast %add3A_739 : i32 to index
        %get3A_743 = arith.constant 0 : index
        %get3A_744 = tpu.vector_load %arg6[%get3A_741, %get3A_742, %get3A_743] {strides = array<i32>} : memref<2x1600x32xf32, #tpu.memory_space<vmem>>, vector<16xf32>,
        %add3A_745 = arith.addf %add3A_709, %get3A_744 : vector<16xf32>
        %add3A_746 = arith.constant 2 : i32
        %add3A_747 = arith.addi %add3A_684, %add3A_746 : i32
        %add3A_748 = arith.constant 1 : i32
        %add3A_749 = arith.addi %add3A_747, %add3A_748 : i32
        %get3A_750 = arith.constant 0 : i32
        %get3A_751 = arith.index_cast %get3A_750 : i32 to index
        %get3A_752 = arith.index_cast %add3A_749 : i32 to index
        %get3A_753 = arith.constant 16 : index
        %get3A_754 = tpu.vector_load %arg6[%get3A_751, %get3A_752, %get3A_753] {strides = array<i32>} : memref<2x1600x32xf32, #tpu.memory_space<vmem>>, vector<16xf32>,
        %add3A_755 = arith.addf %add3A_719, %get3A_754 : vector<16xf32>
        %add3A_756 = arith.constant 4 : i32
        %add3A_757 = arith.addi %add3A_684, %add3A_756 : i32
        %get3A_758 = arith.constant 0 : i32
        %get3A_759 = arith.index_cast %get3A_758 : i32 to index
        %get3A_760 = arith.index_cast %add3A_757 : i32 to index
        %get3A_761 = arith.constant 0 : index
        %get3A_762 = tpu.vector_load %arg6[%get3A_759, %get3A_760, %get3A_761] {strides = array<i32>} : memref<2x1600x32xf32, #tpu.memory_space<vmem>>, vector<16xf32>,
        %add3A_763 = arith.addf %add3A_727, %get3A_762 : vector<16xf32>
        %add3A_764 = arith.constant 4 : i32
        %add3A_765 = arith.addi %add3A_684, %add3A_764 : i32
        %get3A_766 = arith.constant 0 : i32
        %get3A_767 = arith.index_cast %get3A_766 : i32 to index
        %get3A_768 = arith.index_cast %add3A_765 : i32 to index
        %get3A_769 = arith.constant 16 : index
        %get3A_770 = tpu.vector_load %arg6[%get3A_767, %get3A_768, %get3A_769] {strides = array<i32>} : memref<2x1600x32xf32, #tpu.memory_space<vmem>>, vector<16xf32>,
        %add3A_771 = arith.addf %add3A_735, %get3A_770 : vector<16xf32>
        %add3A_772 = arith.constant 4 : i32
        %add3A_773 = arith.addi %add3A_684, %add3A_772 : i32
        %add3A_774 = arith.constant 1 : i32
        %add3A_775 = arith.addi %add3A_773, %add3A_774 : i32
        %get3A_776 = arith.constant 0 : i32
        %get3A_777 = arith.index_cast %get3A_776 : i32 to index
        %get3A_778 = arith.index_cast %add3A_775 : i32 to index
        %get3A_779 = arith.constant 0 : index
        %get3A_780 = tpu.vector_load %arg6[%get3A_777, %get3A_778, %get3A_779] {strides = array<i32>} : memref<2x1600x32xf32, #tpu.memory_space<vmem>>, vector<16xf32>,
        %add3A_781 = arith.addf %add3A_745, %get3A_780 : vector<16xf32>
        %add3A_782 = arith.constant 4 : i32
        %add3A_783 = arith.addi %add3A_684, %add3A_782 : i32
        %add3A_784 = arith.constant 1 : i32
        %add3A_785 = arith.addi %add3A_783, %add3A_784 : i32
        %get3A_786 = arith.constant 0 : i32
        %get3A_787 = arith.index_cast %get3A_786 : i32 to index
        %get3A_788 = arith.index_cast %add3A_785 : i32 to index
        %get3A_789 = arith.constant 16 : index
        %get3A_790 = tpu.vector_load %arg6[%get3A_787, %get3A_788, %get3A_789] {strides = array<i32>} : memref<2x1600x32xf32, #tpu.memory_space<vmem>>, vector<16xf32>,
        %add3A_791 = arith.addf %add3A_755, %get3A_790 : vector<16xf32>
        %add3A_792 = arith.constant 6 : i32
        %add3A_793 = arith.addi %add3A_684, %add3A_792 : i32
        %get3A_794 = arith.constant 0 : i32
        %get3A_795 = arith.index_cast %get3A_794 : i32 to index
        %get3A_796 = arith.index_cast %add3A_793 : i32 to index
        %get3A_797 = arith.constant 0 : index
        %get3A_798 = tpu.vector_load %arg6[%get3A_795, %get3A_796, %get3A_797] {strides = array<i32>} : memref<2x1600x32xf32, #tpu.memory_space<vmem>>, vector<16xf32>,
        %add3A_799 = arith.addf %add3A_763, %get3A_798 : vector<16xf32>
        %add3A_800 = arith.constant 6 : i32
        %add3A_801 = arith.addi %add3A_684, %add3A_800 : i32
        %get3A_802 = arith.constant 0 : i32
        %get3A_803 = arith.index_cast %get3A_802 : i32 to index
        %get3A_804 = arith.index_cast %add3A_801 : i32 to index
        %get3A_805 = arith.constant 16 : index
        %get3A_806 = tpu.vector_load %arg6[%get3A_803, %get3A_804, %get3A_805] {strides = array<i32>} : memref<2x1600x32xf32, #tpu.memory_space<vmem>>, vector<16xf32>,
        %add3A_807 = arith.addf %add3A_771, %get3A_806 : vector<16xf32>
        %add3A_808 = arith.constant 6 : i32
        %add3A_809 = arith.addi %add3A_684, %add3A_808 : i32
        %add3A_810 = arith.constant 1 : i32
        %add3A_811 = arith.addi %add3A_809, %add3A_810 : i32
        %get3A_812 = arith.constant 0 : i32
        %get3A_813 = arith.index_cast %get3A_812 : i32 to index
        %get3A_814 = arith.index_cast %add3A_811 : i32 to index
        %get3A_815 = arith.constant 0 : index
        %get3A_816 = tpu.vector_load %arg6[%get3A_813, %get3A_814, %get3A_815] {strides = array<i32>} : memref<2x1600x32xf32, #tpu.memory_space<vmem>>, vector<16xf32>,
        %add3A_817 = arith.addf %add3A_781, %get3A_816 : vector<16xf32>
        %add3A_818 = arith.constant 6 : i32
        %add3A_819 = arith.addi %add3A_684, %add3A_818 : i32
        %add3A_820 = arith.constant 1 : i32
        %add3A_821 = arith.addi %add3A_819, %add3A_820 : i32
        %get3A_822 = arith.constant 0 : i32
        %get3A_823 = arith.index_cast %get3A_822 : i32 to index
        %get3A_824 = arith.index_cast %add3A_821 : i32 to index
        %get3A_825 = arith.constant 16 : index
        %get3A_826 = tpu.vector_load %arg6[%get3A_823, %get3A_824, %get3A_825] {strides = array<i32>} : memref<2x1600x32xf32, #tpu.memory_space<vmem>>, vector<16xf32>,
        %add3A_827 = arith.addf %add3A_791, %get3A_826 : vector<16xf32>
        scf.yield %add3A_799, %add3A_807, %add3A_817, %add3A_827 : vector<16xf32>, vector<16xf32>, vector<16xf32>, vector<16xf32>
      }
      %scan3A_298 = arith.constant 25 : i32
      %add3A_299 = arith.addf %scan3A_297#0, %scan3A_297#2 : vector<16xf32>
      %swap3A_300 = arith.constant 0 : i32
      %swap3A_301 = arith.constant 1 : i32
      %swap3A_302 = arith.index_cast %swap3A_300 : i32 to index
      %swap3A_303 = arith.index_cast %swap3A_301 : i32 to index
      %swap3A_304 = arith.constant 0 : index
      %swap3A_305 = tpu.vector_load %arg7[%swap3A_302, %swap3A_303, %swap3A_304] {strides = array<i32>} : memref<2x8x32xf32, #tpu.memory_space<vmem>>, vector<16xf32>,
      tpu.vector_store %arg7[%swap3A_302, %swap3A_303, %swap3A_304], %add3A_299 {strides = array<i32>} : memref<2x8x32xf32, #tpu.memory_space<vmem>>, vector<16xf32>,
      %add3A_306 = arith.addf %scan3A_297#1, %scan3A_297#3 : vector<16xf32>
      %swap3A_307 = arith.constant 0 : i32
      %swap3A_308 = arith.constant 1 : i32
      %swap3A_309 = arith.index_cast %swap3A_307 : i32 to index
      %swap3A_310 = arith.index_cast %swap3A_308 : i32 to index
      %swap3A_311 = arith.constant 16 : index
      %swap3A_312 = tpu.vector_load %arg7[%swap3A_309, %swap3A_310, %swap3A_311] {strides = array<i32>} : memref<2x8x32xf32, #tpu.memory_space<vmem>>, vector<16xf32>,
      tpu.vector_store %arg7[%swap3A_309, %swap3A_310, %swap3A_311], %add3A_306 {strides = array<i32>} : memref<2x8x32xf32, #tpu.memory_space<vmem>>, vector<16xf32>,
      %broadcast_in_dim3A_313 = arith.constant 0.000000e+00 : f32
      %broadcast_in_dim3A_314 = vector.broadcast %broadcast_in_dim3A_313 : f32 to vector<16xf32>
      %scan3A_315 = arith.constant 0 : i32
      %scan3A_316 = arith.constant 25 : i32
      %scan3A_317 = arith.addi %scan3A_315, %scan3A_316 : i32
      %scan3A_318 = arith.constant 1 : i32
      %scan3A_319:4 = scf.for %scan3A_676 = %scan3A_315 to %scan3A_317 step %scan3A_318 iter_args(%scan3A_677 = %broadcast_in_dim3A_314, %scan3A_678 = %broadcast_in_dim3A_314, %scan3A_679 = %broadcast_in_dim3A_314, %scan3A_680 = %broadcast_in_dim3A_314) -> (vector<16xf32>, vector<16xf32>, vector<16xf32>, vector<16xf32>)  : i32 {
        %mul3A_681 = arith.constant 8 : i32
        %mul3A_682 = arith.muli %scan3A_676, %mul3A_681 : i32
        %add3A_683 = arith.constant 400 : i32
        %add3A_684 = arith.addi %add3A_683, %mul3A_682 : i32
        %add3A_685 = arith.constant 0 : i32
        %add3A_686 = arith.addi %add3A_684, %add3A_685 : i32
        %get3A = arith.constant 0 : i32
        %get3A_687 = arith.index_cast %get3A : i32 to index
        %get3A_688 = arith.index_cast %add3A_686 : i32 to index
        %get3A_689 = arith.constant 0 : index
        %get3A_690 = tpu.vector_load %arg6[%get3A_687, %get3A_688, %get3A_689] {strides = array<i32>} : memref<2x1600x32xf32, #tpu.memory_space<vmem>>, vector<16xf32>,
        %add3A_691 = arith.addf %scan3A_677, %get3A_690 : vector<16xf32>
        %add3A_692 = arith.constant 0 : i32
        %add3A_693 = arith.addi %add3A_684, %add3A_692 : i32
        %get3A_694 = arith.constant 0 : i32
        %get3A_695 = arith.index_cast %get3A_694 : i32 to index
        %get3A_696 = arith.index_cast %add3A_693 : i32 to index
        %get3A_697 = arith.constant 16 : index
        %get3A_698 = tpu.vector_load %arg6[%get3A_695, %get3A_696, %get3A_697] {strides = array<i32>} : memref<2x1600x32xf32, #tpu.memory_space<vmem>>, vector<16xf32>,
        %add3A_699 = arith.addf %scan3A_678, %get3A_698 : vector<16xf32>
        %add3A_700 = arith.constant 0 : i32
        %add3A_701 = arith.addi %add3A_684, %add3A_700 : i32
        %add3A_702 = arith.constant 1 : i32
        %add3A_703 = arith.addi %add3A_701, %add3A_702 : i32
        %get3A_704 = arith.constant 0 : i32
        %get3A_705 = arith.index_cast %get3A_704 : i32 to index
        %get3A_706 = arith.index_cast %add3A_703 : i32 to index
        %get3A_707 = arith.constant 0 : index
        %get3A_708 = tpu.vector_load %arg6[%get3A_705, %get3A_706, %get3A_707] {strides = array<i32>} : memref<2x1600x32xf32, #tpu.memory_space<vmem>>, vector<16xf32>,
        %add3A_709 = arith.addf %scan3A_679, %get3A_708 : vector<16xf32>
        %add3A_710 = arith.constant 0 : i32
        %add3A_711 = arith.addi %add3A_684, %add3A_710 : i32
        %add3A_712 = arith.constant 1 : i32
        %add3A_713 = arith.addi %add3A_711, %add3A_712 : i32
        %get3A_714 = arith.constant 0 : i32
        %get3A_715 = arith.index_cast %get3A_714 : i32 to index
        %get3A_716 = arith.index_cast %add3A_713 : i32 to index
        %get3A_717 = arith.constant 16 : index
        %get3A_718 = tpu.vector_load %arg6[%get3A_715, %get3A_716, %get3A_717] {strides = array<i32>} : memref<2x1600x32xf32, #tpu.memory_space<vmem>>, vector<16xf32>,
        %add3A_719 = arith.addf %scan3A_680, %get3A_718 : vector<16xf32>
        %add3A_720 = arith.constant 2 : i32
        %add3A_721 = arith.addi %add3A_684, %add3A_720 : i32
        %get3A_722 = arith.constant 0 : i32
        %get3A_723 = arith.index_cast %get3A_722 : i32 to index
        %get3A_724 = arith.index_cast %add3A_721 : i32 to index
        %get3A_725 = arith.constant 0 : index
        %get3A_726 = tpu.vector_load %arg6[%get3A_723, %get3A_724, %get3A_725] {strides = array<i32>} : memref<2x1600x32xf32, #tpu.memory_space<vmem>>, vector<16xf32>,
        %add3A_727 = arith.addf %add3A_691, %get3A_726 : vector<16xf32>
        %add3A_728 = arith.constant 2 : i32
        %add3A_729 = arith.addi %add3A_684, %add3A_728 : i32
        %get3A_730 = arith.constant 0 : i32
        %get3A_731 = arith.index_cast %get3A_730 : i32 to index
        %get3A_732 = arith.index_cast %add3A_729 : i32 to index
        %get3A_733 = arith.constant 16 : index
        %get3A_734 = tpu.vector_load %arg6[%get3A_731, %get3A_732, %get3A_733] {strides = array<i32>} : memref<2x1600x32xf32, #tpu.memory_space<vmem>>, vector<16xf32>,
        %add3A_735 = arith.addf %add3A_699, %get3A_734 : vector<16xf32>
        %add3A_736 = arith.constant 2 : i32
        %add3A_737 = arith.addi %add3A_684, %add3A_736 : i32
        %add3A_738 = arith.constant 1 : i32
        %add3A_739 = arith.addi %add3A_737, %add3A_738 : i32
        %get3A_740 = arith.constant 0 : i32
        %get3A_741 = arith.index_cast %get3A_740 : i32 to index
        %get3A_742 = arith.index_cast %add3A_739 : i32 to index
        %get3A_743 = arith.constant 0 : index
        %get3A_744 = tpu.vector_load %arg6[%get3A_741, %get3A_742, %get3A_743] {strides = array<i32>} : memref<2x1600x32xf32, #tpu.memory_space<vmem>>, vector<16xf32>,
        %add3A_745 = arith.addf %add3A_709, %get3A_744 : vector<16xf32>
        %add3A_746 = arith.constant 2 : i32
        %add3A_747 = arith.addi %add3A_684, %add3A_746 : i32
        %add3A_748 = arith.constant 1 : i32
        %add3A_749 = arith.addi %add3A_747, %add3A_748 : i32
        %get3A_750 = arith.constant 0 : i32
        %get3A_751 = arith.index_cast %get3A_750 : i32 to index
        %get3A_752 = arith.index_cast %add3A_749 : i32 to index
        %get3A_753 = arith.constant 16 : index
        %get3A_754 = tpu.vector_load %arg6[%get3A_751, %get3A_752, %get3A_753] {strides = array<i32>} : memref<2x1600x32xf32, #tpu.memory_space<vmem>>, vector<16xf32>,
        %add3A_755 = arith.addf %add3A_719, %get3A_754 : vector<16xf32>
        %add3A_756 = arith.constant 4 : i32
        %add3A_757 = arith.addi %add3A_684, %add3A_756 : i32
        %get3A_758 = arith.constant 0 : i32
        %get3A_759 = arith.index_cast %get3A_758 : i32 to index
        %get3A_760 = arith.index_cast %add3A_757 : i32 to index
        %get3A_761 = arith.constant 0 : index
        %get3A_762 = tpu.vector_load %arg6[%get3A_759, %get3A_760, %get3A_761] {strides = array<i32>} : memref<2x1600x32xf32, #tpu.memory_space<vmem>>, vector<16xf32>,
        %add3A_763 = arith.addf %add3A_727, %get3A_762 : vector<16xf32>
        %add3A_764 = arith.constant 4 : i32
        %add3A_765 = arith.addi %add3A_684, %add3A_764 : i32
        %get3A_766 = arith.constant 0 : i32
        %get3A_767 = arith.index_cast %get3A_766 : i32 to index
        %get3A_768 = arith.index_cast %add3A_765 : i32 to index
        %get3A_769 = arith.constant 16 : index
        %get3A_770 = tpu.vector_load %arg6[%get3A_767, %get3A_768, %get3A_769] {strides = array<i32>} : memref<2x1600x32xf32, #tpu.memory_space<vmem>>, vector<16xf32>,
        %add3A_771 = arith.addf %add3A_735, %get3A_770 : vector<16xf32>
        %add3A_772 = arith.constant 4 : i32
        %add3A_773 = arith.addi %add3A_684, %add3A_772 : i32
        %add3A_774 = arith.constant 1 : i32
        %add3A_775 = arith.addi %add3A_773, %add3A_774 : i32
        %get3A_776 = arith.constant 0 : i32
        %get3A_777 = arith.index_cast %get3A_776 : i32 to index
        %get3A_778 = arith.index_cast %add3A_775 : i32 to index
        %get3A_779 = arith.constant 0 : index
        %get3A_780 = tpu.vector_load %arg6[%get3A_777, %get3A_778, %get3A_779] {strides = array<i32>} : memref<2x1600x32xf32, #tpu.memory_space<vmem>>, vector<16xf32>,
        %add3A_781 = arith.addf %add3A_745, %get3A_780 : vector<16xf32>
        %add3A_782 = arith.constant 4 : i32
        %add3A_783 = arith.addi %add3A_684, %add3A_782 : i32
        %add3A_784 = arith.constant 1 : i32
        %add3A_785 = arith.addi %add3A_783, %add3A_784 : i32
        %get3A_786 = arith.constant 0 : i32
        %get3A_787 = arith.index_cast %get3A_786 : i32 to index
        %get3A_788 = arith.index_cast %add3A_785 : i32 to index
        %get3A_789 = arith.constant 16 : index
        %get3A_790 = tpu.vector_load %arg6[%get3A_787, %get3A_788, %get3A_789] {strides = array<i32>} : memref<2x1600x32xf32, #tpu.memory_space<vmem>>, vector<16xf32>,
        %add3A_791 = arith.addf %add3A_755, %get3A_790 : vector<16xf32>
        %add3A_792 = arith.constant 6 : i32
        %add3A_793 = arith.addi %add3A_684, %add3A_792 : i32
        %get3A_794 = arith.constant 0 : i32
        %get3A_795 = arith.index_cast %get3A_794 : i32 to index
        %get3A_796 = arith.index_cast %add3A_793 : i32 to index
        %get3A_797 = arith.constant 0 : index
        %get3A_798 = tpu.vector_load %arg6[%get3A_795, %get3A_796, %get3A_797] {strides = array<i32>} : memref<2x1600x32xf32, #tpu.memory_space<vmem>>, vector<16xf32>,
        %add3A_799 = arith.addf %add3A_763, %get3A_798 : vector<16xf32>
        %add3A_800 = arith.constant 6 : i32
        %add3A_801 = arith.addi %add3A_684, %add3A_800 : i32
        %get3A_802 = arith.constant 0 : i32
        %get3A_803 = arith.index_cast %get3A_802 : i32 to index
        %get3A_804 = arith.index_cast %add3A_801 : i32 to index
        %get3A_805 = arith.constant 16 : index
        %get3A_806 = tpu.vector_load %arg6[%get3A_803, %get3A_804, %get3A_805] {strides = array<i32>} : memref<2x1600x32xf32, #tpu.memory_space<vmem>>, vector<16xf32>,
        %add3A_807 = arith.addf %add3A_771, %get3A_806 : vector<16xf32>
        %add3A_808 = arith.constant 6 : i32
        %add3A_809 = arith.addi %add3A_684, %add3A_808 : i32
        %add3A_810 = arith.constant 1 : i32
        %add3A_811 = arith.addi %add3A_809, %add3A_810 : i32
        %get3A_812 = arith.constant 0 : i32
        %get3A_813 = arith.index_cast %get3A_812 : i32 to index
        %get3A_814 = arith.index_cast %add3A_811 : i32 to index
        %get3A_815 = arith.constant 0 : index
        %get3A_816 = tpu.vector_load %arg6[%get3A_813, %get3A_814, %get3A_815] {strides = array<i32>} : memref<2x1600x32xf32, #tpu.memory_space<vmem>>, vector<16xf32>,
        %add3A_817 = arith.addf %add3A_781, %get3A_816 : vector<16xf32>
        %add3A_818 = arith.constant 6 : i32
        %add3A_819 = arith.addi %add3A_684, %add3A_818 : i32
        %add3A_820 = arith.constant 1 : i32
        %add3A_821 = arith.addi %add3A_819, %add3A_820 : i32
        %get3A_822 = arith.constant 0 : i32
        %get3A_823 = arith.index_cast %get3A_822 : i32 to index
        %get3A_824 = arith.index_cast %add3A_821 : i32 to index
        %get3A_825 = arith.constant 16 : index
        %get3A_826 = tpu.vector_load %arg6[%get3A_823, %get3A_824, %get3A_825] {strides = array<i32>} : memref<2x1600x32xf32, #tpu.memory_space<vmem>>, vector<16xf32>,
        %add3A_827 = arith.addf %add3A_791, %get3A_826 : vector<16xf32>
        scf.yield %add3A_799, %add3A_807, %add3A_817, %add3A_827 : vector<16xf32>, vector<16xf32>, vector<16xf32>, vector<16xf32>
      }
      %scan3A_320 = arith.constant 25 : i32
      %add3A_321 = arith.addf %scan3A_319#0, %scan3A_319#2 : vector<16xf32>
      %swap3A_322 = arith.constant 0 : i32
      %swap3A_323 = arith.constant 2 : i32
      %swap3A_324 = arith.index_cast %swap3A_322 : i32 to index
      %swap3A_325 = arith.index_cast %swap3A_323 : i32 to index
      %swap3A_326 = arith.constant 0 : index
      %swap3A_327 = tpu.vector_load %arg7[%swap3A_324, %swap3A_325, %swap3A_326] {strides = array<i32>} : memref<2x8x32xf32, #tpu.memory_space<vmem>>, vector<16xf32>,
      tpu.vector_store %arg7[%swap3A_324, %swap3A_325, %swap3A_326], %add3A_321 {strides = array<i32>} : memref<2x8x32xf32, #tpu.memory_space<vmem>>, vector<16xf32>,
      %add3A_328 = arith.addf %scan3A_319#1, %scan3A_319#3 : vector<16xf32>
      %swap3A_329 = arith.constant 0 : i32
      %swap3A_330 = arith.constant 2 : i32
      %swap3A_331 = arith.index_cast %swap3A_329 : i32 to index
      %swap3A_332 = arith.index_cast %swap3A_330 : i32 to index
      %swap3A_333 = arith.constant 16 : index
      %swap3A_334 = tpu.vector_load %arg7[%swap3A_331, %swap3A_332, %swap3A_333] {strides = array<i32>} : memref<2x8x32xf32, #tpu.memory_space<vmem>>, vector<16xf32>,
      tpu.vector_store %arg7[%swap3A_331, %swap3A_332, %swap3A_333], %add3A_328 {strides = array<i32>} : memref<2x8x32xf32, #tpu.memory_space<vmem>>, vector<16xf32>,
      %broadcast_in_dim3A_335 = arith.constant 0.000000e+00 : f32
      %broadcast_in_dim3A_336 = vector.broadcast %broadcast_in_dim3A_335 : f32 to vector<16xf32>
      %scan3A_337 = arith.constant 0 : i32
      %scan3A_338 = arith.constant 25 : i32
      %scan3A_339 = arith.addi %scan3A_337, %scan3A_338 : i32
      %scan3A_340 = arith.constant 1 : i32
      %scan3A_341:4 = scf.for %scan3A_676 = %scan3A_337 to %scan3A_339 step %scan3A_340 iter_args(%scan3A_677 = %broadcast_in_dim3A_336, %scan3A_678 = %broadcast_in_dim3A_336, %scan3A_679 = %broadcast_in_dim3A_336, %scan3A_680 = %broadcast_in_dim3A_336) -> (vector<16xf32>, vector<16xf32>, vector<16xf32>, vector<16xf32>)  : i32 {
        %mul3A_681 = arith.constant 8 : i32
        %mul3A_682 = arith.muli %scan3A_676, %mul3A_681 : i32
        %add3A_683 = arith.constant 600 : i32
        %add3A_684 = arith.addi %add3A_683, %mul3A_682 : i32
        %add3A_685 = arith.constant 0 : i32
        %add3A_686 = arith.addi %add3A_684, %add3A_685 : i32
        %get3A = arith.constant 0 : i32
        %get3A_687 = arith.index_cast %get3A : i32 to index
        %get3A_688 = arith.index_cast %add3A_686 : i32 to index
        %get3A_689 = arith.constant 0 : index
        %get3A_690 = tpu.vector_load %arg6[%get3A_687, %get3A_688, %get3A_689] {strides = array<i32>} : memref<2x1600x32xf32, #tpu.memory_space<vmem>>, vector<16xf32>,
        %add3A_691 = arith.addf %scan3A_677, %get3A_690 : vector<16xf32>
        %add3A_692 = arith.constant 0 : i32
        %add3A_693 = arith.addi %add3A_684, %add3A_692 : i32
        %get3A_694 = arith.constant 0 : i32
        %get3A_695 = arith.index_cast %get3A_694 : i32 to index
        %get3A_696 = arith.index_cast %add3A_693 : i32 to index
        %get3A_697 = arith.constant 16 : index
        %get3A_698 = tpu.vector_load %arg6[%get3A_695, %get3A_696, %get3A_697] {strides = array<i32>} : memref<2x1600x32xf32, #tpu.memory_space<vmem>>, vector<16xf32>,
        %add3A_699 = arith.addf %scan3A_678, %get3A_698 : vector<16xf32>
        %add3A_700 = arith.constant 0 : i32
        %add3A_701 = arith.addi %add3A_684, %add3A_700 : i32
        %add3A_702 = arith.constant 1 : i32
        %add3A_703 = arith.addi %add3A_701, %add3A_702 : i32
        %get3A_704 = arith.constant 0 : i32
        %get3A_705 = arith.index_cast %get3A_704 : i32 to index
        %get3A_706 = arith.index_cast %add3A_703 : i32 to index
        %get3A_707 = arith.constant 0 : index
        %get3A_708 = tpu.vector_load %arg6[%get3A_705, %get3A_706, %get3A_707] {strides = array<i32>} : memref<2x1600x32xf32, #tpu.memory_space<vmem>>, vector<16xf32>,
        %add3A_709 = arith.addf %scan3A_679, %get3A_708 : vector<16xf32>
        %add3A_710 = arith.constant 0 : i32
        %add3A_711 = arith.addi %add3A_684, %add3A_710 : i32
        %add3A_712 = arith.constant 1 : i32
        %add3A_713 = arith.addi %add3A_711, %add3A_712 : i32
        %get3A_714 = arith.constant 0 : i32
        %get3A_715 = arith.index_cast %get3A_714 : i32 to index
        %get3A_716 = arith.index_cast %add3A_713 : i32 to index
        %get3A_717 = arith.constant 16 : index
        %get3A_718 = tpu.vector_load %arg6[%get3A_715, %get3A_716, %get3A_717] {strides = array<i32>} : memref<2x1600x32xf32, #tpu.memory_space<vmem>>, vector<16xf32>,
        %add3A_719 = arith.addf %scan3A_680, %get3A_718 : vector<16xf32>
        %add3A_720 = arith.constant 2 : i32
        %add3A_721 = arith.addi %add3A_684, %add3A_720 : i32
        %get3A_722 = arith.constant 0 : i32
        %get3A_723 = arith.index_cast %get3A_722 : i32 to index
        %get3A_724 = arith.index_cast %add3A_721 : i32 to index
        %get3A_725 = arith.constant 0 : index
        %get3A_726 = tpu.vector_load %arg6[%get3A_723, %get3A_724, %get3A_725] {strides = array<i32>} : memref<2x1600x32xf32, #tpu.memory_space<vmem>>, vector<16xf32>,
        %add3A_727 = arith.addf %add3A_691, %get3A_726 : vector<16xf32>
        %add3A_728 = arith.constant 2 : i32
        %add3A_729 = arith.addi %add3A_684, %add3A_728 : i32
        %get3A_730 = arith.constant 0 : i32
        %get3A_731 = arith.index_cast %get3A_730 : i32 to index
        %get3A_732 = arith.index_cast %add3A_729 : i32 to index
        %get3A_733 = arith.constant 16 : index
        %get3A_734 = tpu.vector_load %arg6[%get3A_731, %get3A_732, %get3A_733] {strides = array<i32>} : memref<2x1600x32xf32, #tpu.memory_space<vmem>>, vector<16xf32>,
        %add3A_735 = arith.addf %add3A_699, %get3A_734 : vector<16xf32>
        %add3A_736 = arith.constant 2 : i32
        %add3A_737 = arith.addi %add3A_684, %add3A_736 : i32
        %add3A_738 = arith.constant 1 : i32
        %add3A_739 = arith.addi %add3A_737, %add3A_738 : i32
        %get3A_740 = arith.constant 0 : i32
        %get3A_741 = arith.index_cast %get3A_740 : i32 to index
        %get3A_742 = arith.index_cast %add3A_739 : i32 to index
        %get3A_743 = arith.constant 0 : index
        %get3A_744 = tpu.vector_load %arg6[%get3A_741, %get3A_742, %get3A_743] {strides = array<i32>} : memref<2x1600x32xf32, #tpu.memory_space<vmem>>, vector<16xf32>,
        %add3A_745 = arith.addf %add3A_709, %get3A_744 : vector<16xf32>
        %add3A_746 = arith.constant 2 : i32
        %add3A_747 = arith.addi %add3A_684, %add3A_746 : i32
        %add3A_748 = arith.constant 1 : i32
        %add3A_749 = arith.addi %add3A_747, %add3A_748 : i32
        %get3A_750 = arith.constant 0 : i32
        %get3A_751 = arith.index_cast %get3A_750 : i32 to index
        %get3A_752 = arith.index_cast %add3A_749 : i32 to index
        %get3A_753 = arith.constant 16 : index
        %get3A_754 = tpu.vector_load %arg6[%get3A_751, %get3A_752, %get3A_753] {strides = array<i32>} : memref<2x1600x32xf32, #tpu.memory_space<vmem>>, vector<16xf32>,
        %add3A_755 = arith.addf %add3A_719, %get3A_754 : vector<16xf32>
        %add3A_756 = arith.constant 4 : i32
        %add3A_757 = arith.addi %add3A_684, %add3A_756 : i32
        %get3A_758 = arith.constant 0 : i32
        %get3A_759 = arith.index_cast %get3A_758 : i32 to index
        %get3A_760 = arith.index_cast %add3A_757 : i32 to index
        %get3A_761 = arith.constant 0 : index
        %get3A_762 = tpu.vector_load %arg6[%get3A_759, %get3A_760, %get3A_761] {strides = array<i32>} : memref<2x1600x32xf32, #tpu.memory_space<vmem>>, vector<16xf32>,
        %add3A_763 = arith.addf %add3A_727, %get3A_762 : vector<16xf32>
        %add3A_764 = arith.constant 4 : i32
        %add3A_765 = arith.addi %add3A_684, %add3A_764 : i32
        %get3A_766 = arith.constant 0 : i32
        %get3A_767 = arith.index_cast %get3A_766 : i32 to index
        %get3A_768 = arith.index_cast %add3A_765 : i32 to index
        %get3A_769 = arith.constant 16 : index
        %get3A_770 = tpu.vector_load %arg6[%get3A_767, %get3A_768, %get3A_769] {strides = array<i32>} : memref<2x1600x32xf32, #tpu.memory_space<vmem>>, vector<16xf32>,
        %add3A_771 = arith.addf %add3A_735, %get3A_770 : vector<16xf32>
        %add3A_772 = arith.constant 4 : i32
        %add3A_773 = arith.addi %add3A_684, %add3A_772 : i32
        %add3A_774 = arith.constant 1 : i32
        %add3A_775 = arith.addi %add3A_773, %add3A_774 : i32
        %get3A_776 = arith.constant 0 : i32
        %get3A_777 = arith.index_cast %get3A_776 : i32 to index
        %get3A_778 = arith.index_cast %add3A_775 : i32 to index
        %get3A_779 = arith.constant 0 : index
        %get3A_780 = tpu.vector_load %arg6[%get3A_777, %get3A_778, %get3A_779] {strides = array<i32>} : memref<2x1600x32xf32, #tpu.memory_space<vmem>>, vector<16xf32>,
        %add3A_781 = arith.addf %add3A_745, %get3A_780 : vector<16xf32>
        %add3A_782 = arith.constant 4 : i32
        %add3A_783 = arith.addi %add3A_684, %add3A_782 : i32
        %add3A_784 = arith.constant 1 : i32
        %add3A_785 = arith.addi %add3A_783, %add3A_784 : i32
        %get3A_786 = arith.constant 0 : i32
        %get3A_787 = arith.index_cast %get3A_786 : i32 to index
        %get3A_788 = arith.index_cast %add3A_785 : i32 to index
        %get3A_789 = arith.constant 16 : index
        %get3A_790 = tpu.vector_load %arg6[%get3A_787, %get3A_788, %get3A_789] {strides = array<i32>} : memref<2x1600x32xf32, #tpu.memory_space<vmem>>, vector<16xf32>,
        %add3A_791 = arith.addf %add3A_755, %get3A_790 : vector<16xf32>
        %add3A_792 = arith.constant 6 : i32
        %add3A_793 = arith.addi %add3A_684, %add3A_792 : i32
        %get3A_794 = arith.constant 0 : i32
        %get3A_795 = arith.index_cast %get3A_794 : i32 to index
        %get3A_796 = arith.index_cast %add3A_793 : i32 to index
        %get3A_797 = arith.constant 0 : index
        %get3A_798 = tpu.vector_load %arg6[%get3A_795, %get3A_796, %get3A_797] {strides = array<i32>} : memref<2x1600x32xf32, #tpu.memory_space<vmem>>, vector<16xf32>,
        %add3A_799 = arith.addf %add3A_763, %get3A_798 : vector<16xf32>
        %add3A_800 = arith.constant 6 : i32
        %add3A_801 = arith.addi %add3A_684, %add3A_800 : i32
        %get3A_802 = arith.constant 0 : i32
        %get3A_803 = arith.index_cast %get3A_802 : i32 to index
        %get3A_804 = arith.index_cast %add3A_801 : i32 to index
        %get3A_805 = arith.constant 16 : index
        %get3A_806 = tpu.vector_load %arg6[%get3A_803, %get3A_804, %get3A_805] {strides = array<i32>} : memref<2x1600x32xf32, #tpu.memory_space<vmem>>, vector<16xf32>,
        %add3A_807 = arith.addf %add3A_771, %get3A_806 : vector<16xf32>
        %add3A_808 = arith.constant 6 : i32
        %add3A_809 = arith.addi %add3A_684, %add3A_808 : i32
        %add3A_810 = arith.constant 1 : i32
        %add3A_811 = arith.addi %add3A_809, %add3A_810 : i32
        %get3A_812 = arith.constant 0 : i32
        %get3A_813 = arith.index_cast %get3A_812 : i32 to index
        %get3A_814 = arith.index_cast %add3A_811 : i32 to index
        %get3A_815 = arith.constant 0 : index
        %get3A_816 = tpu.vector_load %arg6[%get3A_813, %get3A_814, %get3A_815] {strides = array<i32>} : memref<2x1600x32xf32, #tpu.memory_space<vmem>>, vector<16xf32>,
        %add3A_817 = arith.addf %add3A_781, %get3A_816 : vector<16xf32>
        %add3A_818 = arith.constant 6 : i32
        %add3A_819 = arith.addi %add3A_684, %add3A_818 : i32
        %add3A_820 = arith.constant 1 : i32
        %add3A_821 = arith.addi %add3A_819, %add3A_820 : i32
        %get3A_822 = arith.constant 0 : i32
        %get3A_823 = arith.index_cast %get3A_822 : i32 to index
        %get3A_824 = arith.index_cast %add3A_821 : i32 to index
        %get3A_825 = arith.constant 16 : index
        %get3A_826 = tpu.vector_load %arg6[%get3A_823, %get3A_824, %get3A_825] {strides = array<i32>} : memref<2x1600x32xf32, #tpu.memory_space<vmem>>, vector<16xf32>,
        %add3A_827 = arith.addf %add3A_791, %get3A_826 : vector<16xf32>
        scf.yield %add3A_799, %add3A_807, %add3A_817, %add3A_827 : vector<16xf32>, vector<16xf32>, vector<16xf32>, vector<16xf32>
      }
      %scan3A_342 = arith.constant 25 : i32
      %add3A_343 = arith.addf %scan3A_341#0, %scan3A_341#2 : vector<16xf32>
      %swap3A_344 = arith.constant 0 : i32
      %swap3A_345 = arith.constant 3 : i32
      %swap3A_346 = arith.index_cast %swap3A_344 : i32 to index
      %swap3A_347 = arith.index_cast %swap3A_345 : i32 to index
      %swap3A_348 = arith.constant 0 : index
      %swap3A_349 = tpu.vector_load %arg7[%swap3A_346, %swap3A_347, %swap3A_348] {strides = array<i32>} : memref<2x8x32xf32, #tpu.memory_space<vmem>>, vector<16xf32>,
      tpu.vector_store %arg7[%swap3A_346, %swap3A_347, %swap3A_348], %add3A_343 {strides = array<i32>} : memref<2x8x32xf32, #tpu.memory_space<vmem>>, vector<16xf32>,
      %add3A_350 = arith.addf %scan3A_341#1, %scan3A_341#3 : vector<16xf32>
      %swap3A_351 = arith.constant 0 : i32
      %swap3A_352 = arith.constant 3 : i32
      %swap3A_353 = arith.index_cast %swap3A_351 : i32 to index
      %swap3A_354 = arith.index_cast %swap3A_352 : i32 to index
      %swap3A_355 = arith.constant 16 : index
      %swap3A_356 = tpu.vector_load %arg7[%swap3A_353, %swap3A_354, %swap3A_355] {strides = array<i32>} : memref<2x8x32xf32, #tpu.memory_space<vmem>>, vector<16xf32>,
      tpu.vector_store %arg7[%swap3A_353, %swap3A_354, %swap3A_355], %add3A_350 {strides = array<i32>} : memref<2x8x32xf32, #tpu.memory_space<vmem>>, vector<16xf32>,
      %broadcast_in_dim3A_357 = arith.constant 0.000000e+00 : f32
      %broadcast_in_dim3A_358 = vector.broadcast %broadcast_in_dim3A_357 : f32 to vector<16xf32>
      %scan3A_359 = arith.constant 0 : i32
      %scan3A_360 = arith.constant 25 : i32
      %scan3A_361 = arith.addi %scan3A_359, %scan3A_360 : i32
      %scan3A_362 = arith.constant 1 : i32
      %scan3A_363:4 = scf.for %scan3A_676 = %scan3A_359 to %scan3A_361 step %scan3A_362 iter_args(%scan3A_677 = %broadcast_in_dim3A_358, %scan3A_678 = %broadcast_in_dim3A_358, %scan3A_679 = %broadcast_in_dim3A_358, %scan3A_680 = %broadcast_in_dim3A_358) -> (vector<16xf32>, vector<16xf32>, vector<16xf32>, vector<16xf32>)  : i32 {
        %mul3A_681 = arith.constant 8 : i32
        %mul3A_682 = arith.muli %scan3A_676, %mul3A_681 : i32
        %add3A_683 = arith.constant 800 : i32
        %add3A_684 = arith.addi %add3A_683, %mul3A_682 : i32
        %add3A_685 = arith.constant 0 : i32
        %add3A_686 = arith.addi %add3A_684, %add3A_685 : i32
        %get3A = arith.constant 0 : i32
        %get3A_687 = arith.index_cast %get3A : i32 to index
        %get3A_688 = arith.index_cast %add3A_686 : i32 to index
        %get3A_689 = arith.constant 0 : index
        %get3A_690 = tpu.vector_load %arg6[%get3A_687, %get3A_688, %get3A_689] {strides = array<i32>} : memref<2x1600x32xf32, #tpu.memory_space<vmem>>, vector<16xf32>,
        %add3A_691 = arith.addf %scan3A_677, %get3A_690 : vector<16xf32>
        %add3A_692 = arith.constant 0 : i32
        %add3A_693 = arith.addi %add3A_684, %add3A_692 : i32
        %get3A_694 = arith.constant 0 : i32
        %get3A_695 = arith.index_cast %get3A_694 : i32 to index
        %get3A_696 = arith.index_cast %add3A_693 : i32 to index
        %get3A_697 = arith.constant 16 : index
        %get3A_698 = tpu.vector_load %arg6[%get3A_695, %get3A_696, %get3A_697] {strides = array<i32>} : memref<2x1600x32xf32, #tpu.memory_space<vmem>>, vector<16xf32>,
        %add3A_699 = arith.addf %scan3A_678, %get3A_698 : vector<16xf32>
        %add3A_700 = arith.constant 0 : i32
        %add3A_701 = arith.addi %add3A_684, %add3A_700 : i32
        %add3A_702 = arith.constant 1 : i32
        %add3A_703 = arith.addi %add3A_701, %add3A_702 : i32
        %get3A_704 = arith.constant 0 : i32
        %get3A_705 = arith.index_cast %get3A_704 : i32 to index
        %get3A_706 = arith.index_cast %add3A_703 : i32 to index
        %get3A_707 = arith.constant 0 : index
        %get3A_708 = tpu.vector_load %arg6[%get3A_705, %get3A_706, %get3A_707] {strides = array<i32>} : memref<2x1600x32xf32, #tpu.memory_space<vmem>>, vector<16xf32>,
        %add3A_709 = arith.addf %scan3A_679, %get3A_708 : vector<16xf32>
        %add3A_710 = arith.constant 0 : i32
        %add3A_711 = arith.addi %add3A_684, %add3A_710 : i32
        %add3A_712 = arith.constant 1 : i32
        %add3A_713 = arith.addi %add3A_711, %add3A_712 : i32
        %get3A_714 = arith.constant 0 : i32
        %get3A_715 = arith.index_cast %get3A_714 : i32 to index
        %get3A_716 = arith.index_cast %add3A_713 : i32 to index
        %get3A_717 = arith.constant 16 : index
        %get3A_718 = tpu.vector_load %arg6[%get3A_715, %get3A_716, %get3A_717] {strides = array<i32>} : memref<2x1600x32xf32, #tpu.memory_space<vmem>>, vector<16xf32>,
        %add3A_719 = arith.addf %scan3A_680, %get3A_718 : vector<16xf32>
        %add3A_720 = arith.constant 2 : i32
        %add3A_721 = arith.addi %add3A_684, %add3A_720 : i32
        %get3A_722 = arith.constant 0 : i32
        %get3A_723 = arith.index_cast %get3A_722 : i32 to index
        %get3A_724 = arith.index_cast %add3A_721 : i32 to index
        %get3A_725 = arith.constant 0 : index
        %get3A_726 = tpu.vector_load %arg6[%get3A_723, %get3A_724, %get3A_725] {strides = array<i32>} : memref<2x1600x32xf32, #tpu.memory_space<vmem>>, vector<16xf32>,
        %add3A_727 = arith.addf %add3A_691, %get3A_726 : vector<16xf32>
        %add3A_728 = arith.constant 2 : i32
        %add3A_729 = arith.addi %add3A_684, %add3A_728 : i32
        %get3A_730 = arith.constant 0 : i32
        %get3A_731 = arith.index_cast %get3A_730 : i32 to index
        %get3A_732 = arith.index_cast %add3A_729 : i32 to index
        %get3A_733 = arith.constant 16 : index
        %get3A_734 = tpu.vector_load %arg6[%get3A_731, %get3A_732, %get3A_733] {strides = array<i32>} : memref<2x1600x32xf32, #tpu.memory_space<vmem>>, vector<16xf32>,
        %add3A_735 = arith.addf %add3A_699, %get3A_734 : vector<16xf32>
        %add3A_736 = arith.constant 2 : i32
        %add3A_737 = arith.addi %add3A_684, %add3A_736 : i32
        %add3A_738 = arith.constant 1 : i32
        %add3A_739 = arith.addi %add3A_737, %add3A_738 : i32
        %get3A_740 = arith.constant 0 : i32
        %get3A_741 = arith.index_cast %get3A_740 : i32 to index
        %get3A_742 = arith.index_cast %add3A_739 : i32 to index
        %get3A_743 = arith.constant 0 : index
        %get3A_744 = tpu.vector_load %arg6[%get3A_741, %get3A_742, %get3A_743] {strides = array<i32>} : memref<2x1600x32xf32, #tpu.memory_space<vmem>>, vector<16xf32>,
        %add3A_745 = arith.addf %add3A_709, %get3A_744 : vector<16xf32>
        %add3A_746 = arith.constant 2 : i32
        %add3A_747 = arith.addi %add3A_684, %add3A_746 : i32
        %add3A_748 = arith.constant 1 : i32
        %add3A_749 = arith.addi %add3A_747, %add3A_748 : i32
        %get3A_750 = arith.constant 0 : i32
        %get3A_751 = arith.index_cast %get3A_750 : i32 to index
        %get3A_752 = arith.index_cast %add3A_749 : i32 to index
        %get3A_753 = arith.constant 16 : index
        %get3A_754 = tpu.vector_load %arg6[%get3A_751, %get3A_752, %get3A_753] {strides = array<i32>} : memref<2x1600x32xf32, #tpu.memory_space<vmem>>, vector<16xf32>,
        %add3A_755 = arith.addf %add3A_719, %get3A_754 : vector<16xf32>
        %add3A_756 = arith.constant 4 : i32
        %add3A_757 = arith.addi %add3A_684, %add3A_756 : i32
        %get3A_758 = arith.constant 0 : i32
        %get3A_759 = arith.index_cast %get3A_758 : i32 to index
        %get3A_760 = arith.index_cast %add3A_757 : i32 to index
        %get3A_761 = arith.constant 0 : index
        %get3A_762 = tpu.vector_load %arg6[%get3A_759, %get3A_760, %get3A_761] {strides = array<i32>} : memref<2x1600x32xf32, #tpu.memory_space<vmem>>, vector<16xf32>,
        %add3A_763 = arith.addf %add3A_727, %get3A_762 : vector<16xf32>
        %add3A_764 = arith.constant 4 : i32
        %add3A_765 = arith.addi %add3A_684, %add3A_764 : i32
        %get3A_766 = arith.constant 0 : i32
        %get3A_767 = arith.index_cast %get3A_766 : i32 to index
        %get3A_768 = arith.index_cast %add3A_765 : i32 to index
        %get3A_769 = arith.constant 16 : index
        %get3A_770 = tpu.vector_load %arg6[%get3A_767, %get3A_768, %get3A_769] {strides = array<i32>} : memref<2x1600x32xf32, #tpu.memory_space<vmem>>, vector<16xf32>,
        %add3A_771 = arith.addf %add3A_735, %get3A_770 : vector<16xf32>
        %add3A_772 = arith.constant 4 : i32
        %add3A_773 = arith.addi %add3A_684, %add3A_772 : i32
        %add3A_774 = arith.constant 1 : i32
        %add3A_775 = arith.addi %add3A_773, %add3A_774 : i32
        %get3A_776 = arith.constant 0 : i32
        %get3A_777 = arith.index_cast %get3A_776 : i32 to index
        %get3A_778 = arith.index_cast %add3A_775 : i32 to index
        %get3A_779 = arith.constant 0 : index
        %get3A_780 = tpu.vector_load %arg6[%get3A_777, %get3A_778, %get3A_779] {strides = array<i32>} : memref<2x1600x32xf32, #tpu.memory_space<vmem>>, vector<16xf32>,
        %add3A_781 = arith.addf %add3A_745, %get3A_780 : vector<16xf32>
        %add3A_782 = arith.constant 4 : i32
        %add3A_783 = arith.addi %add3A_684, %add3A_782 : i32
        %add3A_784 = arith.constant 1 : i32
        %add3A_785 = arith.addi %add3A_783, %add3A_784 : i32
        %get3A_786 = arith.constant 0 : i32
        %get3A_787 = arith.index_cast %get3A_786 : i32 to index
        %get3A_788 = arith.index_cast %add3A_785 : i32 to index
        %get3A_789 = arith.constant 16 : index
        %get3A_790 = tpu.vector_load %arg6[%get3A_787, %get3A_788, %get3A_789] {strides = array<i32>} : memref<2x1600x32xf32, #tpu.memory_space<vmem>>, vector<16xf32>,
        %add3A_791 = arith.addf %add3A_755, %get3A_790 : vector<16xf32>
        %add3A_792 = arith.constant 6 : i32
        %add3A_793 = arith.addi %add3A_684, %add3A_792 : i32
        %get3A_794 = arith.constant 0 : i32
        %get3A_795 = arith.index_cast %get3A_794 : i32 to index
        %get3A_796 = arith.index_cast %add3A_793 : i32 to index
        %get3A_797 = arith.constant 0 : index
        %get3A_798 = tpu.vector_load %arg6[%get3A_795, %get3A_796, %get3A_797] {strides = array<i32>} : memref<2x1600x32xf32, #tpu.memory_space<vmem>>, vector<16xf32>,
        %add3A_799 = arith.addf %add3A_763, %get3A_798 : vector<16xf32>
        %add3A_800 = arith.constant 6 : i32
        %add3A_801 = arith.addi %add3A_684, %add3A_800 : i32
        %get3A_802 = arith.constant 0 : i32
        %get3A_803 = arith.index_cast %get3A_802 : i32 to index
        %get3A_804 = arith.index_cast %add3A_801 : i32 to index
        %get3A_805 = arith.constant 16 : index
        %get3A_806 = tpu.vector_load %arg6[%get3A_803, %get3A_804, %get3A_805] {strides = array<i32>} : memref<2x1600x32xf32, #tpu.memory_space<vmem>>, vector<16xf32>,
        %add3A_807 = arith.addf %add3A_771, %get3A_806 : vector<16xf32>
        %add3A_808 = arith.constant 6 : i32
        %add3A_809 = arith.addi %add3A_684, %add3A_808 : i32
        %add3A_810 = arith.constant 1 : i32
        %add3A_811 = arith.addi %add3A_809, %add3A_810 : i32
        %get3A_812 = arith.constant 0 : i32
        %get3A_813 = arith.index_cast %get3A_812 : i32 to index
        %get3A_814 = arith.index_cast %add3A_811 : i32 to index
        %get3A_815 = arith.constant 0 : index
        %get3A_816 = tpu.vector_load %arg6[%get3A_813, %get3A_814, %get3A_815] {strides = array<i32>} : memref<2x1600x32xf32, #tpu.memory_space<vmem>>, vector<16xf32>,
        %add3A_817 = arith.addf %add3A_781, %get3A_816 : vector<16xf32>
        %add3A_818 = arith.constant 6 : i32
        %add3A_819 = arith.addi %add3A_684, %add3A_818 : i32
        %add3A_820 = arith.constant 1 : i32
        %add3A_821 = arith.addi %add3A_819, %add3A_820 : i32
        %get3A_822 = arith.constant 0 : i32
        %get3A_823 = arith.index_cast %get3A_822 : i32 to index
        %get3A_824 = arith.index_cast %add3A_821 : i32 to index
        %get3A_825 = arith.constant 16 : index
        %get3A_826 = tpu.vector_load %arg6[%get3A_823, %get3A_824, %get3A_825] {strides = array<i32>} : memref<2x1600x32xf32, #tpu.memory_space<vmem>>, vector<16xf32>,
        %add3A_827 = arith.addf %add3A_791, %get3A_826 : vector<16xf32>
        scf.yield %add3A_799, %add3A_807, %add3A_817, %add3A_827 : vector<16xf32>, vector<16xf32>, vector<16xf32>, vector<16xf32>
      }
      %scan3A_364 = arith.constant 25 : i32
      %add3A_365 = arith.addf %scan3A_363#0, %scan3A_363#2 : vector<16xf32>
      %swap3A_366 = arith.constant 0 : i32
      %swap3A_367 = arith.constant 4 : i32
      %swap3A_368 = arith.index_cast %swap3A_366 : i32 to index
      %swap3A_369 = arith.index_cast %swap3A_367 : i32 to index
      %swap3A_370 = arith.constant 0 : index
      %swap3A_371 = tpu.vector_load %arg7[%swap3A_368, %swap3A_369, %swap3A_370] {strides = array<i32>} : memref<2x8x32xf32, #tpu.memory_space<vmem>>, vector<16xf32>,
      tpu.vector_store %arg7[%swap3A_368, %swap3A_369, %swap3A_370], %add3A_365 {strides = array<i32>} : memref<2x8x32xf32, #tpu.memory_space<vmem>>, vector<16xf32>,
      %add3A_372 = arith.addf %scan3A_363#1, %scan3A_363#3 : vector<16xf32>
      %swap3A_373 = arith.constant 0 : i32
      %swap3A_374 = arith.constant 4 : i32
      %swap3A_375 = arith.index_cast %swap3A_373 : i32 to index
      %swap3A_376 = arith.index_cast %swap3A_374 : i32 to index
      %swap3A_377 = arith.constant 16 : index
      %swap3A_378 = tpu.vector_load %arg7[%swap3A_375, %swap3A_376, %swap3A_377] {strides = array<i32>} : memref<2x8x32xf32, #tpu.memory_space<vmem>>, vector<16xf32>,
      tpu.vector_store %arg7[%swap3A_375, %swap3A_376, %swap3A_377], %add3A_372 {strides = array<i32>} : memref<2x8x32xf32, #tpu.memory_space<vmem>>, vector<16xf32>,
      %broadcast_in_dim3A_379 = arith.constant 0.000000e+00 : f32
      %broadcast_in_dim3A_380 = vector.broadcast %broadcast_in_dim3A_379 : f32 to vector<16xf32>
      %scan3A_381 = arith.constant 0 : i32
      %scan3A_382 = arith.constant 25 : i32
      %scan3A_383 = arith.addi %scan3A_381, %scan3A_382 : i32
      %scan3A_384 = arith.constant 1 : i32
      %scan3A_385:4 = scf.for %scan3A_676 = %scan3A_381 to %scan3A_383 step %scan3A_384 iter_args(%scan3A_677 = %broadcast_in_dim3A_380, %scan3A_678 = %broadcast_in_dim3A_380, %scan3A_679 = %broadcast_in_dim3A_380, %scan3A_680 = %broadcast_in_dim3A_380) -> (vector<16xf32>, vector<16xf32>, vector<16xf32>, vector<16xf32>)  : i32 {
        %mul3A_681 = arith.constant 8 : i32
        %mul3A_682 = arith.muli %scan3A_676, %mul3A_681 : i32
        %add3A_683 = arith.constant 1000 : i32
        %add3A_684 = arith.addi %add3A_683, %mul3A_682 : i32
        %add3A_685 = arith.constant 0 : i32
        %add3A_686 = arith.addi %add3A_684, %add3A_685 : i32
        %get3A = arith.constant 0 : i32
        %get3A_687 = arith.index_cast %get3A : i32 to index
        %get3A_688 = arith.index_cast %add3A_686 : i32 to index
        %get3A_689 = arith.constant 0 : index
        %get3A_690 = tpu.vector_load %arg6[%get3A_687, %get3A_688, %get3A_689] {strides = array<i32>} : memref<2x1600x32xf32, #tpu.memory_space<vmem>>, vector<16xf32>,
        %add3A_691 = arith.addf %scan3A_677, %get3A_690 : vector<16xf32>
        %add3A_692 = arith.constant 0 : i32
        %add3A_693 = arith.addi %add3A_684, %add3A_692 : i32
        %get3A_694 = arith.constant 0 : i32
        %get3A_695 = arith.index_cast %get3A_694 : i32 to index
        %get3A_696 = arith.index_cast %add3A_693 : i32 to index
        %get3A_697 = arith.constant 16 : index
        %get3A_698 = tpu.vector_load %arg6[%get3A_695, %get3A_696, %get3A_697] {strides = array<i32>} : memref<2x1600x32xf32, #tpu.memory_space<vmem>>, vector<16xf32>,
        %add3A_699 = arith.addf %scan3A_678, %get3A_698 : vector<16xf32>
        %add3A_700 = arith.constant 0 : i32
        %add3A_701 = arith.addi %add3A_684, %add3A_700 : i32
        %add3A_702 = arith.constant 1 : i32
        %add3A_703 = arith.addi %add3A_701, %add3A_702 : i32
        %get3A_704 = arith.constant 0 : i32
        %get3A_705 = arith.index_cast %get3A_704 : i32 to index
        %get3A_706 = arith.index_cast %add3A_703 : i32 to index
        %get3A_707 = arith.constant 0 : index
        %get3A_708 = tpu.vector_load %arg6[%get3A_705, %get3A_706, %get3A_707] {strides = array<i32>} : memref<2x1600x32xf32, #tpu.memory_space<vmem>>, vector<16xf32>,
        %add3A_709 = arith.addf %scan3A_679, %get3A_708 : vector<16xf32>
        %add3A_710 = arith.constant 0 : i32
        %add3A_711 = arith.addi %add3A_684, %add3A_710 : i32
        %add3A_712 = arith.constant 1 : i32
        %add3A_713 = arith.addi %add3A_711, %add3A_712 : i32
        %get3A_714 = arith.constant 0 : i32
        %get3A_715 = arith.index_cast %get3A_714 : i32 to index
        %get3A_716 = arith.index_cast %add3A_713 : i32 to index
        %get3A_717 = arith.constant 16 : index
        %get3A_718 = tpu.vector_load %arg6[%get3A_715, %get3A_716, %get3A_717] {strides = array<i32>} : memref<2x1600x32xf32, #tpu.memory_space<vmem>>, vector<16xf32>,
        %add3A_719 = arith.addf %scan3A_680, %get3A_718 : vector<16xf32>
        %add3A_720 = arith.constant 2 : i32
        %add3A_721 = arith.addi %add3A_684, %add3A_720 : i32
        %get3A_722 = arith.constant 0 : i32
        %get3A_723 = arith.index_cast %get3A_722 : i32 to index
        %get3A_724 = arith.index_cast %add3A_721 : i32 to index
        %get3A_725 = arith.constant 0 : index
        %get3A_726 = tpu.vector_load %arg6[%get3A_723, %get3A_724, %get3A_725] {strides = array<i32>} : memref<2x1600x32xf32, #tpu.memory_space<vmem>>, vector<16xf32>,
        %add3A_727 = arith.addf %add3A_691, %get3A_726 : vector<16xf32>
        %add3A_728 = arith.constant 2 : i32
        %add3A_729 = arith.addi %add3A_684, %add3A_728 : i32
        %get3A_730 = arith.constant 0 : i32
        %get3A_731 = arith.index_cast %get3A_730 : i32 to index
        %get3A_732 = arith.index_cast %add3A_729 : i32 to index
        %get3A_733 = arith.constant 16 : index
        %get3A_734 = tpu.vector_load %arg6[%get3A_731, %get3A_732, %get3A_733] {strides = array<i32>} : memref<2x1600x32xf32, #tpu.memory_space<vmem>>, vector<16xf32>,
        %add3A_735 = arith.addf %add3A_699, %get3A_734 : vector<16xf32>
        %add3A_736 = arith.constant 2 : i32
        %add3A_737 = arith.addi %add3A_684, %add3A_736 : i32
        %add3A_738 = arith.constant 1 : i32
        %add3A_739 = arith.addi %add3A_737, %add3A_738 : i32
        %get3A_740 = arith.constant 0 : i32
        %get3A_741 = arith.index_cast %get3A_740 : i32 to index
        %get3A_742 = arith.index_cast %add3A_739 : i32 to index
        %get3A_743 = arith.constant 0 : index
        %get3A_744 = tpu.vector_load %arg6[%get3A_741, %get3A_742, %get3A_743] {strides = array<i32>} : memref<2x1600x32xf32, #tpu.memory_space<vmem>>, vector<16xf32>,
        %add3A_745 = arith.addf %add3A_709, %get3A_744 : vector<16xf32>
        %add3A_746 = arith.constant 2 : i32
        %add3A_747 = arith.addi %add3A_684, %add3A_746 : i32
        %add3A_748 = arith.constant 1 : i32
        %add3A_749 = arith.addi %add3A_747, %add3A_748 : i32
        %get3A_750 = arith.constant 0 : i32
        %get3A_751 = arith.index_cast %get3A_750 : i32 to index
        %get3A_752 = arith.index_cast %add3A_749 : i32 to index
        %get3A_753 = arith.constant 16 : index
        %get3A_754 = tpu.vector_load %arg6[%get3A_751, %get3A_752, %get3A_753] {strides = array<i32>} : memref<2x1600x32xf32, #tpu.memory_space<vmem>>, vector<16xf32>,
        %add3A_755 = arith.addf %add3A_719, %get3A_754 : vector<16xf32>
        %add3A_756 = arith.constant 4 : i32
        %add3A_757 = arith.addi %add3A_684, %add3A_756 : i32
        %get3A_758 = arith.constant 0 : i32
        %get3A_759 = arith.index_cast %get3A_758 : i32 to index
        %get3A_760 = arith.index_cast %add3A_757 : i32 to index
        %get3A_761 = arith.constant 0 : index
        %get3A_762 = tpu.vector_load %arg6[%get3A_759, %get3A_760, %get3A_761] {strides = array<i32>} : memref<2x1600x32xf32, #tpu.memory_space<vmem>>, vector<16xf32>,
        %add3A_763 = arith.addf %add3A_727, %get3A_762 : vector<16xf32>
        %add3A_764 = arith.constant 4 : i32
        %add3A_765 = arith.addi %add3A_684, %add3A_764 : i32
        %get3A_766 = arith.constant 0 : i32
        %get3A_767 = arith.index_cast %get3A_766 : i32 to index
        %get3A_768 = arith.index_cast %add3A_765 : i32 to index
        %get3A_769 = arith.constant 16 : index
        %get3A_770 = tpu.vector_load %arg6[%get3A_767, %get3A_768, %get3A_769] {strides = array<i32>} : memref<2x1600x32xf32, #tpu.memory_space<vmem>>, vector<16xf32>,
        %add3A_771 = arith.addf %add3A_735, %get3A_770 : vector<16xf32>
        %add3A_772 = arith.constant 4 : i32
        %add3A_773 = arith.addi %add3A_684, %add3A_772 : i32
        %add3A_774 = arith.constant 1 : i32
        %add3A_775 = arith.addi %add3A_773, %add3A_774 : i32
        %get3A_776 = arith.constant 0 : i32
        %get3A_777 = arith.index_cast %get3A_776 : i32 to index
        %get3A_778 = arith.index_cast %add3A_775 : i32 to index
        %get3A_779 = arith.constant 0 : index
        %get3A_780 = tpu.vector_load %arg6[%get3A_777, %get3A_778, %get3A_779] {strides = array<i32>} : memref<2x1600x32xf32, #tpu.memory_space<vmem>>, vector<16xf32>,
        %add3A_781 = arith.addf %add3A_745, %get3A_780 : vector<16xf32>
        %add3A_782 = arith.constant 4 : i32
        %add3A_783 = arith.addi %add3A_684, %add3A_782 : i32
        %add3A_784 = arith.constant 1 : i32
        %add3A_785 = arith.addi %add3A_783, %add3A_784 : i32
        %get3A_786 = arith.constant 0 : i32
        %get3A_787 = arith.index_cast %get3A_786 : i32 to index
        %get3A_788 = arith.index_cast %add3A_785 : i32 to index
        %get3A_789 = arith.constant 16 : index
        %get3A_790 = tpu.vector_load %arg6[%get3A_787, %get3A_788, %get3A_789] {strides = array<i32>} : memref<2x1600x32xf32, #tpu.memory_space<vmem>>, vector<16xf32>,
        %add3A_791 = arith.addf %add3A_755, %get3A_790 : vector<16xf32>
        %add3A_792 = arith.constant 6 : i32
        %add3A_793 = arith.addi %add3A_684, %add3A_792 : i32
        %get3A_794 = arith.constant 0 : i32
        %get3A_795 = arith.index_cast %get3A_794 : i32 to index
        %get3A_796 = arith.index_cast %add3A_793 : i32 to index
        %get3A_797 = arith.constant 0 : index
        %get3A_798 = tpu.vector_load %arg6[%get3A_795, %get3A_796, %get3A_797] {strides = array<i32>} : memref<2x1600x32xf32, #tpu.memory_space<vmem>>, vector<16xf32>,
        %add3A_799 = arith.addf %add3A_763, %get3A_798 : vector<16xf32>
        %add3A_800 = arith.constant 6 : i32
        %add3A_801 = arith.addi %add3A_684, %add3A_800 : i32
        %get3A_802 = arith.constant 0 : i32
        %get3A_803 = arith.index_cast %get3A_802 : i32 to index
        %get3A_804 = arith.index_cast %add3A_801 : i32 to index
        %get3A_805 = arith.constant 16 : index
        %get3A_806 = tpu.vector_load %arg6[%get3A_803, %get3A_804, %get3A_805] {strides = array<i32>} : memref<2x1600x32xf32, #tpu.memory_space<vmem>>, vector<16xf32>,
        %add3A_807 = arith.addf %add3A_771, %get3A_806 : vector<16xf32>
        %add3A_808 = arith.constant 6 : i32
        %add3A_809 = arith.addi %add3A_684, %add3A_808 : i32
        %add3A_810 = arith.constant 1 : i32
        %add3A_811 = arith.addi %add3A_809, %add3A_810 : i32
        %get3A_812 = arith.constant 0 : i32
        %get3A_813 = arith.index_cast %get3A_812 : i32 to index
        %get3A_814 = arith.index_cast %add3A_811 : i32 to index
        %get3A_815 = arith.constant 0 : index
        %get3A_816 = tpu.vector_load %arg6[%get3A_813, %get3A_814, %get3A_815] {strides = array<i32>} : memref<2x1600x32xf32, #tpu.memory_space<vmem>>, vector<16xf32>,
        %add3A_817 = arith.addf %add3A_781, %get3A_816 : vector<16xf32>
        %add3A_818 = arith.constant 6 : i32
        %add3A_819 = arith.addi %add3A_684, %add3A_818 : i32
        %add3A_820 = arith.constant 1 : i32
        %add3A_821 = arith.addi %add3A_819, %add3A_820 : i32
        %get3A_822 = arith.constant 0 : i32
        %get3A_823 = arith.index_cast %get3A_822 : i32 to index
        %get3A_824 = arith.index_cast %add3A_821 : i32 to index
        %get3A_825 = arith.constant 16 : index
        %get3A_826 = tpu.vector_load %arg6[%get3A_823, %get3A_824, %get3A_825] {strides = array<i32>} : memref<2x1600x32xf32, #tpu.memory_space<vmem>>, vector<16xf32>,
        %add3A_827 = arith.addf %add3A_791, %get3A_826 : vector<16xf32>
        scf.yield %add3A_799, %add3A_807, %add3A_817, %add3A_827 : vector<16xf32>, vector<16xf32>, vector<16xf32>, vector<16xf32>
      }
      %scan3A_386 = arith.constant 25 : i32
      %add3A_387 = arith.addf %scan3A_385#0, %scan3A_385#2 : vector<16xf32>
      %swap3A_388 = arith.constant 0 : i32
      %swap3A_389 = arith.constant 5 : i32
      %swap3A_390 = arith.index_cast %swap3A_388 : i32 to index
      %swap3A_391 = arith.index_cast %swap3A_389 : i32 to index
      %swap3A_392 = arith.constant 0 : index
      %swap3A_393 = tpu.vector_load %arg7[%swap3A_390, %swap3A_391, %swap3A_392] {strides = array<i32>} : memref<2x8x32xf32, #tpu.memory_space<vmem>>, vector<16xf32>,
      tpu.vector_store %arg7[%swap3A_390, %swap3A_391, %swap3A_392], %add3A_387 {strides = array<i32>} : memref<2x8x32xf32, #tpu.memory_space<vmem>>, vector<16xf32>,
      %add3A_394 = arith.addf %scan3A_385#1, %scan3A_385#3 : vector<16xf32>
      %swap3A_395 = arith.constant 0 : i32
      %swap3A_396 = arith.constant 5 : i32
      %swap3A_397 = arith.index_cast %swap3A_395 : i32 to index
      %swap3A_398 = arith.index_cast %swap3A_396 : i32 to index
      %swap3A_399 = arith.constant 16 : index
      %swap3A_400 = tpu.vector_load %arg7[%swap3A_397, %swap3A_398, %swap3A_399] {strides = array<i32>} : memref<2x8x32xf32, #tpu.memory_space<vmem>>, vector<16xf32>,
      tpu.vector_store %arg7[%swap3A_397, %swap3A_398, %swap3A_399], %add3A_394 {strides = array<i32>} : memref<2x8x32xf32, #tpu.memory_space<vmem>>, vector<16xf32>,
      %broadcast_in_dim3A_401 = arith.constant 0.000000e+00 : f32
      %broadcast_in_dim3A_402 = vector.broadcast %broadcast_in_dim3A_401 : f32 to vector<16xf32>
      %scan3A_403 = arith.constant 0 : i32
      %scan3A_404 = arith.constant 25 : i32
      %scan3A_405 = arith.addi %scan3A_403, %scan3A_404 : i32
      %scan3A_406 = arith.constant 1 : i32
      %scan3A_407:4 = scf.for %scan3A_676 = %scan3A_403 to %scan3A_405 step %scan3A_406 iter_args(%scan3A_677 = %broadcast_in_dim3A_402, %scan3A_678 = %broadcast_in_dim3A_402, %scan3A_679 = %broadcast_in_dim3A_402, %scan3A_680 = %broadcast_in_dim3A_402) -> (vector<16xf32>, vector<16xf32>, vector<16xf32>, vector<16xf32>)  : i32 {
        %mul3A_681 = arith.constant 8 : i32
        %mul3A_682 = arith.muli %scan3A_676, %mul3A_681 : i32
        %add3A_683 = arith.constant 1200 : i32
        %add3A_684 = arith.addi %add3A_683, %mul3A_682 : i32
        %add3A_685 = arith.constant 0 : i32
        %add3A_686 = arith.addi %add3A_684, %add3A_685 : i32
        %get3A = arith.constant 0 : i32
        %get3A_687 = arith.index_cast %get3A : i32 to index
        %get3A_688 = arith.index_cast %add3A_686 : i32 to index
        %get3A_689 = arith.constant 0 : index
        %get3A_690 = tpu.vector_load %arg6[%get3A_687, %get3A_688, %get3A_689] {strides = array<i32>} : memref<2x1600x32xf32, #tpu.memory_space<vmem>>, vector<16xf32>,
        %add3A_691 = arith.addf %scan3A_677, %get3A_690 : vector<16xf32>
        %add3A_692 = arith.constant 0 : i32
        %add3A_693 = arith.addi %add3A_684, %add3A_692 : i32
        %get3A_694 = arith.constant 0 : i32
        %get3A_695 = arith.index_cast %get3A_694 : i32 to index
        %get3A_696 = arith.index_cast %add3A_693 : i32 to index
        %get3A_697 = arith.constant 16 : index
        %get3A_698 = tpu.vector_load %arg6[%get3A_695, %get3A_696, %get3A_697] {strides = array<i32>} : memref<2x1600x32xf32, #tpu.memory_space<vmem>>, vector<16xf32>,
        %add3A_699 = arith.addf %scan3A_678, %get3A_698 : vector<16xf32>
        %add3A_700 = arith.constant 0 : i32
        %add3A_701 = arith.addi %add3A_684, %add3A_700 : i32
        %add3A_702 = arith.constant 1 : i32
        %add3A_703 = arith.addi %add3A_701, %add3A_702 : i32
        %get3A_704 = arith.constant 0 : i32
        %get3A_705 = arith.index_cast %get3A_704 : i32 to index
        %get3A_706 = arith.index_cast %add3A_703 : i32 to index
        %get3A_707 = arith.constant 0 : index
        %get3A_708 = tpu.vector_load %arg6[%get3A_705, %get3A_706, %get3A_707] {strides = array<i32>} : memref<2x1600x32xf32, #tpu.memory_space<vmem>>, vector<16xf32>,
        %add3A_709 = arith.addf %scan3A_679, %get3A_708 : vector<16xf32>
        %add3A_710 = arith.constant 0 : i32
        %add3A_711 = arith.addi %add3A_684, %add3A_710 : i32
        %add3A_712 = arith.constant 1 : i32
        %add3A_713 = arith.addi %add3A_711, %add3A_712 : i32
        %get3A_714 = arith.constant 0 : i32
        %get3A_715 = arith.index_cast %get3A_714 : i32 to index
        %get3A_716 = arith.index_cast %add3A_713 : i32 to index
        %get3A_717 = arith.constant 16 : index
        %get3A_718 = tpu.vector_load %arg6[%get3A_715, %get3A_716, %get3A_717] {strides = array<i32>} : memref<2x1600x32xf32, #tpu.memory_space<vmem>>, vector<16xf32>,
        %add3A_719 = arith.addf %scan3A_680, %get3A_718 : vector<16xf32>
        %add3A_720 = arith.constant 2 : i32
        %add3A_721 = arith.addi %add3A_684, %add3A_720 : i32
        %get3A_722 = arith.constant 0 : i32
        %get3A_723 = arith.index_cast %get3A_722 : i32 to index
        %get3A_724 = arith.index_cast %add3A_721 : i32 to index
        %get3A_725 = arith.constant 0 : index
        %get3A_726 = tpu.vector_load %arg6[%get3A_723, %get3A_724, %get3A_725] {strides = array<i32>} : memref<2x1600x32xf32, #tpu.memory_space<vmem>>, vector<16xf32>,
        %add3A_727 = arith.addf %add3A_691, %get3A_726 : vector<16xf32>
        %add3A_728 = arith.constant 2 : i32
        %add3A_729 = arith.addi %add3A_684, %add3A_728 : i32
        %get3A_730 = arith.constant 0 : i32
        %get3A_731 = arith.index_cast %get3A_730 : i32 to index
        %get3A_732 = arith.index_cast %add3A_729 : i32 to index
        %get3A_733 = arith.constant 16 : index
        %get3A_734 = tpu.vector_load %arg6[%get3A_731, %get3A_732, %get3A_733] {strides = array<i32>} : memref<2x1600x32xf32, #tpu.memory_space<vmem>>, vector<16xf32>,
        %add3A_735 = arith.addf %add3A_699, %get3A_734 : vector<16xf32>
        %add3A_736 = arith.constant 2 : i32
        %add3A_737 = arith.addi %add3A_684, %add3A_736 : i32
        %add3A_738 = arith.constant 1 : i32
        %add3A_739 = arith.addi %add3A_737, %add3A_738 : i32
        %get3A_740 = arith.constant 0 : i32
        %get3A_741 = arith.index_cast %get3A_740 : i32 to index
        %get3A_742 = arith.index_cast %add3A_739 : i32 to index
        %get3A_743 = arith.constant 0 : index
        %get3A_744 = tpu.vector_load %arg6[%get3A_741, %get3A_742, %get3A_743] {strides = array<i32>} : memref<2x1600x32xf32, #tpu.memory_space<vmem>>, vector<16xf32>,
        %add3A_745 = arith.addf %add3A_709, %get3A_744 : vector<16xf32>
        %add3A_746 = arith.constant 2 : i32
        %add3A_747 = arith.addi %add3A_684, %add3A_746 : i32
        %add3A_748 = arith.constant 1 : i32
        %add3A_749 = arith.addi %add3A_747, %add3A_748 : i32
        %get3A_750 = arith.constant 0 : i32
        %get3A_751 = arith.index_cast %get3A_750 : i32 to index
        %get3A_752 = arith.index_cast %add3A_749 : i32 to index
        %get3A_753 = arith.constant 16 : index
        %get3A_754 = tpu.vector_load %arg6[%get3A_751, %get3A_752, %get3A_753] {strides = array<i32>} : memref<2x1600x32xf32, #tpu.memory_space<vmem>>, vector<16xf32>,
        %add3A_755 = arith.addf %add3A_719, %get3A_754 : vector<16xf32>
        %add3A_756 = arith.constant 4 : i32
        %add3A_757 = arith.addi %add3A_684, %add3A_756 : i32
        %get3A_758 = arith.constant 0 : i32
        %get3A_759 = arith.index_cast %get3A_758 : i32 to index
        %get3A_760 = arith.index_cast %add3A_757 : i32 to index
        %get3A_761 = arith.constant 0 : index
        %get3A_762 = tpu.vector_load %arg6[%get3A_759, %get3A_760, %get3A_761] {strides = array<i32>} : memref<2x1600x32xf32, #tpu.memory_space<vmem>>, vector<16xf32>,
        %add3A_763 = arith.addf %add3A_727, %get3A_762 : vector<16xf32>
        %add3A_764 = arith.constant 4 : i32
        %add3A_765 = arith.addi %add3A_684, %add3A_764 : i32
        %get3A_766 = arith.constant 0 : i32
        %get3A_767 = arith.index_cast %get3A_766 : i32 to index
        %get3A_768 = arith.index_cast %add3A_765 : i32 to index
        %get3A_769 = arith.constant 16 : index
        %get3A_770 = tpu.vector_load %arg6[%get3A_767, %get3A_768, %get3A_769] {strides = array<i32>} : memref<2x1600x32xf32, #tpu.memory_space<vmem>>, vector<16xf32>,
        %add3A_771 = arith.addf %add3A_735, %get3A_770 : vector<16xf32>
        %add3A_772 = arith.constant 4 : i32
        %add3A_773 = arith.addi %add3A_684, %add3A_772 : i32
        %add3A_774 = arith.constant 1 : i32
        %add3A_775 = arith.addi %add3A_773, %add3A_774 : i32
        %get3A_776 = arith.constant 0 : i32
        %get3A_777 = arith.index_cast %get3A_776 : i32 to index
        %get3A_778 = arith.index_cast %add3A_775 : i32 to index
        %get3A_779 = arith.constant 0 : index
        %get3A_780 = tpu.vector_load %arg6[%get3A_777, %get3A_778, %get3A_779] {strides = array<i32>} : memref<2x1600x32xf32, #tpu.memory_space<vmem>>, vector<16xf32>,
        %add3A_781 = arith.addf %add3A_745, %get3A_780 : vector<16xf32>
        %add3A_782 = arith.constant 4 : i32
        %add3A_783 = arith.addi %add3A_684, %add3A_782 : i32
        %add3A_784 = arith.constant 1 : i32
        %add3A_785 = arith.addi %add3A_783, %add3A_784 : i32
        %get3A_786 = arith.constant 0 : i32
        %get3A_787 = arith.index_cast %get3A_786 : i32 to index
        %get3A_788 = arith.index_cast %add3A_785 : i32 to index
        %get3A_789 = arith.constant 16 : index
        %get3A_790 = tpu.vector_load %arg6[%get3A_787, %get3A_788, %get3A_789] {strides = array<i32>} : memref<2x1600x32xf32, #tpu.memory_space<vmem>>, vector<16xf32>,
        %add3A_791 = arith.addf %add3A_755, %get3A_790 : vector<16xf32>
        %add3A_792 = arith.constant 6 : i32
        %add3A_793 = arith.addi %add3A_684, %add3A_792 : i32
        %get3A_794 = arith.constant 0 : i32
        %get3A_795 = arith.index_cast %get3A_794 : i32 to index
        %get3A_796 = arith.index_cast %add3A_793 : i32 to index
        %get3A_797 = arith.constant 0 : index
        %get3A_798 = tpu.vector_load %arg6[%get3A_795, %get3A_796, %get3A_797] {strides = array<i32>} : memref<2x1600x32xf32, #tpu.memory_space<vmem>>, vector<16xf32>,
        %add3A_799 = arith.addf %add3A_763, %get3A_798 : vector<16xf32>
        %add3A_800 = arith.constant 6 : i32
        %add3A_801 = arith.addi %add3A_684, %add3A_800 : i32
        %get3A_802 = arith.constant 0 : i32
        %get3A_803 = arith.index_cast %get3A_802 : i32 to index
        %get3A_804 = arith.index_cast %add3A_801 : i32 to index
        %get3A_805 = arith.constant 16 : index
        %get3A_806 = tpu.vector_load %arg6[%get3A_803, %get3A_804, %get3A_805] {strides = array<i32>} : memref<2x1600x32xf32, #tpu.memory_space<vmem>>, vector<16xf32>,
        %add3A_807 = arith.addf %add3A_771, %get3A_806 : vector<16xf32>
        %add3A_808 = arith.constant 6 : i32
        %add3A_809 = arith.addi %add3A_684, %add3A_808 : i32
        %add3A_810 = arith.constant 1 : i32
        %add3A_811 = arith.addi %add3A_809, %add3A_810 : i32
        %get3A_812 = arith.constant 0 : i32
        %get3A_813 = arith.index_cast %get3A_812 : i32 to index
        %get3A_814 = arith.index_cast %add3A_811 : i32 to index
        %get3A_815 = arith.constant 0 : index
        %get3A_816 = tpu.vector_load %arg6[%get3A_813, %get3A_814, %get3A_815] {strides = array<i32>} : memref<2x1600x32xf32, #tpu.memory_space<vmem>>, vector<16xf32>,
        %add3A_817 = arith.addf %add3A_781, %get3A_816 : vector<16xf32>
        %add3A_818 = arith.constant 6 : i32
        %add3A_819 = arith.addi %add3A_684, %add3A_818 : i32
        %add3A_820 = arith.constant 1 : i32
        %add3A_821 = arith.addi %add3A_819, %add3A_820 : i32
        %get3A_822 = arith.constant 0 : i32
        %get3A_823 = arith.index_cast %get3A_822 : i32 to index
        %get3A_824 = arith.index_cast %add3A_821 : i32 to index
        %get3A_825 = arith.constant 16 : index
        %get3A_826 = tpu.vector_load %arg6[%get3A_823, %get3A_824, %get3A_825] {strides = array<i32>} : memref<2x1600x32xf32, #tpu.memory_space<vmem>>, vector<16xf32>,
        %add3A_827 = arith.addf %add3A_791, %get3A_826 : vector<16xf32>
        scf.yield %add3A_799, %add3A_807, %add3A_817, %add3A_827 : vector<16xf32>, vector<16xf32>, vector<16xf32>, vector<16xf32>
      }
      %scan3A_408 = arith.constant 25 : i32
      %add3A_409 = arith.addf %scan3A_407#0, %scan3A_407#2 : vector<16xf32>
      %swap3A_410 = arith.constant 0 : i32
      %swap3A_411 = arith.constant 6 : i32
      %swap3A_412 = arith.index_cast %swap3A_410 : i32 to index
      %swap3A_413 = arith.index_cast %swap3A_411 : i32 to index
      %swap3A_414 = arith.constant 0 : index
      %swap3A_415 = tpu.vector_load %arg7[%swap3A_412, %swap3A_413, %swap3A_414] {strides = array<i32>} : memref<2x8x32xf32, #tpu.memory_space<vmem>>, vector<16xf32>,
      tpu.vector_store %arg7[%swap3A_412, %swap3A_413, %swap3A_414], %add3A_409 {strides = array<i32>} : memref<2x8x32xf32, #tpu.memory_space<vmem>>, vector<16xf32>,
      %add3A_416 = arith.addf %scan3A_407#1, %scan3A_407#3 : vector<16xf32>
      %swap3A_417 = arith.constant 0 : i32
      %swap3A_418 = arith.constant 6 : i32
      %swap3A_419 = arith.index_cast %swap3A_417 : i32 to index
      %swap3A_420 = arith.index_cast %swap3A_418 : i32 to index
      %swap3A_421 = arith.constant 16 : index
      %swap3A_422 = tpu.vector_load %arg7[%swap3A_419, %swap3A_420, %swap3A_421] {strides = array<i32>} : memref<2x8x32xf32, #tpu.memory_space<vmem>>, vector<16xf32>,
      tpu.vector_store %arg7[%swap3A_419, %swap3A_420, %swap3A_421], %add3A_416 {strides = array<i32>} : memref<2x8x32xf32, #tpu.memory_space<vmem>>, vector<16xf32>,
      %broadcast_in_dim3A_423 = arith.constant 0.000000e+00 : f32
      %broadcast_in_dim3A_424 = vector.broadcast %broadcast_in_dim3A_423 : f32 to vector<16xf32>
      %scan3A_425 = arith.constant 0 : i32
      %scan3A_426 = arith.constant 25 : i32
      %scan3A_427 = arith.addi %scan3A_425, %scan3A_426 : i32
      %scan3A_428 = arith.constant 1 : i32
      %scan3A_429:4 = scf.for %scan3A_676 = %scan3A_425 to %scan3A_427 step %scan3A_428 iter_args(%scan3A_677 = %broadcast_in_dim3A_424, %scan3A_678 = %broadcast_in_dim3A_424, %scan3A_679 = %broadcast_in_dim3A_424, %scan3A_680 = %broadcast_in_dim3A_424) -> (vector<16xf32>, vector<16xf32>, vector<16xf32>, vector<16xf32>)  : i32 {
        %mul3A_681 = arith.constant 8 : i32
        %mul3A_682 = arith.muli %scan3A_676, %mul3A_681 : i32
        %add3A_683 = arith.constant 1400 : i32
        %add3A_684 = arith.addi %add3A_683, %mul3A_682 : i32
        %add3A_685 = arith.constant 0 : i32
        %add3A_686 = arith.addi %add3A_684, %add3A_685 : i32
        %get3A = arith.constant 0 : i32
        %get3A_687 = arith.index_cast %get3A : i32 to index
        %get3A_688 = arith.index_cast %add3A_686 : i32 to index
        %get3A_689 = arith.constant 0 : index
        %get3A_690 = tpu.vector_load %arg6[%get3A_687, %get3A_688, %get3A_689] {strides = array<i32>} : memref<2x1600x32xf32, #tpu.memory_space<vmem>>, vector<16xf32>,
        %add3A_691 = arith.addf %scan3A_677, %get3A_690 : vector<16xf32>
        %add3A_692 = arith.constant 0 : i32
        %add3A_693 = arith.addi %add3A_684, %add3A_692 : i32
        %get3A_694 = arith.constant 0 : i32
        %get3A_695 = arith.index_cast %get3A_694 : i32 to index
        %get3A_696 = arith.index_cast %add3A_693 : i32 to index
        %get3A_697 = arith.constant 16 : index
        %get3A_698 = tpu.vector_load %arg6[%get3A_695, %get3A_696, %get3A_697] {strides = array<i32>} : memref<2x1600x32xf32, #tpu.memory_space<vmem>>, vector<16xf32>,
        %add3A_699 = arith.addf %scan3A_678, %get3A_698 : vector<16xf32>
        %add3A_700 = arith.constant 0 : i32
        %add3A_701 = arith.addi %add3A_684, %add3A_700 : i32
        %add3A_702 = arith.constant 1 : i32
        %add3A_703 = arith.addi %add3A_701, %add3A_702 : i32
        %get3A_704 = arith.constant 0 : i32
        %get3A_705 = arith.index_cast %get3A_704 : i32 to index
        %get3A_706 = arith.index_cast %add3A_703 : i32 to index
        %get3A_707 = arith.constant 0 : index
        %get3A_708 = tpu.vector_load %arg6[%get3A_705, %get3A_706, %get3A_707] {strides = array<i32>} : memref<2x1600x32xf32, #tpu.memory_space<vmem>>, vector<16xf32>,
        %add3A_709 = arith.addf %scan3A_679, %get3A_708 : vector<16xf32>
        %add3A_710 = arith.constant 0 : i32
        %add3A_711 = arith.addi %add3A_684, %add3A_710 : i32
        %add3A_712 = arith.constant 1 : i32
        %add3A_713 = arith.addi %add3A_711, %add3A_712 : i32
        %get3A_714 = arith.constant 0 : i32
        %get3A_715 = arith.index_cast %get3A_714 : i32 to index
        %get3A_716 = arith.index_cast %add3A_713 : i32 to index
        %get3A_717 = arith.constant 16 : index
        %get3A_718 = tpu.vector_load %arg6[%get3A_715, %get3A_716, %get3A_717] {strides = array<i32>} : memref<2x1600x32xf32, #tpu.memory_space<vmem>>, vector<16xf32>,
        %add3A_719 = arith.addf %scan3A_680, %get3A_718 : vector<16xf32>
        %add3A_720 = arith.constant 2 : i32
        %add3A_721 = arith.addi %add3A_684, %add3A_720 : i32
        %get3A_722 = arith.constant 0 : i32
        %get3A_723 = arith.index_cast %get3A_722 : i32 to index
        %get3A_724 = arith.index_cast %add3A_721 : i32 to index
        %get3A_725 = arith.constant 0 : index
        %get3A_726 = tpu.vector_load %arg6[%get3A_723, %get3A_724, %get3A_725] {strides = array<i32>} : memref<2x1600x32xf32, #tpu.memory_space<vmem>>, vector<16xf32>,
        %add3A_727 = arith.addf %add3A_691, %get3A_726 : vector<16xf32>
        %add3A_728 = arith.constant 2 : i32
        %add3A_729 = arith.addi %add3A_684, %add3A_728 : i32
        %get3A_730 = arith.constant 0 : i32
        %get3A_731 = arith.index_cast %get3A_730 : i32 to index
        %get3A_732 = arith.index_cast %add3A_729 : i32 to index
        %get3A_733 = arith.constant 16 : index
        %get3A_734 = tpu.vector_load %arg6[%get3A_731, %get3A_732, %get3A_733] {strides = array<i32>} : memref<2x1600x32xf32, #tpu.memory_space<vmem>>, vector<16xf32>,
        %add3A_735 = arith.addf %add3A_699, %get3A_734 : vector<16xf32>
        %add3A_736 = arith.constant 2 : i32
        %add3A_737 = arith.addi %add3A_684, %add3A_736 : i32
        %add3A_738 = arith.constant 1 : i32
        %add3A_739 = arith.addi %add3A_737, %add3A_738 : i32
        %get3A_740 = arith.constant 0 : i32
        %get3A_741 = arith.index_cast %get3A_740 : i32 to index
        %get3A_742 = arith.index_cast %add3A_739 : i32 to index
        %get3A_743 = arith.constant 0 : index
        %get3A_744 = tpu.vector_load %arg6[%get3A_741, %get3A_742, %get3A_743] {strides = array<i32>} : memref<2x1600x32xf32, #tpu.memory_space<vmem>>, vector<16xf32>,
        %add3A_745 = arith.addf %add3A_709, %get3A_744 : vector<16xf32>
        %add3A_746 = arith.constant 2 : i32
        %add3A_747 = arith.addi %add3A_684, %add3A_746 : i32
        %add3A_748 = arith.constant 1 : i32
        %add3A_749 = arith.addi %add3A_747, %add3A_748 : i32
        %get3A_750 = arith.constant 0 : i32
        %get3A_751 = arith.index_cast %get3A_750 : i32 to index
        %get3A_752 = arith.index_cast %add3A_749 : i32 to index
        %get3A_753 = arith.constant 16 : index
        %get3A_754 = tpu.vector_load %arg6[%get3A_751, %get3A_752, %get3A_753] {strides = array<i32>} : memref<2x1600x32xf32, #tpu.memory_space<vmem>>, vector<16xf32>,
        %add3A_755 = arith.addf %add3A_719, %get3A_754 : vector<16xf32>
        %add3A_756 = arith.constant 4 : i32
        %add3A_757 = arith.addi %add3A_684, %add3A_756 : i32
        %get3A_758 = arith.constant 0 : i32
        %get3A_759 = arith.index_cast %get3A_758 : i32 to index
        %get3A_760 = arith.index_cast %add3A_757 : i32 to index
        %get3A_761 = arith.constant 0 : index
        %get3A_762 = tpu.vector_load %arg6[%get3A_759, %get3A_760, %get3A_761] {strides = array<i32>} : memref<2x1600x32xf32, #tpu.memory_space<vmem>>, vector<16xf32>,
        %add3A_763 = arith.addf %add3A_727, %get3A_762 : vector<16xf32>
        %add3A_764 = arith.constant 4 : i32
        %add3A_765 = arith.addi %add3A_684, %add3A_764 : i32
        %get3A_766 = arith.constant 0 : i32
        %get3A_767 = arith.index_cast %get3A_766 : i32 to index
        %get3A_768 = arith.index_cast %add3A_765 : i32 to index
        %get3A_769 = arith.constant 16 : index
        %get3A_770 = tpu.vector_load %arg6[%get3A_767, %get3A_768, %get3A_769] {strides = array<i32>} : memref<2x1600x32xf32, #tpu.memory_space<vmem>>, vector<16xf32>,
        %add3A_771 = arith.addf %add3A_735, %get3A_770 : vector<16xf32>
        %add3A_772 = arith.constant 4 : i32
        %add3A_773 = arith.addi %add3A_684, %add3A_772 : i32
        %add3A_774 = arith.constant 1 : i32
        %add3A_775 = arith.addi %add3A_773, %add3A_774 : i32
        %get3A_776 = arith.constant 0 : i32
        %get3A_777 = arith.index_cast %get3A_776 : i32 to index
        %get3A_778 = arith.index_cast %add3A_775 : i32 to index
        %get3A_779 = arith.constant 0 : index
        %get3A_780 = tpu.vector_load %arg6[%get3A_777, %get3A_778, %get3A_779] {strides = array<i32>} : memref<2x1600x32xf32, #tpu.memory_space<vmem>>, vector<16xf32>,
        %add3A_781 = arith.addf %add3A_745, %get3A_780 : vector<16xf32>
        %add3A_782 = arith.constant 4 : i32
        %add3A_783 = arith.addi %add3A_684, %add3A_782 : i32
        %add3A_784 = arith.constant 1 : i32
        %add3A_785 = arith.addi %add3A_783, %add3A_784 : i32
        %get3A_786 = arith.constant 0 : i32
        %get3A_787 = arith.index_cast %get3A_786 : i32 to index
        %get3A_788 = arith.index_cast %add3A_785 : i32 to index
        %get3A_789 = arith.constant 16 : index
        %get3A_790 = tpu.vector_load %arg6[%get3A_787, %get3A_788, %get3A_789] {strides = array<i32>} : memref<2x1600x32xf32, #tpu.memory_space<vmem>>, vector<16xf32>,
        %add3A_791 = arith.addf %add3A_755, %get3A_790 : vector<16xf32>
        %add3A_792 = arith.constant 6 : i32
        %add3A_793 = arith.addi %add3A_684, %add3A_792 : i32
        %get3A_794 = arith.constant 0 : i32
        %get3A_795 = arith.index_cast %get3A_794 : i32 to index
        %get3A_796 = arith.index_cast %add3A_793 : i32 to index
        %get3A_797 = arith.constant 0 : index
        %get3A_798 = tpu.vector_load %arg6[%get3A_795, %get3A_796, %get3A_797] {strides = array<i32>} : memref<2x1600x32xf32, #tpu.memory_space<vmem>>, vector<16xf32>,
        %add3A_799 = arith.addf %add3A_763, %get3A_798 : vector<16xf32>
        %add3A_800 = arith.constant 6 : i32
        %add3A_801 = arith.addi %add3A_684, %add3A_800 : i32
        %get3A_802 = arith.constant 0 : i32
        %get3A_803 = arith.index_cast %get3A_802 : i32 to index
        %get3A_804 = arith.index_cast %add3A_801 : i32 to index
        %get3A_805 = arith.constant 16 : index
        %get3A_806 = tpu.vector_load %arg6[%get3A_803, %get3A_804, %get3A_805] {strides = array<i32>} : memref<2x1600x32xf32, #tpu.memory_space<vmem>>, vector<16xf32>,
        %add3A_807 = arith.addf %add3A_771, %get3A_806 : vector<16xf32>
        %add3A_808 = arith.constant 6 : i32
        %add3A_809 = arith.addi %add3A_684, %add3A_808 : i32
        %add3A_810 = arith.constant 1 : i32
        %add3A_811 = arith.addi %add3A_809, %add3A_810 : i32
        %get3A_812 = arith.constant 0 : i32
        %get3A_813 = arith.index_cast %get3A_812 : i32 to index
        %get3A_814 = arith.index_cast %add3A_811 : i32 to index
        %get3A_815 = arith.constant 0 : index
        %get3A_816 = tpu.vector_load %arg6[%get3A_813, %get3A_814, %get3A_815] {strides = array<i32>} : memref<2x1600x32xf32, #tpu.memory_space<vmem>>, vector<16xf32>,
        %add3A_817 = arith.addf %add3A_781, %get3A_816 : vector<16xf32>
        %add3A_818 = arith.constant 6 : i32
        %add3A_819 = arith.addi %add3A_684, %add3A_818 : i32
        %add3A_820 = arith.constant 1 : i32
        %add3A_821 = arith.addi %add3A_819, %add3A_820 : i32
        %get3A_822 = arith.constant 0 : i32
        %get3A_823 = arith.index_cast %get3A_822 : i32 to index
        %get3A_824 = arith.index_cast %add3A_821 : i32 to index
        %get3A_825 = arith.constant 16 : index
        %get3A_826 = tpu.vector_load %arg6[%get3A_823, %get3A_824, %get3A_825] {strides = array<i32>} : memref<2x1600x32xf32, #tpu.memory_space<vmem>>, vector<16xf32>,
        %add3A_827 = arith.addf %add3A_791, %get3A_826 : vector<16xf32>
        scf.yield %add3A_799, %add3A_807, %add3A_817, %add3A_827 : vector<16xf32>, vector<16xf32>, vector<16xf32>, vector<16xf32>
      }
      %scan3A_430 = arith.constant 25 : i32
      %add3A_431 = arith.addf %scan3A_429#0, %scan3A_429#2 : vector<16xf32>
      %swap3A_432 = arith.constant 0 : i32
      %swap3A_433 = arith.constant 7 : i32
      %swap3A_434 = arith.index_cast %swap3A_432 : i32 to index
      %swap3A_435 = arith.index_cast %swap3A_433 : i32 to index
      %swap3A_436 = arith.constant 0 : index
      %swap3A_437 = tpu.vector_load %arg7[%swap3A_434, %swap3A_435, %swap3A_436] {strides = array<i32>} : memref<2x8x32xf32, #tpu.memory_space<vmem>>, vector<16xf32>,
      tpu.vector_store %arg7[%swap3A_434, %swap3A_435, %swap3A_436], %add3A_431 {strides = array<i32>} : memref<2x8x32xf32, #tpu.memory_space<vmem>>, vector<16xf32>,
      %add3A_438 = arith.addf %scan3A_429#1, %scan3A_429#3 : vector<16xf32>
      %swap3A_439 = arith.constant 0 : i32
      %swap3A_440 = arith.constant 7 : i32
      %swap3A_441 = arith.index_cast %swap3A_439 : i32 to index
      %swap3A_442 = arith.index_cast %swap3A_440 : i32 to index
      %swap3A_443 = arith.constant 16 : index
      %swap3A_444 = tpu.vector_load %arg7[%swap3A_441, %swap3A_442, %swap3A_443] {strides = array<i32>} : memref<2x8x32xf32, #tpu.memory_space<vmem>>, vector<16xf32>,
      tpu.vector_store %arg7[%swap3A_441, %swap3A_442, %swap3A_443], %add3A_438 {strides = array<i32>} : memref<2x8x32xf32, #tpu.memory_space<vmem>>, vector<16xf32>,
      %dma_start3A_445 = arith.constant 0 : i32
      %dma_start3A_446 = arith.constant 0 : i32
      %dma_start3A_447 = arith.constant 0 : i32
      %dma_start3A_448 = tpu.memref_slice %arg7[%dma_start3A_445, %dma_start3A_446, %dma_start3A_447] : memref<2x8x32xf32, #tpu.memory_space<vmem>> -> memref<1x8x32xf32, #tpu.memory_space<vmem>>
      %dma_start3A_449 = tpu.memref_squeeze %dma_start3A_448 : memref<1x8x32xf32, #tpu.memory_space<vmem>> -> memref<8x32xf32, #tpu.memory_space<vmem>>
      %dma_start3A_450 = arith.constant 0 : i32
      %dma_start3A_451 = tpu.memref_slice %arg4[%add3A_268, %dma_start3A_450] : memref<16384x32xf32, #tpu.memory_space<hbm>> -> memref<8x32xf32, #tpu.memory_space<hbm>>
      %dma_start3A_452 = arith.constant 0 : i32
      %dma_start3A_453 = tpu.memref_slice %arg4[%add3A_268, %dma_start3A_452] : memref<16384x32xf32, #tpu.memory_space<hbm>> -> memref<8x32xf32, #tpu.memory_space<hbm>>
      %dma_start3A_454 = arith.constant 0 : i32
      %dma_start3A_455 = arith.constant 0 : i32
      %dma_start3A_456 = tpu.memref_slice %arg7[%dma_start3A_445, %dma_start3A_454, %dma_start3A_455] : memref<2x8x32xf32, #tpu.memory_space<vmem>> -> memref<1x8x32xf32, #tpu.memory_space<vmem>>
      %dma_start3A_457 = tpu.memref_squeeze %dma_start3A_456 : memref<1x8x32xf32, #tpu.memory_space<vmem>> -> memref<8x32xf32, #tpu.memory_space<vmem>>
      tpu.enqueue_dma source(%dma_start3A_457 : memref<8x32xf32, #tpu.memory_space<vmem>>) target(%dma_start3A_453 : memref<8x32xf32, #tpu.memory_space<hbm>>) target_semaphore(%arg10 : memref<!tpu.dma_semaphore, #tpu.memory_space<semaphore_mem>>)
      %lt3A = arith.constant 31 : i32
      %lt3A_458 = arith.cmpi slt, %scan3A_138, %lt3A : i32
      %convert_element_type3A_459 = arith.extui %lt3A_458 : i1 to i32
      %cond3A_460 = arith.constant 0 : i32
      %cond3A_461 = arith.cmpi ne, %convert_element_type3A_459, %cond3A_460 : i32
      scf.if %cond3A_461 {
        %add3A_676 = arith.constant 2 : i32
        %add3A_677 = arith.addi %mul3A_140, %add3A_676 : i32
        %mul3A_678 = arith.constant 8 : i32
        %mul3A_679 = arith.muli %add3A_677, %mul3A_678 : i32
        %add3A_680 = arith.addi %mul3A_2, %mul3A_679 : i32
        %run_scoped3A_681 = arith.constant 0 : i32
        "tpu.region"() ({
          %run_scoped3A_786 = tpu.sem_alloc : memref<!tpu.dma_semaphore, #tpu.memory_space<semaphore_mem>>
          %dma_start3A_787 = arith.constant 0 : i32
          %dma_start3A_788 = arith.constant 0 : i32
          %dma_start3A_789 = tpu.memref_slice %arg5[%run_scoped3A_681, %dma_start3A_787, %dma_start3A_788] : memref<2x8x200xi32, #tpu.memory_space<vmem>> -> memref<1x8x200xi32, #tpu.memory_space<vmem>>
          %dma_start3A_790 = tpu.memref_squeeze %dma_start3A_789 : memref<1x8x200xi32, #tpu.memory_space<vmem>> -> memref<8x200xi32, #tpu.memory_space<vmem>>
          %dma_start3A_791 = arith.constant 0 : i32
          %dma_start3A_792 = tpu.memref_slice %arg2[%add3A_680, %dma_start3A_791] : memref<16384x200xi32, #tpu.memory_space<hbm>> -> memref<8x200xi32, #tpu.memory_space<hbm>>
          %dma_start3A_793 = arith.constant 0 : i32
          %dma_start3A_794 = arith.constant 0 : i32
          %dma_start3A_795 = tpu.memref_slice %arg5[%run_scoped3A_681, %dma_start3A_793, %dma_start3A_794] : memref<2x8x200xi32, #tpu.memory_space<vmem>> -> memref<1x8x200xi32, #tpu.memory_space<vmem>>
          %dma_start3A_796 = tpu.memref_squeeze %dma_start3A_795 : memref<1x8x200xi32, #tpu.memory_space<vmem>> -> memref<8x200xi32, #tpu.memory_space<vmem>>
          %dma_start3A_797 = arith.constant 0 : i32
          %dma_start3A_798 = tpu.memref_slice %arg2[%add3A_680, %dma_start3A_797] : memref<16384x200xi32, #tpu.memory_space<hbm>> -> memref<8x200xi32, #tpu.memory_space<hbm>>
          tpu.enqueue_dma source(%dma_start3A_798 : memref<8x200xi32, #tpu.memory_space<hbm>>) target(%dma_start3A_796 : memref<8x200xi32, #tpu.memory_space<vmem>>) target_semaphore(%run_scoped3A_786 : memref<!tpu.dma_semaphore, #tpu.memory_space<semaphore_mem>>)
          %dma_wait3A_799 = arith.constant 0 : i32
          %dma_wait3A_800 = arith.constant 0 : i32
          %dma_wait3A_801 = tpu.memref_slice %arg5[%run_scoped3A_681, %dma_wait3A_799, %dma_wait3A_800] : memref<2x8x200xi32, #tpu.memory_space<vmem>> -> memref<1x8x200xi32, #tpu.memory_space<vmem>>
          %dma_wait3A_802 = tpu.memref_squeeze %dma_wait3A_801 : memref<1x8x200xi32, #tpu.memory_space<vmem>> -> memref<8x200xi32, #tpu.memory_space<vmem>>
          %dma_wait3A_803 = arith.constant 0 : i32
          %dma_wait3A_804 = tpu.memref_slice %arg2[%add3A_680, %dma_wait3A_803] : memref<16384x200xi32, #tpu.memory_space<hbm>> -> memref<8x200xi32, #tpu.memory_space<hbm>>
          %dma_wait3A_805 = arith.constant 0 : i32
          %dma_wait3A_806 = arith.constant 0 : i32
          %dma_wait3A_807 = tpu.memref_slice %arg5[%run_scoped3A_681, %dma_wait3A_805, %dma_wait3A_806] : memref<2x8x200xi32, #tpu.memory_space<vmem>> -> memref<1x8x200xi32, #tpu.memory_space<vmem>>
          %dma_wait3A_808 = tpu.memref_squeeze %dma_wait3A_807 : memref<1x8x200xi32, #tpu.memory_space<vmem>> -> memref<8x200xi32, #tpu.memory_space<vmem>>
          %dma_wait3A_809 = arith.constant 0 : i32
          %dma_wait3A_810 = tpu.memref_slice %arg2[%add3A_680, %dma_wait3A_809] : memref<16384x200xi32, #tpu.memory_space<hbm>> -> memref<8x200xi32, #tpu.memory_space<hbm>>
          tpu.wait_dma2 semaphore(%run_scoped3A_786 : memref<!tpu.dma_semaphore, #tpu.memory_space<semaphore_mem>>) src(%dma_wait3A_810 : memref<8x200xi32, #tpu.memory_space<hbm>>) dst(%dma_wait3A_808 : memref<8x200xi32, #tpu.memory_space<vmem>>)
          tpu.yield
        }) : () -> ()
        %dma_start3A_682 = arith.constant 0 : i32
        %dma_start3A_683 = arith.constant 0 : i32
        %dma_start3A_684 = arith.constant 0 : i32
        %dma_start3A_685 = arith.constant 0 : i32
        %dma_start3A_686 = arith.constant 0 : i32
        %dma_start3A_687 = tpu.memref_slice %arg6[%dma_start3A_684, %dma_start3A_685, %dma_start3A_686] : memref<2x1600x32xf32, #tpu.memory_space<vmem>> -> memref<1x200x32xf32, #tpu.memory_space<vmem>>
        %dma_start3A_688 = tpu.memref_squeeze %dma_start3A_687 : memref<1x200x32xf32, #tpu.memory_space<vmem>> -> memref<200x32xf32, #tpu.memory_space<vmem>>
        %dma_start3A_689 = arith.constant 0 : i32
        %dma_start3A_690 = tpu.memref_slice %arg5[%dma_start3A_682, %dma_start3A_683, %dma_start3A_689] : memref<2x8x200xi32, #tpu.memory_space<vmem>> -> memref<1x1x200xi32, #tpu.memory_space<vmem>>
        %dma_start3A_691 = tpu.memref_squeeze %dma_start3A_690 : memref<1x1x200xi32, #tpu.memory_space<vmem>> -> memref<200xi32, #tpu.memory_space<vmem>>
        %dma_start3A_692 = arith.constant 0 : i32
        %dma_start3A_693 = arith.constant 0 : i32
        %dma_start3A_694 = tpu.memref_slice %arg3[%dma_start3A_692, %dma_start3A_693] : memref<1000000x32xf32, #tpu.memory_space<hbm>> -> memref<1000000x32xf32, #tpu.memory_space<hbm>>
        tpu.enqueue_indirect_dma source(%dma_start3A_694 : memref<1000000x32xf32, #tpu.memory_space<hbm>>) target(%dma_start3A_688 : memref<200x32xf32, #tpu.memory_space<vmem>>) offsets(%dma_start3A_691 : memref<200xi32, #tpu.memory_space<vmem>>) semaphore(%arg8 : memref<!tpu.dma_semaphore, #tpu.memory_space<semaphore_mem>>)
        %dma_start3A_695 = arith.constant 0 : i32
        %dma_start3A_696 = arith.constant 1 : i32
        %dma_start3A_697 = arith.constant 0 : i32
        %dma_start3A_698 = arith.constant 200 : i32
        %dma_start3A_699 = arith.constant 0 : i32
        %dma_start3A_700 = tpu.memref_slice %arg6[%dma_start3A_697, %dma_start3A_698, %dma_start3A_699] : memref<2x1600x32xf32, #tpu.memory_space<vmem>> -> memref<1x200x32xf32, #tpu.memory_space<vmem>>
        %dma_start3A_701 = tpu.memref_squeeze %dma_start3A_700 : memref<1x200x32xf32, #tpu.memory_space<vmem>> -> memref<200x32xf32, #tpu.memory_space<vmem>>
        %dma_start3A_702 = arith.constant 0 : i32
        %dma_start3A_703 = tpu.memref_slice %arg5[%dma_start3A_695, %dma_start3A_696, %dma_start3A_702] : memref<2x8x200xi32, #tpu.memory_space<vmem>> -> memref<1x1x200xi32, #tpu.memory_space<vmem>>
        %dma_start3A_704 = tpu.memref_squeeze %dma_start3A_703 : memref<1x1x200xi32, #tpu.memory_space<vmem>> -> memref<200xi32, #tpu.memory_space<vmem>>
        %dma_start3A_705 = arith.constant 0 : i32
        %dma_start3A_706 = arith.constant 0 : i32
        %dma_start3A_707 = tpu.memref_slice %arg3[%dma_start3A_705, %dma_start3A_706] : memref<1000000x32xf32, #tpu.memory_space<hbm>> -> memref<1000000x32xf32, #tpu.memory_space<hbm>>
        tpu.enqueue_indirect_dma source(%dma_start3A_707 : memref<1000000x32xf32, #tpu.memory_space<hbm>>) target(%dma_start3A_701 : memref<200x32xf32, #tpu.memory_space<vmem>>) offsets(%dma_start3A_704 : memref<200xi32, #tpu.memory_space<vmem>>) semaphore(%arg8 : memref<!tpu.dma_semaphore, #tpu.memory_space<semaphore_mem>>)
        %dma_start3A_708 = arith.constant 0 : i32
        %dma_start3A_709 = arith.constant 2 : i32
        %dma_start3A_710 = arith.constant 0 : i32
        %dma_start3A_711 = arith.constant 400 : i32
        %dma_start3A_712 = arith.constant 0 : i32
        %dma_start3A_713 = tpu.memref_slice %arg6[%dma_start3A_710, %dma_start3A_711, %dma_start3A_712] : memref<2x1600x32xf32, #tpu.memory_space<vmem>> -> memref<1x200x32xf32, #tpu.memory_space<vmem>>
        %dma_start3A_714 = tpu.memref_squeeze %dma_start3A_713 : memref<1x200x32xf32, #tpu.memory_space<vmem>> -> memref<200x32xf32, #tpu.memory_space<vmem>>
        %dma_start3A_715 = arith.constant 0 : i32
        %dma_start3A_716 = tpu.memref_slice %arg5[%dma_start3A_708, %dma_start3A_709, %dma_start3A_715] : memref<2x8x200xi32, #tpu.memory_space<vmem>> -> memref<1x1x200xi32, #tpu.memory_space<vmem>>
        %dma_start3A_717 = tpu.memref_squeeze %dma_start3A_716 : memref<1x1x200xi32, #tpu.memory_space<vmem>> -> memref<200xi32, #tpu.memory_space<vmem>>
        %dma_start3A_718 = arith.constant 0 : i32
        %dma_start3A_719 = arith.constant 0 : i32
        %dma_start3A_720 = tpu.memref_slice %arg3[%dma_start3A_718, %dma_start3A_719] : memref<1000000x32xf32, #tpu.memory_space<hbm>> -> memref<1000000x32xf32, #tpu.memory_space<hbm>>
        tpu.enqueue_indirect_dma source(%dma_start3A_720 : memref<1000000x32xf32, #tpu.memory_space<hbm>>) target(%dma_start3A_714 : memref<200x32xf32, #tpu.memory_space<vmem>>) offsets(%dma_start3A_717 : memref<200xi32, #tpu.memory_space<vmem>>) semaphore(%arg8 : memref<!tpu.dma_semaphore, #tpu.memory_space<semaphore_mem>>)
        %dma_start3A_721 = arith.constant 0 : i32
        %dma_start3A_722 = arith.constant 3 : i32
        %dma_start3A_723 = arith.constant 0 : i32
        %dma_start3A_724 = arith.constant 600 : i32
        %dma_start3A_725 = arith.constant 0 : i32
        %dma_start3A_726 = tpu.memref_slice %arg6[%dma_start3A_723, %dma_start3A_724, %dma_start3A_725] : memref<2x1600x32xf32, #tpu.memory_space<vmem>> -> memref<1x200x32xf32, #tpu.memory_space<vmem>>
        %dma_start3A_727 = tpu.memref_squeeze %dma_start3A_726 : memref<1x200x32xf32, #tpu.memory_space<vmem>> -> memref<200x32xf32, #tpu.memory_space<vmem>>
        %dma_start3A_728 = arith.constant 0 : i32
        %dma_start3A_729 = tpu.memref_slice %arg5[%dma_start3A_721, %dma_start3A_722, %dma_start3A_728] : memref<2x8x200xi32, #tpu.memory_space<vmem>> -> memref<1x1x200xi32, #tpu.memory_space<vmem>>
        %dma_start3A_730 = tpu.memref_squeeze %dma_start3A_729 : memref<1x1x200xi32, #tpu.memory_space<vmem>> -> memref<200xi32, #tpu.memory_space<vmem>>
        %dma_start3A_731 = arith.constant 0 : i32
        %dma_start3A_732 = arith.constant 0 : i32
        %dma_start3A_733 = tpu.memref_slice %arg3[%dma_start3A_731, %dma_start3A_732] : memref<1000000x32xf32, #tpu.memory_space<hbm>> -> memref<1000000x32xf32, #tpu.memory_space<hbm>>
        tpu.enqueue_indirect_dma source(%dma_start3A_733 : memref<1000000x32xf32, #tpu.memory_space<hbm>>) target(%dma_start3A_727 : memref<200x32xf32, #tpu.memory_space<vmem>>) offsets(%dma_start3A_730 : memref<200xi32, #tpu.memory_space<vmem>>) semaphore(%arg8 : memref<!tpu.dma_semaphore, #tpu.memory_space<semaphore_mem>>)
        %dma_start3A_734 = arith.constant 0 : i32
        %dma_start3A_735 = arith.constant 4 : i32
        %dma_start3A_736 = arith.constant 0 : i32
        %dma_start3A_737 = arith.constant 800 : i32
        %dma_start3A_738 = arith.constant 0 : i32
        %dma_start3A_739 = tpu.memref_slice %arg6[%dma_start3A_736, %dma_start3A_737, %dma_start3A_738] : memref<2x1600x32xf32, #tpu.memory_space<vmem>> -> memref<1x200x32xf32, #tpu.memory_space<vmem>>
        %dma_start3A_740 = tpu.memref_squeeze %dma_start3A_739 : memref<1x200x32xf32, #tpu.memory_space<vmem>> -> memref<200x32xf32, #tpu.memory_space<vmem>>
        %dma_start3A_741 = arith.constant 0 : i32
        %dma_start3A_742 = tpu.memref_slice %arg5[%dma_start3A_734, %dma_start3A_735, %dma_start3A_741] : memref<2x8x200xi32, #tpu.memory_space<vmem>> -> memref<1x1x200xi32, #tpu.memory_space<vmem>>
        %dma_start3A_743 = tpu.memref_squeeze %dma_start3A_742 : memref<1x1x200xi32, #tpu.memory_space<vmem>> -> memref<200xi32, #tpu.memory_space<vmem>>
        %dma_start3A_744 = arith.constant 0 : i32
        %dma_start3A_745 = arith.constant 0 : i32
        %dma_start3A_746 = tpu.memref_slice %arg3[%dma_start3A_744, %dma_start3A_745] : memref<1000000x32xf32, #tpu.memory_space<hbm>> -> memref<1000000x32xf32, #tpu.memory_space<hbm>>
        tpu.enqueue_indirect_dma source(%dma_start3A_746 : memref<1000000x32xf32, #tpu.memory_space<hbm>>) target(%dma_start3A_740 : memref<200x32xf32, #tpu.memory_space<vmem>>) offsets(%dma_start3A_743 : memref<200xi32, #tpu.memory_space<vmem>>) semaphore(%arg8 : memref<!tpu.dma_semaphore, #tpu.memory_space<semaphore_mem>>)
        %dma_start3A_747 = arith.constant 0 : i32
        %dma_start3A_748 = arith.constant 5 : i32
        %dma_start3A_749 = arith.constant 0 : i32
        %dma_start3A_750 = arith.constant 1000 : i32
        %dma_start3A_751 = arith.constant 0 : i32
        %dma_start3A_752 = tpu.memref_slice %arg6[%dma_start3A_749, %dma_start3A_750, %dma_start3A_751] : memref<2x1600x32xf32, #tpu.memory_space<vmem>> -> memref<1x200x32xf32, #tpu.memory_space<vmem>>
        %dma_start3A_753 = tpu.memref_squeeze %dma_start3A_752 : memref<1x200x32xf32, #tpu.memory_space<vmem>> -> memref<200x32xf32, #tpu.memory_space<vmem>>
        %dma_start3A_754 = arith.constant 0 : i32
        %dma_start3A_755 = tpu.memref_slice %arg5[%dma_start3A_747, %dma_start3A_748, %dma_start3A_754] : memref<2x8x200xi32, #tpu.memory_space<vmem>> -> memref<1x1x200xi32, #tpu.memory_space<vmem>>
        %dma_start3A_756 = tpu.memref_squeeze %dma_start3A_755 : memref<1x1x200xi32, #tpu.memory_space<vmem>> -> memref<200xi32, #tpu.memory_space<vmem>>
        %dma_start3A_757 = arith.constant 0 : i32
        %dma_start3A_758 = arith.constant 0 : i32
        %dma_start3A_759 = tpu.memref_slice %arg3[%dma_start3A_757, %dma_start3A_758] : memref<1000000x32xf32, #tpu.memory_space<hbm>> -> memref<1000000x32xf32, #tpu.memory_space<hbm>>
        tpu.enqueue_indirect_dma source(%dma_start3A_759 : memref<1000000x32xf32, #tpu.memory_space<hbm>>) target(%dma_start3A_753 : memref<200x32xf32, #tpu.memory_space<vmem>>) offsets(%dma_start3A_756 : memref<200xi32, #tpu.memory_space<vmem>>) semaphore(%arg8 : memref<!tpu.dma_semaphore, #tpu.memory_space<semaphore_mem>>)
        %dma_start3A_760 = arith.constant 0 : i32
        %dma_start3A_761 = arith.constant 6 : i32
        %dma_start3A_762 = arith.constant 0 : i32
        %dma_start3A_763 = arith.constant 1200 : i32
        %dma_start3A_764 = arith.constant 0 : i32
        %dma_start3A_765 = tpu.memref_slice %arg6[%dma_start3A_762, %dma_start3A_763, %dma_start3A_764] : memref<2x1600x32xf32, #tpu.memory_space<vmem>> -> memref<1x200x32xf32, #tpu.memory_space<vmem>>
        %dma_start3A_766 = tpu.memref_squeeze %dma_start3A_765 : memref<1x200x32xf32, #tpu.memory_space<vmem>> -> memref<200x32xf32, #tpu.memory_space<vmem>>
        %dma_start3A_767 = arith.constant 0 : i32
        %dma_start3A_768 = tpu.memref_slice %arg5[%dma_start3A_760, %dma_start3A_761, %dma_start3A_767] : memref<2x8x200xi32, #tpu.memory_space<vmem>> -> memref<1x1x200xi32, #tpu.memory_space<vmem>>
        %dma_start3A_769 = tpu.memref_squeeze %dma_start3A_768 : memref<1x1x200xi32, #tpu.memory_space<vmem>> -> memref<200xi32, #tpu.memory_space<vmem>>
        %dma_start3A_770 = arith.constant 0 : i32
        %dma_start3A_771 = arith.constant 0 : i32
        %dma_start3A_772 = tpu.memref_slice %arg3[%dma_start3A_770, %dma_start3A_771] : memref<1000000x32xf32, #tpu.memory_space<hbm>> -> memref<1000000x32xf32, #tpu.memory_space<hbm>>
        tpu.enqueue_indirect_dma source(%dma_start3A_772 : memref<1000000x32xf32, #tpu.memory_space<hbm>>) target(%dma_start3A_766 : memref<200x32xf32, #tpu.memory_space<vmem>>) offsets(%dma_start3A_769 : memref<200xi32, #tpu.memory_space<vmem>>) semaphore(%arg8 : memref<!tpu.dma_semaphore, #tpu.memory_space<semaphore_mem>>)
        %dma_start3A_773 = arith.constant 0 : i32
        %dma_start3A_774 = arith.constant 7 : i32
        %dma_start3A_775 = arith.constant 0 : i32
        %dma_start3A_776 = arith.constant 1400 : i32
        %dma_start3A_777 = arith.constant 0 : i32
        %dma_start3A_778 = tpu.memref_slice %arg6[%dma_start3A_775, %dma_start3A_776, %dma_start3A_777] : memref<2x1600x32xf32, #tpu.memory_space<vmem>> -> memref<1x200x32xf32, #tpu.memory_space<vmem>>
        %dma_start3A_779 = tpu.memref_squeeze %dma_start3A_778 : memref<1x200x32xf32, #tpu.memory_space<vmem>> -> memref<200x32xf32, #tpu.memory_space<vmem>>
        %dma_start3A_780 = arith.constant 0 : i32
        %dma_start3A_781 = tpu.memref_slice %arg5[%dma_start3A_773, %dma_start3A_774, %dma_start3A_780] : memref<2x8x200xi32, #tpu.memory_space<vmem>> -> memref<1x1x200xi32, #tpu.memory_space<vmem>>
        %dma_start3A_782 = tpu.memref_squeeze %dma_start3A_781 : memref<1x1x200xi32, #tpu.memory_space<vmem>> -> memref<200xi32, #tpu.memory_space<vmem>>
        %dma_start3A_783 = arith.constant 0 : i32
        %dma_start3A_784 = arith.constant 0 : i32
        %dma_start3A_785 = tpu.memref_slice %arg3[%dma_start3A_783, %dma_start3A_784] : memref<1000000x32xf32, #tpu.memory_space<hbm>> -> memref<1000000x32xf32, #tpu.memory_space<hbm>>
        tpu.enqueue_indirect_dma source(%dma_start3A_785 : memref<1000000x32xf32, #tpu.memory_space<hbm>>) target(%dma_start3A_779 : memref<200x32xf32, #tpu.memory_space<vmem>>) offsets(%dma_start3A_782 : memref<200xi32, #tpu.memory_space<vmem>>) semaphore(%arg8 : memref<!tpu.dma_semaphore, #tpu.memory_space<semaphore_mem>>)
      } else {
      }
      %dma_wait3A_462 = arith.constant 1 : i32
      %dma_wait3A_463 = arith.constant 0 : i32
      %dma_wait3A_464 = arith.constant 0 : i32
      %dma_wait3A_465 = tpu.memref_slice %arg6[%dma_wait3A_462, %dma_wait3A_463, %dma_wait3A_464] : memref<2x1600x32xf32, #tpu.memory_space<vmem>> -> memref<1x1600x32xf32, #tpu.memory_space<vmem>>
      %dma_wait3A_466 = tpu.memref_squeeze %dma_wait3A_465 : memref<1x1600x32xf32, #tpu.memory_space<vmem>> -> memref<1600x32xf32, #tpu.memory_space<vmem>>
      %dma_wait3A_467 = arith.constant 0 : i32
      %dma_wait3A_468 = arith.constant 0 : i32
      %dma_wait3A_469 = tpu.memref_slice %arg3[%dma_wait3A_467, %dma_wait3A_468] : memref<1000000x32xf32, #tpu.memory_space<hbm>> -> memref<1600x32xf32, #tpu.memory_space<hbm>>
      %dma_wait3A_470 = arith.constant 0 : i32
      %dma_wait3A_471 = arith.constant 0 : i32
      %dma_wait3A_472 = tpu.memref_slice %arg6[%dma_wait3A_462, %dma_wait3A_470, %dma_wait3A_471] : memref<2x1600x32xf32, #tpu.memory_space<vmem>> -> memref<1x1600x32xf32, #tpu.memory_space<vmem>>
      %dma_wait3A_473 = tpu.memref_squeeze %dma_wait3A_472 : memref<1x1600x32xf32, #tpu.memory_space<vmem>> -> memref<1600x32xf32, #tpu.memory_space<vmem>>
      %dma_wait3A_474 = arith.constant 0 : i32
      %dma_wait3A_475 = arith.constant 0 : i32
      %dma_wait3A_476 = tpu.memref_slice %arg3[%dma_wait3A_474, %dma_wait3A_475] : memref<1000000x32xf32, #tpu.memory_space<hbm>> -> memref<1600x32xf32, #tpu.memory_space<hbm>>
      tpu.wait_dma2 semaphore(%arg9 : memref<!tpu.dma_semaphore, #tpu.memory_space<semaphore_mem>>) src(%dma_wait3A_476 : memref<1600x32xf32, #tpu.memory_space<hbm>>) dst(%dma_wait3A_473 : memref<1600x32xf32, #tpu.memory_space<vmem>>)
      %add3A_477 = arith.constant 1 : i32
      %add3A_478 = arith.addi %mul3A_140, %add3A_477 : i32
      %mul3A_479 = arith.constant 8 : i32
      %mul3A_480 = arith.muli %add3A_478, %mul3A_479 : i32
      %add3A_481 = arith.addi %mul3A_2, %mul3A_480 : i32
      %ge3A_482 = arith.constant 2 : i32
      %ge3A_483 = arith.cmpi sge, %add3A_478, %ge3A_482 : i32
      %convert_element_type3A_484 = arith.extui %ge3A_483 : i1 to i32
      %cond3A_485 = arith.constant 0 : i32
      %cond3A_486 = arith.cmpi ne, %convert_element_type3A_484, %cond3A_485 : i32
      scf.if %cond3A_486 {
        %dma_wait3A_676 = arith.constant 1 : i32
        %dma_wait3A_677 = arith.constant 0 : i32
        %dma_wait3A_678 = arith.constant 0 : i32
        %dma_wait3A_679 = tpu.memref_slice %arg7[%dma_wait3A_676, %dma_wait3A_677, %dma_wait3A_678] : memref<2x8x32xf32, #tpu.memory_space<vmem>> -> memref<1x8x32xf32, #tpu.memory_space<vmem>>
        %dma_wait3A_680 = tpu.memref_squeeze %dma_wait3A_679 : memref<1x8x32xf32, #tpu.memory_space<vmem>> -> memref<8x32xf32, #tpu.memory_space<vmem>>
        %dma_wait3A_681 = arith.constant 0 : i32
        %dma_wait3A_682 = tpu.memref_slice %arg4[%add3A_481, %dma_wait3A_681] : memref<16384x32xf32, #tpu.memory_space<hbm>> -> memref<8x32xf32, #tpu.memory_space<hbm>>
        %dma_wait3A_683 = arith.constant 0 : i32
        %dma_wait3A_684 = tpu.memref_slice %arg4[%add3A_481, %dma_wait3A_683] : memref<16384x32xf32, #tpu.memory_space<hbm>> -> memref<8x32xf32, #tpu.memory_space<hbm>>
        %dma_wait3A_685 = arith.constant 0 : i32
        %dma_wait3A_686 = arith.constant 0 : i32
        %dma_wait3A_687 = tpu.memref_slice %arg7[%dma_wait3A_676, %dma_wait3A_685, %dma_wait3A_686] : memref<2x8x32xf32, #tpu.memory_space<vmem>> -> memref<1x8x32xf32, #tpu.memory_space<vmem>>
        %dma_wait3A_688 = tpu.memref_squeeze %dma_wait3A_687 : memref<1x8x32xf32, #tpu.memory_space<vmem>> -> memref<8x32xf32, #tpu.memory_space<vmem>>
        tpu.wait_dma2 semaphore(%arg11 : memref<!tpu.dma_semaphore, #tpu.memory_space<semaphore_mem>>) src(%dma_wait3A_688 : memref<8x32xf32, #tpu.memory_space<vmem>>) dst(%dma_wait3A_684 : memref<8x32xf32, #tpu.memory_space<hbm>>)
      } else {
      }
      %broadcast_in_dim3A_487 = arith.constant 0.000000e+00 : f32
      %broadcast_in_dim3A_488 = vector.broadcast %broadcast_in_dim3A_487 : f32 to vector<16xf32>
      %scan3A_489 = arith.constant 0 : i32
      %scan3A_490 = arith.constant 25 : i32
      %scan3A_491 = arith.addi %scan3A_489, %scan3A_490 : i32
      %scan3A_492 = arith.constant 1 : i32
      %scan3A_493:4 = scf.for %scan3A_676 = %scan3A_489 to %scan3A_491 step %scan3A_492 iter_args(%scan3A_677 = %broadcast_in_dim3A_488, %scan3A_678 = %broadcast_in_dim3A_488, %scan3A_679 = %broadcast_in_dim3A_488, %scan3A_680 = %broadcast_in_dim3A_488) -> (vector<16xf32>, vector<16xf32>, vector<16xf32>, vector<16xf32>)  : i32 {
        %mul3A_681 = arith.constant 8 : i32
        %mul3A_682 = arith.muli %scan3A_676, %mul3A_681 : i32
        %add3A_683 = arith.constant 0 : i32
        %add3A_684 = arith.addi %add3A_683, %mul3A_682 : i32
        %add3A_685 = arith.constant 0 : i32
        %add3A_686 = arith.addi %add3A_684, %add3A_685 : i32
        %get3A = arith.constant 1 : i32
        %get3A_687 = arith.index_cast %get3A : i32 to index
        %get3A_688 = arith.index_cast %add3A_686 : i32 to index
        %get3A_689 = arith.constant 0 : index
        %get3A_690 = tpu.vector_load %arg6[%get3A_687, %get3A_688, %get3A_689] {strides = array<i32>} : memref<2x1600x32xf32, #tpu.memory_space<vmem>>, vector<16xf32>,
        %add3A_691 = arith.addf %scan3A_677, %get3A_690 : vector<16xf32>
        %add3A_692 = arith.constant 0 : i32
        %add3A_693 = arith.addi %add3A_684, %add3A_692 : i32
        %get3A_694 = arith.constant 1 : i32
        %get3A_695 = arith.index_cast %get3A_694 : i32 to index
        %get3A_696 = arith.index_cast %add3A_693 : i32 to index
        %get3A_697 = arith.constant 16 : index
        %get3A_698 = tpu.vector_load %arg6[%get3A_695, %get3A_696, %get3A_697] {strides = array<i32>} : memref<2x1600x32xf32, #tpu.memory_space<vmem>>, vector<16xf32>,
        %add3A_699 = arith.addf %scan3A_678, %get3A_698 : vector<16xf32>
        %add3A_700 = arith.constant 0 : i32
        %add3A_701 = arith.addi %add3A_684, %add3A_700 : i32
        %add3A_702 = arith.constant 1 : i32
        %add3A_703 = arith.addi %add3A_701, %add3A_702 : i32
        %get3A_704 = arith.constant 1 : i32
        %get3A_705 = arith.index_cast %get3A_704 : i32 to index
        %get3A_706 = arith.index_cast %add3A_703 : i32 to index
        %get3A_707 = arith.constant 0 : index
        %get3A_708 = tpu.vector_load %arg6[%get3A_705, %get3A_706, %get3A_707] {strides = array<i32>} : memref<2x1600x32xf32, #tpu.memory_space<vmem>>, vector<16xf32>,
        %add3A_709 = arith.addf %scan3A_679, %get3A_708 : vector<16xf32>
        %add3A_710 = arith.constant 0 : i32
        %add3A_711 = arith.addi %add3A_684, %add3A_710 : i32
        %add3A_712 = arith.constant 1 : i32
        %add3A_713 = arith.addi %add3A_711, %add3A_712 : i32
        %get3A_714 = arith.constant 1 : i32
        %get3A_715 = arith.index_cast %get3A_714 : i32 to index
        %get3A_716 = arith.index_cast %add3A_713 : i32 to index
        %get3A_717 = arith.constant 16 : index
        %get3A_718 = tpu.vector_load %arg6[%get3A_715, %get3A_716, %get3A_717] {strides = array<i32>} : memref<2x1600x32xf32, #tpu.memory_space<vmem>>, vector<16xf32>,
        %add3A_719 = arith.addf %scan3A_680, %get3A_718 : vector<16xf32>
        %add3A_720 = arith.constant 2 : i32
        %add3A_721 = arith.addi %add3A_684, %add3A_720 : i32
        %get3A_722 = arith.constant 1 : i32
        %get3A_723 = arith.index_cast %get3A_722 : i32 to index
        %get3A_724 = arith.index_cast %add3A_721 : i32 to index
        %get3A_725 = arith.constant 0 : index
        %get3A_726 = tpu.vector_load %arg6[%get3A_723, %get3A_724, %get3A_725] {strides = array<i32>} : memref<2x1600x32xf32, #tpu.memory_space<vmem>>, vector<16xf32>,
        %add3A_727 = arith.addf %add3A_691, %get3A_726 : vector<16xf32>
        %add3A_728 = arith.constant 2 : i32
        %add3A_729 = arith.addi %add3A_684, %add3A_728 : i32
        %get3A_730 = arith.constant 1 : i32
        %get3A_731 = arith.index_cast %get3A_730 : i32 to index
        %get3A_732 = arith.index_cast %add3A_729 : i32 to index
        %get3A_733 = arith.constant 16 : index
        %get3A_734 = tpu.vector_load %arg6[%get3A_731, %get3A_732, %get3A_733] {strides = array<i32>} : memref<2x1600x32xf32, #tpu.memory_space<vmem>>, vector<16xf32>,
        %add3A_735 = arith.addf %add3A_699, %get3A_734 : vector<16xf32>
        %add3A_736 = arith.constant 2 : i32
        %add3A_737 = arith.addi %add3A_684, %add3A_736 : i32
        %add3A_738 = arith.constant 1 : i32
        %add3A_739 = arith.addi %add3A_737, %add3A_738 : i32
        %get3A_740 = arith.constant 1 : i32
        %get3A_741 = arith.index_cast %get3A_740 : i32 to index
        %get3A_742 = arith.index_cast %add3A_739 : i32 to index
        %get3A_743 = arith.constant 0 : index
        %get3A_744 = tpu.vector_load %arg6[%get3A_741, %get3A_742, %get3A_743] {strides = array<i32>} : memref<2x1600x32xf32, #tpu.memory_space<vmem>>, vector<16xf32>,
        %add3A_745 = arith.addf %add3A_709, %get3A_744 : vector<16xf32>
        %add3A_746 = arith.constant 2 : i32
        %add3A_747 = arith.addi %add3A_684, %add3A_746 : i32
        %add3A_748 = arith.constant 1 : i32
        %add3A_749 = arith.addi %add3A_747, %add3A_748 : i32
        %get3A_750 = arith.constant 1 : i32
        %get3A_751 = arith.index_cast %get3A_750 : i32 to index
        %get3A_752 = arith.index_cast %add3A_749 : i32 to index
        %get3A_753 = arith.constant 16 : index
        %get3A_754 = tpu.vector_load %arg6[%get3A_751, %get3A_752, %get3A_753] {strides = array<i32>} : memref<2x1600x32xf32, #tpu.memory_space<vmem>>, vector<16xf32>,
        %add3A_755 = arith.addf %add3A_719, %get3A_754 : vector<16xf32>
        %add3A_756 = arith.constant 4 : i32
        %add3A_757 = arith.addi %add3A_684, %add3A_756 : i32
        %get3A_758 = arith.constant 1 : i32
        %get3A_759 = arith.index_cast %get3A_758 : i32 to index
        %get3A_760 = arith.index_cast %add3A_757 : i32 to index
        %get3A_761 = arith.constant 0 : index
        %get3A_762 = tpu.vector_load %arg6[%get3A_759, %get3A_760, %get3A_761] {strides = array<i32>} : memref<2x1600x32xf32, #tpu.memory_space<vmem>>, vector<16xf32>,
        %add3A_763 = arith.addf %add3A_727, %get3A_762 : vector<16xf32>
        %add3A_764 = arith.constant 4 : i32
        %add3A_765 = arith.addi %add3A_684, %add3A_764 : i32
        %get3A_766 = arith.constant 1 : i32
        %get3A_767 = arith.index_cast %get3A_766 : i32 to index
        %get3A_768 = arith.index_cast %add3A_765 : i32 to index
        %get3A_769 = arith.constant 16 : index
        %get3A_770 = tpu.vector_load %arg6[%get3A_767, %get3A_768, %get3A_769] {strides = array<i32>} : memref<2x1600x32xf32, #tpu.memory_space<vmem>>, vector<16xf32>,
        %add3A_771 = arith.addf %add3A_735, %get3A_770 : vector<16xf32>
        %add3A_772 = arith.constant 4 : i32
        %add3A_773 = arith.addi %add3A_684, %add3A_772 : i32
        %add3A_774 = arith.constant 1 : i32
        %add3A_775 = arith.addi %add3A_773, %add3A_774 : i32
        %get3A_776 = arith.constant 1 : i32
        %get3A_777 = arith.index_cast %get3A_776 : i32 to index
        %get3A_778 = arith.index_cast %add3A_775 : i32 to index
        %get3A_779 = arith.constant 0 : index
        %get3A_780 = tpu.vector_load %arg6[%get3A_777, %get3A_778, %get3A_779] {strides = array<i32>} : memref<2x1600x32xf32, #tpu.memory_space<vmem>>, vector<16xf32>,
        %add3A_781 = arith.addf %add3A_745, %get3A_780 : vector<16xf32>
        %add3A_782 = arith.constant 4 : i32
        %add3A_783 = arith.addi %add3A_684, %add3A_782 : i32
        %add3A_784 = arith.constant 1 : i32
        %add3A_785 = arith.addi %add3A_783, %add3A_784 : i32
        %get3A_786 = arith.constant 1 : i32
        %get3A_787 = arith.index_cast %get3A_786 : i32 to index
        %get3A_788 = arith.index_cast %add3A_785 : i32 to index
        %get3A_789 = arith.constant 16 : index
        %get3A_790 = tpu.vector_load %arg6[%get3A_787, %get3A_788, %get3A_789] {strides = array<i32>} : memref<2x1600x32xf32, #tpu.memory_space<vmem>>, vector<16xf32>,
        %add3A_791 = arith.addf %add3A_755, %get3A_790 : vector<16xf32>
        %add3A_792 = arith.constant 6 : i32
        %add3A_793 = arith.addi %add3A_684, %add3A_792 : i32
        %get3A_794 = arith.constant 1 : i32
        %get3A_795 = arith.index_cast %get3A_794 : i32 to index
        %get3A_796 = arith.index_cast %add3A_793 : i32 to index
        %get3A_797 = arith.constant 0 : index
        %get3A_798 = tpu.vector_load %arg6[%get3A_795, %get3A_796, %get3A_797] {strides = array<i32>} : memref<2x1600x32xf32, #tpu.memory_space<vmem>>, vector<16xf32>,
        %add3A_799 = arith.addf %add3A_763, %get3A_798 : vector<16xf32>
        %add3A_800 = arith.constant 6 : i32
        %add3A_801 = arith.addi %add3A_684, %add3A_800 : i32
        %get3A_802 = arith.constant 1 : i32
        %get3A_803 = arith.index_cast %get3A_802 : i32 to index
        %get3A_804 = arith.index_cast %add3A_801 : i32 to index
        %get3A_805 = arith.constant 16 : index
        %get3A_806 = tpu.vector_load %arg6[%get3A_803, %get3A_804, %get3A_805] {strides = array<i32>} : memref<2x1600x32xf32, #tpu.memory_space<vmem>>, vector<16xf32>,
        %add3A_807 = arith.addf %add3A_771, %get3A_806 : vector<16xf32>
        %add3A_808 = arith.constant 6 : i32
        %add3A_809 = arith.addi %add3A_684, %add3A_808 : i32
        %add3A_810 = arith.constant 1 : i32
        %add3A_811 = arith.addi %add3A_809, %add3A_810 : i32
        %get3A_812 = arith.constant 1 : i32
        %get3A_813 = arith.index_cast %get3A_812 : i32 to index
        %get3A_814 = arith.index_cast %add3A_811 : i32 to index
        %get3A_815 = arith.constant 0 : index
        %get3A_816 = tpu.vector_load %arg6[%get3A_813, %get3A_814, %get3A_815] {strides = array<i32>} : memref<2x1600x32xf32, #tpu.memory_space<vmem>>, vector<16xf32>,
        %add3A_817 = arith.addf %add3A_781, %get3A_816 : vector<16xf32>
        %add3A_818 = arith.constant 6 : i32
        %add3A_819 = arith.addi %add3A_684, %add3A_818 : i32
        %add3A_820 = arith.constant 1 : i32
        %add3A_821 = arith.addi %add3A_819, %add3A_820 : i32
        %get3A_822 = arith.constant 1 : i32
        %get3A_823 = arith.index_cast %get3A_822 : i32 to index
        %get3A_824 = arith.index_cast %add3A_821 : i32 to index
        %get3A_825 = arith.constant 16 : index
        %get3A_826 = tpu.vector_load %arg6[%get3A_823, %get3A_824, %get3A_825] {strides = array<i32>} : memref<2x1600x32xf32, #tpu.memory_space<vmem>>, vector<16xf32>,
        %add3A_827 = arith.addf %add3A_791, %get3A_826 : vector<16xf32>
        scf.yield %add3A_799, %add3A_807, %add3A_817, %add3A_827 : vector<16xf32>, vector<16xf32>, vector<16xf32>, vector<16xf32>
      }
      %scan3A_494 = arith.constant 25 : i32
      %add3A_495 = arith.addf %scan3A_493#0, %scan3A_493#2 : vector<16xf32>
      %swap3A_496 = arith.constant 1 : i32
      %swap3A_497 = arith.constant 0 : i32
      %swap3A_498 = arith.index_cast %swap3A_496 : i32 to index
      %swap3A_499 = arith.index_cast %swap3A_497 : i32 to index
      %swap3A_500 = arith.constant 0 : index
      %swap3A_501 = tpu.vector_load %arg7[%swap3A_498, %swap3A_499, %swap3A_500] {strides = array<i32>} : memref<2x8x32xf32, #tpu.memory_space<vmem>>, vector<16xf32>,
      tpu.vector_store %arg7[%swap3A_498, %swap3A_499, %swap3A_500], %add3A_495 {strides = array<i32>} : memref<2x8x32xf32, #tpu.memory_space<vmem>>, vector<16xf32>,
      %add3A_502 = arith.addf %scan3A_493#1, %scan3A_493#3 : vector<16xf32>
      %swap3A_503 = arith.constant 1 : i32
      %swap3A_504 = arith.constant 0 : i32
      %swap3A_505 = arith.index_cast %swap3A_503 : i32 to index
      %swap3A_506 = arith.index_cast %swap3A_504 : i32 to index
      %swap3A_507 = arith.constant 16 : index
      %swap3A_508 = tpu.vector_load %arg7[%swap3A_505, %swap3A_506, %swap3A_507] {strides = array<i32>} : memref<2x8x32xf32, #tpu.memory_space<vmem>>, vector<16xf32>,
      tpu.vector_store %arg7[%swap3A_505, %swap3A_506, %swap3A_507], %add3A_502 {strides = array<i32>} : memref<2x8x32xf32, #tpu.memory_space<vmem>>, vector<16xf32>,
      %broadcast_in_dim3A_509 = arith.constant 0.000000e+00 : f32
      %broadcast_in_dim3A_510 = vector.broadcast %broadcast_in_dim3A_509 : f32 to vector<16xf32>
      %scan3A_511 = arith.constant 0 : i32
      %scan3A_512 = arith.constant 25 : i32
      %scan3A_513 = arith.addi %scan3A_511, %scan3A_512 : i32
      %scan3A_514 = arith.constant 1 : i32
      %scan3A_515:4 = scf.for %scan3A_676 = %scan3A_511 to %scan3A_513 step %scan3A_514 iter_args(%scan3A_677 = %broadcast_in_dim3A_510, %scan3A_678 = %broadcast_in_dim3A_510, %scan3A_679 = %broadcast_in_dim3A_510, %scan3A_680 = %broadcast_in_dim3A_510) -> (vector<16xf32>, vector<16xf32>, vector<16xf32>, vector<16xf32>)  : i32 {
        %mul3A_681 = arith.constant 8 : i32
        %mul3A_682 = arith.muli %scan3A_676, %mul3A_681 : i32
        %add3A_683 = arith.constant 200 : i32
        %add3A_684 = arith.addi %add3A_683, %mul3A_682 : i32
        %add3A_685 = arith.constant 0 : i32
        %add3A_686 = arith.addi %add3A_684, %add3A_685 : i32
        %get3A = arith.constant 1 : i32
        %get3A_687 = arith.index_cast %get3A : i32 to index
        %get3A_688 = arith.index_cast %add3A_686 : i32 to index
        %get3A_689 = arith.constant 0 : index
        %get3A_690 = tpu.vector_load %arg6[%get3A_687, %get3A_688, %get3A_689] {strides = array<i32>} : memref<2x1600x32xf32, #tpu.memory_space<vmem>>, vector<16xf32>,
        %add3A_691 = arith.addf %scan3A_677, %get3A_690 : vector<16xf32>
        %add3A_692 = arith.constant 0 : i32
        %add3A_693 = arith.addi %add3A_684, %add3A_692 : i32
        %get3A_694 = arith.constant 1 : i32
        %get3A_695 = arith.index_cast %get3A_694 : i32 to index
        %get3A_696 = arith.index_cast %add3A_693 : i32 to index
        %get3A_697 = arith.constant 16 : index
        %get3A_698 = tpu.vector_load %arg6[%get3A_695, %get3A_696, %get3A_697] {strides = array<i32>} : memref<2x1600x32xf32, #tpu.memory_space<vmem>>, vector<16xf32>,
        %add3A_699 = arith.addf %scan3A_678, %get3A_698 : vector<16xf32>
        %add3A_700 = arith.constant 0 : i32
        %add3A_701 = arith.addi %add3A_684, %add3A_700 : i32
        %add3A_702 = arith.constant 1 : i32
        %add3A_703 = arith.addi %add3A_701, %add3A_702 : i32
        %get3A_704 = arith.constant 1 : i32
        %get3A_705 = arith.index_cast %get3A_704 : i32 to index
        %get3A_706 = arith.index_cast %add3A_703 : i32 to index
        %get3A_707 = arith.constant 0 : index
        %get3A_708 = tpu.vector_load %arg6[%get3A_705, %get3A_706, %get3A_707] {strides = array<i32>} : memref<2x1600x32xf32, #tpu.memory_space<vmem>>, vector<16xf32>,
        %add3A_709 = arith.addf %scan3A_679, %get3A_708 : vector<16xf32>
        %add3A_710 = arith.constant 0 : i32
        %add3A_711 = arith.addi %add3A_684, %add3A_710 : i32
        %add3A_712 = arith.constant 1 : i32
        %add3A_713 = arith.addi %add3A_711, %add3A_712 : i32
        %get3A_714 = arith.constant 1 : i32
        %get3A_715 = arith.index_cast %get3A_714 : i32 to index
        %get3A_716 = arith.index_cast %add3A_713 : i32 to index
        %get3A_717 = arith.constant 16 : index
        %get3A_718 = tpu.vector_load %arg6[%get3A_715, %get3A_716, %get3A_717] {strides = array<i32>} : memref<2x1600x32xf32, #tpu.memory_space<vmem>>, vector<16xf32>,
        %add3A_719 = arith.addf %scan3A_680, %get3A_718 : vector<16xf32>
        %add3A_720 = arith.constant 2 : i32
        %add3A_721 = arith.addi %add3A_684, %add3A_720 : i32
        %get3A_722 = arith.constant 1 : i32
        %get3A_723 = arith.index_cast %get3A_722 : i32 to index
        %get3A_724 = arith.index_cast %add3A_721 : i32 to index
        %get3A_725 = arith.constant 0 : index
        %get3A_726 = tpu.vector_load %arg6[%get3A_723, %get3A_724, %get3A_725] {strides = array<i32>} : memref<2x1600x32xf32, #tpu.memory_space<vmem>>, vector<16xf32>,
        %add3A_727 = arith.addf %add3A_691, %get3A_726 : vector<16xf32>
        %add3A_728 = arith.constant 2 : i32
        %add3A_729 = arith.addi %add3A_684, %add3A_728 : i32
        %get3A_730 = arith.constant 1 : i32
        %get3A_731 = arith.index_cast %get3A_730 : i32 to index
        %get3A_732 = arith.index_cast %add3A_729 : i32 to index
        %get3A_733 = arith.constant 16 : index
        %get3A_734 = tpu.vector_load %arg6[%get3A_731, %get3A_732, %get3A_733] {strides = array<i32>} : memref<2x1600x32xf32, #tpu.memory_space<vmem>>, vector<16xf32>,
        %add3A_735 = arith.addf %add3A_699, %get3A_734 : vector<16xf32>
        %add3A_736 = arith.constant 2 : i32
        %add3A_737 = arith.addi %add3A_684, %add3A_736 : i32
        %add3A_738 = arith.constant 1 : i32
        %add3A_739 = arith.addi %add3A_737, %add3A_738 : i32
        %get3A_740 = arith.constant 1 : i32
        %get3A_741 = arith.index_cast %get3A_740 : i32 to index
        %get3A_742 = arith.index_cast %add3A_739 : i32 to index
        %get3A_743 = arith.constant 0 : index
        %get3A_744 = tpu.vector_load %arg6[%get3A_741, %get3A_742, %get3A_743] {strides = array<i32>} : memref<2x1600x32xf32, #tpu.memory_space<vmem>>, vector<16xf32>,
        %add3A_745 = arith.addf %add3A_709, %get3A_744 : vector<16xf32>
        %add3A_746 = arith.constant 2 : i32
        %add3A_747 = arith.addi %add3A_684, %add3A_746 : i32
        %add3A_748 = arith.constant 1 : i32
        %add3A_749 = arith.addi %add3A_747, %add3A_748 : i32
        %get3A_750 = arith.constant 1 : i32
        %get3A_751 = arith.index_cast %get3A_750 : i32 to index
        %get3A_752 = arith.index_cast %add3A_749 : i32 to index
        %get3A_753 = arith.constant 16 : index
        %get3A_754 = tpu.vector_load %arg6[%get3A_751, %get3A_752, %get3A_753] {strides = array<i32>} : memref<2x1600x32xf32, #tpu.memory_space<vmem>>, vector<16xf32>,
        %add3A_755 = arith.addf %add3A_719, %get3A_754 : vector<16xf32>
        %add3A_756 = arith.constant 4 : i32
        %add3A_757 = arith.addi %add3A_684, %add3A_756 : i32
        %get3A_758 = arith.constant 1 : i32
        %get3A_759 = arith.index_cast %get3A_758 : i32 to index
        %get3A_760 = arith.index_cast %add3A_757 : i32 to index
        %get3A_761 = arith.constant 0 : index
        %get3A_762 = tpu.vector_load %arg6[%get3A_759, %get3A_760, %get3A_761] {strides = array<i32>} : memref<2x1600x32xf32, #tpu.memory_space<vmem>>, vector<16xf32>,
        %add3A_763 = arith.addf %add3A_727, %get3A_762 : vector<16xf32>
        %add3A_764 = arith.constant 4 : i32
        %add3A_765 = arith.addi %add3A_684, %add3A_764 : i32
        %get3A_766 = arith.constant 1 : i32
        %get3A_767 = arith.index_cast %get3A_766 : i32 to index
        %get3A_768 = arith.index_cast %add3A_765 : i32 to index
        %get3A_769 = arith.constant 16 : index
        %get3A_770 = tpu.vector_load %arg6[%get3A_767, %get3A_768, %get3A_769] {strides = array<i32>} : memref<2x1600x32xf32, #tpu.memory_space<vmem>>, vector<16xf32>,
        %add3A_771 = arith.addf %add3A_735, %get3A_770 : vector<16xf32>
        %add3A_772 = arith.constant 4 : i32
        %add3A_773 = arith.addi %add3A_684, %add3A_772 : i32
        %add3A_774 = arith.constant 1 : i32
        %add3A_775 = arith.addi %add3A_773, %add3A_774 : i32
        %get3A_776 = arith.constant 1 : i32
        %get3A_777 = arith.index_cast %get3A_776 : i32 to index
        %get3A_778 = arith.index_cast %add3A_775 : i32 to index
        %get3A_779 = arith.constant 0 : index
        %get3A_780 = tpu.vector_load %arg6[%get3A_777, %get3A_778, %get3A_779] {strides = array<i32>} : memref<2x1600x32xf32, #tpu.memory_space<vmem>>, vector<16xf32>,
        %add3A_781 = arith.addf %add3A_745, %get3A_780 : vector<16xf32>
        %add3A_782 = arith.constant 4 : i32
        %add3A_783 = arith.addi %add3A_684, %add3A_782 : i32
        %add3A_784 = arith.constant 1 : i32
        %add3A_785 = arith.addi %add3A_783, %add3A_784 : i32
        %get3A_786 = arith.constant 1 : i32
        %get3A_787 = arith.index_cast %get3A_786 : i32 to index
        %get3A_788 = arith.index_cast %add3A_785 : i32 to index
        %get3A_789 = arith.constant 16 : index
        %get3A_790 = tpu.vector_load %arg6[%get3A_787, %get3A_788, %get3A_789] {strides = array<i32>} : memref<2x1600x32xf32, #tpu.memory_space<vmem>>, vector<16xf32>,
        %add3A_791 = arith.addf %add3A_755, %get3A_790 : vector<16xf32>
        %add3A_792 = arith.constant 6 : i32
        %add3A_793 = arith.addi %add3A_684, %add3A_792 : i32
        %get3A_794 = arith.constant 1 : i32
        %get3A_795 = arith.index_cast %get3A_794 : i32 to index
        %get3A_796 = arith.index_cast %add3A_793 : i32 to index
        %get3A_797 = arith.constant 0 : index
        %get3A_798 = tpu.vector_load %arg6[%get3A_795, %get3A_796, %get3A_797] {strides = array<i32>} : memref<2x1600x32xf32, #tpu.memory_space<vmem>>, vector<16xf32>,
        %add3A_799 = arith.addf %add3A_763, %get3A_798 : vector<16xf32>
        %add3A_800 = arith.constant 6 : i32
        %add3A_801 = arith.addi %add3A_684, %add3A_800 : i32
        %get3A_802 = arith.constant 1 : i32
        %get3A_803 = arith.index_cast %get3A_802 : i32 to index
        %get3A_804 = arith.index_cast %add3A_801 : i32 to index
        %get3A_805 = arith.constant 16 : index
        %get3A_806 = tpu.vector_load %arg6[%get3A_803, %get3A_804, %get3A_805] {strides = array<i32>} : memref<2x1600x32xf32, #tpu.memory_space<vmem>>, vector<16xf32>,
        %add3A_807 = arith.addf %add3A_771, %get3A_806 : vector<16xf32>
        %add3A_808 = arith.constant 6 : i32
        %add3A_809 = arith.addi %add3A_684, %add3A_808 : i32
        %add3A_810 = arith.constant 1 : i32
        %add3A_811 = arith.addi %add3A_809, %add3A_810 : i32
        %get3A_812 = arith.constant 1 : i32
        %get3A_813 = arith.index_cast %get3A_812 : i32 to index
        %get3A_814 = arith.index_cast %add3A_811 : i32 to index
        %get3A_815 = arith.constant 0 : index
        %get3A_816 = tpu.vector_load %arg6[%get3A_813, %get3A_814, %get3A_815] {strides = array<i32>} : memref<2x1600x32xf32, #tpu.memory_space<vmem>>, vector<16xf32>,
        %add3A_817 = arith.addf %add3A_781, %get3A_816 : vector<16xf32>
        %add3A_818 = arith.constant 6 : i32
        %add3A_819 = arith.addi %add3A_684, %add3A_818 : i32
        %add3A_820 = arith.constant 1 : i32
        %add3A_821 = arith.addi %add3A_819, %add3A_820 : i32
        %get3A_822 = arith.constant 1 : i32
        %get3A_823 = arith.index_cast %get3A_822 : i32 to index
        %get3A_824 = arith.index_cast %add3A_821 : i32 to index
        %get3A_825 = arith.constant 16 : index
        %get3A_826 = tpu.vector_load %arg6[%get3A_823, %get3A_824, %get3A_825] {strides = array<i32>} : memref<2x1600x32xf32, #tpu.memory_space<vmem>>, vector<16xf32>,
        %add3A_827 = arith.addf %add3A_791, %get3A_826 : vector<16xf32>
        scf.yield %add3A_799, %add3A_807, %add3A_817, %add3A_827 : vector<16xf32>, vector<16xf32>, vector<16xf32>, vector<16xf32>
      }
      %scan3A_516 = arith.constant 25 : i32
      %add3A_517 = arith.addf %scan3A_515#0, %scan3A_515#2 : vector<16xf32>
      %swap3A_518 = arith.constant 1 : i32
      %swap3A_519 = arith.constant 1 : i32
      %swap3A_520 = arith.index_cast %swap3A_518 : i32 to index
      %swap3A_521 = arith.index_cast %swap3A_519 : i32 to index
      %swap3A_522 = arith.constant 0 : index
      %swap3A_523 = tpu.vector_load %arg7[%swap3A_520, %swap3A_521, %swap3A_522] {strides = array<i32>} : memref<2x8x32xf32, #tpu.memory_space<vmem>>, vector<16xf32>,
      tpu.vector_store %arg7[%swap3A_520, %swap3A_521, %swap3A_522], %add3A_517 {strides = array<i32>} : memref<2x8x32xf32, #tpu.memory_space<vmem>>, vector<16xf32>,
      %add3A_524 = arith.addf %scan3A_515#1, %scan3A_515#3 : vector<16xf32>
      %swap3A_525 = arith.constant 1 : i32
      %swap3A_526 = arith.constant 1 : i32
      %swap3A_527 = arith.index_cast %swap3A_525 : i32 to index
      %swap3A_528 = arith.index_cast %swap3A_526 : i32 to index
      %swap3A_529 = arith.constant 16 : index
      %swap3A_530 = tpu.vector_load %arg7[%swap3A_527, %swap3A_528, %swap3A_529] {strides = array<i32>} : memref<2x8x32xf32, #tpu.memory_space<vmem>>, vector<16xf32>,
      tpu.vector_store %arg7[%swap3A_527, %swap3A_528, %swap3A_529], %add3A_524 {strides = array<i32>} : memref<2x8x32xf32, #tpu.memory_space<vmem>>, vector<16xf32>,
      %broadcast_in_dim3A_531 = arith.constant 0.000000e+00 : f32
      %broadcast_in_dim3A_532 = vector.broadcast %broadcast_in_dim3A_531 : f32 to vector<16xf32>
      %scan3A_533 = arith.constant 0 : i32
      %scan3A_534 = arith.constant 25 : i32
      %scan3A_535 = arith.addi %scan3A_533, %scan3A_534 : i32
      %scan3A_536 = arith.constant 1 : i32
      %scan3A_537:4 = scf.for %scan3A_676 = %scan3A_533 to %scan3A_535 step %scan3A_536 iter_args(%scan3A_677 = %broadcast_in_dim3A_532, %scan3A_678 = %broadcast_in_dim3A_532, %scan3A_679 = %broadcast_in_dim3A_532, %scan3A_680 = %broadcast_in_dim3A_532) -> (vector<16xf32>, vector<16xf32>, vector<16xf32>, vector<16xf32>)  : i32 {
        %mul3A_681 = arith.constant 8 : i32
        %mul3A_682 = arith.muli %scan3A_676, %mul3A_681 : i32
        %add3A_683 = arith.constant 400 : i32
        %add3A_684 = arith.addi %add3A_683, %mul3A_682 : i32
        %add3A_685 = arith.constant 0 : i32
        %add3A_686 = arith.addi %add3A_684, %add3A_685 : i32
        %get3A = arith.constant 1 : i32
        %get3A_687 = arith.index_cast %get3A : i32 to index
        %get3A_688 = arith.index_cast %add3A_686 : i32 to index
        %get3A_689 = arith.constant 0 : index
        %get3A_690 = tpu.vector_load %arg6[%get3A_687, %get3A_688, %get3A_689] {strides = array<i32>} : memref<2x1600x32xf32, #tpu.memory_space<vmem>>, vector<16xf32>,
        %add3A_691 = arith.addf %scan3A_677, %get3A_690 : vector<16xf32>
        %add3A_692 = arith.constant 0 : i32
        %add3A_693 = arith.addi %add3A_684, %add3A_692 : i32
        %get3A_694 = arith.constant 1 : i32
        %get3A_695 = arith.index_cast %get3A_694 : i32 to index
        %get3A_696 = arith.index_cast %add3A_693 : i32 to index
        %get3A_697 = arith.constant 16 : index
        %get3A_698 = tpu.vector_load %arg6[%get3A_695, %get3A_696, %get3A_697] {strides = array<i32>} : memref<2x1600x32xf32, #tpu.memory_space<vmem>>, vector<16xf32>,
        %add3A_699 = arith.addf %scan3A_678, %get3A_698 : vector<16xf32>
        %add3A_700 = arith.constant 0 : i32
        %add3A_701 = arith.addi %add3A_684, %add3A_700 : i32
        %add3A_702 = arith.constant 1 : i32
        %add3A_703 = arith.addi %add3A_701, %add3A_702 : i32
        %get3A_704 = arith.constant 1 : i32
        %get3A_705 = arith.index_cast %get3A_704 : i32 to index
        %get3A_706 = arith.index_cast %add3A_703 : i32 to index
        %get3A_707 = arith.constant 0 : index
        %get3A_708 = tpu.vector_load %arg6[%get3A_705, %get3A_706, %get3A_707] {strides = array<i32>} : memref<2x1600x32xf32, #tpu.memory_space<vmem>>, vector<16xf32>,
        %add3A_709 = arith.addf %scan3A_679, %get3A_708 : vector<16xf32>
        %add3A_710 = arith.constant 0 : i32
        %add3A_711 = arith.addi %add3A_684, %add3A_710 : i32
        %add3A_712 = arith.constant 1 : i32
        %add3A_713 = arith.addi %add3A_711, %add3A_712 : i32
        %get3A_714 = arith.constant 1 : i32
        %get3A_715 = arith.index_cast %get3A_714 : i32 to index
        %get3A_716 = arith.index_cast %add3A_713 : i32 to index
        %get3A_717 = arith.constant 16 : index
        %get3A_718 = tpu.vector_load %arg6[%get3A_715, %get3A_716, %get3A_717] {strides = array<i32>} : memref<2x1600x32xf32, #tpu.memory_space<vmem>>, vector<16xf32>,
        %add3A_719 = arith.addf %scan3A_680, %get3A_718 : vector<16xf32>
        %add3A_720 = arith.constant 2 : i32
        %add3A_721 = arith.addi %add3A_684, %add3A_720 : i32
        %get3A_722 = arith.constant 1 : i32
        %get3A_723 = arith.index_cast %get3A_722 : i32 to index
        %get3A_724 = arith.index_cast %add3A_721 : i32 to index
        %get3A_725 = arith.constant 0 : index
        %get3A_726 = tpu.vector_load %arg6[%get3A_723, %get3A_724, %get3A_725] {strides = array<i32>} : memref<2x1600x32xf32, #tpu.memory_space<vmem>>, vector<16xf32>,
        %add3A_727 = arith.addf %add3A_691, %get3A_726 : vector<16xf32>
        %add3A_728 = arith.constant 2 : i32
        %add3A_729 = arith.addi %add3A_684, %add3A_728 : i32
        %get3A_730 = arith.constant 1 : i32
        %get3A_731 = arith.index_cast %get3A_730 : i32 to index
        %get3A_732 = arith.index_cast %add3A_729 : i32 to index
        %get3A_733 = arith.constant 16 : index
        %get3A_734 = tpu.vector_load %arg6[%get3A_731, %get3A_732, %get3A_733] {strides = array<i32>} : memref<2x1600x32xf32, #tpu.memory_space<vmem>>, vector<16xf32>,
        %add3A_735 = arith.addf %add3A_699, %get3A_734 : vector<16xf32>
        %add3A_736 = arith.constant 2 : i32
        %add3A_737 = arith.addi %add3A_684, %add3A_736 : i32
        %add3A_738 = arith.constant 1 : i32
        %add3A_739 = arith.addi %add3A_737, %add3A_738 : i32
        %get3A_740 = arith.constant 1 : i32
        %get3A_741 = arith.index_cast %get3A_740 : i32 to index
        %get3A_742 = arith.index_cast %add3A_739 : i32 to index
        %get3A_743 = arith.constant 0 : index
        %get3A_744 = tpu.vector_load %arg6[%get3A_741, %get3A_742, %get3A_743] {strides = array<i32>} : memref<2x1600x32xf32, #tpu.memory_space<vmem>>, vector<16xf32>,
        %add3A_745 = arith.addf %add3A_709, %get3A_744 : vector<16xf32>
        %add3A_746 = arith.constant 2 : i32
        %add3A_747 = arith.addi %add3A_684, %add3A_746 : i32
        %add3A_748 = arith.constant 1 : i32
        %add3A_749 = arith.addi %add3A_747, %add3A_748 : i32
        %get3A_750 = arith.constant 1 : i32
        %get3A_751 = arith.index_cast %get3A_750 : i32 to index
        %get3A_752 = arith.index_cast %add3A_749 : i32 to index
        %get3A_753 = arith.constant 16 : index
        %get3A_754 = tpu.vector_load %arg6[%get3A_751, %get3A_752, %get3A_753] {strides = array<i32>} : memref<2x1600x32xf32, #tpu.memory_space<vmem>>, vector<16xf32>,
        %add3A_755 = arith.addf %add3A_719, %get3A_754 : vector<16xf32>
        %add3A_756 = arith.constant 4 : i32
        %add3A_757 = arith.addi %add3A_684, %add3A_756 : i32
        %get3A_758 = arith.constant 1 : i32
        %get3A_759 = arith.index_cast %get3A_758 : i32 to index
        %get3A_760 = arith.index_cast %add3A_757 : i32 to index
        %get3A_761 = arith.constant 0 : index
        %get3A_762 = tpu.vector_load %arg6[%get3A_759, %get3A_760, %get3A_761] {strides = array<i32>} : memref<2x1600x32xf32, #tpu.memory_space<vmem>>, vector<16xf32>,
        %add3A_763 = arith.addf %add3A_727, %get3A_762 : vector<16xf32>
        %add3A_764 = arith.constant 4 : i32
        %add3A_765 = arith.addi %add3A_684, %add3A_764 : i32
        %get3A_766 = arith.constant 1 : i32
        %get3A_767 = arith.index_cast %get3A_766 : i32 to index
        %get3A_768 = arith.index_cast %add3A_765 : i32 to index
        %get3A_769 = arith.constant 16 : index
        %get3A_770 = tpu.vector_load %arg6[%get3A_767, %get3A_768, %get3A_769] {strides = array<i32>} : memref<2x1600x32xf32, #tpu.memory_space<vmem>>, vector<16xf32>,
        %add3A_771 = arith.addf %add3A_735, %get3A_770 : vector<16xf32>
        %add3A_772 = arith.constant 4 : i32
        %add3A_773 = arith.addi %add3A_684, %add3A_772 : i32
        %add3A_774 = arith.constant 1 : i32
        %add3A_775 = arith.addi %add3A_773, %add3A_774 : i32
        %get3A_776 = arith.constant 1 : i32
        %get3A_777 = arith.index_cast %get3A_776 : i32 to index
        %get3A_778 = arith.index_cast %add3A_775 : i32 to index
        %get3A_779 = arith.constant 0 : index
        %get3A_780 = tpu.vector_load %arg6[%get3A_777, %get3A_778, %get3A_779] {strides = array<i32>} : memref<2x1600x32xf32, #tpu.memory_space<vmem>>, vector<16xf32>,
        %add3A_781 = arith.addf %add3A_745, %get3A_780 : vector<16xf32>
        %add3A_782 = arith.constant 4 : i32
        %add3A_783 = arith.addi %add3A_684, %add3A_782 : i32
        %add3A_784 = arith.constant 1 : i32
        %add3A_785 = arith.addi %add3A_783, %add3A_784 : i32
        %get3A_786 = arith.constant 1 : i32
        %get3A_787 = arith.index_cast %get3A_786 : i32 to index
        %get3A_788 = arith.index_cast %add3A_785 : i32 to index
        %get3A_789 = arith.constant 16 : index
        %get3A_790 = tpu.vector_load %arg6[%get3A_787, %get3A_788, %get3A_789] {strides = array<i32>} : memref<2x1600x32xf32, #tpu.memory_space<vmem>>, vector<16xf32>,
        %add3A_791 = arith.addf %add3A_755, %get3A_790 : vector<16xf32>
        %add3A_792 = arith.constant 6 : i32
        %add3A_793 = arith.addi %add3A_684, %add3A_792 : i32
        %get3A_794 = arith.constant 1 : i32
        %get3A_795 = arith.index_cast %get3A_794 : i32 to index
        %get3A_796 = arith.index_cast %add3A_793 : i32 to index
        %get3A_797 = arith.constant 0 : index
        %get3A_798 = tpu.vector_load %arg6[%get3A_795, %get3A_796, %get3A_797] {strides = array<i32>} : memref<2x1600x32xf32, #tpu.memory_space<vmem>>, vector<16xf32>,
        %add3A_799 = arith.addf %add3A_763, %get3A_798 : vector<16xf32>
        %add3A_800 = arith.constant 6 : i32
        %add3A_801 = arith.addi %add3A_684, %add3A_800 : i32
        %get3A_802 = arith.constant 1 : i32
        %get3A_803 = arith.index_cast %get3A_802 : i32 to index
        %get3A_804 = arith.index_cast %add3A_801 : i32 to index
        %get3A_805 = arith.constant 16 : index
        %get3A_806 = tpu.vector_load %arg6[%get3A_803, %get3A_804, %get3A_805] {strides = array<i32>} : memref<2x1600x32xf32, #tpu.memory_space<vmem>>, vector<16xf32>,
        %add3A_807 = arith.addf %add3A_771, %get3A_806 : vector<16xf32>
        %add3A_808 = arith.constant 6 : i32
        %add3A_809 = arith.addi %add3A_684, %add3A_808 : i32
        %add3A_810 = arith.constant 1 : i32
        %add3A_811 = arith.addi %add3A_809, %add3A_810 : i32
        %get3A_812 = arith.constant 1 : i32
        %get3A_813 = arith.index_cast %get3A_812 : i32 to index
        %get3A_814 = arith.index_cast %add3A_811 : i32 to index
        %get3A_815 = arith.constant 0 : index
        %get3A_816 = tpu.vector_load %arg6[%get3A_813, %get3A_814, %get3A_815] {strides = array<i32>} : memref<2x1600x32xf32, #tpu.memory_space<vmem>>, vector<16xf32>,
        %add3A_817 = arith.addf %add3A_781, %get3A_816 : vector<16xf32>
        %add3A_818 = arith.constant 6 : i32
        %add3A_819 = arith.addi %add3A_684, %add3A_818 : i32
        %add3A_820 = arith.constant 1 : i32
        %add3A_821 = arith.addi %add3A_819, %add3A_820 : i32
        %get3A_822 = arith.constant 1 : i32
        %get3A_823 = arith.index_cast %get3A_822 : i32 to index
        %get3A_824 = arith.index_cast %add3A_821 : i32 to index
        %get3A_825 = arith.constant 16 : index
        %get3A_826 = tpu.vector_load %arg6[%get3A_823, %get3A_824, %get3A_825] {strides = array<i32>} : memref<2x1600x32xf32, #tpu.memory_space<vmem>>, vector<16xf32>,
        %add3A_827 = arith.addf %add3A_791, %get3A_826 : vector<16xf32>
        scf.yield %add3A_799, %add3A_807, %add3A_817, %add3A_827 : vector<16xf32>, vector<16xf32>, vector<16xf32>, vector<16xf32>
      }
      %scan3A_538 = arith.constant 25 : i32
      %add3A_539 = arith.addf %scan3A_537#0, %scan3A_537#2 : vector<16xf32>
      %swap3A_540 = arith.constant 1 : i32
      %swap3A_541 = arith.constant 2 : i32
      %swap3A_542 = arith.index_cast %swap3A_540 : i32 to index
      %swap3A_543 = arith.index_cast %swap3A_541 : i32 to index
      %swap3A_544 = arith.constant 0 : index
      %swap3A_545 = tpu.vector_load %arg7[%swap3A_542, %swap3A_543, %swap3A_544] {strides = array<i32>} : memref<2x8x32xf32, #tpu.memory_space<vmem>>, vector<16xf32>,
      tpu.vector_store %arg7[%swap3A_542, %swap3A_543, %swap3A_544], %add3A_539 {strides = array<i32>} : memref<2x8x32xf32, #tpu.memory_space<vmem>>, vector<16xf32>,
      %add3A_546 = arith.addf %scan3A_537#1, %scan3A_537#3 : vector<16xf32>
      %swap3A_547 = arith.constant 1 : i32
      %swap3A_548 = arith.constant 2 : i32
      %swap3A_549 = arith.index_cast %swap3A_547 : i32 to index
      %swap3A_550 = arith.index_cast %swap3A_548 : i32 to index
      %swap3A_551 = arith.constant 16 : index
      %swap3A_552 = tpu.vector_load %arg7[%swap3A_549, %swap3A_550, %swap3A_551] {strides = array<i32>} : memref<2x8x32xf32, #tpu.memory_space<vmem>>, vector<16xf32>,
      tpu.vector_store %arg7[%swap3A_549, %swap3A_550, %swap3A_551], %add3A_546 {strides = array<i32>} : memref<2x8x32xf32, #tpu.memory_space<vmem>>, vector<16xf32>,
      %broadcast_in_dim3A_553 = arith.constant 0.000000e+00 : f32
      %broadcast_in_dim3A_554 = vector.broadcast %broadcast_in_dim3A_553 : f32 to vector<16xf32>
      %scan3A_555 = arith.constant 0 : i32
      %scan3A_556 = arith.constant 25 : i32
      %scan3A_557 = arith.addi %scan3A_555, %scan3A_556 : i32
      %scan3A_558 = arith.constant 1 : i32
      %scan3A_559:4 = scf.for %scan3A_676 = %scan3A_555 to %scan3A_557 step %scan3A_558 iter_args(%scan3A_677 = %broadcast_in_dim3A_554, %scan3A_678 = %broadcast_in_dim3A_554, %scan3A_679 = %broadcast_in_dim3A_554, %scan3A_680 = %broadcast_in_dim3A_554) -> (vector<16xf32>, vector<16xf32>, vector<16xf32>, vector<16xf32>)  : i32 {
        %mul3A_681 = arith.constant 8 : i32
        %mul3A_682 = arith.muli %scan3A_676, %mul3A_681 : i32
        %add3A_683 = arith.constant 600 : i32
        %add3A_684 = arith.addi %add3A_683, %mul3A_682 : i32
        %add3A_685 = arith.constant 0 : i32
        %add3A_686 = arith.addi %add3A_684, %add3A_685 : i32
        %get3A = arith.constant 1 : i32
        %get3A_687 = arith.index_cast %get3A : i32 to index
        %get3A_688 = arith.index_cast %add3A_686 : i32 to index
        %get3A_689 = arith.constant 0 : index
        %get3A_690 = tpu.vector_load %arg6[%get3A_687, %get3A_688, %get3A_689] {strides = array<i32>} : memref<2x1600x32xf32, #tpu.memory_space<vmem>>, vector<16xf32>,
        %add3A_691 = arith.addf %scan3A_677, %get3A_690 : vector<16xf32>
        %add3A_692 = arith.constant 0 : i32
        %add3A_693 = arith.addi %add3A_684, %add3A_692 : i32
        %get3A_694 = arith.constant 1 : i32
        %get3A_695 = arith.index_cast %get3A_694 : i32 to index
        %get3A_696 = arith.index_cast %add3A_693 : i32 to index
        %get3A_697 = arith.constant 16 : index
        %get3A_698 = tpu.vector_load %arg6[%get3A_695, %get3A_696, %get3A_697] {strides = array<i32>} : memref<2x1600x32xf32, #tpu.memory_space<vmem>>, vector<16xf32>,
        %add3A_699 = arith.addf %scan3A_678, %get3A_698 : vector<16xf32>
        %add3A_700 = arith.constant 0 : i32
        %add3A_701 = arith.addi %add3A_684, %add3A_700 : i32
        %add3A_702 = arith.constant 1 : i32
        %add3A_703 = arith.addi %add3A_701, %add3A_702 : i32
        %get3A_704 = arith.constant 1 : i32
        %get3A_705 = arith.index_cast %get3A_704 : i32 to index
        %get3A_706 = arith.index_cast %add3A_703 : i32 to index
        %get3A_707 = arith.constant 0 : index
        %get3A_708 = tpu.vector_load %arg6[%get3A_705, %get3A_706, %get3A_707] {strides = array<i32>} : memref<2x1600x32xf32, #tpu.memory_space<vmem>>, vector<16xf32>,
        %add3A_709 = arith.addf %scan3A_679, %get3A_708 : vector<16xf32>
        %add3A_710 = arith.constant 0 : i32
        %add3A_711 = arith.addi %add3A_684, %add3A_710 : i32
        %add3A_712 = arith.constant 1 : i32
        %add3A_713 = arith.addi %add3A_711, %add3A_712 : i32
        %get3A_714 = arith.constant 1 : i32
        %get3A_715 = arith.index_cast %get3A_714 : i32 to index
        %get3A_716 = arith.index_cast %add3A_713 : i32 to index
        %get3A_717 = arith.constant 16 : index
        %get3A_718 = tpu.vector_load %arg6[%get3A_715, %get3A_716, %get3A_717] {strides = array<i32>} : memref<2x1600x32xf32, #tpu.memory_space<vmem>>, vector<16xf32>,
        %add3A_719 = arith.addf %scan3A_680, %get3A_718 : vector<16xf32>
        %add3A_720 = arith.constant 2 : i32
        %add3A_721 = arith.addi %add3A_684, %add3A_720 : i32
        %get3A_722 = arith.constant 1 : i32
        %get3A_723 = arith.index_cast %get3A_722 : i32 to index
        %get3A_724 = arith.index_cast %add3A_721 : i32 to index
        %get3A_725 = arith.constant 0 : index
        %get3A_726 = tpu.vector_load %arg6[%get3A_723, %get3A_724, %get3A_725] {strides = array<i32>} : memref<2x1600x32xf32, #tpu.memory_space<vmem>>, vector<16xf32>,
        %add3A_727 = arith.addf %add3A_691, %get3A_726 : vector<16xf32>
        %add3A_728 = arith.constant 2 : i32
        %add3A_729 = arith.addi %add3A_684, %add3A_728 : i32
        %get3A_730 = arith.constant 1 : i32
        %get3A_731 = arith.index_cast %get3A_730 : i32 to index
        %get3A_732 = arith.index_cast %add3A_729 : i32 to index
        %get3A_733 = arith.constant 16 : index
        %get3A_734 = tpu.vector_load %arg6[%get3A_731, %get3A_732, %get3A_733] {strides = array<i32>} : memref<2x1600x32xf32, #tpu.memory_space<vmem>>, vector<16xf32>,
        %add3A_735 = arith.addf %add3A_699, %get3A_734 : vector<16xf32>
        %add3A_736 = arith.constant 2 : i32
        %add3A_737 = arith.addi %add3A_684, %add3A_736 : i32
        %add3A_738 = arith.constant 1 : i32
        %add3A_739 = arith.addi %add3A_737, %add3A_738 : i32
        %get3A_740 = arith.constant 1 : i32
        %get3A_741 = arith.index_cast %get3A_740 : i32 to index
        %get3A_742 = arith.index_cast %add3A_739 : i32 to index
        %get3A_743 = arith.constant 0 : index
        %get3A_744 = tpu.vector_load %arg6[%get3A_741, %get3A_742, %get3A_743] {strides = array<i32>} : memref<2x1600x32xf32, #tpu.memory_space<vmem>>, vector<16xf32>,
        %add3A_745 = arith.addf %add3A_709, %get3A_744 : vector<16xf32>
        %add3A_746 = arith.constant 2 : i32
        %add3A_747 = arith.addi %add3A_684, %add3A_746 : i32
        %add3A_748 = arith.constant 1 : i32
        %add3A_749 = arith.addi %add3A_747, %add3A_748 : i32
        %get3A_750 = arith.constant 1 : i32
        %get3A_751 = arith.index_cast %get3A_750 : i32 to index
        %get3A_752 = arith.index_cast %add3A_749 : i32 to index
        %get3A_753 = arith.constant 16 : index
        %get3A_754 = tpu.vector_load %arg6[%get3A_751, %get3A_752, %get3A_753] {strides = array<i32>} : memref<2x1600x32xf32, #tpu.memory_space<vmem>>, vector<16xf32>,
        %add3A_755 = arith.addf %add3A_719, %get3A_754 : vector<16xf32>
        %add3A_756 = arith.constant 4 : i32
        %add3A_757 = arith.addi %add3A_684, %add3A_756 : i32
        %get3A_758 = arith.constant 1 : i32
        %get3A_759 = arith.index_cast %get3A_758 : i32 to index
        %get3A_760 = arith.index_cast %add3A_757 : i32 to index
        %get3A_761 = arith.constant 0 : index
        %get3A_762 = tpu.vector_load %arg6[%get3A_759, %get3A_760, %get3A_761] {strides = array<i32>} : memref<2x1600x32xf32, #tpu.memory_space<vmem>>, vector<16xf32>,
        %add3A_763 = arith.addf %add3A_727, %get3A_762 : vector<16xf32>
        %add3A_764 = arith.constant 4 : i32
        %add3A_765 = arith.addi %add3A_684, %add3A_764 : i32
        %get3A_766 = arith.constant 1 : i32
        %get3A_767 = arith.index_cast %get3A_766 : i32 to index
        %get3A_768 = arith.index_cast %add3A_765 : i32 to index
        %get3A_769 = arith.constant 16 : index
        %get3A_770 = tpu.vector_load %arg6[%get3A_767, %get3A_768, %get3A_769] {strides = array<i32>} : memref<2x1600x32xf32, #tpu.memory_space<vmem>>, vector<16xf32>,
        %add3A_771 = arith.addf %add3A_735, %get3A_770 : vector<16xf32>
        %add3A_772 = arith.constant 4 : i32
        %add3A_773 = arith.addi %add3A_684, %add3A_772 : i32
        %add3A_774 = arith.constant 1 : i32
        %add3A_775 = arith.addi %add3A_773, %add3A_774 : i32
        %get3A_776 = arith.constant 1 : i32
        %get3A_777 = arith.index_cast %get3A_776 : i32 to index
        %get3A_778 = arith.index_cast %add3A_775 : i32 to index
        %get3A_779 = arith.constant 0 : index
        %get3A_780 = tpu.vector_load %arg6[%get3A_777, %get3A_778, %get3A_779] {strides = array<i32>} : memref<2x1600x32xf32, #tpu.memory_space<vmem>>, vector<16xf32>,
        %add3A_781 = arith.addf %add3A_745, %get3A_780 : vector<16xf32>
        %add3A_782 = arith.constant 4 : i32
        %add3A_783 = arith.addi %add3A_684, %add3A_782 : i32
        %add3A_784 = arith.constant 1 : i32
        %add3A_785 = arith.addi %add3A_783, %add3A_784 : i32
        %get3A_786 = arith.constant 1 : i32
        %get3A_787 = arith.index_cast %get3A_786 : i32 to index
        %get3A_788 = arith.index_cast %add3A_785 : i32 to index
        %get3A_789 = arith.constant 16 : index
        %get3A_790 = tpu.vector_load %arg6[%get3A_787, %get3A_788, %get3A_789] {strides = array<i32>} : memref<2x1600x32xf32, #tpu.memory_space<vmem>>, vector<16xf32>,
        %add3A_791 = arith.addf %add3A_755, %get3A_790 : vector<16xf32>
        %add3A_792 = arith.constant 6 : i32
        %add3A_793 = arith.addi %add3A_684, %add3A_792 : i32
        %get3A_794 = arith.constant 1 : i32
        %get3A_795 = arith.index_cast %get3A_794 : i32 to index
        %get3A_796 = arith.index_cast %add3A_793 : i32 to index
        %get3A_797 = arith.constant 0 : index
        %get3A_798 = tpu.vector_load %arg6[%get3A_795, %get3A_796, %get3A_797] {strides = array<i32>} : memref<2x1600x32xf32, #tpu.memory_space<vmem>>, vector<16xf32>,
        %add3A_799 = arith.addf %add3A_763, %get3A_798 : vector<16xf32>
        %add3A_800 = arith.constant 6 : i32
        %add3A_801 = arith.addi %add3A_684, %add3A_800 : i32
        %get3A_802 = arith.constant 1 : i32
        %get3A_803 = arith.index_cast %get3A_802 : i32 to index
        %get3A_804 = arith.index_cast %add3A_801 : i32 to index
        %get3A_805 = arith.constant 16 : index
        %get3A_806 = tpu.vector_load %arg6[%get3A_803, %get3A_804, %get3A_805] {strides = array<i32>} : memref<2x1600x32xf32, #tpu.memory_space<vmem>>, vector<16xf32>,
        %add3A_807 = arith.addf %add3A_771, %get3A_806 : vector<16xf32>
        %add3A_808 = arith.constant 6 : i32
        %add3A_809 = arith.addi %add3A_684, %add3A_808 : i32
        %add3A_810 = arith.constant 1 : i32
        %add3A_811 = arith.addi %add3A_809, %add3A_810 : i32
        %get3A_812 = arith.constant 1 : i32
        %get3A_813 = arith.index_cast %get3A_812 : i32 to index
        %get3A_814 = arith.index_cast %add3A_811 : i32 to index
        %get3A_815 = arith.constant 0 : index
        %get3A_816 = tpu.vector_load %arg6[%get3A_813, %get3A_814, %get3A_815] {strides = array<i32>} : memref<2x1600x32xf32, #tpu.memory_space<vmem>>, vector<16xf32>,
        %add3A_817 = arith.addf %add3A_781, %get3A_816 : vector<16xf32>
        %add3A_818 = arith.constant 6 : i32
        %add3A_819 = arith.addi %add3A_684, %add3A_818 : i32
        %add3A_820 = arith.constant 1 : i32
        %add3A_821 = arith.addi %add3A_819, %add3A_820 : i32
        %get3A_822 = arith.constant 1 : i32
        %get3A_823 = arith.index_cast %get3A_822 : i32 to index
        %get3A_824 = arith.index_cast %add3A_821 : i32 to index
        %get3A_825 = arith.constant 16 : index
        %get3A_826 = tpu.vector_load %arg6[%get3A_823, %get3A_824, %get3A_825] {strides = array<i32>} : memref<2x1600x32xf32, #tpu.memory_space<vmem>>, vector<16xf32>,
        %add3A_827 = arith.addf %add3A_791, %get3A_826 : vector<16xf32>
        scf.yield %add3A_799, %add3A_807, %add3A_817, %add3A_827 : vector<16xf32>, vector<16xf32>, vector<16xf32>, vector<16xf32>
      }
      %scan3A_560 = arith.constant 25 : i32
      %add3A_561 = arith.addf %scan3A_559#0, %scan3A_559#2 : vector<16xf32>
      %swap3A_562 = arith.constant 1 : i32
      %swap3A_563 = arith.constant 3 : i32
      %swap3A_564 = arith.index_cast %swap3A_562 : i32 to index
      %swap3A_565 = arith.index_cast %swap3A_563 : i32 to index
      %swap3A_566 = arith.constant 0 : index
      %swap3A_567 = tpu.vector_load %arg7[%swap3A_564, %swap3A_565, %swap3A_566] {strides = array<i32>} : memref<2x8x32xf32, #tpu.memory_space<vmem>>, vector<16xf32>,
      tpu.vector_store %arg7[%swap3A_564, %swap3A_565, %swap3A_566], %add3A_561 {strides = array<i32>} : memref<2x8x32xf32, #tpu.memory_space<vmem>>, vector<16xf32>,
      %add3A_568 = arith.addf %scan3A_559#1, %scan3A_559#3 : vector<16xf32>
      %swap3A_569 = arith.constant 1 : i32
      %swap3A_570 = arith.constant 3 : i32
      %swap3A_571 = arith.index_cast %swap3A_569 : i32 to index
      %swap3A_572 = arith.index_cast %swap3A_570 : i32 to index
      %swap3A_573 = arith.constant 16 : index
      %swap3A_574 = tpu.vector_load %arg7[%swap3A_571, %swap3A_572, %swap3A_573] {strides = array<i32>} : memref<2x8x32xf32, #tpu.memory_space<vmem>>, vector<16xf32>,
      tpu.vector_store %arg7[%swap3A_571, %swap3A_572, %swap3A_573], %add3A_568 {strides = array<i32>} : memref<2x8x32xf32, #tpu.memory_space<vmem>>, vector<16xf32>,
      %broadcast_in_dim3A_575 = arith.constant 0.000000e+00 : f32
      %broadcast_in_dim3A_576 = vector.broadcast %broadcast_in_dim3A_575 : f32 to vector<16xf32>
      %scan3A_577 = arith.constant 0 : i32
      %scan3A_578 = arith.constant 25 : i32
      %scan3A_579 = arith.addi %scan3A_577, %scan3A_578 : i32
      %scan3A_580 = arith.constant 1 : i32
      %scan3A_581:4 = scf.for %scan3A_676 = %scan3A_577 to %scan3A_579 step %scan3A_580 iter_args(%scan3A_677 = %broadcast_in_dim3A_576, %scan3A_678 = %broadcast_in_dim3A_576, %scan3A_679 = %broadcast_in_dim3A_576, %scan3A_680 = %broadcast_in_dim3A_576) -> (vector<16xf32>, vector<16xf32>, vector<16xf32>, vector<16xf32>)  : i32 {
        %mul3A_681 = arith.constant 8 : i32
        %mul3A_682 = arith.muli %scan3A_676, %mul3A_681 : i32
        %add3A_683 = arith.constant 800 : i32
        %add3A_684 = arith.addi %add3A_683, %mul3A_682 : i32
        %add3A_685 = arith.constant 0 : i32
        %add3A_686 = arith.addi %add3A_684, %add3A_685 : i32
        %get3A = arith.constant 1 : i32
        %get3A_687 = arith.index_cast %get3A : i32 to index
        %get3A_688 = arith.index_cast %add3A_686 : i32 to index
        %get3A_689 = arith.constant 0 : index
        %get3A_690 = tpu.vector_load %arg6[%get3A_687, %get3A_688, %get3A_689] {strides = array<i32>} : memref<2x1600x32xf32, #tpu.memory_space<vmem>>, vector<16xf32>,
        %add3A_691 = arith.addf %scan3A_677, %get3A_690 : vector<16xf32>
        %add3A_692 = arith.constant 0 : i32
        %add3A_693 = arith.addi %add3A_684, %add3A_692 : i32
        %get3A_694 = arith.constant 1 : i32
        %get3A_695 = arith.index_cast %get3A_694 : i32 to index
        %get3A_696 = arith.index_cast %add3A_693 : i32 to index
        %get3A_697 = arith.constant 16 : index
        %get3A_698 = tpu.vector_load %arg6[%get3A_695, %get3A_696, %get3A_697] {strides = array<i32>} : memref<2x1600x32xf32, #tpu.memory_space<vmem>>, vector<16xf32>,
        %add3A_699 = arith.addf %scan3A_678, %get3A_698 : vector<16xf32>
        %add3A_700 = arith.constant 0 : i32
        %add3A_701 = arith.addi %add3A_684, %add3A_700 : i32
        %add3A_702 = arith.constant 1 : i32
        %add3A_703 = arith.addi %add3A_701, %add3A_702 : i32
        %get3A_704 = arith.constant 1 : i32
        %get3A_705 = arith.index_cast %get3A_704 : i32 to index
        %get3A_706 = arith.index_cast %add3A_703 : i32 to index
        %get3A_707 = arith.constant 0 : index
        %get3A_708 = tpu.vector_load %arg6[%get3A_705, %get3A_706, %get3A_707] {strides = array<i32>} : memref<2x1600x32xf32, #tpu.memory_space<vmem>>, vector<16xf32>,
        %add3A_709 = arith.addf %scan3A_679, %get3A_708 : vector<16xf32>
        %add3A_710 = arith.constant 0 : i32
        %add3A_711 = arith.addi %add3A_684, %add3A_710 : i32
        %add3A_712 = arith.constant 1 : i32
        %add3A_713 = arith.addi %add3A_711, %add3A_712 : i32
        %get3A_714 = arith.constant 1 : i32
        %get3A_715 = arith.index_cast %get3A_714 : i32 to index
        %get3A_716 = arith.index_cast %add3A_713 : i32 to index
        %get3A_717 = arith.constant 16 : index
        %get3A_718 = tpu.vector_load %arg6[%get3A_715, %get3A_716, %get3A_717] {strides = array<i32>} : memref<2x1600x32xf32, #tpu.memory_space<vmem>>, vector<16xf32>,
        %add3A_719 = arith.addf %scan3A_680, %get3A_718 : vector<16xf32>
        %add3A_720 = arith.constant 2 : i32
        %add3A_721 = arith.addi %add3A_684, %add3A_720 : i32
        %get3A_722 = arith.constant 1 : i32
        %get3A_723 = arith.index_cast %get3A_722 : i32 to index
        %get3A_724 = arith.index_cast %add3A_721 : i32 to index
        %get3A_725 = arith.constant 0 : index
        %get3A_726 = tpu.vector_load %arg6[%get3A_723, %get3A_724, %get3A_725] {strides = array<i32>} : memref<2x1600x32xf32, #tpu.memory_space<vmem>>, vector<16xf32>,
        %add3A_727 = arith.addf %add3A_691, %get3A_726 : vector<16xf32>
        %add3A_728 = arith.constant 2 : i32
        %add3A_729 = arith.addi %add3A_684, %add3A_728 : i32
        %get3A_730 = arith.constant 1 : i32
        %get3A_731 = arith.index_cast %get3A_730 : i32 to index
        %get3A_732 = arith.index_cast %add3A_729 : i32 to index
        %get3A_733 = arith.constant 16 : index
        %get3A_734 = tpu.vector_load %arg6[%get3A_731, %get3A_732, %get3A_733] {strides = array<i32>} : memref<2x1600x32xf32, #tpu.memory_space<vmem>>, vector<16xf32>,
        %add3A_735 = arith.addf %add3A_699, %get3A_734 : vector<16xf32>
        %add3A_736 = arith.constant 2 : i32
        %add3A_737 = arith.addi %add3A_684, %add3A_736 : i32
        %add3A_738 = arith.constant 1 : i32
        %add3A_739 = arith.addi %add3A_737, %add3A_738 : i32
        %get3A_740 = arith.constant 1 : i32
        %get3A_741 = arith.index_cast %get3A_740 : i32 to index
        %get3A_742 = arith.index_cast %add3A_739 : i32 to index
        %get3A_743 = arith.constant 0 : index
        %get3A_744 = tpu.vector_load %arg6[%get3A_741, %get3A_742, %get3A_743] {strides = array<i32>} : memref<2x1600x32xf32, #tpu.memory_space<vmem>>, vector<16xf32>,
        %add3A_745 = arith.addf %add3A_709, %get3A_744 : vector<16xf32>
        %add3A_746 = arith.constant 2 : i32
        %add3A_747 = arith.addi %add3A_684, %add3A_746 : i32
        %add3A_748 = arith.constant 1 : i32
        %add3A_749 = arith.addi %add3A_747, %add3A_748 : i32
        %get3A_750 = arith.constant 1 : i32
        %get3A_751 = arith.index_cast %get3A_750 : i32 to index
        %get3A_752 = arith.index_cast %add3A_749 : i32 to index
        %get3A_753 = arith.constant 16 : index
        %get3A_754 = tpu.vector_load %arg6[%get3A_751, %get3A_752, %get3A_753] {strides = array<i32>} : memref<2x1600x32xf32, #tpu.memory_space<vmem>>, vector<16xf32>,
        %add3A_755 = arith.addf %add3A_719, %get3A_754 : vector<16xf32>
        %add3A_756 = arith.constant 4 : i32
        %add3A_757 = arith.addi %add3A_684, %add3A_756 : i32
        %get3A_758 = arith.constant 1 : i32
        %get3A_759 = arith.index_cast %get3A_758 : i32 to index
        %get3A_760 = arith.index_cast %add3A_757 : i32 to index
        %get3A_761 = arith.constant 0 : index
        %get3A_762 = tpu.vector_load %arg6[%get3A_759, %get3A_760, %get3A_761] {strides = array<i32>} : memref<2x1600x32xf32, #tpu.memory_space<vmem>>, vector<16xf32>,
        %add3A_763 = arith.addf %add3A_727, %get3A_762 : vector<16xf32>
        %add3A_764 = arith.constant 4 : i32
        %add3A_765 = arith.addi %add3A_684, %add3A_764 : i32
        %get3A_766 = arith.constant 1 : i32
        %get3A_767 = arith.index_cast %get3A_766 : i32 to index
        %get3A_768 = arith.index_cast %add3A_765 : i32 to index
        %get3A_769 = arith.constant 16 : index
        %get3A_770 = tpu.vector_load %arg6[%get3A_767, %get3A_768, %get3A_769] {strides = array<i32>} : memref<2x1600x32xf32, #tpu.memory_space<vmem>>, vector<16xf32>,
        %add3A_771 = arith.addf %add3A_735, %get3A_770 : vector<16xf32>
        %add3A_772 = arith.constant 4 : i32
        %add3A_773 = arith.addi %add3A_684, %add3A_772 : i32
        %add3A_774 = arith.constant 1 : i32
        %add3A_775 = arith.addi %add3A_773, %add3A_774 : i32
        %get3A_776 = arith.constant 1 : i32
        %get3A_777 = arith.index_cast %get3A_776 : i32 to index
        %get3A_778 = arith.index_cast %add3A_775 : i32 to index
        %get3A_779 = arith.constant 0 : index
        %get3A_780 = tpu.vector_load %arg6[%get3A_777, %get3A_778, %get3A_779] {strides = array<i32>} : memref<2x1600x32xf32, #tpu.memory_space<vmem>>, vector<16xf32>,
        %add3A_781 = arith.addf %add3A_745, %get3A_780 : vector<16xf32>
        %add3A_782 = arith.constant 4 : i32
        %add3A_783 = arith.addi %add3A_684, %add3A_782 : i32
        %add3A_784 = arith.constant 1 : i32
        %add3A_785 = arith.addi %add3A_783, %add3A_784 : i32
        %get3A_786 = arith.constant 1 : i32
        %get3A_787 = arith.index_cast %get3A_786 : i32 to index
        %get3A_788 = arith.index_cast %add3A_785 : i32 to index
        %get3A_789 = arith.constant 16 : index
        %get3A_790 = tpu.vector_load %arg6[%get3A_787, %get3A_788, %get3A_789] {strides = array<i32>} : memref<2x1600x32xf32, #tpu.memory_space<vmem>>, vector<16xf32>,
        %add3A_791 = arith.addf %add3A_755, %get3A_790 : vector<16xf32>
        %add3A_792 = arith.constant 6 : i32
        %add3A_793 = arith.addi %add3A_684, %add3A_792 : i32
        %get3A_794 = arith.constant 1 : i32
        %get3A_795 = arith.index_cast %get3A_794 : i32 to index
        %get3A_796 = arith.index_cast %add3A_793 : i32 to index
        %get3A_797 = arith.constant 0 : index
        %get3A_798 = tpu.vector_load %arg6[%get3A_795, %get3A_796, %get3A_797] {strides = array<i32>} : memref<2x1600x32xf32, #tpu.memory_space<vmem>>, vector<16xf32>,
        %add3A_799 = arith.addf %add3A_763, %get3A_798 : vector<16xf32>
        %add3A_800 = arith.constant 6 : i32
        %add3A_801 = arith.addi %add3A_684, %add3A_800 : i32
        %get3A_802 = arith.constant 1 : i32
        %get3A_803 = arith.index_cast %get3A_802 : i32 to index
        %get3A_804 = arith.index_cast %add3A_801 : i32 to index
        %get3A_805 = arith.constant 16 : index
        %get3A_806 = tpu.vector_load %arg6[%get3A_803, %get3A_804, %get3A_805] {strides = array<i32>} : memref<2x1600x32xf32, #tpu.memory_space<vmem>>, vector<16xf32>,
        %add3A_807 = arith.addf %add3A_771, %get3A_806 : vector<16xf32>
        %add3A_808 = arith.constant 6 : i32
        %add3A_809 = arith.addi %add3A_684, %add3A_808 : i32
        %add3A_810 = arith.constant 1 : i32
        %add3A_811 = arith.addi %add3A_809, %add3A_810 : i32
        %get3A_812 = arith.constant 1 : i32
        %get3A_813 = arith.index_cast %get3A_812 : i32 to index
        %get3A_814 = arith.index_cast %add3A_811 : i32 to index
        %get3A_815 = arith.constant 0 : index
        %get3A_816 = tpu.vector_load %arg6[%get3A_813, %get3A_814, %get3A_815] {strides = array<i32>} : memref<2x1600x32xf32, #tpu.memory_space<vmem>>, vector<16xf32>,
        %add3A_817 = arith.addf %add3A_781, %get3A_816 : vector<16xf32>
        %add3A_818 = arith.constant 6 : i32
        %add3A_819 = arith.addi %add3A_684, %add3A_818 : i32
        %add3A_820 = arith.constant 1 : i32
        %add3A_821 = arith.addi %add3A_819, %add3A_820 : i32
        %get3A_822 = arith.constant 1 : i32
        %get3A_823 = arith.index_cast %get3A_822 : i32 to index
        %get3A_824 = arith.index_cast %add3A_821 : i32 to index
        %get3A_825 = arith.constant 16 : index
        %get3A_826 = tpu.vector_load %arg6[%get3A_823, %get3A_824, %get3A_825] {strides = array<i32>} : memref<2x1600x32xf32, #tpu.memory_space<vmem>>, vector<16xf32>,
        %add3A_827 = arith.addf %add3A_791, %get3A_826 : vector<16xf32>
        scf.yield %add3A_799, %add3A_807, %add3A_817, %add3A_827 : vector<16xf32>, vector<16xf32>, vector<16xf32>, vector<16xf32>
      }
      %scan3A_582 = arith.constant 25 : i32
      %add3A_583 = arith.addf %scan3A_581#0, %scan3A_581#2 : vector<16xf32>
      %swap3A_584 = arith.constant 1 : i32
      %swap3A_585 = arith.constant 4 : i32
      %swap3A_586 = arith.index_cast %swap3A_584 : i32 to index
      %swap3A_587 = arith.index_cast %swap3A_585 : i32 to index
      %swap3A_588 = arith.constant 0 : index
      %swap3A_589 = tpu.vector_load %arg7[%swap3A_586, %swap3A_587, %swap3A_588] {strides = array<i32>} : memref<2x8x32xf32, #tpu.memory_space<vmem>>, vector<16xf32>,
      tpu.vector_store %arg7[%swap3A_586, %swap3A_587, %swap3A_588], %add3A_583 {strides = array<i32>} : memref<2x8x32xf32, #tpu.memory_space<vmem>>, vector<16xf32>,
      %add3A_590 = arith.addf %scan3A_581#1, %scan3A_581#3 : vector<16xf32>
      %swap3A_591 = arith.constant 1 : i32
      %swap3A_592 = arith.constant 4 : i32
      %swap3A_593 = arith.index_cast %swap3A_591 : i32 to index
      %swap3A_594 = arith.index_cast %swap3A_592 : i32 to index
      %swap3A_595 = arith.constant 16 : index
      %swap3A_596 = tpu.vector_load %arg7[%swap3A_593, %swap3A_594, %swap3A_595] {strides = array<i32>} : memref<2x8x32xf32, #tpu.memory_space<vmem>>, vector<16xf32>,
      tpu.vector_store %arg7[%swap3A_593, %swap3A_594, %swap3A_595], %add3A_590 {strides = array<i32>} : memref<2x8x32xf32, #tpu.memory_space<vmem>>, vector<16xf32>,
      %broadcast_in_dim3A_597 = arith.constant 0.000000e+00 : f32
      %broadcast_in_dim3A_598 = vector.broadcast %broadcast_in_dim3A_597 : f32 to vector<16xf32>
      %scan3A_599 = arith.constant 0 : i32
      %scan3A_600 = arith.constant 25 : i32
      %scan3A_601 = arith.addi %scan3A_599, %scan3A_600 : i32
      %scan3A_602 = arith.constant 1 : i32
      %scan3A_603:4 = scf.for %scan3A_676 = %scan3A_599 to %scan3A_601 step %scan3A_602 iter_args(%scan3A_677 = %broadcast_in_dim3A_598, %scan3A_678 = %broadcast_in_dim3A_598, %scan3A_679 = %broadcast_in_dim3A_598, %scan3A_680 = %broadcast_in_dim3A_598) -> (vector<16xf32>, vector<16xf32>, vector<16xf32>, vector<16xf32>)  : i32 {
        %mul3A_681 = arith.constant 8 : i32
        %mul3A_682 = arith.muli %scan3A_676, %mul3A_681 : i32
        %add3A_683 = arith.constant 1000 : i32
        %add3A_684 = arith.addi %add3A_683, %mul3A_682 : i32
        %add3A_685 = arith.constant 0 : i32
        %add3A_686 = arith.addi %add3A_684, %add3A_685 : i32
        %get3A = arith.constant 1 : i32
        %get3A_687 = arith.index_cast %get3A : i32 to index
        %get3A_688 = arith.index_cast %add3A_686 : i32 to index
        %get3A_689 = arith.constant 0 : index
        %get3A_690 = tpu.vector_load %arg6[%get3A_687, %get3A_688, %get3A_689] {strides = array<i32>} : memref<2x1600x32xf32, #tpu.memory_space<vmem>>, vector<16xf32>,
        %add3A_691 = arith.addf %scan3A_677, %get3A_690 : vector<16xf32>
        %add3A_692 = arith.constant 0 : i32
        %add3A_693 = arith.addi %add3A_684, %add3A_692 : i32
        %get3A_694 = arith.constant 1 : i32
        %get3A_695 = arith.index_cast %get3A_694 : i32 to index
        %get3A_696 = arith.index_cast %add3A_693 : i32 to index
        %get3A_697 = arith.constant 16 : index
        %get3A_698 = tpu.vector_load %arg6[%get3A_695, %get3A_696, %get3A_697] {strides = array<i32>} : memref<2x1600x32xf32, #tpu.memory_space<vmem>>, vector<16xf32>,
        %add3A_699 = arith.addf %scan3A_678, %get3A_698 : vector<16xf32>
        %add3A_700 = arith.constant 0 : i32
        %add3A_701 = arith.addi %add3A_684, %add3A_700 : i32
        %add3A_702 = arith.constant 1 : i32
        %add3A_703 = arith.addi %add3A_701, %add3A_702 : i32
        %get3A_704 = arith.constant 1 : i32
        %get3A_705 = arith.index_cast %get3A_704 : i32 to index
        %get3A_706 = arith.index_cast %add3A_703 : i32 to index
        %get3A_707 = arith.constant 0 : index
        %get3A_708 = tpu.vector_load %arg6[%get3A_705, %get3A_706, %get3A_707] {strides = array<i32>} : memref<2x1600x32xf32, #tpu.memory_space<vmem>>, vector<16xf32>,
        %add3A_709 = arith.addf %scan3A_679, %get3A_708 : vector<16xf32>
        %add3A_710 = arith.constant 0 : i32
        %add3A_711 = arith.addi %add3A_684, %add3A_710 : i32
        %add3A_712 = arith.constant 1 : i32
        %add3A_713 = arith.addi %add3A_711, %add3A_712 : i32
        %get3A_714 = arith.constant 1 : i32
        %get3A_715 = arith.index_cast %get3A_714 : i32 to index
        %get3A_716 = arith.index_cast %add3A_713 : i32 to index
        %get3A_717 = arith.constant 16 : index
        %get3A_718 = tpu.vector_load %arg6[%get3A_715, %get3A_716, %get3A_717] {strides = array<i32>} : memref<2x1600x32xf32, #tpu.memory_space<vmem>>, vector<16xf32>,
        %add3A_719 = arith.addf %scan3A_680, %get3A_718 : vector<16xf32>
        %add3A_720 = arith.constant 2 : i32
        %add3A_721 = arith.addi %add3A_684, %add3A_720 : i32
        %get3A_722 = arith.constant 1 : i32
        %get3A_723 = arith.index_cast %get3A_722 : i32 to index
        %get3A_724 = arith.index_cast %add3A_721 : i32 to index
        %get3A_725 = arith.constant 0 : index
        %get3A_726 = tpu.vector_load %arg6[%get3A_723, %get3A_724, %get3A_725] {strides = array<i32>} : memref<2x1600x32xf32, #tpu.memory_space<vmem>>, vector<16xf32>,
        %add3A_727 = arith.addf %add3A_691, %get3A_726 : vector<16xf32>
        %add3A_728 = arith.constant 2 : i32
        %add3A_729 = arith.addi %add3A_684, %add3A_728 : i32
        %get3A_730 = arith.constant 1 : i32
        %get3A_731 = arith.index_cast %get3A_730 : i32 to index
        %get3A_732 = arith.index_cast %add3A_729 : i32 to index
        %get3A_733 = arith.constant 16 : index
        %get3A_734 = tpu.vector_load %arg6[%get3A_731, %get3A_732, %get3A_733] {strides = array<i32>} : memref<2x1600x32xf32, #tpu.memory_space<vmem>>, vector<16xf32>,
        %add3A_735 = arith.addf %add3A_699, %get3A_734 : vector<16xf32>
        %add3A_736 = arith.constant 2 : i32
        %add3A_737 = arith.addi %add3A_684, %add3A_736 : i32
        %add3A_738 = arith.constant 1 : i32
        %add3A_739 = arith.addi %add3A_737, %add3A_738 : i32
        %get3A_740 = arith.constant 1 : i32
        %get3A_741 = arith.index_cast %get3A_740 : i32 to index
        %get3A_742 = arith.index_cast %add3A_739 : i32 to index
        %get3A_743 = arith.constant 0 : index
        %get3A_744 = tpu.vector_load %arg6[%get3A_741, %get3A_742, %get3A_743] {strides = array<i32>} : memref<2x1600x32xf32, #tpu.memory_space<vmem>>, vector<16xf32>,
        %add3A_745 = arith.addf %add3A_709, %get3A_744 : vector<16xf32>
        %add3A_746 = arith.constant 2 : i32
        %add3A_747 = arith.addi %add3A_684, %add3A_746 : i32
        %add3A_748 = arith.constant 1 : i32
        %add3A_749 = arith.addi %add3A_747, %add3A_748 : i32
        %get3A_750 = arith.constant 1 : i32
        %get3A_751 = arith.index_cast %get3A_750 : i32 to index
        %get3A_752 = arith.index_cast %add3A_749 : i32 to index
        %get3A_753 = arith.constant 16 : index
        %get3A_754 = tpu.vector_load %arg6[%get3A_751, %get3A_752, %get3A_753] {strides = array<i32>} : memref<2x1600x32xf32, #tpu.memory_space<vmem>>, vector<16xf32>,
        %add3A_755 = arith.addf %add3A_719, %get3A_754 : vector<16xf32>
        %add3A_756 = arith.constant 4 : i32
        %add3A_757 = arith.addi %add3A_684, %add3A_756 : i32
        %get3A_758 = arith.constant 1 : i32
        %get3A_759 = arith.index_cast %get3A_758 : i32 to index
        %get3A_760 = arith.index_cast %add3A_757 : i32 to index
        %get3A_761 = arith.constant 0 : index
        %get3A_762 = tpu.vector_load %arg6[%get3A_759, %get3A_760, %get3A_761] {strides = array<i32>} : memref<2x1600x32xf32, #tpu.memory_space<vmem>>, vector<16xf32>,
        %add3A_763 = arith.addf %add3A_727, %get3A_762 : vector<16xf32>
        %add3A_764 = arith.constant 4 : i32
        %add3A_765 = arith.addi %add3A_684, %add3A_764 : i32
        %get3A_766 = arith.constant 1 : i32
        %get3A_767 = arith.index_cast %get3A_766 : i32 to index
        %get3A_768 = arith.index_cast %add3A_765 : i32 to index
        %get3A_769 = arith.constant 16 : index
        %get3A_770 = tpu.vector_load %arg6[%get3A_767, %get3A_768, %get3A_769] {strides = array<i32>} : memref<2x1600x32xf32, #tpu.memory_space<vmem>>, vector<16xf32>,
        %add3A_771 = arith.addf %add3A_735, %get3A_770 : vector<16xf32>
        %add3A_772 = arith.constant 4 : i32
        %add3A_773 = arith.addi %add3A_684, %add3A_772 : i32
        %add3A_774 = arith.constant 1 : i32
        %add3A_775 = arith.addi %add3A_773, %add3A_774 : i32
        %get3A_776 = arith.constant 1 : i32
        %get3A_777 = arith.index_cast %get3A_776 : i32 to index
        %get3A_778 = arith.index_cast %add3A_775 : i32 to index
        %get3A_779 = arith.constant 0 : index
        %get3A_780 = tpu.vector_load %arg6[%get3A_777, %get3A_778, %get3A_779] {strides = array<i32>} : memref<2x1600x32xf32, #tpu.memory_space<vmem>>, vector<16xf32>,
        %add3A_781 = arith.addf %add3A_745, %get3A_780 : vector<16xf32>
        %add3A_782 = arith.constant 4 : i32
        %add3A_783 = arith.addi %add3A_684, %add3A_782 : i32
        %add3A_784 = arith.constant 1 : i32
        %add3A_785 = arith.addi %add3A_783, %add3A_784 : i32
        %get3A_786 = arith.constant 1 : i32
        %get3A_787 = arith.index_cast %get3A_786 : i32 to index
        %get3A_788 = arith.index_cast %add3A_785 : i32 to index
        %get3A_789 = arith.constant 16 : index
        %get3A_790 = tpu.vector_load %arg6[%get3A_787, %get3A_788, %get3A_789] {strides = array<i32>} : memref<2x1600x32xf32, #tpu.memory_space<vmem>>, vector<16xf32>,
        %add3A_791 = arith.addf %add3A_755, %get3A_790 : vector<16xf32>
        %add3A_792 = arith.constant 6 : i32
        %add3A_793 = arith.addi %add3A_684, %add3A_792 : i32
        %get3A_794 = arith.constant 1 : i32
        %get3A_795 = arith.index_cast %get3A_794 : i32 to index
        %get3A_796 = arith.index_cast %add3A_793 : i32 to index
        %get3A_797 = arith.constant 0 : index
        %get3A_798 = tpu.vector_load %arg6[%get3A_795, %get3A_796, %get3A_797] {strides = array<i32>} : memref<2x1600x32xf32, #tpu.memory_space<vmem>>, vector<16xf32>,
        %add3A_799 = arith.addf %add3A_763, %get3A_798 : vector<16xf32>
        %add3A_800 = arith.constant 6 : i32
        %add3A_801 = arith.addi %add3A_684, %add3A_800 : i32
        %get3A_802 = arith.constant 1 : i32
        %get3A_803 = arith.index_cast %get3A_802 : i32 to index
        %get3A_804 = arith.index_cast %add3A_801 : i32 to index
        %get3A_805 = arith.constant 16 : index
        %get3A_806 = tpu.vector_load %arg6[%get3A_803, %get3A_804, %get3A_805] {strides = array<i32>} : memref<2x1600x32xf32, #tpu.memory_space<vmem>>, vector<16xf32>,
        %add3A_807 = arith.addf %add3A_771, %get3A_806 : vector<16xf32>
        %add3A_808 = arith.constant 6 : i32
        %add3A_809 = arith.addi %add3A_684, %add3A_808 : i32
        %add3A_810 = arith.constant 1 : i32
        %add3A_811 = arith.addi %add3A_809, %add3A_810 : i32
        %get3A_812 = arith.constant 1 : i32
        %get3A_813 = arith.index_cast %get3A_812 : i32 to index
        %get3A_814 = arith.index_cast %add3A_811 : i32 to index
        %get3A_815 = arith.constant 0 : index
        %get3A_816 = tpu.vector_load %arg6[%get3A_813, %get3A_814, %get3A_815] {strides = array<i32>} : memref<2x1600x32xf32, #tpu.memory_space<vmem>>, vector<16xf32>,
        %add3A_817 = arith.addf %add3A_781, %get3A_816 : vector<16xf32>
        %add3A_818 = arith.constant 6 : i32
        %add3A_819 = arith.addi %add3A_684, %add3A_818 : i32
        %add3A_820 = arith.constant 1 : i32
        %add3A_821 = arith.addi %add3A_819, %add3A_820 : i32
        %get3A_822 = arith.constant 1 : i32
        %get3A_823 = arith.index_cast %get3A_822 : i32 to index
        %get3A_824 = arith.index_cast %add3A_821 : i32 to index
        %get3A_825 = arith.constant 16 : index
        %get3A_826 = tpu.vector_load %arg6[%get3A_823, %get3A_824, %get3A_825] {strides = array<i32>} : memref<2x1600x32xf32, #tpu.memory_space<vmem>>, vector<16xf32>,
        %add3A_827 = arith.addf %add3A_791, %get3A_826 : vector<16xf32>
        scf.yield %add3A_799, %add3A_807, %add3A_817, %add3A_827 : vector<16xf32>, vector<16xf32>, vector<16xf32>, vector<16xf32>
      }
      %scan3A_604 = arith.constant 25 : i32
      %add3A_605 = arith.addf %scan3A_603#0, %scan3A_603#2 : vector<16xf32>
      %swap3A_606 = arith.constant 1 : i32
      %swap3A_607 = arith.constant 5 : i32
      %swap3A_608 = arith.index_cast %swap3A_606 : i32 to index
      %swap3A_609 = arith.index_cast %swap3A_607 : i32 to index
      %swap3A_610 = arith.constant 0 : index
      %swap3A_611 = tpu.vector_load %arg7[%swap3A_608, %swap3A_609, %swap3A_610] {strides = array<i32>} : memref<2x8x32xf32, #tpu.memory_space<vmem>>, vector<16xf32>,
      tpu.vector_store %arg7[%swap3A_608, %swap3A_609, %swap3A_610], %add3A_605 {strides = array<i32>} : memref<2x8x32xf32, #tpu.memory_space<vmem>>, vector<16xf32>,
      %add3A_612 = arith.addf %scan3A_603#1, %scan3A_603#3 : vector<16xf32>
      %swap3A_613 = arith.constant 1 : i32
      %swap3A_614 = arith.constant 5 : i32
      %swap3A_615 = arith.index_cast %swap3A_613 : i32 to index
      %swap3A_616 = arith.index_cast %swap3A_614 : i32 to index
      %swap3A_617 = arith.constant 16 : index
      %swap3A_618 = tpu.vector_load %arg7[%swap3A_615, %swap3A_616, %swap3A_617] {strides = array<i32>} : memref<2x8x32xf32, #tpu.memory_space<vmem>>, vector<16xf32>,
      tpu.vector_store %arg7[%swap3A_615, %swap3A_616, %swap3A_617], %add3A_612 {strides = array<i32>} : memref<2x8x32xf32, #tpu.memory_space<vmem>>, vector<16xf32>,
      %broadcast_in_dim3A_619 = arith.constant 0.000000e+00 : f32
      %broadcast_in_dim3A_620 = vector.broadcast %broadcast_in_dim3A_619 : f32 to vector<16xf32>
      %scan3A_621 = arith.constant 0 : i32
      %scan3A_622 = arith.constant 25 : i32
      %scan3A_623 = arith.addi %scan3A_621, %scan3A_622 : i32
      %scan3A_624 = arith.constant 1 : i32
      %scan3A_625:4 = scf.for %scan3A_676 = %scan3A_621 to %scan3A_623 step %scan3A_624 iter_args(%scan3A_677 = %broadcast_in_dim3A_620, %scan3A_678 = %broadcast_in_dim3A_620, %scan3A_679 = %broadcast_in_dim3A_620, %scan3A_680 = %broadcast_in_dim3A_620) -> (vector<16xf32>, vector<16xf32>, vector<16xf32>, vector<16xf32>)  : i32 {
        %mul3A_681 = arith.constant 8 : i32
        %mul3A_682 = arith.muli %scan3A_676, %mul3A_681 : i32
        %add3A_683 = arith.constant 1200 : i32
        %add3A_684 = arith.addi %add3A_683, %mul3A_682 : i32
        %add3A_685 = arith.constant 0 : i32
        %add3A_686 = arith.addi %add3A_684, %add3A_685 : i32
        %get3A = arith.constant 1 : i32
        %get3A_687 = arith.index_cast %get3A : i32 to index
        %get3A_688 = arith.index_cast %add3A_686 : i32 to index
        %get3A_689 = arith.constant 0 : index
        %get3A_690 = tpu.vector_load %arg6[%get3A_687, %get3A_688, %get3A_689] {strides = array<i32>} : memref<2x1600x32xf32, #tpu.memory_space<vmem>>, vector<16xf32>,
        %add3A_691 = arith.addf %scan3A_677, %get3A_690 : vector<16xf32>
        %add3A_692 = arith.constant 0 : i32
        %add3A_693 = arith.addi %add3A_684, %add3A_692 : i32
        %get3A_694 = arith.constant 1 : i32
        %get3A_695 = arith.index_cast %get3A_694 : i32 to index
        %get3A_696 = arith.index_cast %add3A_693 : i32 to index
        %get3A_697 = arith.constant 16 : index
        %get3A_698 = tpu.vector_load %arg6[%get3A_695, %get3A_696, %get3A_697] {strides = array<i32>} : memref<2x1600x32xf32, #tpu.memory_space<vmem>>, vector<16xf32>,
        %add3A_699 = arith.addf %scan3A_678, %get3A_698 : vector<16xf32>
        %add3A_700 = arith.constant 0 : i32
        %add3A_701 = arith.addi %add3A_684, %add3A_700 : i32
        %add3A_702 = arith.constant 1 : i32
        %add3A_703 = arith.addi %add3A_701, %add3A_702 : i32
        %get3A_704 = arith.constant 1 : i32
        %get3A_705 = arith.index_cast %get3A_704 : i32 to index
        %get3A_706 = arith.index_cast %add3A_703 : i32 to index
        %get3A_707 = arith.constant 0 : index
        %get3A_708 = tpu.vector_load %arg6[%get3A_705, %get3A_706, %get3A_707] {strides = array<i32>} : memref<2x1600x32xf32, #tpu.memory_space<vmem>>, vector<16xf32>,
        %add3A_709 = arith.addf %scan3A_679, %get3A_708 : vector<16xf32>
        %add3A_710 = arith.constant 0 : i32
        %add3A_711 = arith.addi %add3A_684, %add3A_710 : i32
        %add3A_712 = arith.constant 1 : i32
        %add3A_713 = arith.addi %add3A_711, %add3A_712 : i32
        %get3A_714 = arith.constant 1 : i32
        %get3A_715 = arith.index_cast %get3A_714 : i32 to index
        %get3A_716 = arith.index_cast %add3A_713 : i32 to index
        %get3A_717 = arith.constant 16 : index
        %get3A_718 = tpu.vector_load %arg6[%get3A_715, %get3A_716, %get3A_717] {strides = array<i32>} : memref<2x1600x32xf32, #tpu.memory_space<vmem>>, vector<16xf32>,
        %add3A_719 = arith.addf %scan3A_680, %get3A_718 : vector<16xf32>
        %add3A_720 = arith.constant 2 : i32
        %add3A_721 = arith.addi %add3A_684, %add3A_720 : i32
        %get3A_722 = arith.constant 1 : i32
        %get3A_723 = arith.index_cast %get3A_722 : i32 to index
        %get3A_724 = arith.index_cast %add3A_721 : i32 to index
        %get3A_725 = arith.constant 0 : index
        %get3A_726 = tpu.vector_load %arg6[%get3A_723, %get3A_724, %get3A_725] {strides = array<i32>} : memref<2x1600x32xf32, #tpu.memory_space<vmem>>, vector<16xf32>,
        %add3A_727 = arith.addf %add3A_691, %get3A_726 : vector<16xf32>
        %add3A_728 = arith.constant 2 : i32
        %add3A_729 = arith.addi %add3A_684, %add3A_728 : i32
        %get3A_730 = arith.constant 1 : i32
        %get3A_731 = arith.index_cast %get3A_730 : i32 to index
        %get3A_732 = arith.index_cast %add3A_729 : i32 to index
        %get3A_733 = arith.constant 16 : index
        %get3A_734 = tpu.vector_load %arg6[%get3A_731, %get3A_732, %get3A_733] {strides = array<i32>} : memref<2x1600x32xf32, #tpu.memory_space<vmem>>, vector<16xf32>,
        %add3A_735 = arith.addf %add3A_699, %get3A_734 : vector<16xf32>
        %add3A_736 = arith.constant 2 : i32
        %add3A_737 = arith.addi %add3A_684, %add3A_736 : i32
        %add3A_738 = arith.constant 1 : i32
        %add3A_739 = arith.addi %add3A_737, %add3A_738 : i32
        %get3A_740 = arith.constant 1 : i32
        %get3A_741 = arith.index_cast %get3A_740 : i32 to index
        %get3A_742 = arith.index_cast %add3A_739 : i32 to index
        %get3A_743 = arith.constant 0 : index
        %get3A_744 = tpu.vector_load %arg6[%get3A_741, %get3A_742, %get3A_743] {strides = array<i32>} : memref<2x1600x32xf32, #tpu.memory_space<vmem>>, vector<16xf32>,
        %add3A_745 = arith.addf %add3A_709, %get3A_744 : vector<16xf32>
        %add3A_746 = arith.constant 2 : i32
        %add3A_747 = arith.addi %add3A_684, %add3A_746 : i32
        %add3A_748 = arith.constant 1 : i32
        %add3A_749 = arith.addi %add3A_747, %add3A_748 : i32
        %get3A_750 = arith.constant 1 : i32
        %get3A_751 = arith.index_cast %get3A_750 : i32 to index
        %get3A_752 = arith.index_cast %add3A_749 : i32 to index
        %get3A_753 = arith.constant 16 : index
        %get3A_754 = tpu.vector_load %arg6[%get3A_751, %get3A_752, %get3A_753] {strides = array<i32>} : memref<2x1600x32xf32, #tpu.memory_space<vmem>>, vector<16xf32>,
        %add3A_755 = arith.addf %add3A_719, %get3A_754 : vector<16xf32>
        %add3A_756 = arith.constant 4 : i32
        %add3A_757 = arith.addi %add3A_684, %add3A_756 : i32
        %get3A_758 = arith.constant 1 : i32
        %get3A_759 = arith.index_cast %get3A_758 : i32 to index
        %get3A_760 = arith.index_cast %add3A_757 : i32 to index
        %get3A_761 = arith.constant 0 : index
        %get3A_762 = tpu.vector_load %arg6[%get3A_759, %get3A_760, %get3A_761] {strides = array<i32>} : memref<2x1600x32xf32, #tpu.memory_space<vmem>>, vector<16xf32>,
        %add3A_763 = arith.addf %add3A_727, %get3A_762 : vector<16xf32>
        %add3A_764 = arith.constant 4 : i32
        %add3A_765 = arith.addi %add3A_684, %add3A_764 : i32
        %get3A_766 = arith.constant 1 : i32
        %get3A_767 = arith.index_cast %get3A_766 : i32 to index
        %get3A_768 = arith.index_cast %add3A_765 : i32 to index
        %get3A_769 = arith.constant 16 : index
        %get3A_770 = tpu.vector_load %arg6[%get3A_767, %get3A_768, %get3A_769] {strides = array<i32>} : memref<2x1600x32xf32, #tpu.memory_space<vmem>>, vector<16xf32>,
        %add3A_771 = arith.addf %add3A_735, %get3A_770 : vector<16xf32>
        %add3A_772 = arith.constant 4 : i32
        %add3A_773 = arith.addi %add3A_684, %add3A_772 : i32
        %add3A_774 = arith.constant 1 : i32
        %add3A_775 = arith.addi %add3A_773, %add3A_774 : i32
        %get3A_776 = arith.constant 1 : i32
        %get3A_777 = arith.index_cast %get3A_776 : i32 to index
        %get3A_778 = arith.index_cast %add3A_775 : i32 to index
        %get3A_779 = arith.constant 0 : index
        %get3A_780 = tpu.vector_load %arg6[%get3A_777, %get3A_778, %get3A_779] {strides = array<i32>} : memref<2x1600x32xf32, #tpu.memory_space<vmem>>, vector<16xf32>,
        %add3A_781 = arith.addf %add3A_745, %get3A_780 : vector<16xf32>
        %add3A_782 = arith.constant 4 : i32
        %add3A_783 = arith.addi %add3A_684, %add3A_782 : i32
        %add3A_784 = arith.constant 1 : i32
        %add3A_785 = arith.addi %add3A_783, %add3A_784 : i32
        %get3A_786 = arith.constant 1 : i32
        %get3A_787 = arith.index_cast %get3A_786 : i32 to index
        %get3A_788 = arith.index_cast %add3A_785 : i32 to index
        %get3A_789 = arith.constant 16 : index
        %get3A_790 = tpu.vector_load %arg6[%get3A_787, %get3A_788, %get3A_789] {strides = array<i32>} : memref<2x1600x32xf32, #tpu.memory_space<vmem>>, vector<16xf32>,
        %add3A_791 = arith.addf %add3A_755, %get3A_790 : vector<16xf32>
        %add3A_792 = arith.constant 6 : i32
        %add3A_793 = arith.addi %add3A_684, %add3A_792 : i32
        %get3A_794 = arith.constant 1 : i32
        %get3A_795 = arith.index_cast %get3A_794 : i32 to index
        %get3A_796 = arith.index_cast %add3A_793 : i32 to index
        %get3A_797 = arith.constant 0 : index
        %get3A_798 = tpu.vector_load %arg6[%get3A_795, %get3A_796, %get3A_797] {strides = array<i32>} : memref<2x1600x32xf32, #tpu.memory_space<vmem>>, vector<16xf32>,
        %add3A_799 = arith.addf %add3A_763, %get3A_798 : vector<16xf32>
        %add3A_800 = arith.constant 6 : i32
        %add3A_801 = arith.addi %add3A_684, %add3A_800 : i32
        %get3A_802 = arith.constant 1 : i32
        %get3A_803 = arith.index_cast %get3A_802 : i32 to index
        %get3A_804 = arith.index_cast %add3A_801 : i32 to index
        %get3A_805 = arith.constant 16 : index
        %get3A_806 = tpu.vector_load %arg6[%get3A_803, %get3A_804, %get3A_805] {strides = array<i32>} : memref<2x1600x32xf32, #tpu.memory_space<vmem>>, vector<16xf32>,
        %add3A_807 = arith.addf %add3A_771, %get3A_806 : vector<16xf32>
        %add3A_808 = arith.constant 6 : i32
        %add3A_809 = arith.addi %add3A_684, %add3A_808 : i32
        %add3A_810 = arith.constant 1 : i32
        %add3A_811 = arith.addi %add3A_809, %add3A_810 : i32
        %get3A_812 = arith.constant 1 : i32
        %get3A_813 = arith.index_cast %get3A_812 : i32 to index
        %get3A_814 = arith.index_cast %add3A_811 : i32 to index
        %get3A_815 = arith.constant 0 : index
        %get3A_816 = tpu.vector_load %arg6[%get3A_813, %get3A_814, %get3A_815] {strides = array<i32>} : memref<2x1600x32xf32, #tpu.memory_space<vmem>>, vector<16xf32>,
        %add3A_817 = arith.addf %add3A_781, %get3A_816 : vector<16xf32>
        %add3A_818 = arith.constant 6 : i32
        %add3A_819 = arith.addi %add3A_684, %add3A_818 : i32
        %add3A_820 = arith.constant 1 : i32
        %add3A_821 = arith.addi %add3A_819, %add3A_820 : i32
        %get3A_822 = arith.constant 1 : i32
        %get3A_823 = arith.index_cast %get3A_822 : i32 to index
        %get3A_824 = arith.index_cast %add3A_821 : i32 to index
        %get3A_825 = arith.constant 16 : index
        %get3A_826 = tpu.vector_load %arg6[%get3A_823, %get3A_824, %get3A_825] {strides = array<i32>} : memref<2x1600x32xf32, #tpu.memory_space<vmem>>, vector<16xf32>,
        %add3A_827 = arith.addf %add3A_791, %get3A_826 : vector<16xf32>
        scf.yield %add3A_799, %add3A_807, %add3A_817, %add3A_827 : vector<16xf32>, vector<16xf32>, vector<16xf32>, vector<16xf32>
      }
      %scan3A_626 = arith.constant 25 : i32
      %add3A_627 = arith.addf %scan3A_625#0, %scan3A_625#2 : vector<16xf32>
      %swap3A_628 = arith.constant 1 : i32
      %swap3A_629 = arith.constant 6 : i32
      %swap3A_630 = arith.index_cast %swap3A_628 : i32 to index
      %swap3A_631 = arith.index_cast %swap3A_629 : i32 to index
      %swap3A_632 = arith.constant 0 : index
      %swap3A_633 = tpu.vector_load %arg7[%swap3A_630, %swap3A_631, %swap3A_632] {strides = array<i32>} : memref<2x8x32xf32, #tpu.memory_space<vmem>>, vector<16xf32>,
      tpu.vector_store %arg7[%swap3A_630, %swap3A_631, %swap3A_632], %add3A_627 {strides = array<i32>} : memref<2x8x32xf32, #tpu.memory_space<vmem>>, vector<16xf32>,
      %add3A_634 = arith.addf %scan3A_625#1, %scan3A_625#3 : vector<16xf32>
      %swap3A_635 = arith.constant 1 : i32
      %swap3A_636 = arith.constant 6 : i32
      %swap3A_637 = arith.index_cast %swap3A_635 : i32 to index
      %swap3A_638 = arith.index_cast %swap3A_636 : i32 to index
      %swap3A_639 = arith.constant 16 : index
      %swap3A_640 = tpu.vector_load %arg7[%swap3A_637, %swap3A_638, %swap3A_639] {strides = array<i32>} : memref<2x8x32xf32, #tpu.memory_space<vmem>>, vector<16xf32>,
      tpu.vector_store %arg7[%swap3A_637, %swap3A_638, %swap3A_639], %add3A_634 {strides = array<i32>} : memref<2x8x32xf32, #tpu.memory_space<vmem>>, vector<16xf32>,
      %broadcast_in_dim3A_641 = arith.constant 0.000000e+00 : f32
      %broadcast_in_dim3A_642 = vector.broadcast %broadcast_in_dim3A_641 : f32 to vector<16xf32>
      %scan3A_643 = arith.constant 0 : i32
      %scan3A_644 = arith.constant 25 : i32
      %scan3A_645 = arith.addi %scan3A_643, %scan3A_644 : i32
      %scan3A_646 = arith.constant 1 : i32
      %scan3A_647:4 = scf.for %scan3A_676 = %scan3A_643 to %scan3A_645 step %scan3A_646 iter_args(%scan3A_677 = %broadcast_in_dim3A_642, %scan3A_678 = %broadcast_in_dim3A_642, %scan3A_679 = %broadcast_in_dim3A_642, %scan3A_680 = %broadcast_in_dim3A_642) -> (vector<16xf32>, vector<16xf32>, vector<16xf32>, vector<16xf32>)  : i32 {
        %mul3A_681 = arith.constant 8 : i32
        %mul3A_682 = arith.muli %scan3A_676, %mul3A_681 : i32
        %add3A_683 = arith.constant 1400 : i32
        %add3A_684 = arith.addi %add3A_683, %mul3A_682 : i32
        %add3A_685 = arith.constant 0 : i32
        %add3A_686 = arith.addi %add3A_684, %add3A_685 : i32
        %get3A = arith.constant 1 : i32
        %get3A_687 = arith.index_cast %get3A : i32 to index
        %get3A_688 = arith.index_cast %add3A_686 : i32 to index
        %get3A_689 = arith.constant 0 : index
        %get3A_690 = tpu.vector_load %arg6[%get3A_687, %get3A_688, %get3A_689] {strides = array<i32>} : memref<2x1600x32xf32, #tpu.memory_space<vmem>>, vector<16xf32>,
        %add3A_691 = arith.addf %scan3A_677, %get3A_690 : vector<16xf32>
        %add3A_692 = arith.constant 0 : i32
        %add3A_693 = arith.addi %add3A_684, %add3A_692 : i32
        %get3A_694 = arith.constant 1 : i32
        %get3A_695 = arith.index_cast %get3A_694 : i32 to index
        %get3A_696 = arith.index_cast %add3A_693 : i32 to index
        %get3A_697 = arith.constant 16 : index
        %get3A_698 = tpu.vector_load %arg6[%get3A_695, %get3A_696, %get3A_697] {strides = array<i32>} : memref<2x1600x32xf32, #tpu.memory_space<vmem>>, vector<16xf32>,
        %add3A_699 = arith.addf %scan3A_678, %get3A_698 : vector<16xf32>
        %add3A_700 = arith.constant 0 : i32
        %add3A_701 = arith.addi %add3A_684, %add3A_700 : i32
        %add3A_702 = arith.constant 1 : i32
        %add3A_703 = arith.addi %add3A_701, %add3A_702 : i32
        %get3A_704 = arith.constant 1 : i32
        %get3A_705 = arith.index_cast %get3A_704 : i32 to index
        %get3A_706 = arith.index_cast %add3A_703 : i32 to index
        %get3A_707 = arith.constant 0 : index
        %get3A_708 = tpu.vector_load %arg6[%get3A_705, %get3A_706, %get3A_707] {strides = array<i32>} : memref<2x1600x32xf32, #tpu.memory_space<vmem>>, vector<16xf32>,
        %add3A_709 = arith.addf %scan3A_679, %get3A_708 : vector<16xf32>
        %add3A_710 = arith.constant 0 : i32
        %add3A_711 = arith.addi %add3A_684, %add3A_710 : i32
        %add3A_712 = arith.constant 1 : i32
        %add3A_713 = arith.addi %add3A_711, %add3A_712 : i32
        %get3A_714 = arith.constant 1 : i32
        %get3A_715 = arith.index_cast %get3A_714 : i32 to index
        %get3A_716 = arith.index_cast %add3A_713 : i32 to index
        %get3A_717 = arith.constant 16 : index
        %get3A_718 = tpu.vector_load %arg6[%get3A_715, %get3A_716, %get3A_717] {strides = array<i32>} : memref<2x1600x32xf32, #tpu.memory_space<vmem>>, vector<16xf32>,
        %add3A_719 = arith.addf %scan3A_680, %get3A_718 : vector<16xf32>
        %add3A_720 = arith.constant 2 : i32
        %add3A_721 = arith.addi %add3A_684, %add3A_720 : i32
        %get3A_722 = arith.constant 1 : i32
        %get3A_723 = arith.index_cast %get3A_722 : i32 to index
        %get3A_724 = arith.index_cast %add3A_721 : i32 to index
        %get3A_725 = arith.constant 0 : index
        %get3A_726 = tpu.vector_load %arg6[%get3A_723, %get3A_724, %get3A_725] {strides = array<i32>} : memref<2x1600x32xf32, #tpu.memory_space<vmem>>, vector<16xf32>,
        %add3A_727 = arith.addf %add3A_691, %get3A_726 : vector<16xf32>
        %add3A_728 = arith.constant 2 : i32
        %add3A_729 = arith.addi %add3A_684, %add3A_728 : i32
        %get3A_730 = arith.constant 1 : i32
        %get3A_731 = arith.index_cast %get3A_730 : i32 to index
        %get3A_732 = arith.index_cast %add3A_729 : i32 to index
        %get3A_733 = arith.constant 16 : index
        %get3A_734 = tpu.vector_load %arg6[%get3A_731, %get3A_732, %get3A_733] {strides = array<i32>} : memref<2x1600x32xf32, #tpu.memory_space<vmem>>, vector<16xf32>,
        %add3A_735 = arith.addf %add3A_699, %get3A_734 : vector<16xf32>
        %add3A_736 = arith.constant 2 : i32
        %add3A_737 = arith.addi %add3A_684, %add3A_736 : i32
        %add3A_738 = arith.constant 1 : i32
        %add3A_739 = arith.addi %add3A_737, %add3A_738 : i32
        %get3A_740 = arith.constant 1 : i32
        %get3A_741 = arith.index_cast %get3A_740 : i32 to index
        %get3A_742 = arith.index_cast %add3A_739 : i32 to index
        %get3A_743 = arith.constant 0 : index
        %get3A_744 = tpu.vector_load %arg6[%get3A_741, %get3A_742, %get3A_743] {strides = array<i32>} : memref<2x1600x32xf32, #tpu.memory_space<vmem>>, vector<16xf32>,
        %add3A_745 = arith.addf %add3A_709, %get3A_744 : vector<16xf32>
        %add3A_746 = arith.constant 2 : i32
        %add3A_747 = arith.addi %add3A_684, %add3A_746 : i32
        %add3A_748 = arith.constant 1 : i32
        %add3A_749 = arith.addi %add3A_747, %add3A_748 : i32
        %get3A_750 = arith.constant 1 : i32
        %get3A_751 = arith.index_cast %get3A_750 : i32 to index
        %get3A_752 = arith.index_cast %add3A_749 : i32 to index
        %get3A_753 = arith.constant 16 : index
        %get3A_754 = tpu.vector_load %arg6[%get3A_751, %get3A_752, %get3A_753] {strides = array<i32>} : memref<2x1600x32xf32, #tpu.memory_space<vmem>>, vector<16xf32>,
        %add3A_755 = arith.addf %add3A_719, %get3A_754 : vector<16xf32>
        %add3A_756 = arith.constant 4 : i32
        %add3A_757 = arith.addi %add3A_684, %add3A_756 : i32
        %get3A_758 = arith.constant 1 : i32
        %get3A_759 = arith.index_cast %get3A_758 : i32 to index
        %get3A_760 = arith.index_cast %add3A_757 : i32 to index
        %get3A_761 = arith.constant 0 : index
        %get3A_762 = tpu.vector_load %arg6[%get3A_759, %get3A_760, %get3A_761] {strides = array<i32>} : memref<2x1600x32xf32, #tpu.memory_space<vmem>>, vector<16xf32>,
        %add3A_763 = arith.addf %add3A_727, %get3A_762 : vector<16xf32>
        %add3A_764 = arith.constant 4 : i32
        %add3A_765 = arith.addi %add3A_684, %add3A_764 : i32
        %get3A_766 = arith.constant 1 : i32
        %get3A_767 = arith.index_cast %get3A_766 : i32 to index
        %get3A_768 = arith.index_cast %add3A_765 : i32 to index
        %get3A_769 = arith.constant 16 : index
        %get3A_770 = tpu.vector_load %arg6[%get3A_767, %get3A_768, %get3A_769] {strides = array<i32>} : memref<2x1600x32xf32, #tpu.memory_space<vmem>>, vector<16xf32>,
        %add3A_771 = arith.addf %add3A_735, %get3A_770 : vector<16xf32>
        %add3A_772 = arith.constant 4 : i32
        %add3A_773 = arith.addi %add3A_684, %add3A_772 : i32
        %add3A_774 = arith.constant 1 : i32
        %add3A_775 = arith.addi %add3A_773, %add3A_774 : i32
        %get3A_776 = arith.constant 1 : i32
        %get3A_777 = arith.index_cast %get3A_776 : i32 to index
        %get3A_778 = arith.index_cast %add3A_775 : i32 to index
        %get3A_779 = arith.constant 0 : index
        %get3A_780 = tpu.vector_load %arg6[%get3A_777, %get3A_778, %get3A_779] {strides = array<i32>} : memref<2x1600x32xf32, #tpu.memory_space<vmem>>, vector<16xf32>,
        %add3A_781 = arith.addf %add3A_745, %get3A_780 : vector<16xf32>
        %add3A_782 = arith.constant 4 : i32
        %add3A_783 = arith.addi %add3A_684, %add3A_782 : i32
        %add3A_784 = arith.constant 1 : i32
        %add3A_785 = arith.addi %add3A_783, %add3A_784 : i32
        %get3A_786 = arith.constant 1 : i32
        %get3A_787 = arith.index_cast %get3A_786 : i32 to index
        %get3A_788 = arith.index_cast %add3A_785 : i32 to index
        %get3A_789 = arith.constant 16 : index
        %get3A_790 = tpu.vector_load %arg6[%get3A_787, %get3A_788, %get3A_789] {strides = array<i32>} : memref<2x1600x32xf32, #tpu.memory_space<vmem>>, vector<16xf32>,
        %add3A_791 = arith.addf %add3A_755, %get3A_790 : vector<16xf32>
        %add3A_792 = arith.constant 6 : i32
        %add3A_793 = arith.addi %add3A_684, %add3A_792 : i32
        %get3A_794 = arith.constant 1 : i32
        %get3A_795 = arith.index_cast %get3A_794 : i32 to index
        %get3A_796 = arith.index_cast %add3A_793 : i32 to index
        %get3A_797 = arith.constant 0 : index
        %get3A_798 = tpu.vector_load %arg6[%get3A_795, %get3A_796, %get3A_797] {strides = array<i32>} : memref<2x1600x32xf32, #tpu.memory_space<vmem>>, vector<16xf32>,
        %add3A_799 = arith.addf %add3A_763, %get3A_798 : vector<16xf32>
        %add3A_800 = arith.constant 6 : i32
        %add3A_801 = arith.addi %add3A_684, %add3A_800 : i32
        %get3A_802 = arith.constant 1 : i32
        %get3A_803 = arith.index_cast %get3A_802 : i32 to index
        %get3A_804 = arith.index_cast %add3A_801 : i32 to index
        %get3A_805 = arith.constant 16 : index
        %get3A_806 = tpu.vector_load %arg6[%get3A_803, %get3A_804, %get3A_805] {strides = array<i32>} : memref<2x1600x32xf32, #tpu.memory_space<vmem>>, vector<16xf32>,
        %add3A_807 = arith.addf %add3A_771, %get3A_806 : vector<16xf32>
        %add3A_808 = arith.constant 6 : i32
        %add3A_809 = arith.addi %add3A_684, %add3A_808 : i32
        %add3A_810 = arith.constant 1 : i32
        %add3A_811 = arith.addi %add3A_809, %add3A_810 : i32
        %get3A_812 = arith.constant 1 : i32
        %get3A_813 = arith.index_cast %get3A_812 : i32 to index
        %get3A_814 = arith.index_cast %add3A_811 : i32 to index
        %get3A_815 = arith.constant 0 : index
        %get3A_816 = tpu.vector_load %arg6[%get3A_813, %get3A_814, %get3A_815] {strides = array<i32>} : memref<2x1600x32xf32, #tpu.memory_space<vmem>>, vector<16xf32>,
        %add3A_817 = arith.addf %add3A_781, %get3A_816 : vector<16xf32>
        %add3A_818 = arith.constant 6 : i32
        %add3A_819 = arith.addi %add3A_684, %add3A_818 : i32
        %add3A_820 = arith.constant 1 : i32
        %add3A_821 = arith.addi %add3A_819, %add3A_820 : i32
        %get3A_822 = arith.constant 1 : i32
        %get3A_823 = arith.index_cast %get3A_822 : i32 to index
        %get3A_824 = arith.index_cast %add3A_821 : i32 to index
        %get3A_825 = arith.constant 16 : index
        %get3A_826 = tpu.vector_load %arg6[%get3A_823, %get3A_824, %get3A_825] {strides = array<i32>} : memref<2x1600x32xf32, #tpu.memory_space<vmem>>, vector<16xf32>,
        %add3A_827 = arith.addf %add3A_791, %get3A_826 : vector<16xf32>
        scf.yield %add3A_799, %add3A_807, %add3A_817, %add3A_827 : vector<16xf32>, vector<16xf32>, vector<16xf32>, vector<16xf32>
      }
      %scan3A_648 = arith.constant 25 : i32
      %add3A_649 = arith.addf %scan3A_647#0, %scan3A_647#2 : vector<16xf32>
      %swap3A_650 = arith.constant 1 : i32
      %swap3A_651 = arith.constant 7 : i32
      %swap3A_652 = arith.index_cast %swap3A_650 : i32 to index
      %swap3A_653 = arith.index_cast %swap3A_651 : i32 to index
      %swap3A_654 = arith.constant 0 : index
      %swap3A_655 = tpu.vector_load %arg7[%swap3A_652, %swap3A_653, %swap3A_654] {strides = array<i32>} : memref<2x8x32xf32, #tpu.memory_space<vmem>>, vector<16xf32>,
      tpu.vector_store %arg7[%swap3A_652, %swap3A_653, %swap3A_654], %add3A_649 {strides = array<i32>} : memref<2x8x32xf32, #tpu.memory_space<vmem>>, vector<16xf32>,
      %add3A_656 = arith.addf %scan3A_647#1, %scan3A_647#3 : vector<16xf32>
      %swap3A_657 = arith.constant 1 : i32
      %swap3A_658 = arith.constant 7 : i32
      %swap3A_659 = arith.index_cast %swap3A_657 : i32 to index
      %swap3A_660 = arith.index_cast %swap3A_658 : i32 to index
      %swap3A_661 = arith.constant 16 : index
      %swap3A_662 = tpu.vector_load %arg7[%swap3A_659, %swap3A_660, %swap3A_661] {strides = array<i32>} : memref<2x8x32xf32, #tpu.memory_space<vmem>>, vector<16xf32>,
      tpu.vector_store %arg7[%swap3A_659, %swap3A_660, %swap3A_661], %add3A_656 {strides = array<i32>} : memref<2x8x32xf32, #tpu.memory_space<vmem>>, vector<16xf32>,
      %dma_start3A_663 = arith.constant 1 : i32
      %dma_start3A_664 = arith.constant 0 : i32
      %dma_start3A_665 = arith.constant 0 : i32
      %dma_start3A_666 = tpu.memref_slice %arg7[%dma_start3A_663, %dma_start3A_664, %dma_start3A_665] : memref<2x8x32xf32, #tpu.memory_space<vmem>> -> memref<1x8x32xf32, #tpu.memory_space<vmem>>
      %dma_start3A_667 = tpu.memref_squeeze %dma_start3A_666 : memref<1x8x32xf32, #tpu.memory_space<vmem>> -> memref<8x32xf32, #tpu.memory_space<vmem>>
      %dma_start3A_668 = arith.constant 0 : i32
      %dma_start3A_669 = tpu.memref_slice %arg4[%add3A_481, %dma_start3A_668] : memref<16384x32xf32, #tpu.memory_space<hbm>> -> memref<8x32xf32, #tpu.memory_space<hbm>>
      %dma_start3A_670 = arith.constant 0 : i32
      %dma_start3A_671 = tpu.memref_slice %arg4[%add3A_481, %dma_start3A_670] : memref<16384x32xf32, #tpu.memory_space<hbm>> -> memref<8x32xf32, #tpu.memory_space<hbm>>
      %dma_start3A_672 = arith.constant 0 : i32
      %dma_start3A_673 = arith.constant 0 : i32
      %dma_start3A_674 = tpu.memref_slice %arg7[%dma_start3A_663, %dma_start3A_672, %dma_start3A_673] : memref<2x8x32xf32, #tpu.memory_space<vmem>> -> memref<1x8x32xf32, #tpu.memory_space<vmem>>
      %dma_start3A_675 = tpu.memref_squeeze %dma_start3A_674 : memref<1x8x32xf32, #tpu.memory_space<vmem>> -> memref<8x32xf32, #tpu.memory_space<vmem>>
      tpu.enqueue_dma source(%dma_start3A_675 : memref<8x32xf32, #tpu.memory_space<vmem>>) target(%dma_start3A_671 : memref<8x32xf32, #tpu.memory_space<hbm>>) target_semaphore(%arg11 : memref<!tpu.dma_semaphore, #tpu.memory_space<semaphore_mem>>)
    }
    %scan3A_112 = arith.constant 32 : i32
    %dma_wait3A = arith.constant 0 : i32
    %dma_wait3A_113 = arith.constant 0 : i32
    %dma_wait3A_114 = arith.constant 0 : i32
    %dma_wait3A_115 = tpu.memref_slice %arg7[%dma_wait3A, %dma_wait3A_113, %dma_wait3A_114] : memref<2x8x32xf32, #tpu.memory_space<vmem>> -> memref<1x8x32xf32, #tpu.memory_space<vmem>>
    %dma_wait3A_116 = tpu.memref_squeeze %dma_wait3A_115 : memref<1x8x32xf32, #tpu.memory_space<vmem>> -> memref<8x32xf32, #tpu.memory_space<vmem>>
    %dma_wait3A_117 = arith.constant 0 : i32
    %dma_wait3A_118 = tpu.memref_slice %arg4[%mul3A_2, %dma_wait3A_117] : memref<16384x32xf32, #tpu.memory_space<hbm>> -> memref<8x32xf32, #tpu.memory_space<hbm>>
    %dma_wait3A_119 = arith.constant 0 : i32
    %dma_wait3A_120 = tpu.memref_slice %arg4[%mul3A_2, %dma_wait3A_119] : memref<16384x32xf32, #tpu.memory_space<hbm>> -> memref<8x32xf32, #tpu.memory_space<hbm>>
    %dma_wait3A_121 = arith.constant 0 : i32
    %dma_wait3A_122 = arith.constant 0 : i32
    %dma_wait3A_123 = tpu.memref_slice %arg7[%dma_wait3A, %dma_wait3A_121, %dma_wait3A_122] : memref<2x8x32xf32, #tpu.memory_space<vmem>> -> memref<1x8x32xf32, #tpu.memory_space<vmem>>
    %dma_wait3A_124 = tpu.memref_squeeze %dma_wait3A_123 : memref<1x8x32xf32, #tpu.memory_space<vmem>> -> memref<8x32xf32, #tpu.memory_space<vmem>>
    tpu.wait_dma2 semaphore(%arg10 : memref<!tpu.dma_semaphore, #tpu.memory_space<semaphore_mem>>) src(%dma_wait3A_124 : memref<8x32xf32, #tpu.memory_space<vmem>>) dst(%dma_wait3A_120 : memref<8x32xf32, #tpu.memory_space<hbm>>)
    %dma_wait3A_125 = arith.constant 1 : i32
    %dma_wait3A_126 = arith.constant 0 : i32
    %dma_wait3A_127 = arith.constant 0 : i32
    %dma_wait3A_128 = tpu.memref_slice %arg7[%dma_wait3A_125, %dma_wait3A_126, %dma_wait3A_127] : memref<2x8x32xf32, #tpu.memory_space<vmem>> -> memref<1x8x32xf32, #tpu.memory_space<vmem>>
    %dma_wait3A_129 = tpu.memref_squeeze %dma_wait3A_128 : memref<1x8x32xf32, #tpu.memory_space<vmem>> -> memref<8x32xf32, #tpu.memory_space<vmem>>
    %dma_wait3A_130 = arith.constant 0 : i32
    %dma_wait3A_131 = tpu.memref_slice %arg4[%mul3A_2, %dma_wait3A_130] : memref<16384x32xf32, #tpu.memory_space<hbm>> -> memref<8x32xf32, #tpu.memory_space<hbm>>
    %dma_wait3A_132 = arith.constant 0 : i32
    %dma_wait3A_133 = tpu.memref_slice %arg4[%mul3A_2, %dma_wait3A_132] : memref<16384x32xf32, #tpu.memory_space<hbm>> -> memref<8x32xf32, #tpu.memory_space<hbm>>
    %dma_wait3A_134 = arith.constant 0 : i32
    %dma_wait3A_135 = arith.constant 0 : i32
    %dma_wait3A_136 = tpu.memref_slice %arg7[%dma_wait3A_125, %dma_wait3A_134, %dma_wait3A_135] : memref<2x8x32xf32, #tpu.memory_space<vmem>> -> memref<1x8x32xf32, #tpu.memory_space<vmem>>
    %dma_wait3A_137 = tpu.memref_squeeze %dma_wait3A_136 : memref<1x8x32xf32, #tpu.memory_space<vmem>> -> memref<8x32xf32, #tpu.memory_space<vmem>>
    tpu.wait_dma2 semaphore(%arg11 : memref<!tpu.dma_semaphore, #tpu.memory_space<semaphore_mem>>) src(%dma_wait3A_137 : memref<8x32xf32, #tpu.memory_space<vmem>>) dst(%dma_wait3A_133 : memref<8x32xf32, #tpu.memory_space<hbm>>)
    return
  }
}

module attributes {stable_mosaic.version = 14 : i64} {
  func.func @_mlp_body(%arg0: i32, %arg1: memref<2048x32xf32, #tpu.memory_space<vmem>>, %arg2: memref<32x128xf32, #tpu.memory_space<vmem>>, %arg3: memref<1x128xf32, #tpu.memory_space<vmem>>, %arg4: memref<128x128xf32, #tpu.memory_space<vmem>>, %arg5: memref<1x128xf32, #tpu.memory_space<vmem>>, %arg6: memref<128x2xf32, #tpu.memory_space<vmem>>, %arg7: memref<1x2xf32, #tpu.memory_space<vmem>>, %arg8: memref<2048x2xf32, #tpu.memory_space<vmem>>) attributes {dimension_semantics = [#tpu.dimension_semantics<arbitrary>], iteration_bounds = array<i64: 8>, scalar_prefetch = 0 : i64, scratch_operands = 0 : i64, tpu.core_type = #tpu.core_type<tc>, window_params = [{transform_indices = @transform_0, window_bounds = array<i64: 2048, 32>}, {pipeline_mode = #tpu.pipeline_mode<synchronous>, transform_indices = @transform_1, window_bounds = array<i64: 32, 128>}, {pipeline_mode = #tpu.pipeline_mode<synchronous>, transform_indices = @transform_2, window_bounds = array<i64: 1, 128>}, {pipeline_mode = #tpu.pipeline_mode<synchronous>, transform_indices = @transform_3, window_bounds = array<i64: 128, 128>}, {pipeline_mode = #tpu.pipeline_mode<synchronous>, transform_indices = @transform_4, window_bounds = array<i64: 1, 128>}, {pipeline_mode = #tpu.pipeline_mode<synchronous>, transform_indices = @transform_5, window_bounds = array<i64: 128, 2>}, {pipeline_mode = #tpu.pipeline_mode<synchronous>, transform_indices = @transform_6, window_bounds = array<i64: 1, 2>}, {transform_indices = @transform_7, window_bounds = array<i64: 2048, 2>}]} {
    %get3A = arith.constant 0 : index
    %get3A_0 = arith.constant 0 : index
    %get3A_1 = vector.load %arg1[%get3A, %get3A_0] : memref<2048x32xf32, #tpu.memory_space<vmem>>, vector<2048x32xf32>
    %get3A_2 = arith.constant 0 : index
    %get3A_3 = arith.constant 0 : index
    %get3A_4 = vector.load %arg2[%get3A_2, %get3A_3] : memref<32x128xf32, #tpu.memory_space<vmem>>, vector<32x128xf32>
    %dot_general3A = arith.constant dense<0.000000e+00> : vector<2048x128xf32>
    %dot_general3A_5 = tpu.matmul %get3A_1, %get3A_4, %dot_general3A {dimension_numbers = #tpu.dot_dimension_numbers<[1], [0], [0], [1], [0, 0, 1, 1], [], []>, transpose_lhs_hint = false} : vector<2048x32xf32>, vector<32x128xf32>, vector<2048x128xf32> -> vector<2048x128xf32>
    %get3A_6 = arith.constant 0 : index
    %get3A_7 = arith.constant 0 : index
    %get3A_8 = vector.load %arg3[%get3A_6, %get3A_7] : memref<1x128xf32, #tpu.memory_space<vmem>>, vector<1x128xf32>
    %add3A = vector.broadcast %get3A_8 : vector<1x128xf32> to vector<2048x128xf32>
    %add3A_9 = arith.addf %dot_general3A_5, %add3A : vector<2048x128xf32>
    %max3A = arith.constant 0.000000e+00 : f32
    %max3A_10 = vector.broadcast %max3A : f32 to vector<2048x128xf32>
    %max3A_11 = arith.maximumf %add3A_9, %max3A_10 : vector<2048x128xf32>
    %get3A_12 = arith.constant 0 : index
    %get3A_13 = arith.constant 0 : index
    %get3A_14 = vector.load %arg4[%get3A_12, %get3A_13] : memref<128x128xf32, #tpu.memory_space<vmem>>, vector<128x128xf32>
    %dot_general3A_15 = arith.constant dense<0.000000e+00> : vector<2048x128xf32>
    %dot_general3A_16 = tpu.matmul %max3A_11, %get3A_14, %dot_general3A_15 {dimension_numbers = #tpu.dot_dimension_numbers<[1], [0], [0], [1], [0, 0, 1, 1], [], []>, transpose_lhs_hint = false} : vector<2048x128xf32>, vector<128x128xf32>, vector<2048x128xf32> -> vector<2048x128xf32>
    %get3A_17 = arith.constant 0 : index
    %get3A_18 = arith.constant 0 : index
    %get3A_19 = vector.load %arg5[%get3A_17, %get3A_18] : memref<1x128xf32, #tpu.memory_space<vmem>>, vector<1x128xf32>
    %add3A_20 = vector.broadcast %get3A_19 : vector<1x128xf32> to vector<2048x128xf32>
    %add3A_21 = arith.addf %dot_general3A_16, %add3A_20 : vector<2048x128xf32>
    %max3A_22 = arith.constant 0.000000e+00 : f32
    %max3A_23 = vector.broadcast %max3A_22 : f32 to vector<2048x128xf32>
    %max3A_24 = arith.maximumf %add3A_21, %max3A_23 : vector<2048x128xf32>
    %get3A_25 = arith.constant 0 : index
    %get3A_26 = arith.constant 0 : index
    %get3A_27 = vector.load %arg6[%get3A_25, %get3A_26] : memref<128x2xf32, #tpu.memory_space<vmem>>, vector<128x2xf32>
    %dot_general3A_28 = arith.constant dense<0.000000e+00> : vector<2048x2xf32>
    %dot_general3A_29 = tpu.matmul %max3A_24, %get3A_27, %dot_general3A_28 {dimension_numbers = #tpu.dot_dimension_numbers<[1], [0], [0], [1], [0, 0, 1, 1], [], []>, transpose_lhs_hint = false} : vector<2048x128xf32>, vector<128x2xf32>, vector<2048x2xf32> -> vector<2048x2xf32>
    %get3A_30 = arith.constant 0 : index
    %get3A_31 = arith.constant 0 : index
    %get3A_32 = vector.load %arg7[%get3A_30, %get3A_31] : memref<1x2xf32, #tpu.memory_space<vmem>>, vector<1x2xf32>
    %add3A_33 = vector.broadcast %get3A_32 : vector<1x2xf32> to vector<2048x2xf32>
    %add3A_34 = arith.addf %dot_general3A_29, %add3A_33 : vector<2048x2xf32>
    %swap3A = arith.constant 0 : index
    %swap3A_35 = arith.constant 0 : index
    %swap3A_36 = vector.load %arg8[%swap3A, %swap3A_35] : memref<2048x2xf32, #tpu.memory_space<vmem>>, vector<2048x2xf32>
    tpu.vector_store %arg8[%swap3A, %swap3A_35], %add3A_34 {strides = array<i32>} : memref<2048x2xf32, #tpu.memory_space<vmem>>, vector<2048x2xf32>,
    return
  }
  func.func @transform_0(%arg0: i32) -> (i32, i32) {
    %c0_i32 = arith.constant 0 : i32
    %c0_i32_0 = arith.constant 0 : i32
    return %arg0, %c0_i32 : i32, i32
  }
  func.func @transform_1(%arg0: i32) -> (i32, i32) {
    %c0_i32 = arith.constant 0 : i32
    %c0_i32_0 = arith.constant 0 : i32
    %c0_i32_1 = arith.constant 0 : i32
    return %c0_i32, %c0_i32_0 : i32, i32
  }
  func.func @transform_2(%arg0: i32) -> (i32, i32) {
    %c0_i32 = arith.constant 0 : i32
    %c0_i32_0 = arith.constant 0 : i32
    %c0_i32_1 = arith.constant 0 : i32
    return %c0_i32, %c0_i32_0 : i32, i32
  }
  func.func @transform_3(%arg0: i32) -> (i32, i32) {
    %c0_i32 = arith.constant 0 : i32
    %c0_i32_0 = arith.constant 0 : i32
    %c0_i32_1 = arith.constant 0 : i32
    return %c0_i32, %c0_i32_0 : i32, i32
  }
  func.func @transform_4(%arg0: i32) -> (i32, i32) {
    %c0_i32 = arith.constant 0 : i32
    %c0_i32_0 = arith.constant 0 : i32
    %c0_i32_1 = arith.constant 0 : i32
    return %c0_i32, %c0_i32_0 : i32, i32
  }
  func.func @transform_5(%arg0: i32) -> (i32, i32) {
    %c0_i32 = arith.constant 0 : i32
    %c0_i32_0 = arith.constant 0 : i32
    %c0_i32_1 = arith.constant 0 : i32
    return %c0_i32, %c0_i32_0 : i32, i32
  }
  func.func @transform_6(%arg0: i32) -> (i32, i32) {
    %c0_i32 = arith.constant 0 : i32
    %c0_i32_0 = arith.constant 0 : i32
    %c0_i32_1 = arith.constant 0 : i32
    return %c0_i32, %c0_i32_0 : i32, i32
  }
  func.func @transform_7(%arg0: i32) -> (i32, i32) {
    %c0_i32 = arith.constant 0 : i32
    %c0_i32_0 = arith.constant 0 : i32
    return %arg0, %c0_i32 : i32, i32
  }
}

</mosaic_0001>

<sc_bundles>
// kernel: kernel.4.cloned.1.call-start
scs
__scs_entry_jumppad:
0x0: {  	(pc) =	sbr.rel $0x88, $3  }
0x1: {  	(tag) =	ssettag $0x0;
	lr =	simm.s32 $0x1  }
0x2: {  	[smem:$0x3F99] =	sst lr;
	_ =	strace $0xD0000000  }
0x3: {  	_ = 	snop  }
0x4: {  	_ = 	snop  }
0x5: {  	_ = 	snop  }
0x6: {  	_ = 	snop  }
0x7: {  	_ = 	snop  }
__scs_overlays_trampoline_lowered:
0x8: {  	[smem:$0x3FA8] =	sst s0  }
0x9: {  	[smem:$0x3FA9] =	sst s1  }
0xa: {  	[smem:$0x3FAA] =	sst s2  }
0xb: {  	[smem:$0x3FAB] =	sst s3  }
0xc: {  	[smem:$0x3FAC] =	sst s4  }
0xd: {  	[smem:$0x3FAD] =	sst s5  }
0xe: {  	[smem:$0x3FAE] =	sst s6  }
0xf: {  	[smem:$0x3FAF] =	sst s7  }
0x10: {  	[smem:$0x3FB0] =	sst s8  }
0x11: {  	[smem:$0x3FB1] =	sst s9;
	s0 =	simm.s32 @!p0 $0x0  }
0x12: {  	s1 =	sld [smem:$0x3F97];
	s0 =	simm.s32 @p0 $0x1  }
0x13: {  	[smem:$0x3FB2] =	sst s0;
	s0 =	simm.s32 @!p1 $0x0  }
0x14: {  	s2 =	sld [smem:$0x3F96];
	s0 =	simm.s32 @p1 $0x1  }
0x15: {  	[smem:$0x3FB3] =	sst s0;
	s0 =	simm.s32 @!p2 $0x0  }
0x16: {  	s3 =	sld [smem:$0x3FDB];
	s0 =	simm.s32 @p2 $0x1  }
0x17: {  	s4 =	simm.s32 $0x1BF5;
	[smem:$0x3FB5] =	sst s0  }
0x18: {  	s0 =	sld [smem:$0x3F98];
	_ =	swait.ge [sflag:s4], $0x0  }
0x19: {  	s7 =	sld [smem:$0x3F99]  }
0x1a: {  	s8 =	sadd.s32 $0xFFFFE003, lr  }
0x1b: {  	s9 =	sadd.s32 $0xFFFFFEF7, lr;
	s5 =	simm.s32 $0xFFFFFFFF;
	p2 =	slt.u32 s8, $0xFFFFF086  }
0x1c: {  	p1 =	slt.u32 s9, $0xF7A;
	s5 =	simm.s32 @!p2 $0x0  }
0x1d: {  	s5 =	simm.s32 @p1 $0x1;
	p0 =	seq.s32 s7, s2  }
0x1e: {  	s7 =	smul.u32 @!p0 $0xF7A, s2;
	p2 =	seq.s32 @!p0 s5, $0x0  }
0x1f: {  	s9 =	smul.u32 $0xF7A, s1;
	s8 =	simm.s32 @!p0 $0x1BF5;
	p2 =	por !p2, p0  }
0x20: {  	[sflag:s8] =	ssyncset.s32 @!p0 $0xFFFFF086;
	s6 =	sadd.s32 @!p0 s3, s7;
	s7 =	simm.s32 @!p0 $0x108  }
0x21: {  	s3 =	sadd.s32 s3, s9;
	s6 =	sadd.s32 @!p0 $0x88, s6;
	s7 =	simm.s32 @p2 $0x1082  }
0x22: {  	[simem:s7], [sflag:s8] =	dma.local @!p0 [hbm:s6], $0xF7A  }
0x23: {  	s9 =	sor.u32 $0xD0000000, s2;
	s6 =	simm.s32 $0x108;
	_ =	swait.ge @!p0 [sflag:s8], $0x0  }
0x24: {  	s3 =	sadd.s32 $0x88, s3;
	s6 =	simm.s32 @!p1 $0x1082;
	[sflag:s4] =	ssyncset.s32 $0xFFFFF086  }
0x25: {  	[simem:s6], [sflag:s4] =	dma.local [hbm:s3], $0xF7A  }
0x26: {  	[smem:$0x3F99] =	sst s1;
	(tag) =	ssettag s2;
	_ =	strace s9  }
0x27: {  	s1 =	sld [smem:$0x3FA9]  }
0x28: {  	s2 =	sld [smem:$0x3FAA]  }
0x29: {  	s4 =	sld [smem:$0x3FAC]  }
0x2a: {  	p0 =	seq.s32 s5, $0x0;
	s5 =	sld [smem:$0x3FAD]  }
0x2b: {  	s6 =	sld [smem:$0x3FAE]  }
0x2c: {  	s7 =	sld [smem:$0x3FAF]  }
0x2d: {  	s3 =	simm.s32 $0x108;
	s8 =	sld [smem:$0x3FB0]  }
0x2e: {  	s3 =	simm.s32 @!p0 $0x1082;
	s9 =	sld [smem:$0x3FB1]  }
0x2f: {  	lr =	sadd.s32 s0, s3;
	s0 =	sld [smem:$0x3FA8]  }
0x30: {  	s3 =	sld [smem:$0x3FAB]  }
0x31: {  	[smem:$0x3FB4] =	sst s10  }
0x32: {  	s10 =	sld [smem:$0x3FB2];
	_ =	sdelay $0x3  }
0x33: {  	p0 =	seq.s32 s10, $0x1;
	s10 =	sld [smem:$0x3FB4];
	_ =	sdelay $0x3  }
0x34: {  	[smem:$0x3FB4] =	sst s10  }
0x35: {  	s10 =	sld [smem:$0x3FB3];
	_ =	sdelay $0x3  }
0x36: {  	p1 =	seq.s32 s10, $0x1;
	s10 =	sld [smem:$0x3FB4];
	_ =	sdelay $0x3  }
0x37: {  	[smem:$0x3FB4] =	sst s10  }
0x38: {  	s10 =	sld [smem:$0x3FB5]  }
0x39: {  	_ = 	snop;
	(pc) =	sbr.ind lr, $3  }
0x3a: {  	_ = 	snop  }
0x3b: {  	_ = 	snop  }
0x3c: {  	p2 =	seq.s32 s10, $0x1;
	s10 =	sld [smem:$0x3FB4]  }
0x3d: {  	_ =	shalt  }
0x3e: {  	_ =	shalt  }
0x3f: {  	_ =	shalt  }
0x40: {  	_ =	shalt  }
0x41: {  	_ =	shalt  }
0x42: {  	_ =	shalt  }
0x43: {  	_ =	shalt  }
0x44: {  	_ =	shalt  }
0x45: {  	_ =	shalt  }
0x46: {  	_ =	shalt  }
0x47: {  	_ =	shalt  }
0x48: {  	_ =	shalt  }
0x49: {  	_ =	shalt  }
0x4a: {  	_ =	shalt  }
0x4b: {  	_ =	shalt  }
0x4c: {  	_ =	shalt  }
0x4d: {  	_ =	shalt  }
0x4e: {  	_ =	shalt  }
0x4f: {  	_ =	shalt  }
0x50: {  	_ =	shalt  }
0x51: {  	_ =	shalt  }
0x52: {  	_ =	shalt  }
0x53: {  	_ =	shalt  }
0x54: {  	_ =	shalt  }
0x55: {  	_ =	shalt  }
0x56: {  	_ =	shalt  }
0x57: {  	_ =	shalt  }
0x58: {  	_ =	shalt  }
0x59: {  	_ =	shalt  }
0x5a: {  	_ =	shalt  }
0x5b: {  	_ =	shalt  }
0x5c: {  	_ =	shalt  }
0x5d: {  	_ =	shalt  }
0x5e: {  	_ =	shalt  }
0x5f: {  	_ =	shalt  }
0x60: {  	_ =	shalt  }
0x61: {  	_ =	shalt  }
0x62: {  	_ =	shalt  }
0x63: {  	_ =	shalt  }
0x64: {  	_ =	shalt  }
0x65: {  	_ =	shalt  }
0x66: {  	_ =	shalt  }
0x67: {  	_ =	shalt  }
0x68: {  	_ =	shalt  }
0x69: {  	_ =	shalt  }
0x6a: {  	_ =	shalt  }
0x6b: {  	_ =	shalt  }
0x6c: {  	_ =	shalt  }
0x6d: {  	_ =	shalt  }
0x6e: {  	_ =	shalt  }
0x6f: {  	_ =	shalt  }
0x70: {  	_ =	shalt  }
0x71: {  	_ =	shalt  }
0x72: {  	_ =	shalt  }
0x73: {  	_ =	shalt  }
0x74: {  	_ =	shalt  }
0x75: {  	_ =	shalt  }
0x76: {  	_ =	shalt  }
0x77: {  	_ =	shalt  }
0x78: {  	_ =	shalt  }
0x79: {  	_ =	shalt  }
0x7a: {  	_ =	shalt  }
0x7b: {  	_ =	shalt  }
0x7c: {  	_ =	shalt  }
0x7d: {  	_ =	shalt  }
0x7e: {  	_ =	shalt  }
0x7f: {  	_ =	shalt  }
0x80: {  	_ =	shalt  }
0x81: {  	_ =	shalt  }
0x82: {  	_ =	shalt  }
0x83: {  	_ =	shalt  }
0x84: {  	_ =	shalt  }
0x85: {  	_ =	shalt  }
0x86: {  	_ =	shalt  }
0x87: {  	_ =	shalt  }
.Lfunc_end0:
.L_simem_size_0:
called_computation_lowered:
.L_overlay_start_0:
0x88: {  	s2 =	sld [smem:$0x3FD9]  }
0x89: {  	s3 =	sld [smem:$0x3FFE];
	_ =	sdelay $0x1  }
0x8a: {  	s1 =	srdreg.scid  }
0x8b: {  	s0 =	sand.u32 $0x1, s1  }
0x8c: {  	s16 =	sshll.u32 s0, $0xA;
	s2 =	sadd.s32 s3, s2  }
0x8d: {  	s2 =	sadd.s32 s2, s16  }
0x8e: {  	[smem:$0x3FC0] =	sst s2  }
0x8f: {  	_ = 	snop  }
0x90: {  	(tm) =	ssettm $0x1  }
0x91: {  	s17 =	sld [smem:$0x3FFB];
	_ =	sdelay $0x3  }
0x92: {  	_ =	strace s17  }
0x93: {  	s2 =	sld [smem:$0x3FFC];
	_ =	sdelay $0x3  }
0x94: {  	_ =	strace s2  }
0x95: {  	s2 =	sld [smem:$0x3FFD];
	_ =	sdelay $0x3  }
0x96: {  	_ =	strace s2  }
0x97: {  	_ =	strace $0x8FFFFFFF  }
0x98: {  	s18 =	sld [smem:$0x3FDB];
	_ =	sdelay $0x1  }
0x99: {  	s19 =	simm.s32 $_scs_section_size  }
0x9a: {  	s4 =	simm.s32 $_size__tile_overlayer_lowered;
	s5 =	simm.s32 $_tile_overlayer_lowered  }
0x9b: {  	s22 =	simm.s32 $0x1BFF;
	s21 =	sshll.u32 s5, $0x1;
	s2 =	sadd.s32 s19, s18  }
0x9c: {  	s6 =	simm.s32 $0x0;
	s20 =	sshll.u32 s4, $0x1;
	s4 =	sadd.s32 s21, s2  }
0x9d: {  	[timem:s6], [sflag:s22] =	dma.local [hbm:s4], s20  }
0x9e: {  	_ =	swait.ge [sflag:s22], s20  }
0x9f: {  	s3 =	ssub.s32 $0x0, s20;
	[sflag:s22] =	ssyncset.done $0x0  }
0xa0: {  	[sflag:s22] =	ssyncadd.s32 s3;
	_ =	sdelay $0x1  }
0xa1: {  	s23 =	simm.s32 $0x1B8B  }
0xa2: {  	_ =	swait.ge [sflag:s23], $0x1  }
0xa3: {  	[sflag:s23] =	ssyncset.done $0x0  }
0xa4: {  	s25 =	simm.s32 $0x1B8E;
	s24 =	sld [smem:$0x3FFE];
	[sflag:s23] =	ssyncadd.s32 $0xFFFFFFFF  }
0xa5: {  	s26 =	simm.s32 $execute0_lowered;
	[smem:$0x3FD2] =	sst s25  }
0xa6: {  	s4 =	sshll.u32 s26, $0x1;
	_ =	strace $0x80000046;
	[dreg:$0x1] =	wrdreg $0xFFFFFFFF  }
0xa7: {  	s28 =	simm.s32 $_size_execute0_lowered;
	s2 =	sadd.s32 s2, s4;
	[dreg:$0x0] =	wrdreg $0x0  }
0xa8: {  	s4 =	sshll.u32 s28, $0x1;
	[dreg:$0x2] =	wrdreg s2  }
0xa9: {  	[dreg:$0x3] =	wrdreg s4  }
0xaa: {  	[dreg:$0x4] =	wrdreg $0xC0  }
0xab: {  	_ =	task [dreg:s6], $0x5FFFF  }
0xac: {  	[dreg:$0x1] =	wrdreg $0xFFFFFFFF  }
0xad: {  	[dreg:$0x0] =	wrdreg $0x60  }
0xae: {  	[dreg:$0x2] =	wrdreg s24  }
0xaf: {  	[dreg:$0x3] =	wrdreg $0x9  }
0xb0: {  	_ =	task.clear_ibuf [dreg:s6], $0x4FFFF;
	_ =	strace $0x90000046  }
0xb1: {  	s29 =	simm.s32 $0x9;
	_ =	strace $0x80000048  }
0xb2: {  	_ =	swait.ge [sflag:s29], $0x1  }
0xb3: {  	[sflag:s29] =	ssyncadd.s32 $0xFFFFFFFF  }
0xb4: {  	_ =	strace $0x90000048  }
0xb5: {  	_ =	sfence  }
0xb6: {  	s30 =	sld [smem:$0x0];
	_ =	sdelay $0x2  }
0xb7: {  	s31 =	sshll.u32 s1, $0xD;
	s1 =	sshrl.u32 s1, $0x2  }
0xb8: {  	s3 =	sand.u32 $0x4000, s31;
	s1 =	sadd.s32 s1, s30  }
0xb9: {  	s0 =	sor.u32 s3, s0;
	s1 =	sshll.u32 s1, $0x11  }
0xba: {  	s0 =	sor.u32 s1, s0  }
0xbb: {  	s0 =	sadd.s32 $0x8F2B, s0  }
0xbc: {  	[sflag:s0] =	ssyncadd.remote.s32 $0x1  }
0xbd: {  	_ =	sfence.sel $0xFFFF  }
0xbe: {  	[dreg:$0x0] =	wrdreg $0xFFFFFFFF;
	(pc) =	sbr.abs _section_cstart, $3  }
0xbf: {  	[dreg:$0x1] =	wrdreg $0xFFFFFFFF  }
0xc0: {  	_ =	task.clear_ibuf [dreg:s6], $0x2FFFF;
	_ =	strace $0x9FFFFFFF  }
0xc1: {  	(tm) =	ssettm $0x7FFFFFFF  }
tec
execute0_lowered:
.L_overlay_start_1:
0x0: {  	(tag) =	ssettag $0x1  }
0x1: {  	s0 =	rddreg [dreg:$0x0];
	s1 =	srdreg.scid  }
0x2: {  	s2 =	simm.s32 $0x0;
	s3 =	stileid.u32;
	s11 =	simm.s32 $0x5  }
0x3: {  	s12 =	simm.s32 $0xC8;
	s28 =	simm.s32 $0x640;
	s9 =	simm.s32 $0x11F80  }
0x4: {  	s13 =	simm.s32 $0x960;
	s14 =	simm.s32 $0x13880;
	s15 =	simm.s32 $0xA28  }
0x5: {  	s16 =	simm.s32 $0x15180;
	s17 =	simm.s32 $0xAF0;
	s18 =	simm.s32 $0x16A80  }
0x6: {  	s19 =	simm.s32 $0xBB8;
	s20 =	simm.s32 $0x18380;
	s21 =	simm.s32 $0x1  }
0x7: {  	s22 =	simm.s32 $0x19C80;
	s23 =	simm.s32 $0x2;
	s24 =	simm.s32 $0x4  }
0x8: {  	s25 =	simm.s32 $0x19D80;
	s26 =	simm.s32 $0x0;
	s1 =	sand.u32 $0x1, s1  }
0x9: {  	[smem:$0x7FF] =	sst s2;
	s4 =	sshll.u32 s3, $0xA;
	s3 =	sadd.s32 $0x1200, s0  }
0xa: {  	s5 =	sshll.u32 s1, $0x9;
	_ =	strace $0x80000047;
	s1 =	ssub.s32 $0x2, s1  }
0xb: {  	s6 =	sor.u32 s5, s4;
	s4 =	sadd.s32 $0xF43600, s0;
	s5 =	sadd.s32 $0x65200, s0  }
0xc: {  	s29 =	sshrl.u32 s1, $0x1;
	s7 =	smul.u32 $0x19, s6;
	s8 =	sshll.u32 s6, $0x2  }
0xd: {  	s0 =	ssub.s32 s1, s29;
	s31 =	sor.u32 $0x10, s6;
	s10 =	sor.u32 $0x8, s6  }
0xe: {  	s1 =	simm.s32 $0x10680;
	[dreg:$0x3] =	wrdreg s31;
	s0 =	smax.u32 s0, $0x1  }
0xf: {  	s6 =	simm.s32 $0x898;
	s30 =	sadd.s32 s3, s7;
	[dreg:$0x4] =	wrdreg s0  }
0x10: {  	s7 =	sadd.s32 s5, s8;
	s0 =	simm.s32 $0x7D0;
	[dreg:$0x2] =	wrdreg s30  }
.LBB2_1:
0x11: {  	[dreg:$0x5] =	wrdreg s26  }
0x12: {  	s8 =	rddreg [dreg:$0x2]  }
0x13: {  	[tilespmem:s2], [sflag:$0x5] =	stream.linear.gather [hbm4b:s8+s2], $0x640, $0x38;
	[tilespmem:$0x19E80] =	vst v63  }
0x14: {  	_ =	swait.ge [sflag:s11], $0x640  }
0x15: {  	[sflag:s11] =	ssyncset.done $0x0  }
0x16: {  	s30 =	simm.s32 $0xC80;
	[sflag:s11] =	ssyncadd.s32 $0xFFFFF9C0  }
0x17: {  	[tilespmem:s30], [sflag:$0x1] =	stream.indirect.gather [hbm4b:s4+s12], $0x20, s2, s12, $0xb8;
	[tilespmem:$0x19E80] =	vst v63  }
0x18: {  	s31 =	simm.s32 $0x2580  }
0x19: {  	[tilespmem:s31], [sflag:$0x1] =	stream.indirect.gather [hbm4b:s4+s12], $0x20, s12, s12, $0xb8;
	[tilespmem:$0x19E80] =	vst v63  }
0x1a: {  	s26 =	simm.s32 $0x190;
	s29 =	simm.s32 $0x3E80  }
0x1b: {  	[tilespmem:s29], [sflag:$0x1] =	stream.indirect.gather [hbm4b:s4+s12], $0x20, s26, s12, $0xb8;
	[tilespmem:$0x19E80] =	vst v63  }
0x1c: {  	s30 =	simm.s32 $0x258;
	s31 =	simm.s32 $0x5780  }
0x1d: {  	[tilespmem:s31], [sflag:$0x1] =	stream.indirect.gather [hbm4b:s4+s12], $0x20, s30, s12, $0xb8;
	[tilespmem:$0x19E80] =	vst v63  }
0x1e: {  	s26 =	simm.s32 $0x320;
	s29 =	simm.s32 $0x7080  }
0x1f: {  	[tilespmem:s29], [sflag:$0x1] =	stream.indirect.gather [hbm4b:s4+s12], $0x20, s26, s12, $0xb8;
	[tilespmem:$0x19E80] =	vst v63  }
0x20: {  	s30 =	simm.s32 $0x3E8;
	s31 =	simm.s32 $0x8980  }
0x21: {  	[tilespmem:s31], [sflag:$0x1] =	stream.indirect.gather [hbm4b:s4+s12], $0x20, s30, s12, $0xb8;
	[tilespmem:$0x19E80] =	vst v63  }
0x22: {  	s26 =	simm.s32 $0x4B0;
	s29 =	simm.s32 $0xA280  }
0x23: {  	[tilespmem:s29], [sflag:$0x1] =	stream.indirect.gather [hbm4b:s4+s12], $0x20, s26, s12, $0xb8;
	[tilespmem:$0x19E80] =	vst v63  }
0x24: {  	s30 =	simm.s32 $0x578;
	s31 =	simm.s32 $0xBB80;
	s26 =	simm.s32 $0x0  }
0x25: {  	[tilespmem:s31], [sflag:$0x1] =	stream.indirect.gather [hbm4b:s4+s12], $0x20, s30, s12, $0xb8;
	[tilespmem:$0x19E80] =	vst v63  }
.LBB2_2:
0x26: {  	s29 =	sshll.u32 s26, $0x4  }
0x27: {  	s8 =	sor.u32 s10, s29  }
0x28: {  	s30 =	smul.u32 $0x19, s8;
	_ =	sdelay $0x1  }
0x29: {  	s30 =	sadd.s32 s3, s30  }
0x2a: {  	[tilespmem:s28], [sflag:$0x5] =	stream.linear.gather [hbm4b:s30+s2], $0x640, $0x38;
	[tilespmem:$0x19E80] =	vst v63  }
0x2b: {  	_ =	swait.ge [sflag:s11], $0x640  }
0x2c: {  	[sflag:s11] =	ssyncset.done $0x0  }
0x2d: {  	s30 =	simm.s32 $0xD480;
	[sflag:s11] =	ssyncadd.s32 $0xFFFFF9C0  }
0x2e: {  	[tilespmem:s30], [sflag:$0x2] =	stream.indirect.gather [hbm4b:s4+s12], $0x20, s28, s12, $0xb8;
	[tilespmem:$0x19E80] =	vst v63  }
0x2f: {  	s31 =	simm.s32 $0xED80;
	s30 =	simm.s32 $0x708  }
0x30: {  	[tilespmem:s31], [sflag:$0x2] =	stream.indirect.gather [hbm4b:s4+s12], $0x20, s30, s12, $0xb8;
	[tilespmem:$0x19E80] =	vst v63  }
0x31: {  	_ = 	snop  }
0x32: {  	[tilespmem:s1], [sflag:$0x2] =	stream.indirect.gather [hbm4b:s4+s12], $0x20, s0, s12, $0xb8;
	[tilespmem:$0x19E80] =	vst v63  }
0x33: {  	_ = 	snop  }
0x34: {  	[tilespmem:s9], [sflag:$0x2] =	stream.indirect.gather [hbm4b:s4+s12], $0x20, s6, s12, $0xb8;
	[tilespmem:$0x19E80] =	vst v63  }
0x35: {  	_ = 	snop  }
0x36: {  	[tilespmem:s14], [sflag:$0x2] =	stream.indirect.gather [hbm4b:s4+s12], $0x20, s13, s12, $0xb8;
	[tilespmem:$0x19E80] =	vst v63  }
0x37: {  	_ = 	snop  }
0x38: {  	[tilespmem:s16], [sflag:$0x2] =	stream.indirect.gather [hbm4b:s4+s12], $0x20, s15, s12, $0xb8;
	[tilespmem:$0x19E80] =	vst v63  }
0x39: {  	_ = 	snop  }
0x3a: {  	[tilespmem:s18], [sflag:$0x2] =	stream.indirect.gather [hbm4b:s4+s12], $0x20, s17, s12, $0xb8;
	[tilespmem:$0x19E80] =	vst v63  }
0x3b: {  	_ = 	snop  }
0x3c: {  	[tilespmem:s20], [sflag:$0x2] =	stream.indirect.gather [hbm4b:s4+s12], $0x20, s19, s12, $0xb8;
	[tilespmem:$0x19E80] =	vst v63  }
0x3d: {  	_ =	swait.ge [sflag:s21], $0xC800  }
0x3e: {  	p0 =	seq.s32 s26, $0x0;
	[sflag:s21] =	ssyncset.done $0x0  }
0x3f: {  	s30 =	simm.s32 @!p0 $0x3;
	[sflag:s21] =	ssyncadd.s32 $0xFFFF3800  }
0x40: {  	_ =	swait.ge @!p0 [sflag:s30], $0x100  }
0x41: {  	[sflag:s30] =	ssyncset.done @!p0 $0x0  }
0x42: {  	[sflag:s30] =	ssyncadd.s32 @!p0 $0xFFFFFF00;
	s30 =	simm.s32 $0x0  }
0x43: {  	v0 =	vld [tilespmem:s30+$0xD40]  }
0x44: {  	v1 =	vld [tilespmem:s30+$0xD50]  }
0x45: {  	v2 =	vld [tilespmem:s30+$0xD00]  }
0x46: {  	v3 =	vld [tilespmem:s30+$0xD10]  }
0x47: {  	v4 =	vld [tilespmem:s30+$0xCC0]  }
0x48: {  	v5 =	vld [tilespmem:s30+$0xCD0]  }
0x49: {  	v10 =	vld [tilespmem:s30+$0xC80]  }
0x4a: {  	v6 =	vimm.f32 $0.0e+00;
	v11 =	vld [tilespmem:s30+$0xC90]  }
0x4b: {  	v7 =	vimm.f32 $0.0e+00;
	v9 =	vimm.f32 $0.0e+00;
	v8 =	vimm.f32 $0.0e+00;
	s31 =	simm.s32 $0x400;
	v12 =	vld [tilespmem:s30+$0xCA0]  }
.LBB2_3:
0x4c: {  	p1 =	sne.s32 s31, $0x6000;
	v13 =	vld [tilespmem:s30+$0xCB0]  }
0x4d: {  	v14 =	vld [tilespmem:s30+$0xCE0]  }
0x4e: {  	v15 =	vld [tilespmem:s30+$0xCF0]  }
0x4f: {  	v16 =	vld [tilespmem:s30+$0xD20]  }
0x50: {  	v6 =	vadd.f32 v10, v6;
	v7 =	vadd.f32 v11, v7;
	v10 =	vld [tilespmem:s30+$0xD30]  }
0x51: {  	v9 =	vadd.f32 v12, v9;
	v8 =	vadd.f32 v13, v8;
	v11 =	vld [tilespmem:s30+$0xD60]  }
0x52: {  	v4 =	vadd.f32 v4, v6;
	v5 =	vadd.f32 v5, v7;
	v12 =	vld [tilespmem:s30+$0xD70];
	s30 =	sshra.s32 s31, $0x2  }
0x53: {  	v6 =	vadd.f32 v14, v9;
	v13 =	vld [tilespmem:s30+$0xD40];
	v7 =	vadd.f32 v15, v8  }
0x54: {  	v4 =	vadd.f32 v2, v4;
	v5 =	vadd.f32 v3, v5;
	v14 =	vld [tilespmem:s30+$0xD50]  }
0x55: {  	v8 =	vadd.f32 v16, v6;
	v2 =	vld [tilespmem:s30+$0xD00];
	v10 =	vadd.f32 v10, v7  }
0x56: {  	v6 =	vadd.f32 v0, v4;
	v7 =	vadd.f32 v1, v5;
	v3 =	vld [tilespmem:s30+$0xD10]  }
.Ltmp0:
0x57: {  	v9 =	vadd.f32 v11, v8;
	v4 =	vld [tilespmem:s30+$0xCC0];
	v8 =	vadd.f32 v12, v10;
	(pc) =	sbr.rel @p1 .LBB2_3-.Ltmp0, $4  }
0x58: {  	v5 =	vld [tilespmem:s30+$0xCD0];
	v0 =	vmov v13  }
0x59: {  	v10 =	vld [tilespmem:s30+$0xC80];
	v1 =	vmov v14  }
0x5a: {  	v11 =	vld [tilespmem:s30+$0xC90]  }
0x5b: {  	s31 =	sadd.s32 $0x400, s31;
	v12 =	vld [tilespmem:s30+$0xCA0]  }
0x5c: {  	v13 =	vld [tilespmem:s30+$0xCB0]  }
0x5d: {  	v14 =	vld [tilespmem:s30+$0xCE0]  }
0x5e: {  	v15 =	vld [tilespmem:s30+$0xCF0]  }
0x5f: {  	v16 =	vld [tilespmem:s30+$0xD20]  }
0x60: {  	v6 =	vadd.f32 v10, v6;
	v10 =	vld [tilespmem:s30+$0xD30];
	v9 =	vadd.f32 v12, v9  }
0x61: {  	v7 =	vadd.f32 v11, v7;
	v11 =	vld [tilespmem:s30+$0xD60];
	v8 =	vadd.f32 v13, v8  }
0x62: {  	v4 =	vadd.f32 v4, v6;
	v6 =	vld [tilespmem:s30+$0xD70];
	v9 =	vadd.f32 v14, v9  }
0x63: {  	v5 =	vadd.f32 v5, v7;
	v7 =	vadd.f32 v15, v8  }
0x64: {  	v2 =	vadd.f32 v2, v4;
	v4 =	vadd.f32 v16, v9  }
0x65: {  	v3 =	vadd.f32 v3, v5;
	v5 =	vadd.f32 v10, v7  }
0x66: {  	v0 =	vadd.f32 v0, v2;
	v2 =	vadd.f32 v11, v4  }
0x67: {  	v1 =	vadd.f32 v1, v3;
	v3 =	vadd.f32 v6, v5  }
0x68: {  	v0 =	vadd.f32 v2, v0  }
0x69: {  	v1 =	vadd.f32 v3, v1  }
0x6a: {  	[tilespmem:$0x19C80] =	vst v0  }
0x6b: {  	s30 =	simm.s32 $0x0;
	[tilespmem:$0x19C90] =	vst v1  }
0x6c: {  	v0 =	vld [tilespmem:s30+$0x2640]  }
0x6d: {  	v1 =	vld [tilespmem:s30+$0x2650]  }
0x6e: {  	v2 =	vld [tilespmem:s30+$0x2600]  }
0x6f: {  	v3 =	vld [tilespmem:s30+$0x2610]  }
0x70: {  	v4 =	vld [tilespmem:s30+$0x25C0]  }
0x71: {  	v5 =	vld [tilespmem:s30+$0x25D0]  }
0x72: {  	v10 =	vld [tilespmem:s30+$0x2580]  }
0x73: {  	v8 =	vimm.f32 $0.0e+00;
	v11 =	vld [tilespmem:s30+$0x2590]  }
0x74: {  	s31 =	simm.s32 $0x400;
	v9 =	vimm.f32 $0.0e+00;
	v7 =	vimm.f32 $0.0e+00;
	v6 =	vimm.f32 $0.0e+00;
	v12 =	vld [tilespmem:s30+$0x25A0]  }
.LBB2_5:
0x75: {  	p1 =	sne.s32 s31, $0x6000;
	v13 =	vld [tilespmem:s30+$0x25B0]  }
0x76: {  	v14 =	vld [tilespmem:s30+$0x25E0]  }
0x77: {  	v15 =	vld [tilespmem:s30+$0x25F0]  }
0x78: {  	v16 =	vld [tilespmem:s30+$0x2620]  }
0x79: {  	v6 =	vadd.f32 v10, v6;
	v7 =	vadd.f32 v11, v7;
	v10 =	vld [tilespmem:s30+$0x2630]  }
0x7a: {  	v9 =	vadd.f32 v12, v9;
	v8 =	vadd.f32 v13, v8;
	v11 =	vld [tilespmem:s30+$0x2660]  }
0x7b: {  	v4 =	vadd.f32 v4, v6;
	v5 =	vadd.f32 v5, v7;
	v12 =	vld [tilespmem:s30+$0x2670];
	s30 =	sshra.s32 s31, $0x2  }
0x7c: {  	v6 =	vadd.f32 v14, v9;
	v13 =	vld [tilespmem:s30+$0x2640];
	v7 =	vadd.f32 v15, v8  }
0x7d: {  	v4 =	vadd.f32 v2, v4;
	v5 =	vadd.f32 v3, v5;
	v14 =	vld [tilespmem:s30+$0x2650]  }
0x7e: {  	v8 =	vadd.f32 v16, v6;
	v2 =	vld [tilespmem:s30+$0x2600];
	v10 =	vadd.f32 v10, v7  }
0x7f: {  	v6 =	vadd.f32 v0, v4;
	v7 =	vadd.f32 v1, v5;
	v3 =	vld [tilespmem:s30+$0x2610]  }
.Ltmp1:
0x80: {  	v9 =	vadd.f32 v11, v8;
	v4 =	vld [tilespmem:s30+$0x25C0];
	v8 =	vadd.f32 v12, v10;
	(pc) =	sbr.rel @p1 .LBB2_5-.Ltmp1, $4  }
0x81: {  	v5 =	vld [tilespmem:s30+$0x25D0];
	v0 =	vmov v13  }
0x82: {  	v10 =	vld [tilespmem:s30+$0x2580];
	v1 =	vmov v14  }
0x83: {  	v11 =	vld [tilespmem:s30+$0x2590]  }
0x84: {  	s31 =	sadd.s32 $0x400, s31;
	v12 =	vld [tilespmem:s30+$0x25A0]  }
0x85: {  	v13 =	vld [tilespmem:s30+$0x25B0]  }
0x86: {  	v14 =	vld [tilespmem:s30+$0x25E0]  }
0x87: {  	v15 =	vld [tilespmem:s30+$0x25F0]  }
0x88: {  	v16 =	vld [tilespmem:s30+$0x2620]  }
0x89: {  	v6 =	vadd.f32 v10, v6;
	v10 =	vld [tilespmem:s30+$0x2630];
	v9 =	vadd.f32 v12, v9  }
0x8a: {  	v7 =	vadd.f32 v11, v7;
	v11 =	vld [tilespmem:s30+$0x2660];
	v8 =	vadd.f32 v13, v8  }
0x8b: {  	v4 =	vadd.f32 v4, v6;
	v6 =	vld [tilespmem:s30+$0x2670];
	v9 =	vadd.f32 v14, v9  }
0x8c: {  	v5 =	vadd.f32 v5, v7;
	v7 =	vadd.f32 v15, v8  }
0x8d: {  	v2 =	vadd.f32 v2, v4;
	v4 =	vadd.f32 v16, v9  }
0x8e: {  	v3 =	vadd.f32 v3, v5;
	v5 =	vadd.f32 v10, v7  }
0x8f: {  	v0 =	vadd.f32 v0, v2;
	v2 =	vadd.f32 v11, v4  }
0x90: {  	v1 =	vadd.f32 v1, v3;
	v3 =	vadd.f32 v6, v5  }
0x91: {  	v0 =	vadd.f32 v2, v0  }
0x92: {  	v1 =	vadd.f32 v3, v1  }
0x93: {  	[tilespmem:$0x19CA0] =	vst v0  }
0x94: {  	s30 =	simm.s32 $0x0;
	[tilespmem:$0x19CB0] =	vst v1  }
0x95: {  	v0 =	vld [tilespmem:s30+$0x3F40]  }
0x96: {  	v1 =	vld [tilespmem:s30+$0x3F50]  }
0x97: {  	v2 =	vld [tilespmem:s30+$0x3F00]  }
0x98: {  	v3 =	vld [tilespmem:s30+$0x3F10]  }
0x99: {  	v4 =	vld [tilespmem:s30+$0x3EC0]  }
0x9a: {  	v5 =	vld [tilespmem:s30+$0x3ED0]  }
0x9b: {  	v10 =	vld [tilespmem:s30+$0x3E80]  }
0x9c: {  	v8 =	vimm.f32 $0.0e+00;
	v11 =	vld [tilespmem:s30+$0x3E90]  }
0x9d: {  	s31 =	simm.s32 $0x400;
	v9 =	vimm.f32 $0.0e+00;
	v7 =	vimm.f32 $0.0e+00;
	v6 =	vimm.f32 $0.0e+00;
	v12 =	vld [tilespmem:s30+$0x3EA0]  }
.LBB2_7:
0x9e: {  	p1 =	sne.s32 s31, $0x6000;
	v13 =	vld [tilespmem:s30+$0x3EB0]  }
0x9f: {  	v14 =	vld [tilespmem:s30+$0x3EE0]  }
0xa0: {  	v15 =	vld [tilespmem:s30+$0x3EF0]  }
0xa1: {  	v16 =	vld [tilespmem:s30+$0x3F20]  }
0xa2: {  	v6 =	vadd.f32 v10, v6;
	v7 =	vadd.f32 v11, v7;
	v10 =	vld [tilespmem:s30+$0x3F30]  }
0xa3: {  	v9 =	vadd.f32 v12, v9;
	v8 =	vadd.f32 v13, v8;
	v11 =	vld [tilespmem:s30+$0x3F60]  }
0xa4: {  	v4 =	vadd.f32 v4, v6;
	v5 =	vadd.f32 v5, v7;
	v12 =	vld [tilespmem:s30+$0x3F70];
	s30 =	sshra.s32 s31, $0x2  }
0xa5: {  	v6 =	vadd.f32 v14, v9;
	v13 =	vld [tilespmem:s30+$0x3F40];
	v7 =	vadd.f32 v15, v8  }
0xa6: {  	v4 =	vadd.f32 v2, v4;
	v5 =	vadd.f32 v3, v5;
	v14 =	vld [tilespmem:s30+$0x3F50]  }
0xa7: {  	v8 =	vadd.f32 v16, v6;
	v2 =	vld [tilespmem:s30+$0x3F00];
	v10 =	vadd.f32 v10, v7  }
0xa8: {  	v6 =	vadd.f32 v0, v4;
	v7 =	vadd.f32 v1, v5;
	v3 =	vld [tilespmem:s30+$0x3F10]  }
.Ltmp2:
0xa9: {  	v9 =	vadd.f32 v11, v8;
	v4 =	vld [tilespmem:s30+$0x3EC0];
	v8 =	vadd.f32 v12, v10;
	(pc) =	sbr.rel @p1 .LBB2_7-.Ltmp2, $4  }
0xaa: {  	v5 =	vld [tilespmem:s30+$0x3ED0];
	v0 =	vmov v13  }
0xab: {  	v10 =	vld [tilespmem:s30+$0x3E80];
	v1 =	vmov v14  }
0xac: {  	v11 =	vld [tilespmem:s30+$0x3E90]  }
0xad: {  	s31 =	sadd.s32 $0x400, s31;
	v12 =	vld [tilespmem:s30+$0x3EA0]  }
0xae: {  	v13 =	vld [tilespmem:s30+$0x3EB0]  }
0xaf: {  	v14 =	vld [tilespmem:s30+$0x3EE0]  }
0xb0: {  	v15 =	vld [tilespmem:s30+$0x3EF0]  }
0xb1: {  	v16 =	vld [tilespmem:s30+$0x3F20]  }
0xb2: {  	v6 =	vadd.f32 v10, v6;
	v10 =	vld [tilespmem:s30+$0x3F30];
	v9 =	vadd.f32 v12, v9  }
0xb3: {  	v7 =	vadd.f32 v11, v7;
	v11 =	vld [tilespmem:s30+$0x3F60];
	v8 =	vadd.f32 v13, v8  }
0xb4: {  	v4 =	vadd.f32 v4, v6;
	v6 =	vld [tilespmem:s30+$0x3F70];
	v9 =	vadd.f32 v14, v9  }
0xb5: {  	v5 =	vadd.f32 v5, v7;
	v7 =	vadd.f32 v15, v8  }
0xb6: {  	v2 =	vadd.f32 v2, v4;
	v4 =	vadd.f32 v16, v9  }
0xb7: {  	v3 =	vadd.f32 v3, v5;
	v5 =	vadd.f32 v10, v7  }
0xb8: {  	v0 =	vadd.f32 v0, v2;
	v2 =	vadd.f32 v11, v4  }
0xb9: {  	v1 =	vadd.f32 v1, v3;
	v3 =	vadd.f32 v6, v5  }
0xba: {  	v0 =	vadd.f32 v2, v0  }
0xbb: {  	v1 =	vadd.f32 v3, v1  }
0xbc: {  	[tilespmem:$0x19CC0] =	vst v0  }
0xbd: {  	s30 =	simm.s32 $0x0;
	[tilespmem:$0x19CD0] =	vst v1  }
0xbe: {  	v0 =	vld [tilespmem:s30+$0x5840]  }
0xbf: {  	v1 =	vld [tilespmem:s30+$0x5850]  }
0xc0: {  	v2 =	vld [tilespmem:s30+$0x5800]  }
0xc1: {  	v3 =	vld [tilespmem:s30+$0x5810]  }
0xc2: {  	v4 =	vld [tilespmem:s30+$0x57C0]  }
0xc3: {  	v5 =	vld [tilespmem:s30+$0x57D0]  }
0xc4: {  	v10 =	vld [tilespmem:s30+$0x5780]  }
0xc5: {  	v8 =	vimm.f32 $0.0e+00;
	v11 =	vld [tilespmem:s30+$0x5790]  }
0xc6: {  	s31 =	simm.s32 $0x400;
	v9 =	vimm.f32 $0.0e+00;
	v7 =	vimm.f32 $0.0e+00;
	v6 =	vimm.f32 $0.0e+00;
	v12 =	vld [tilespmem:s30+$0x57A0]  }
.LBB2_9:
0xc7: {  	p1 =	sne.s32 s31, $0x6000;
	v13 =	vld [tilespmem:s30+$0x57B0]  }
0xc8: {  	v14 =	vld [tilespmem:s30+$0x57E0]  }
0xc9: {  	v15 =	vld [tilespmem:s30+$0x57F0]  }
0xca: {  	v16 =	vld [tilespmem:s30+$0x5820]  }
0xcb: {  	v6 =	vadd.f32 v10, v6;
	v7 =	vadd.f32 v11, v7;
	v10 =	vld [tilespmem:s30+$0x5830]  }
0xcc: {  	v9 =	vadd.f32 v12, v9;
	v8 =	vadd.f32 v13, v8;
	v11 =	vld [tilespmem:s30+$0x5860]  }
0xcd: {  	v4 =	vadd.f32 v4, v6;
	v5 =	vadd.f32 v5, v7;
	v12 =	vld [tilespmem:s30+$0x5870];
	s30 =	sshra.s32 s31, $0x2  }
0xce: {  	v6 =	vadd.f32 v14, v9;
	v13 =	vld [tilespmem:s30+$0x5840];
	v7 =	vadd.f32 v15, v8  }
0xcf: {  	v4 =	vadd.f32 v2, v4;
	v5 =	vadd.f32 v3, v5;
	v14 =	vld [tilespmem:s30+$0x5850]  }
0xd0: {  	v8 =	vadd.f32 v16, v6;
	v2 =	vld [tilespmem:s30+$0x5800];
	v10 =	vadd.f32 v10, v7  }
0xd1: {  	v6 =	vadd.f32 v0, v4;
	v7 =	vadd.f32 v1, v5;
	v3 =	vld [tilespmem:s30+$0x5810]  }
.Ltmp3:
0xd2: {  	v9 =	vadd.f32 v11, v8;
	v4 =	vld [tilespmem:s30+$0x57C0];
	v8 =	vadd.f32 v12, v10;
	(pc) =	sbr.rel @p1 .LBB2_9-.Ltmp3, $4  }
0xd3: {  	v5 =	vld [tilespmem:s30+$0x57D0];
	v0 =	vmov v13  }
0xd4: {  	v10 =	vld [tilespmem:s30+$0x5780];
	v1 =	vmov v14  }
0xd5: {  	v11 =	vld [tilespmem:s30+$0x5790]  }
0xd6: {  	s31 =	sadd.s32 $0x400, s31;
	v12 =	vld [tilespmem:s30+$0x57A0]  }
0xd7: {  	v13 =	vld [tilespmem:s30+$0x57B0]  }
0xd8: {  	v14 =	vld [tilespmem:s30+$0x57E0]  }
0xd9: {  	v15 =	vld [tilespmem:s30+$0x57F0]  }
0xda: {  	v16 =	vld [tilespmem:s30+$0x5820]  }
0xdb: {  	v6 =	vadd.f32 v10, v6;
	v10 =	vld [tilespmem:s30+$0x5830];
	v9 =	vadd.f32 v12, v9  }
0xdc: {  	v7 =	vadd.f32 v11, v7;
	v11 =	vld [tilespmem:s30+$0x5860];
	v8 =	vadd.f32 v13, v8  }
0xdd: {  	v4 =	vadd.f32 v4, v6;
	v6 =	vld [tilespmem:s30+$0x5870];
	v9 =	vadd.f32 v14, v9  }
0xde: {  	v5 =	vadd.f32 v5, v7;
	v7 =	vadd.f32 v15, v8  }
0xdf: {  	v2 =	vadd.f32 v2, v4;
	v4 =	vadd.f32 v16, v9  }
0xe0: {  	v3 =	vadd.f32 v3, v5;
	v5 =	vadd.f32 v10, v7  }
0xe1: {  	v0 =	vadd.f32 v0, v2;
	v2 =	vadd.f32 v11, v4  }
0xe2: {  	v1 =	vadd.f32 v1, v3;
	v3 =	vadd.f32 v6, v5  }
0xe3: {  	v0 =	vadd.f32 v2, v0  }
0xe4: {  	v1 =	vadd.f32 v3, v1  }
0xe5: {  	[tilespmem:$0x19CE0] =	vst v0  }
0xe6: {  	s30 =	simm.s32 $0x0;
	[tilespmem:$0x19CF0] =	vst v1  }
0xe7: {  	v0 =	vld [tilespmem:s30+$0x7140]  }
0xe8: {  	v1 =	vld [tilespmem:s30+$0x7150]  }
0xe9: {  	v2 =	vld [tilespmem:s30+$0x7100]  }
0xea: {  	v3 =	vld [tilespmem:s30+$0x7110]  }
0xeb: {  	v4 =	vld [tilespmem:s30+$0x70C0]  }
0xec: {  	v5 =	vld [tilespmem:s30+$0x70D0]  }
0xed: {  	v10 =	vld [tilespmem:s30+$0x7080]  }
0xee: {  	v8 =	vimm.f32 $0.0e+00;
	v11 =	vld [tilespmem:s30+$0x7090]  }
0xef: {  	s31 =	simm.s32 $0x400;
	v9 =	vimm.f32 $0.0e+00;
	v7 =	vimm.f32 $0.0e+00;
	v6 =	vimm.f32 $0.0e+00;
	v12 =	vld [tilespmem:s30+$0x70A0]  }
.LBB2_11:
0xf0: {  	p1 =	sne.s32 s31, $0x6000;
	v13 =	vld [tilespmem:s30+$0x70B0]  }
0xf1: {  	v14 =	vld [tilespmem:s30+$0x70E0]  }
0xf2: {  	v15 =	vld [tilespmem:s30+$0x70F0]  }
0xf3: {  	v16 =	vld [tilespmem:s30+$0x7120]  }
0xf4: {  	v6 =	vadd.f32 v10, v6;
	v7 =	vadd.f32 v11, v7;
	v10 =	vld [tilespmem:s30+$0x7130]  }
0xf5: {  	v9 =	vadd.f32 v12, v9;
	v8 =	vadd.f32 v13, v8;
	v11 =	vld [tilespmem:s30+$0x7160]  }
0xf6: {  	v4 =	vadd.f32 v4, v6;
	v5 =	vadd.f32 v5, v7;
	v12 =	vld [tilespmem:s30+$0x7170];
	s30 =	sshra.s32 s31, $0x2  }
0xf7: {  	v6 =	vadd.f32 v14, v9;
	v13 =	vld [tilespmem:s30+$0x7140];
	v7 =	vadd.f32 v15, v8  }
0xf8: {  	v4 =	vadd.f32 v2, v4;
	v5 =	vadd.f32 v3, v5;
	v14 =	vld [tilespmem:s30+$0x7150]  }
0xf9: {  	v8 =	vadd.f32 v16, v6;
	v2 =	vld [tilespmem:s30+$0x7100];
	v10 =	vadd.f32 v10, v7  }
0xfa: {  	v6 =	vadd.f32 v0, v4;
	v7 =	vadd.f32 v1, v5;
	v3 =	vld [tilespmem:s30+$0x7110]  }
.Ltmp4:
0xfb: {  	v9 =	vadd.f32 v11, v8;
	v4 =	vld [tilespmem:s30+$0x70C0];
	v8 =	vadd.f32 v12, v10;
	(pc) =	sbr.rel @p1 .LBB2_11-.Ltmp4, $4  }
0xfc: {  	v5 =	vld [tilespmem:s30+$0x70D0];
	v0 =	vmov v13  }
0xfd: {  	v10 =	vld [tilespmem:s30+$0x7080];
	v1 =	vmov v14  }
0xfe: {  	v11 =	vld [tilespmem:s30+$0x7090]  }
0xff: {  	s31 =	sadd.s32 $0x400, s31;
	v12 =	vld [tilespmem:s30+$0x70A0]  }
0x100: {  	v13 =	vld [tilespmem:s30+$0x70B0]  }
0x101: {  	v14 =	vld [tilespmem:s30+$0x70E0]  }
0x102: {  	v15 =	vld [tilespmem:s30+$0x70F0]  }
0x103: {  	v16 =	vld [tilespmem:s30+$0x7120]  }
0x104: {  	v6 =	vadd.f32 v10, v6;
	v10 =	vld [tilespmem:s30+$0x7130];
	v9 =	vadd.f32 v12, v9  }
0x105: {  	v7 =	vadd.f32 v11, v7;
	v11 =	vld [tilespmem:s30+$0x7160];
	v8 =	vadd.f32 v13, v8  }
0x106: {  	v4 =	vadd.f32 v4, v6;
	v6 =	vld [tilespmem:s30+$0x7170];
	v9 =	vadd.f32 v14, v9  }
0x107: {  	v5 =	vadd.f32 v5, v7;
	v7 =	vadd.f32 v15, v8  }
0x108: {  	v2 =	vadd.f32 v2, v4;
	v4 =	vadd.f32 v16, v9  }
0x109: {  	v3 =	vadd.f32 v3, v5;
	v5 =	vadd.f32 v10, v7  }
0x10a: {  	v0 =	vadd.f32 v0, v2;
	v2 =	vadd.f32 v11, v4  }
0x10b: {  	v1 =	vadd.f32 v1, v3;
	v3 =	vadd.f32 v6, v5  }
0x10c: {  	v0 =	vadd.f32 v2, v0  }
0x10d: {  	v1 =	vadd.f32 v3, v1  }
0x10e: {  	[tilespmem:$0x19D00] =	vst v0  }
0x10f: {  	s30 =	simm.s32 $0x0;
	[tilespmem:$0x19D10] =	vst v1  }
0x110: {  	v0 =	vld [tilespmem:s30+$0x8A40]  }
0x111: {  	v1 =	vld [tilespmem:s30+$0x8A50]  }
0x112: {  	v2 =	vld [tilespmem:s30+$0x8A00]  }
0x113: {  	v3 =	vld [tilespmem:s30+$0x8A10]  }
0x114: {  	v4 =	vld [tilespmem:s30+$0x89C0]  }
0x115: {  	v5 =	vld [tilespmem:s30+$0x89D0]  }
0x116: {  	v10 =	vld [tilespmem:s30+$0x8980]  }
0x117: {  	v8 =	vimm.f32 $0.0e+00;
	v11 =	vld [tilespmem:s30+$0x8990]  }
0x118: {  	s31 =	simm.s32 $0x400;
	v9 =	vimm.f32 $0.0e+00;
	v7 =	vimm.f32 $0.0e+00;
	v6 =	vimm.f32 $0.0e+00;
	v12 =	vld [tilespmem:s30+$0x89A0]  }
.LBB2_13:
0x119: {  	p1 =	sne.s32 s31, $0x6000;
	v13 =	vld [tilespmem:s30+$0x89B0]  }
0x11a: {  	v14 =	vld [tilespmem:s30+$0x89E0]  }
0x11b: {  	v15 =	vld [tilespmem:s30+$0x89F0]  }
0x11c: {  	v16 =	vld [tilespmem:s30+$0x8A20]  }
0x11d: {  	v6 =	vadd.f32 v10, v6;
	v7 =	vadd.f32 v11, v7;
	v10 =	vld [tilespmem:s30+$0x8A30]  }
0x11e: {  	v9 =	vadd.f32 v12, v9;
	v8 =	vadd.f32 v13, v8;
	v11 =	vld [tilespmem:s30+$0x8A60]  }
0x11f: {  	v4 =	vadd.f32 v4, v6;
	v5 =	vadd.f32 v5, v7;
	v12 =	vld [tilespmem:s30+$0x8A70];
	s30 =	sshra.s32 s31, $0x2  }
0x120: {  	v6 =	vadd.f32 v14, v9;
	v13 =	vld [tilespmem:s30+$0x8A40];
	v7 =	vadd.f32 v15, v8  }
0x121: {  	v4 =	vadd.f32 v2, v4;
	v5 =	vadd.f32 v3, v5;
	v14 =	vld [tilespmem:s30+$0x8A50]  }
0x122: {  	v8 =	vadd.f32 v16, v6;
	v2 =	vld [tilespmem:s30+$0x8A00];
	v10 =	vadd.f32 v10, v7  }
0x123: {  	v6 =	vadd.f32 v0, v4;
	v7 =	vadd.f32 v1, v5;
	v3 =	vld [tilespmem:s30+$0x8A10]  }
.Ltmp5:
0x124: {  	v9 =	vadd.f32 v11, v8;
	v4 =	vld [tilespmem:s30+$0x89C0];
	v8 =	vadd.f32 v12, v10;
	(pc) =	sbr.rel @p1 .LBB2_13-.Ltmp5, $4  }
0x125: {  	v5 =	vld [tilespmem:s30+$0x89D0];
	v0 =	vmov v13  }
0x126: {  	v10 =	vld [tilespmem:s30+$0x8980];
	v1 =	vmov v14  }
0x127: {  	v11 =	vld [tilespmem:s30+$0x8990]  }
0x128: {  	s31 =	sadd.s32 $0x400, s31;
	v12 =	vld [tilespmem:s30+$0x89A0]  }
0x129: {  	v13 =	vld [tilespmem:s30+$0x89B0]  }
0x12a: {  	v14 =	vld [tilespmem:s30+$0x89E0]  }
0x12b: {  	v15 =	vld [tilespmem:s30+$0x89F0]  }
0x12c: {  	v16 =	vld [tilespmem:s30+$0x8A20]  }
0x12d: {  	v6 =	vadd.f32 v10, v6;
	v10 =	vld [tilespmem:s30+$0x8A30];
	v9 =	vadd.f32 v12, v9  }
0x12e: {  	v7 =	vadd.f32 v11, v7;
	v11 =	vld [tilespmem:s30+$0x8A60];
	v8 =	vadd.f32 v13, v8  }
0x12f: {  	v4 =	vadd.f32 v4, v6;
	v6 =	vld [tilespmem:s30+$0x8A70];
	v9 =	vadd.f32 v14, v9  }
0x130: {  	v5 =	vadd.f32 v5, v7;
	v7 =	vadd.f32 v15, v8  }
0x131: {  	v2 =	vadd.f32 v2, v4;
	v4 =	vadd.f32 v16, v9  }
0x132: {  	v3 =	vadd.f32 v3, v5;
	v5 =	vadd.f32 v10, v7  }
0x133: {  	v0 =	vadd.f32 v0, v2;
	v2 =	vadd.f32 v11, v4  }
0x134: {  	v1 =	vadd.f32 v1, v3;
	v3 =	vadd.f32 v6, v5  }
0x135: {  	v0 =	vadd.f32 v2, v0  }
0x136: {  	v1 =	vadd.f32 v3, v1  }
0x137: {  	[tilespmem:$0x19D20] =	vst v0  }
0x138: {  	s30 =	simm.s32 $0x0;
	[tilespmem:$0x19D30] =	vst v1  }
0x139: {  	v0 =	vld [tilespmem:s30+$0xA340]  }
0x13a: {  	v1 =	vld [tilespmem:s30+$0xA350]  }
0x13b: {  	v2 =	vld [tilespmem:s30+$0xA300]  }
0x13c: {  	v3 =	vld [tilespmem:s30+$0xA310]  }
0x13d: {  	v4 =	vld [tilespmem:s30+$0xA2C0]  }
0x13e: {  	v5 =	vld [tilespmem:s30+$0xA2D0]  }
0x13f: {  	v10 =	vld [tilespmem:s30+$0xA280]  }
0x140: {  	v8 =	vimm.f32 $0.0e+00;
	v11 =	vld [tilespmem:s30+$0xA290]  }
0x141: {  	s31 =	simm.s32 $0x400;
	v9 =	vimm.f32 $0.0e+00;
	v7 =	vimm.f32 $0.0e+00;
	v6 =	vimm.f32 $0.0e+00;
	v12 =	vld [tilespmem:s30+$0xA2A0]  }
.LBB2_15:
0x142: {  	p1 =	sne.s32 s31, $0x6000;
	v13 =	vld [tilespmem:s30+$0xA2B0]  }
0x143: {  	v14 =	vld [tilespmem:s30+$0xA2E0]  }
0x144: {  	v15 =	vld [tilespmem:s30+$0xA2F0]  }
0x145: {  	v16 =	vld [tilespmem:s30+$0xA320]  }
0x146: {  	v6 =	vadd.f32 v10, v6;
	v7 =	vadd.f32 v11, v7;
	v10 =	vld [tilespmem:s30+$0xA330]  }
0x147: {  	v9 =	vadd.f32 v12, v9;
	v8 =	vadd.f32 v13, v8;
	v11 =	vld [tilespmem:s30+$0xA360]  }
0x148: {  	v4 =	vadd.f32 v4, v6;
	v5 =	vadd.f32 v5, v7;
	v12 =	vld [tilespmem:s30+$0xA370];
	s30 =	sshra.s32 s31, $0x2  }
0x149: {  	v6 =	vadd.f32 v14, v9;
	v13 =	vld [tilespmem:s30+$0xA340];
	v7 =	vadd.f32 v15, v8  }
0x14a: {  	v4 =	vadd.f32 v2, v4;
	v5 =	vadd.f32 v3, v5;
	v14 =	vld [tilespmem:s30+$0xA350]  }
0x14b: {  	v8 =	vadd.f32 v16, v6;
	v2 =	vld [tilespmem:s30+$0xA300];
	v10 =	vadd.f32 v10, v7  }
0x14c: {  	v6 =	vadd.f32 v0, v4;
	v7 =	vadd.f32 v1, v5;
	v3 =	vld [tilespmem:s30+$0xA310]  }
.Ltmp6:
0x14d: {  	v9 =	vadd.f32 v11, v8;
	v4 =	vld [tilespmem:s30+$0xA2C0];
	v8 =	vadd.f32 v12, v10;
	(pc) =	sbr.rel @p1 .LBB2_15-.Ltmp6, $4  }
0x14e: {  	v5 =	vld [tilespmem:s30+$0xA2D0];
	v0 =	vmov v13  }
0x14f: {  	v10 =	vld [tilespmem:s30+$0xA280];
	v1 =	vmov v14  }
0x150: {  	v11 =	vld [tilespmem:s30+$0xA290]  }
0x151: {  	s31 =	sadd.s32 $0x400, s31;
	v12 =	vld [tilespmem:s30+$0xA2A0]  }
0x152: {  	v13 =	vld [tilespmem:s30+$0xA2B0]  }
0x153: {  	v14 =	vld [tilespmem:s30+$0xA2E0]  }
0x154: {  	v15 =	vld [tilespmem:s30+$0xA2F0]  }
0x155: {  	v16 =	vld [tilespmem:s30+$0xA320]  }
0x156: {  	v6 =	vadd.f32 v10, v6;
	v10 =	vld [tilespmem:s30+$0xA330];
	v9 =	vadd.f32 v12, v9  }
0x157: {  	v7 =	vadd.f32 v11, v7;
	v11 =	vld [tilespmem:s30+$0xA360];
	v8 =	vadd.f32 v13, v8  }
0x158: {  	v4 =	vadd.f32 v4, v6;
	v6 =	vld [tilespmem:s30+$0xA370];
	v9 =	vadd.f32 v14, v9  }
0x159: {  	v5 =	vadd.f32 v5, v7;
	v7 =	vadd.f32 v15, v8  }
0x15a: {  	v2 =	vadd.f32 v2, v4;
	v4 =	vadd.f32 v16, v9  }
0x15b: {  	v3 =	vadd.f32 v3, v5;
	v5 =	vadd.f32 v10, v7  }
0x15c: {  	v0 =	vadd.f32 v0, v2;
	v2 =	vadd.f32 v11, v4  }
0x15d: {  	v1 =	vadd.f32 v1, v3;
	v3 =	vadd.f32 v6, v5  }
0x15e: {  	v0 =	vadd.f32 v2, v0  }
0x15f: {  	v1 =	vadd.f32 v3, v1  }
0x160: {  	[tilespmem:$0x19D40] =	vst v0  }
0x161: {  	s30 =	simm.s32 $0x0;
	[tilespmem:$0x19D50] =	vst v1  }
0x162: {  	v0 =	vld [tilespmem:s30+$0xBC40]  }
0x163: {  	v1 =	vld [tilespmem:s30+$0xBC50]  }
0x164: {  	v2 =	vld [tilespmem:s30+$0xBC00]  }
0x165: {  	v3 =	vld [tilespmem:s30+$0xBC10]  }
0x166: {  	v4 =	vld [tilespmem:s30+$0xBBC0]  }
0x167: {  	v5 =	vld [tilespmem:s30+$0xBBD0]  }
0x168: {  	v10 =	vld [tilespmem:s30+$0xBB80]  }
0x169: {  	v8 =	vimm.f32 $0.0e+00;
	v11 =	vld [tilespmem:s30+$0xBB90]  }
0x16a: {  	s31 =	simm.s32 $0x400;
	v9 =	vimm.f32 $0.0e+00;
	v7 =	vimm.f32 $0.0e+00;
	v6 =	vimm.f32 $0.0e+00;
	v12 =	vld [tilespmem:s30+$0xBBA0]  }
.LBB2_17:
0x16b: {  	p1 =	sne.s32 s31, $0x6000;
	v13 =	vld [tilespmem:s30+$0xBBB0]  }
0x16c: {  	v14 =	vld [tilespmem:s30+$0xBBE0]  }
0x16d: {  	v15 =	vld [tilespmem:s30+$0xBBF0]  }
0x16e: {  	v16 =	vld [tilespmem:s30+$0xBC20]  }
0x16f: {  	v6 =	vadd.f32 v10, v6;
	v7 =	vadd.f32 v11, v7;
	v10 =	vld [tilespmem:s30+$0xBC30]  }
0x170: {  	v9 =	vadd.f32 v12, v9;
	v8 =	vadd.f32 v13, v8;
	v11 =	vld [tilespmem:s30+$0xBC60]  }
0x171: {  	v4 =	vadd.f32 v4, v6;
	v5 =	vadd.f32 v5, v7;
	v12 =	vld [tilespmem:s30+$0xBC70];
	s30 =	sshra.s32 s31, $0x2  }
0x172: {  	v6 =	vadd.f32 v14, v9;
	v13 =	vld [tilespmem:s30+$0xBC40];
	v7 =	vadd.f32 v15, v8  }
0x173: {  	v4 =	vadd.f32 v2, v4;
	v5 =	vadd.f32 v3, v5;
	v14 =	vld [tilespmem:s30+$0xBC50]  }
0x174: {  	v8 =	vadd.f32 v16, v6;
	v2 =	vld [tilespmem:s30+$0xBC00];
	v10 =	vadd.f32 v10, v7  }
0x175: {  	v6 =	vadd.f32 v0, v4;
	v7 =	vadd.f32 v1, v5;
	v3 =	vld [tilespmem:s30+$0xBC10]  }
.Ltmp7:
0x176: {  	v9 =	vadd.f32 v11, v8;
	v4 =	vld [tilespmem:s30+$0xBBC0];
	v8 =	vadd.f32 v12, v10;
	(pc) =	sbr.rel @p1 .LBB2_17-.Ltmp7, $4  }
0x177: {  	v5 =	vld [tilespmem:s30+$0xBBD0];
	v0 =	vmov v13  }
0x178: {  	v10 =	vld [tilespmem:s30+$0xBB80];
	v1 =	vmov v14  }
0x179: {  	v11 =	vld [tilespmem:s30+$0xBB90]  }
0x17a: {  	s31 =	sadd.s32 $0x400, s31;
	v12 =	vld [tilespmem:s30+$0xBBA0]  }
0x17b: {  	v13 =	vld [tilespmem:s30+$0xBBB0]  }
0x17c: {  	v14 =	vld [tilespmem:s30+$0xBBE0]  }
0x17d: {  	v15 =	vld [tilespmem:s30+$0xBBF0]  }
0x17e: {  	v16 =	vld [tilespmem:s30+$0xBC20]  }
0x17f: {  	v56 =	vld [tilespmem:s30+$0xBC30];
	v6 =	vadd.f32 v10, v6;
	v9 =	vadd.f32 v12, v9  }
0x180: {  	v57 =	vld [tilespmem:s30+$0xBC60];
	v7 =	vadd.f32 v11, v7;
	v8 =	vadd.f32 v13, v8  }
0x181: {  	v58 =	vld [tilespmem:s30+$0xBC70];
	v4 =	vadd.f32 v4, v6;
	v9 =	vadd.f32 v14, v9  }
0x182: {  	v5 =	vadd.f32 v5, v7;
	v59 =	vadd.f32 v15, v8  }
0x183: {  	v2 =	vadd.f32 v2, v4;
	v60 =	vadd.f32 v16, v9  }
0x184: {  	v3 =	vadd.f32 v3, v5;
	v61 =	vadd.f32 v56, v59  }
0x185: {  	v0 =	vadd.f32 v0, v2;
	v62 =	vadd.f32 v57, v60  }
0x186: {  	p1 =	sne.s32 s26, $0x1F;
	v1 =	vadd.f32 v1, v3;
	v63 =	vadd.f32 v58, v61  }
.Ltmp8:
0x187: {  	v0 =	vadd.f32 v62, v0;
	(pc) =	sbr.rel @p1 .LBB2_20-.Ltmp8, $4  }
0x188: {  	v1 =	vadd.f32 v63, v1  }
0x189: {  	s31 =	sshll.u32 s26, $0x6;
	[tilespmem:$0x19D60] =	vst v0  }
0x18a: {  	s30 =	sadd.s32 s31, s7;
	[tilespmem:$0x19D70] =	vst v1  }
0x18b: {  	[hbm4b:s30+s2] =	stream.linear.scatter [tilespmem:s22], [sflag:$0x3], $0x100, $0x38;
	[tilespmem:$0x19E80] =	vst v63  }
.Ltmp9:
0x18c: {  	(pc) =	sbr.rel .LBB2_21-.Ltmp9, $4  }
0x18d: {  	_ = 	snop  }
0x18e: {  	_ =	swait.ge [sflag:s23], $0xC800  }
0x18f: {  	[sflag:s23] =	ssyncset.done $0x0  }
0x190: {  	[sflag:s23] =	ssyncadd.s32 $0xFFFF3800  }
.LBB2_20:
0x191: {  	s30 =	rddreg [dreg:$0x3]  }
0x192: {  	s29 =	sadd.s32 s29, s30  }
0x193: {  	s29 =	smul.u32 $0x19, s29;
	_ =	sdelay $0x1  }
0x194: {  	s29 =	sadd.s32 s3, s29  }
0x195: {  	[tilespmem:s2], [sflag:$0x5] =	stream.linear.gather [hbm4b:s29+s2], $0x640, $0x38;
	[tilespmem:$0x19E80] =	vst v63  }
0x196: {  	_ =	swait.ge [sflag:s11], $0x640  }
0x197: {  	[sflag:s11] =	ssyncset.done $0x0  }
0x198: {  	s31 =	simm.s32 $0xC80;
	[sflag:s11] =	ssyncadd.s32 $0xFFFFF9C0  }
0x199: {  	[tilespmem:s31], [sflag:$0x1] =	stream.indirect.gather [hbm4b:s4+s12], $0x20, s2, s12, $0xb8;
	[tilespmem:$0x19E80] =	vst v63  }
0x19a: {  	s30 =	simm.s32 $0x2580  }
0x19b: {  	[tilespmem:s30], [sflag:$0x1] =	stream.indirect.gather [hbm4b:s4+s12], $0x20, s12, s12, $0xb8;
	[tilespmem:$0x19E80] =	vst v63  }
0x19c: {  	s29 =	simm.s32 $0x190;
	s31 =	simm.s32 $0x3E80  }
0x19d: {  	[tilespmem:s31], [sflag:$0x1] =	stream.indirect.gather [hbm4b:s4+s12], $0x20, s29, s12, $0xb8;
	[tilespmem:$0x19E80] =	vst v63  }
0x19e: {  	s29 =	simm.s32 $0x258;
	s31 =	simm.s32 $0x5780  }
0x19f: {  	[tilespmem:s31], [sflag:$0x1] =	stream.indirect.gather [hbm4b:s4+s12], $0x20, s29, s12, $0xb8;
	[tilespmem:$0x19E80] =	vst v63  }
0x1a0: {  	s29 =	simm.s32 $0x320;
	s31 =	simm.s32 $0x7080  }
0x1a1: {  	[tilespmem:s31], [sflag:$0x1] =	stream.indirect.gather [hbm4b:s4+s12], $0x20, s29, s12, $0xb8;
	[tilespmem:$0x19E80] =	vst v63  }
0x1a2: {  	s29 =	simm.s32 $0x3E8;
	s31 =	simm.s32 $0x8980  }
0x1a3: {  	[tilespmem:s31], [sflag:$0x1] =	stream.indirect.gather [hbm4b:s4+s12], $0x20, s29, s12, $0xb8;
	[tilespmem:$0x19E80] =	vst v63  }
0x1a4: {  	s29 =	simm.s32 $0x4B0;
	s31 =	simm.s32 $0xA280  }
0x1a5: {  	[tilespmem:s31], [sflag:$0x1] =	stream.indirect.gather [hbm4b:s4+s12], $0x20, s29, s12, $0xb8;
	[tilespmem:$0x19E80] =	vst v63  }
.Ltmp10:
0x1a6: {  	s29 =	simm.s32 $0x578;
	s31 =	simm.s32 $0xBB80;
	(pc) =	sbr.rel @p0 .LBB2_22-.Ltmp10, $4  }
0x1a7: {  	[tilespmem:s31], [sflag:$0x1] =	stream.indirect.gather [hbm4b:s4+s12], $0x20, s29, s12, $0xb8;
	[tilespmem:$0x19E80] =	vst v63  }
0x1a8: {  	_ =	swait.ge [sflag:s23], $0xC800  }
0x1a9: {  	[sflag:s23] =	ssyncset.done $0x0  }
0x1aa: {  	[sflag:s23] =	ssyncadd.s32 $0xFFFF3800  }
.LBB2_21:
0x1ab: {  	_ =	swait.ge [sflag:s24], $0x100  }
0x1ac: {  	[sflag:s24] =	ssyncset.done $0x0  }
0x1ad: {  	[sflag:s24] =	ssyncadd.s32 $0xFFFFFF00  }
.LBB2_22:
0x1ae: {  	s29 =	simm.s32 $0x0  }
0x1af: {  	v0 =	vld [tilespmem:s29+$0xD540]  }
0x1b0: {  	v1 =	vld [tilespmem:s29+$0xD550]  }
0x1b1: {  	v2 =	vld [tilespmem:s29+$0xD500]  }
0x1b2: {  	v3 =	vld [tilespmem:s29+$0xD510]  }
0x1b3: {  	v4 =	vld [tilespmem:s29+$0xD4C0]  }
0x1b4: {  	v5 =	vld [tilespmem:s29+$0xD4D0]  }
0x1b5: {  	v10 =	vld [tilespmem:s29+$0xD480]  }
0x1b6: {  	v6 =	vimm.f32 $0.0e+00;
	v11 =	vld [tilespmem:s29+$0xD490]  }
0x1b7: {  	s30 =	simm.s32 $0x400;
	v7 =	vimm.f32 $0.0e+00;
	v9 =	vimm.f32 $0.0e+00;
	v8 =	vimm.f32 $0.0e+00;
	v12 =	vld [tilespmem:s29+$0xD4A0]  }
.LBB2_23:
0x1b8: {  	p0 =	sne.s32 s30, $0x6000;
	v13 =	vld [tilespmem:s29+$0xD4B0]  }
0x1b9: {  	v14 =	vld [tilespmem:s29+$0xD4E0]  }
0x1ba: {  	v15 =	vld [tilespmem:s29+$0xD4F0]  }
0x1bb: {  	v16 =	vld [tilespmem:s29+$0xD520]  }
0x1bc: {  	v6 =	vadd.f32 v10, v6;
	v7 =	vadd.f32 v11, v7;
	v10 =	vld [tilespmem:s29+$0xD530]  }
0x1bd: {  	v9 =	vadd.f32 v12, v9;
	v8 =	vadd.f32 v13, v8;
	v11 =	vld [tilespmem:s29+$0xD560]  }
0x1be: {  	v4 =	vadd.f32 v4, v6;
	v5 =	vadd.f32 v5, v7;
	v12 =	vld [tilespmem:s29+$0xD570];
	s29 =	sshra.s32 s30, $0x2  }
0x1bf: {  	v6 =	vadd.f32 v14, v9;
	v13 =	vld [tilespmem:s29+$0xD540];
	v7 =	vadd.f32 v15, v8  }
0x1c0: {  	v4 =	vadd.f32 v2, v4;
	v5 =	vadd.f32 v3, v5;
	v14 =	vld [tilespmem:s29+$0xD550]  }
0x1c1: {  	v8 =	vadd.f32 v16, v6;
	v2 =	vld [tilespmem:s29+$0xD500];
	v10 =	vadd.f32 v10, v7  }
0x1c2: {  	v6 =	vadd.f32 v0, v4;
	v7 =	vadd.f32 v1, v5;
	v3 =	vld [tilespmem:s29+$0xD510]  }
.Ltmp11:
0x1c3: {  	v9 =	vadd.f32 v11, v8;
	v4 =	vld [tilespmem:s29+$0xD4C0];
	v8 =	vadd.f32 v12, v10;
	(pc) =	sbr.rel @p0 .LBB2_23-.Ltmp11, $4  }
0x1c4: {  	v5 =	vld [tilespmem:s29+$0xD4D0];
	v0 =	vmov v13  }
0x1c5: {  	v10 =	vld [tilespmem:s29+$0xD480];
	v1 =	vmov v14  }
0x1c6: {  	v11 =	vld [tilespmem:s29+$0xD490]  }
0x1c7: {  	s30 =	sadd.s32 $0x400, s30;
	v12 =	vld [tilespmem:s29+$0xD4A0]  }
0x1c8: {  	v13 =	vld [tilespmem:s29+$0xD4B0]  }
0x1c9: {  	v14 =	vld [tilespmem:s29+$0xD4E0]  }
0x1ca: {  	v15 =	vld [tilespmem:s29+$0xD4F0]  }
0x1cb: {  	v16 =	vld [tilespmem:s29+$0xD520]  }
0x1cc: {  	v6 =	vadd.f32 v10, v6;
	v10 =	vld [tilespmem:s29+$0xD530];
	v9 =	vadd.f32 v12, v9  }
0x1cd: {  	v7 =	vadd.f32 v11, v7;
	v11 =	vld [tilespmem:s29+$0xD560];
	v8 =	vadd.f32 v13, v8  }
0x1ce: {  	v4 =	vadd.f32 v4, v6;
	v6 =	vld [tilespmem:s29+$0xD570];
	v9 =	vadd.f32 v14, v9  }
0x1cf: {  	v5 =	vadd.f32 v5, v7;
	v7 =	vadd.f32 v15, v8  }
0x1d0: {  	v2 =	vadd.f32 v2, v4;
	v4 =	vadd.f32 v16, v9  }
0x1d1: {  	v3 =	vadd.f32 v3, v5;
	v5 =	vadd.f32 v10, v7  }
0x1d2: {  	v0 =	vadd.f32 v0, v2;
	v2 =	vadd.f32 v11, v4  }
0x1d3: {  	v1 =	vadd.f32 v1, v3;
	v3 =	vadd.f32 v6, v5  }
0x1d4: {  	v0 =	vadd.f32 v2, v0  }
0x1d5: {  	v1 =	vadd.f32 v3, v1  }
0x1d6: {  	[tilespmem:$0x19D80] =	vst v0  }
0x1d7: {  	s29 =	simm.s32 $0x0;
	[tilespmem:$0x19D90] =	vst v1  }
0x1d8: {  	v0 =	vld [tilespmem:s29+$0xEE40]  }
0x1d9: {  	v1 =	vld [tilespmem:s29+$0xEE50]  }
0x1da: {  	v2 =	vld [tilespmem:s29+$0xEE00]  }
0x1db: {  	v3 =	vld [tilespmem:s29+$0xEE10]  }
0x1dc: {  	v4 =	vld [tilespmem:s29+$0xEDC0]  }
0x1dd: {  	v5 =	vld [tilespmem:s29+$0xEDD0]  }
0x1de: {  	v10 =	vld [tilespmem:s29+$0xED80]  }
0x1df: {  	v8 =	vimm.f32 $0.0e+00;
	v11 =	vld [tilespmem:s29+$0xED90]  }
0x1e0: {  	s30 =	simm.s32 $0x400;
	v9 =	vimm.f32 $0.0e+00;
	v7 =	vimm.f32 $0.0e+00;
	v6 =	vimm.f32 $0.0e+00;
	v12 =	vld [tilespmem:s29+$0xEDA0]  }
.LBB2_25:
0x1e1: {  	p0 =	sne.s32 s30, $0x6000;
	v13 =	vld [tilespmem:s29+$0xEDB0]  }
0x1e2: {  	v14 =	vld [tilespmem:s29+$0xEDE0]  }
0x1e3: {  	v15 =	vld [tilespmem:s29+$0xEDF0]  }
0x1e4: {  	v16 =	vld [tilespmem:s29+$0xEE20]  }
0x1e5: {  	v6 =	vadd.f32 v10, v6;
	v7 =	vadd.f32 v11, v7;
	v10 =	vld [tilespmem:s29+$0xEE30]  }
0x1e6: {  	v9 =	vadd.f32 v12, v9;
	v8 =	vadd.f32 v13, v8;
	v11 =	vld [tilespmem:s29+$0xEE60]  }
0x1e7: {  	v4 =	vadd.f32 v4, v6;
	v5 =	vadd.f32 v5, v7;
	v12 =	vld [tilespmem:s29+$0xEE70];
	s29 =	sshra.s32 s30, $0x2  }
0x1e8: {  	v6 =	vadd.f32 v14, v9;
	v13 =	vld [tilespmem:s29+$0xEE40];
	v7 =	vadd.f32 v15, v8  }
0x1e9: {  	v4 =	vadd.f32 v2, v4;
	v5 =	vadd.f32 v3, v5;
	v14 =	vld [tilespmem:s29+$0xEE50]  }
0x1ea: {  	v8 =	vadd.f32 v16, v6;
	v2 =	vld [tilespmem:s29+$0xEE00];
	v10 =	vadd.f32 v10, v7  }
0x1eb: {  	v6 =	vadd.f32 v0, v4;
	v7 =	vadd.f32 v1, v5;
	v3 =	vld [tilespmem:s29+$0xEE10]  }
.Ltmp12:
0x1ec: {  	v9 =	vadd.f32 v11, v8;
	v4 =	vld [tilespmem:s29+$0xEDC0];
	v8 =	vadd.f32 v12, v10;
	(pc) =	sbr.rel @p0 .LBB2_25-.Ltmp12, $4  }
0x1ed: {  	v5 =	vld [tilespmem:s29+$0xEDD0];
	v0 =	vmov v13  }
0x1ee: {  	v10 =	vld [tilespmem:s29+$0xED80];
	v1 =	vmov v14  }
0x1ef: {  	v11 =	vld [tilespmem:s29+$0xED90]  }
0x1f0: {  	s30 =	sadd.s32 $0x400, s30;
	v12 =	vld [tilespmem:s29+$0xEDA0]  }
0x1f1: {  	v13 =	vld [tilespmem:s29+$0xEDB0]  }
0x1f2: {  	v14 =	vld [tilespmem:s29+$0xEDE0]  }
0x1f3: {  	v15 =	vld [tilespmem:s29+$0xEDF0]  }
0x1f4: {  	v16 =	vld [tilespmem:s29+$0xEE20]  }
0x1f5: {  	v6 =	vadd.f32 v10, v6;
	v10 =	vld [tilespmem:s29+$0xEE30];
	v9 =	vadd.f32 v12, v9  }
0x1f6: {  	v7 =	vadd.f32 v11, v7;
	v11 =	vld [tilespmem:s29+$0xEE60];
	v8 =	vadd.f32 v13, v8  }
0x1f7: {  	v4 =	vadd.f32 v4, v6;
	v6 =	vld [tilespmem:s29+$0xEE70];
	v9 =	vadd.f32 v14, v9  }
0x1f8: {  	v5 =	vadd.f32 v5, v7;
	v7 =	vadd.f32 v15, v8  }
0x1f9: {  	v2 =	vadd.f32 v2, v4;
	v4 =	vadd.f32 v16, v9  }
0x1fa: {  	v3 =	vadd.f32 v3, v5;
	v5 =	vadd.f32 v10, v7  }
0x1fb: {  	v0 =	vadd.f32 v0, v2;
	v2 =	vadd.f32 v11, v4  }
0x1fc: {  	v1 =	vadd.f32 v1, v3;
	v3 =	vadd.f32 v6, v5  }
0x1fd: {  	v0 =	vadd.f32 v2, v0  }
0x1fe: {  	v1 =	vadd.f32 v3, v1  }
0x1ff: {  	[tilespmem:$0x19DA0] =	vst v0  }
0x200: {  	s29 =	simm.s32 $0x0;
	[tilespmem:$0x19DB0] =	vst v1  }
0x201: {  	v0 =	vld [tilespmem:s29+$0x10740]  }
0x202: {  	v1 =	vld [tilespmem:s29+$0x10750]  }
0x203: {  	v2 =	vld [tilespmem:s29+$0x10700]  }
0x204: {  	v3 =	vld [tilespmem:s29+$0x10710]  }
0x205: {  	v4 =	vld [tilespmem:s29+$0x106C0]  }
0x206: {  	v5 =	vld [tilespmem:s29+$0x106D0]  }
0x207: {  	v10 =	vld [tilespmem:s29+$0x10680]  }
0x208: {  	v8 =	vimm.f32 $0.0e+00;
	v11 =	vld [tilespmem:s29+$0x10690]  }
0x209: {  	s30 =	simm.s32 $0x400;
	v9 =	vimm.f32 $0.0e+00;
	v7 =	vimm.f32 $0.0e+00;
	v6 =	vimm.f32 $0.0e+00;
	v12 =	vld [tilespmem:s29+$0x106A0]  }
.LBB2_27:
0x20a: {  	p0 =	sne.s32 s30, $0x6000;
	v13 =	vld [tilespmem:s29+$0x106B0]  }
0x20b: {  	v14 =	vld [tilespmem:s29+$0x106E0]  }
0x20c: {  	v15 =	vld [tilespmem:s29+$0x106F0]  }
0x20d: {  	v16 =	vld [tilespmem:s29+$0x10720]  }
0x20e: {  	v6 =	vadd.f32 v10, v6;
	v7 =	vadd.f32 v11, v7;
	v10 =	vld [tilespmem:s29+$0x10730]  }
0x20f: {  	v9 =	vadd.f32 v12, v9;
	v8 =	vadd.f32 v13, v8;
	v11 =	vld [tilespmem:s29+$0x10760]  }
0x210: {  	v4 =	vadd.f32 v4, v6;
	v5 =	vadd.f32 v5, v7;
	v12 =	vld [tilespmem:s29+$0x10770];
	s29 =	sshra.s32 s30, $0x2  }
0x211: {  	v6 =	vadd.f32 v14, v9;
	v13 =	vld [tilespmem:s29+$0x10740];
	v7 =	vadd.f32 v15, v8  }
0x212: {  	v4 =	vadd.f32 v2, v4;
	v5 =	vadd.f32 v3, v5;
	v14 =	vld [tilespmem:s29+$0x10750]  }
0x213: {  	v8 =	vadd.f32 v16, v6;
	v2 =	vld [tilespmem:s29+$0x10700];
	v10 =	vadd.f32 v10, v7  }
0x214: {  	v6 =	vadd.f32 v0, v4;
	v7 =	vadd.f32 v1, v5;
	v3 =	vld [tilespmem:s29+$0x10710]  }
.Ltmp13:
0x215: {  	v9 =	vadd.f32 v11, v8;
	v4 =	vld [tilespmem:s29+$0x106C0];
	v8 =	vadd.f32 v12, v10;
	(pc) =	sbr.rel @p0 .LBB2_27-.Ltmp13, $4  }
0x216: {  	v5 =	vld [tilespmem:s29+$0x106D0];
	v0 =	vmov v13  }
0x217: {  	v10 =	vld [tilespmem:s29+$0x10680];
	v1 =	vmov v14  }
0x218: {  	v11 =	vld [tilespmem:s29+$0x10690]  }
0x219: {  	s30 =	sadd.s32 $0x400, s30;
	v12 =	vld [tilespmem:s29+$0x106A0]  }
0x21a: {  	v13 =	vld [tilespmem:s29+$0x106B0]  }
0x21b: {  	v14 =	vld [tilespmem:s29+$0x106E0]  }
0x21c: {  	v15 =	vld [tilespmem:s29+$0x106F0]  }
0x21d: {  	v16 =	vld [tilespmem:s29+$0x10720]  }
0x21e: {  	v6 =	vadd.f32 v10, v6;
	v10 =	vld [tilespmem:s29+$0x10730];
	v9 =	vadd.f32 v12, v9  }
0x21f: {  	v7 =	vadd.f32 v11, v7;
	v11 =	vld [tilespmem:s29+$0x10760];
	v8 =	vadd.f32 v13, v8  }
0x220: {  	v4 =	vadd.f32 v4, v6;
	v6 =	vld [tilespmem:s29+$0x10770];
	v9 =	vadd.f32 v14, v9  }
0x221: {  	v5 =	vadd.f32 v5, v7;
	v7 =	vadd.f32 v15, v8  }
0x222: {  	v2 =	vadd.f32 v2, v4;
	v4 =	vadd.f32 v16, v9  }
0x223: {  	v3 =	vadd.f32 v3, v5;
	v5 =	vadd.f32 v10, v7  }
0x224: {  	v0 =	vadd.f32 v0, v2;
	v2 =	vadd.f32 v11, v4  }
0x225: {  	v1 =	vadd.f32 v1, v3;
	v3 =	vadd.f32 v6, v5  }
0x226: {  	v0 =	vadd.f32 v2, v0  }
0x227: {  	v1 =	vadd.f32 v3, v1  }
0x228: {  	[tilespmem:$0x19DC0] =	vst v0  }
0x229: {  	s29 =	simm.s32 $0x0;
	[tilespmem:$0x19DD0] =	vst v1  }
0x22a: {  	v0 =	vld [tilespmem:s29+$0x12040]  }
0x22b: {  	v1 =	vld [tilespmem:s29+$0x12050]  }
0x22c: {  	v2 =	vld [tilespmem:s29+$0x12000]  }
0x22d: {  	v3 =	vld [tilespmem:s29+$0x12010]  }
0x22e: {  	v4 =	vld [tilespmem:s29+$0x11FC0]  }
0x22f: {  	v5 =	vld [tilespmem:s29+$0x11FD0]  }
0x230: {  	v10 =	vld [tilespmem:s29+$0x11F80]  }
0x231: {  	v8 =	vimm.f32 $0.0e+00;
	v11 =	vld [tilespmem:s29+$0x11F90]  }
0x232: {  	s30 =	simm.s32 $0x400;
	v9 =	vimm.f32 $0.0e+00;
	v7 =	vimm.f32 $0.0e+00;
	v6 =	vimm.f32 $0.0e+00;
	v12 =	vld [tilespmem:s29+$0x11FA0]  }
.LBB2_29:
0x233: {  	p0 =	sne.s32 s30, $0x6000;
	v13 =	vld [tilespmem:s29+$0x11FB0]  }
0x234: {  	v14 =	vld [tilespmem:s29+$0x11FE0]  }
0x235: {  	v15 =	vld [tilespmem:s29+$0x11FF0]  }
0x236: {  	v16 =	vld [tilespmem:s29+$0x12020]  }
0x237: {  	v6 =	vadd.f32 v10, v6;
	v7 =	vadd.f32 v11, v7;
	v10 =	vld [tilespmem:s29+$0x12030]  }
0x238: {  	v9 =	vadd.f32 v12, v9;
	v8 =	vadd.f32 v13, v8;
	v11 =	vld [tilespmem:s29+$0x12060]  }
0x239: {  	v4 =	vadd.f32 v4, v6;
	v5 =	vadd.f32 v5, v7;
	v12 =	vld [tilespmem:s29+$0x12070];
	s29 =	sshra.s32 s30, $0x2  }
0x23a: {  	v6 =	vadd.f32 v14, v9;
	v13 =	vld [tilespmem:s29+$0x12040];
	v7 =	vadd.f32 v15, v8  }
0x23b: {  	v4 =	vadd.f32 v2, v4;
	v5 =	vadd.f32 v3, v5;
	v14 =	vld [tilespmem:s29+$0x12050]  }
0x23c: {  	v8 =	vadd.f32 v16, v6;
	v2 =	vld [tilespmem:s29+$0x12000];
	v10 =	vadd.f32 v10, v7  }
0x23d: {  	v6 =	vadd.f32 v0, v4;
	v7 =	vadd.f32 v1, v5;
	v3 =	vld [tilespmem:s29+$0x12010]  }
.Ltmp14:
0x23e: {  	v9 =	vadd.f32 v11, v8;
	v4 =	vld [tilespmem:s29+$0x11FC0];
	v8 =	vadd.f32 v12, v10;
	(pc) =	sbr.rel @p0 .LBB2_29-.Ltmp14, $4  }
0x23f: {  	v5 =	vld [tilespmem:s29+$0x11FD0];
	v0 =	vmov v13  }
0x240: {  	v10 =	vld [tilespmem:s29+$0x11F80];
	v1 =	vmov v14  }
0x241: {  	v11 =	vld [tilespmem:s29+$0x11F90]  }
0x242: {  	s30 =	sadd.s32 $0x400, s30;
	v12 =	vld [tilespmem:s29+$0x11FA0]  }
0x243: {  	v13 =	vld [tilespmem:s29+$0x11FB0]  }
0x244: {  	v14 =	vld [tilespmem:s29+$0x11FE0]  }
0x245: {  	v15 =	vld [tilespmem:s29+$0x11FF0]  }
0x246: {  	v16 =	vld [tilespmem:s29+$0x12020]  }
0x247: {  	v6 =	vadd.f32 v10, v6;
	v10 =	vld [tilespmem:s29+$0x12030];
	v9 =	vadd.f32 v12, v9  }
0x248: {  	v7 =	vadd.f32 v11, v7;
	v11 =	vld [tilespmem:s29+$0x12060];
	v8 =	vadd.f32 v13, v8  }
0x249: {  	v4 =	vadd.f32 v4, v6;
	v6 =	vld [tilespmem:s29+$0x12070];
	v9 =	vadd.f32 v14, v9  }
0x24a: {  	v5 =	vadd.f32 v5, v7;
	v7 =	vadd.f32 v15, v8  }
0x24b: {  	v2 =	vadd.f32 v2, v4;
	v4 =	vadd.f32 v16, v9  }
0x24c: {  	v3 =	vadd.f32 v3, v5;
	v5 =	vadd.f32 v10, v7  }
0x24d: {  	v0 =	vadd.f32 v0, v2;
	v2 =	vadd.f32 v11, v4  }
0x24e: {  	v1 =	vadd.f32 v1, v3;
	v3 =	vadd.f32 v6, v5  }
0x24f: {  	v0 =	vadd.f32 v2, v0  }
0x250: {  	v1 =	vadd.f32 v3, v1  }
0x251: {  	[tilespmem:$0x19DE0] =	vst v0  }
0x252: {  	s29 =	simm.s32 $0x0;
	[tilespmem:$0x19DF0] =	vst v1  }
0x253: {  	v0 =	vld [tilespmem:s29+$0x13940]  }
0x254: {  	v1 =	vld [tilespmem:s29+$0x13950]  }
0x255: {  	v2 =	vld [tilespmem:s29+$0x13900]  }
0x256: {  	v3 =	vld [tilespmem:s29+$0x13910]  }
0x257: {  	v4 =	vld [tilespmem:s29+$0x138C0]  }
0x258: {  	v5 =	vld [tilespmem:s29+$0x138D0]  }
0x259: {  	v10 =	vld [tilespmem:s29+$0x13880]  }
0x25a: {  	v8 =	vimm.f32 $0.0e+00;
	v11 =	vld [tilespmem:s29+$0x13890]  }
0x25b: {  	s30 =	simm.s32 $0x400;
	v9 =	vimm.f32 $0.0e+00;
	v7 =	vimm.f32 $0.0e+00;
	v6 =	vimm.f32 $0.0e+00;
	v12 =	vld [tilespmem:s29+$0x138A0]  }
.LBB2_31:
0x25c: {  	p0 =	sne.s32 s30, $0x6000;
	v13 =	vld [tilespmem:s29+$0x138B0]  }
0x25d: {  	v14 =	vld [tilespmem:s29+$0x138E0]  }
0x25e: {  	v15 =	vld [tilespmem:s29+$0x138F0]  }
0x25f: {  	v16 =	vld [tilespmem:s29+$0x13920]  }
0x260: {  	v6 =	vadd.f32 v10, v6;
	v7 =	vadd.f32 v11, v7;
	v10 =	vld [tilespmem:s29+$0x13930]  }
0x261: {  	v9 =	vadd.f32 v12, v9;
	v8 =	vadd.f32 v13, v8;
	v11 =	vld [tilespmem:s29+$0x13960]  }
0x262: {  	v4 =	vadd.f32 v4, v6;
	v5 =	vadd.f32 v5, v7;
	v12 =	vld [tilespmem:s29+$0x13970];
	s29 =	sshra.s32 s30, $0x2  }
0x263: {  	v6 =	vadd.f32 v14, v9;
	v13 =	vld [tilespmem:s29+$0x13940];
	v7 =	vadd.f32 v15, v8  }
0x264: {  	v4 =	vadd.f32 v2, v4;
	v5 =	vadd.f32 v3, v5;
	v14 =	vld [tilespmem:s29+$0x13950]  }
0x265: {  	v8 =	vadd.f32 v16, v6;
	v2 =	vld [tilespmem:s29+$0x13900];
	v10 =	vadd.f32 v10, v7  }
0x266: {  	v6 =	vadd.f32 v0, v4;
	v7 =	vadd.f32 v1, v5;
	v3 =	vld [tilespmem:s29+$0x13910]  }
.Ltmp15:
0x267: {  	v9 =	vadd.f32 v11, v8;
	v4 =	vld [tilespmem:s29+$0x138C0];
	v8 =	vadd.f32 v12, v10;
	(pc) =	sbr.rel @p0 .LBB2_31-.Ltmp15, $4  }
0x268: {  	v5 =	vld [tilespmem:s29+$0x138D0];
	v0 =	vmov v13  }
0x269: {  	v10 =	vld [tilespmem:s29+$0x13880];
	v1 =	vmov v14  }
0x26a: {  	v11 =	vld [tilespmem:s29+$0x13890]  }
0x26b: {  	s30 =	sadd.s32 $0x400, s30;
	v12 =	vld [tilespmem:s29+$0x138A0]  }
0x26c: {  	v13 =	vld [tilespmem:s29+$0x138B0]  }
0x26d: {  	v14 =	vld [tilespmem:s29+$0x138E0]  }
0x26e: {  	v15 =	vld [tilespmem:s29+$0x138F0]  }
0x26f: {  	v16 =	vld [tilespmem:s29+$0x13920]  }
0x270: {  	v6 =	vadd.f32 v10, v6;
	v10 =	vld [tilespmem:s29+$0x13930];
	v9 =	vadd.f32 v12, v9  }
0x271: {  	v7 =	vadd.f32 v11, v7;
	v11 =	vld [tilespmem:s29+$0x13960];
	v8 =	vadd.f32 v13, v8  }
0x272: {  	v4 =	vadd.f32 v4, v6;
	v6 =	vld [tilespmem:s29+$0x13970];
	v9 =	vadd.f32 v14, v9  }
0x273: {  	v5 =	vadd.f32 v5, v7;
	v7 =	vadd.f32 v15, v8  }
0x274: {  	v2 =	vadd.f32 v2, v4;
	v4 =	vadd.f32 v16, v9  }
0x275: {  	v3 =	vadd.f32 v3, v5;
	v5 =	vadd.f32 v10, v7  }
0x276: {  	v0 =	vadd.f32 v0, v2;
	v2 =	vadd.f32 v11, v4  }
0x277: {  	v1 =	vadd.f32 v1, v3;
	v3 =	vadd.f32 v6, v5  }
0x278: {  	v0 =	vadd.f32 v2, v0  }
0x279: {  	v1 =	vadd.f32 v3, v1  }
0x27a: {  	[tilespmem:$0x19E00] =	vst v0  }
0x27b: {  	s29 =	simm.s32 $0x0;
	[tilespmem:$0x19E10] =	vst v1  }
0x27c: {  	v0 =	vld [tilespmem:s29+$0x15240]  }
0x27d: {  	v1 =	vld [tilespmem:s29+$0x15250]  }
0x27e: {  	v2 =	vld [tilespmem:s29+$0x15200]  }
0x27f: {  	v3 =	vld [tilespmem:s29+$0x15210]  }
0x280: {  	v4 =	vld [tilespmem:s29+$0x151C0]  }
0x281: {  	v5 =	vld [tilespmem:s29+$0x151D0]  }
0x282: {  	v10 =	vld [tilespmem:s29+$0x15180]  }
0x283: {  	v8 =	vimm.f32 $0.0e+00;
	v11 =	vld [tilespmem:s29+$0x15190]  }
0x284: {  	s30 =	simm.s32 $0x400;
	v9 =	vimm.f32 $0.0e+00;
	v7 =	vimm.f32 $0.0e+00;
	v6 =	vimm.f32 $0.0e+00;
	v12 =	vld [tilespmem:s29+$0x151A0]  }
.LBB2_33:
0x285: {  	p0 =	sne.s32 s30, $0x6000;
	v13 =	vld [tilespmem:s29+$0x151B0]  }
0x286: {  	v14 =	vld [tilespmem:s29+$0x151E0]  }
0x287: {  	v15 =	vld [tilespmem:s29+$0x151F0]  }
0x288: {  	v16 =	vld [tilespmem:s29+$0x15220]  }
0x289: {  	v6 =	vadd.f32 v10, v6;
	v7 =	vadd.f32 v11, v7;
	v10 =	vld [tilespmem:s29+$0x15230]  }
0x28a: {  	v9 =	vadd.f32 v12, v9;
	v8 =	vadd.f32 v13, v8;
	v11 =	vld [tilespmem:s29+$0x15260]  }
0x28b: {  	v4 =	vadd.f32 v4, v6;
	v5 =	vadd.f32 v5, v7;
	v12 =	vld [tilespmem:s29+$0x15270];
	s29 =	sshra.s32 s30, $0x2  }
0x28c: {  	v6 =	vadd.f32 v14, v9;
	v13 =	vld [tilespmem:s29+$0x15240];
	v7 =	vadd.f32 v15, v8  }
0x28d: {  	v4 =	vadd.f32 v2, v4;
	v5 =	vadd.f32 v3, v5;
	v14 =	vld [tilespmem:s29+$0x15250]  }
0x28e: {  	v8 =	vadd.f32 v16, v6;
	v2 =	vld [tilespmem:s29+$0x15200];
	v10 =	vadd.f32 v10, v7  }
0x28f: {  	v6 =	vadd.f32 v0, v4;
	v7 =	vadd.f32 v1, v5;
	v3 =	vld [tilespmem:s29+$0x15210]  }
.Ltmp16:
0x290: {  	v9 =	vadd.f32 v11, v8;
	v4 =	vld [tilespmem:s29+$0x151C0];
	v8 =	vadd.f32 v12, v10;
	(pc) =	sbr.rel @p0 .LBB2_33-.Ltmp16, $4  }
0x291: {  	v5 =	vld [tilespmem:s29+$0x151D0];
	v0 =	vmov v13  }
0x292: {  	v10 =	vld [tilespmem:s29+$0x15180];
	v1 =	vmov v14  }
0x293: {  	v11 =	vld [tilespmem:s29+$0x15190]  }
0x294: {  	s30 =	sadd.s32 $0x400, s30;
	v12 =	vld [tilespmem:s29+$0x151A0]  }
0x295: {  	v13 =	vld [tilespmem:s29+$0x151B0]  }
0x296: {  	v14 =	vld [tilespmem:s29+$0x151E0]  }
0x297: {  	v15 =	vld [tilespmem:s29+$0x151F0]  }
0x298: {  	v16 =	vld [tilespmem:s29+$0x15220]  }
0x299: {  	v6 =	vadd.f32 v10, v6;
	v10 =	vld [tilespmem:s29+$0x15230];
	v9 =	vadd.f32 v12, v9  }
0x29a: {  	v7 =	vadd.f32 v11, v7;
	v11 =	vld [tilespmem:s29+$0x15260];
	v8 =	vadd.f32 v13, v8  }
0x29b: {  	v4 =	vadd.f32 v4, v6;
	v6 =	vld [tilespmem:s29+$0x15270];
	v9 =	vadd.f32 v14, v9  }
0x29c: {  	v5 =	vadd.f32 v5, v7;
	v7 =	vadd.f32 v15, v8  }
0x29d: {  	v2 =	vadd.f32 v2, v4;
	v4 =	vadd.f32 v16, v9  }
0x29e: {  	v3 =	vadd.f32 v3, v5;
	v5 =	vadd.f32 v10, v7  }
0x29f: {  	v0 =	vadd.f32 v0, v2;
	v2 =	vadd.f32 v11, v4  }
0x2a0: {  	v1 =	vadd.f32 v1, v3;
	v3 =	vadd.f32 v6, v5  }
0x2a1: {  	v0 =	vadd.f32 v2, v0  }
0x2a2: {  	v1 =	vadd.f32 v3, v1  }
0x2a3: {  	[tilespmem:$0x19E20] =	vst v0  }
0x2a4: {  	s29 =	simm.s32 $0x0;
	[tilespmem:$0x19E30] =	vst v1  }
0x2a5: {  	v0 =	vld [tilespmem:s29+$0x16B40]  }
0x2a6: {  	v1 =	vld [tilespmem:s29+$0x16B50]  }
0x2a7: {  	v2 =	vld [tilespmem:s29+$0x16B00]  }
0x2a8: {  	v3 =	vld [tilespmem:s29+$0x16B10]  }
0x2a9: {  	v4 =	vld [tilespmem:s29+$0x16AC0]  }
0x2aa: {  	v5 =	vld [tilespmem:s29+$0x16AD0]  }
0x2ab: {  	v10 =	vld [tilespmem:s29+$0x16A80]  }
0x2ac: {  	v8 =	vimm.f32 $0.0e+00;
	v11 =	vld [tilespmem:s29+$0x16A90]  }
0x2ad: {  	s30 =	simm.s32 $0x400;
	v9 =	vimm.f32 $0.0e+00;
	v7 =	vimm.f32 $0.0e+00;
	v6 =	vimm.f32 $0.0e+00;
	v12 =	vld [tilespmem:s29+$0x16AA0]  }
.LBB2_35:
0x2ae: {  	p0 =	sne.s32 s30, $0x6000;
	v13 =	vld [tilespmem:s29+$0x16AB0]  }
0x2af: {  	v14 =	vld [tilespmem:s29+$0x16AE0]  }
0x2b0: {  	v15 =	vld [tilespmem:s29+$0x16AF0]  }
0x2b1: {  	v16 =	vld [tilespmem:s29+$0x16B20]  }
0x2b2: {  	v6 =	vadd.f32 v10, v6;
	v7 =	vadd.f32 v11, v7;
	v10 =	vld [tilespmem:s29+$0x16B30]  }
0x2b3: {  	v9 =	vadd.f32 v12, v9;
	v8 =	vadd.f32 v13, v8;
	v11 =	vld [tilespmem:s29+$0x16B60]  }
0x2b4: {  	v4 =	vadd.f32 v4, v6;
	v5 =	vadd.f32 v5, v7;
	v12 =	vld [tilespmem:s29+$0x16B70];
	s29 =	sshra.s32 s30, $0x2  }
0x2b5: {  	v6 =	vadd.f32 v14, v9;
	v13 =	vld [tilespmem:s29+$0x16B40];
	v7 =	vadd.f32 v15, v8  }
0x2b6: {  	v4 =	vadd.f32 v2, v4;
	v5 =	vadd.f32 v3, v5;
	v14 =	vld [tilespmem:s29+$0x16B50]  }
0x2b7: {  	v8 =	vadd.f32 v16, v6;
	v2 =	vld [tilespmem:s29+$0x16B00];
	v10 =	vadd.f32 v10, v7  }
0x2b8: {  	v6 =	vadd.f32 v0, v4;
	v7 =	vadd.f32 v1, v5;
	v3 =	vld [tilespmem:s29+$0x16B10]  }
.Ltmp17:
0x2b9: {  	v9 =	vadd.f32 v11, v8;
	v4 =	vld [tilespmem:s29+$0x16AC0];
	v8 =	vadd.f32 v12, v10;
	(pc) =	sbr.rel @p0 .LBB2_35-.Ltmp17, $4  }
0x2ba: {  	v5 =	vld [tilespmem:s29+$0x16AD0];
	v0 =	vmov v13  }
0x2bb: {  	v10 =	vld [tilespmem:s29+$0x16A80];
	v1 =	vmov v14  }
0x2bc: {  	v11 =	vld [tilespmem:s29+$0x16A90]  }
0x2bd: {  	s30 =	sadd.s32 $0x400, s30;
	v12 =	vld [tilespmem:s29+$0x16AA0]  }
0x2be: {  	v13 =	vld [tilespmem:s29+$0x16AB0]  }
0x2bf: {  	v14 =	vld [tilespmem:s29+$0x16AE0]  }
0x2c0: {  	v15 =	vld [tilespmem:s29+$0x16AF0]  }
0x2c1: {  	v16 =	vld [tilespmem:s29+$0x16B20]  }
0x2c2: {  	v6 =	vadd.f32 v10, v6;
	v10 =	vld [tilespmem:s29+$0x16B30];
	v9 =	vadd.f32 v12, v9  }
0x2c3: {  	v7 =	vadd.f32 v11, v7;
	v11 =	vld [tilespmem:s29+$0x16B60];
	v8 =	vadd.f32 v13, v8  }
0x2c4: {  	v4 =	vadd.f32 v4, v6;
	v6 =	vld [tilespmem:s29+$0x16B70];
	v9 =	vadd.f32 v14, v9  }
0x2c5: {  	v5 =	vadd.f32 v5, v7;
	v7 =	vadd.f32 v15, v8  }
0x2c6: {  	v2 =	vadd.f32 v2, v4;
	v4 =	vadd.f32 v16, v9  }
0x2c7: {  	v3 =	vadd.f32 v3, v5;
	v5 =	vadd.f32 v10, v7  }
0x2c8: {  	v0 =	vadd.f32 v0, v2;
	v2 =	vadd.f32 v11, v4  }
0x2c9: {  	v1 =	vadd.f32 v1, v3;
	v3 =	vadd.f32 v6, v5  }
0x2ca: {  	v0 =	vadd.f32 v2, v0  }
0x2cb: {  	v1 =	vadd.f32 v3, v1  }
0x2cc: {  	[tilespmem:$0x19E40] =	vst v0  }
0x2cd: {  	s29 =	simm.s32 $0x0;
	[tilespmem:$0x19E50] =	vst v1  }
0x2ce: {  	v0 =	vld [tilespmem:s29+$0x18440]  }
0x2cf: {  	v1 =	vld [tilespmem:s29+$0x18450]  }
0x2d0: {  	v2 =	vld [tilespmem:s29+$0x18400]  }
0x2d1: {  	v3 =	vld [tilespmem:s29+$0x18410]  }
0x2d2: {  	v4 =	vld [tilespmem:s29+$0x183C0]  }
0x2d3: {  	v5 =	vld [tilespmem:s29+$0x183D0]  }
0x2d4: {  	v10 =	vld [tilespmem:s29+$0x18380]  }
0x2d5: {  	v8 =	vimm.f32 $0.0e+00;
	v11 =	vld [tilespmem:s29+$0x18390]  }
0x2d6: {  	s30 =	simm.s32 $0x400;
	v9 =	vimm.f32 $0.0e+00;
	v7 =	vimm.f32 $0.0e+00;
	v6 =	vimm.f32 $0.0e+00;
	v12 =	vld [tilespmem:s29+$0x183A0]  }
.LBB2_37:
0x2d7: {  	p0 =	sne.s32 s30, $0x6000;
	v13 =	vld [tilespmem:s29+$0x183B0]  }
0x2d8: {  	v14 =	vld [tilespmem:s29+$0x183E0]  }
0x2d9: {  	v15 =	vld [tilespmem:s29+$0x183F0]  }
0x2da: {  	v16 =	vld [tilespmem:s29+$0x18420]  }
0x2db: {  	v6 =	vadd.f32 v10, v6;
	v7 =	vadd.f32 v11, v7;
	v10 =	vld [tilespmem:s29+$0x18430]  }
0x2dc: {  	v9 =	vadd.f32 v12, v9;
	v8 =	vadd.f32 v13, v8;
	v11 =	vld [tilespmem:s29+$0x18460]  }
0x2dd: {  	v4 =	vadd.f32 v4, v6;
	v5 =	vadd.f32 v5, v7;
	v12 =	vld [tilespmem:s29+$0x18470];
	s29 =	sshra.s32 s30, $0x2  }
0x2de: {  	v6 =	vadd.f32 v14, v9;
	v13 =	vld [tilespmem:s29+$0x18440];
	v7 =	vadd.f32 v15, v8  }
0x2df: {  	v4 =	vadd.f32 v2, v4;
	v5 =	vadd.f32 v3, v5;
	v14 =	vld [tilespmem:s29+$0x18450]  }
0x2e0: {  	v8 =	vadd.f32 v16, v6;
	v2 =	vld [tilespmem:s29+$0x18400];
	v10 =	vadd.f32 v10, v7  }
0x2e1: {  	v6 =	vadd.f32 v0, v4;
	v7 =	vadd.f32 v1, v5;
	v3 =	vld [tilespmem:s29+$0x18410]  }
.Ltmp18:
0x2e2: {  	v9 =	vadd.f32 v11, v8;
	v4 =	vld [tilespmem:s29+$0x183C0];
	v8 =	vadd.f32 v12, v10;
	(pc) =	sbr.rel @p0 .LBB2_37-.Ltmp18, $4  }
0x2e3: {  	v5 =	vld [tilespmem:s29+$0x183D0];
	v0 =	vmov v13  }
0x2e4: {  	v10 =	vld [tilespmem:s29+$0x18380];
	v1 =	vmov v14  }
0x2e5: {  	v11 =	vld [tilespmem:s29+$0x18390]  }
0x2e6: {  	s30 =	sadd.s32 $0x400, s30;
	v12 =	vld [tilespmem:s29+$0x183A0]  }
0x2e7: {  	v13 =	vld [tilespmem:s29+$0x183B0]  }
0x2e8: {  	v14 =	vld [tilespmem:s29+$0x183E0]  }
0x2e9: {  	v15 =	vld [tilespmem:s29+$0x183F0]  }
0x2ea: {  	v16 =	vld [tilespmem:s29+$0x18420]  }
0x2eb: {  	v56 =	vld [tilespmem:s29+$0x18430];
	v6 =	vadd.f32 v10, v6;
	v9 =	vadd.f32 v12, v9  }
0x2ec: {  	v57 =	vld [tilespmem:s29+$0x18460];
	v7 =	vadd.f32 v11, v7;
	v8 =	vadd.f32 v13, v8  }
0x2ed: {  	v58 =	vld [tilespmem:s29+$0x18470];
	v4 =	vadd.f32 v4, v6;
	v9 =	vadd.f32 v14, v9  }
0x2ee: {  	v5 =	vadd.f32 v5, v7;
	v59 =	vadd.f32 v15, v8  }
0x2ef: {  	v2 =	vadd.f32 v2, v4;
	v60 =	vadd.f32 v16, v9  }
0x2f0: {  	v3 =	vadd.f32 v3, v5;
	v61 =	vadd.f32 v56, v59  }
0x2f1: {  	s26 =	sadd.s32 $0x1, s26;
	v0 =	vadd.f32 v0, v2;
	v62 =	vadd.f32 v57, v60  }
0x2f2: {  	p0 =	sne.s32 s26, $0x20;
	v1 =	vadd.f32 v1, v3;
	v63 =	vadd.f32 v58, v61  }
.Ltmp19:
0x2f3: {  	v0 =	vadd.f32 v62, v0;
	(pc) =	sbr.rel @p0 .LBB2_2-.Ltmp19, $4  }
0x2f4: {  	v1 =	vadd.f32 v63, v1  }
0x2f5: {  	s8 =	sshll.u32 s8, $0x2;
	[tilespmem:$0x19E60] =	vst v0  }
0x2f6: {  	s8 =	sadd.s32 s5, s8;
	[tilespmem:$0x19E70] =	vst v1  }
0x2f7: {  	[hbm4b:s8+s2] =	stream.linear.scatter [tilespmem:s25], [sflag:$0x4], $0x100, $0x38;
	[tilespmem:$0x19E80] =	vst v63  }
0x2f8: {  	s8 =	simm.s32 $0x3  }
0x2f9: {  	_ =	swait.ge [sflag:s8], $0x100  }
0x2fa: {  	[sflag:s8] =	ssyncset.done $0x0  }
0x2fb: {  	[sflag:s8] =	ssyncadd.s32 $0xFFFFFF00  }
0x2fc: {  	_ =	swait.ge [sflag:s24], $0x100  }
0x2fd: {  	s26 =	rddreg [dreg:$0x5]  }
0x2fe: {  	s31 =	rddreg [dreg:$0x4];
	s26 =	sadd.s32 $0x1, s26  }
0x2ff: {  	p0 =	sne.s32 s26, s31  }
.Ltmp20:
0x300: {  	_ = 	snop;
	(pc) =	sbr.rel @p0 .LBB2_1-.Ltmp20, $3  }
0x301: {  	_ =	sdelay $0x1  }
0x302: {  	[sflag:s24] =	ssyncset.done $0x0  }
0x303: {  	[sflag:s24] =	ssyncadd.s32 $0xFFFFFF00  }
0x304: {  	_ =	sfence.sel $0x180000  }
0x305: {  	[bflag:$0x0] =	sbarrier.arrive $0xFFFF  }
0x306: {  	_ =	strace $0x90000047  }
0x307: {  	s0 =	stileid.u32;
	[bflag:$0x2] =	sbarrier.arrive $0xFFFF  }
0x308: {  	p0 =	sne.s32 s0, $0x0;
	s0 =	rddreg [dreg:$0x1]  }
0x309: {  	s0 =	sadd.s32 @!p0 $0x100000, s0  }
0x30a: {  	[sflag:s0] =	ssyncadd.tile.s32 @!p0 $0x1;
	_ =	shalt  }
.Lfunc_end2:
_tile_overlayer_lowered:
.L_overlay_start_2:
0x30b: {  	(tag) =	ssettag $0x2  }
0x30c: {  	s0 =	rddreg [dreg:$0x0];
	s2 =	stileid.u32  }
0x30d: {  	s1 =	rddreg [dreg:$0x1];
	p0 =	sne.s32 s2, $0x0  }
0x30e: {  	s3 =	rddreg [dreg:$0x2];
	[bflag:$0x3] =	sbarrier.arrive $0xFFFF;
	s2 =	simm.s32 @!p0 $0x1C05  }
0x30f: {  	[timem:s3], [sflag:s2] =	dma.local @!p0 [hbm:s0], s1  }
0x310: {  	s0 =	simm.s32 @!p0 $0x5  }
0x311: {  	_ =	swait.ge @!p0 [sflag:s0], s1  }
0x312: {  	s1 =	ssub.s32 @!p0 $0x0, s1;
	[sflag:s0] =	ssyncset.done @!p0 $0x0  }
0x313: {  	[sflag:s0] =	ssyncadd.s32 @!p0 s1  }
0x314: {  	[bflag:$0x3] =	sbarrier.arrive $0xFFFF  }
0x315: {  	_ =	shalt  }

</sc_bundles>
